<compile_context>
chip_gen: v7x
topology: tpu7x:2x2x1
jax: 0.10.2.dev20260603
libtpu: 0.0.44.dev20260713+nightly
codegen_flags: <defaults>
</compile_context>

<pallas_src>
import functools
import jax
import jax.numpy as jnp
from jax import lax
from jax.experimental import pallas as pl
from jax.experimental.pallas import tpu as pltpu
from jax.experimental.pallas import tpu_sc as plsc

N_NODES = 10000
N_EDGES = 320000
D = 128
D_OUT = 32
EC = 128
NW = 32
CPW = 80
NP = 10240
RPT = NP // 16
ZR = 64

_mesh = plsc.VectorSubcoreMesh(core_axis_name="c", subcore_axis_name="s",
                               num_cores=2)


@functools.partial(
    pl.kernel,
    mesh=_mesh,
    out_type=jax.ShapeDtypeStruct((2, NP, D), jnp.float32),
    scratch_types=[
        pltpu.VMEM((CPW, EC), jnp.int32),
        pltpu.VMEM((EC, D), jnp.float32),
        pltpu.VMEM_SHARED((NP, D), jnp.float32),
        pltpu.SemaphoreType.DMA,
    ],
)
def _sc_deg(dst_hbm, deg_out, dst_v, ones_v, deg_sh, sem):
    cid = lax.axis_index("c")
    sid = lax.axis_index("s")
    wid = cid * 16 + sid

    def zrow(r, _):
        for j in range(8):
            ones_v[r, pl.ds(j * 16, 16)] = jnp.zeros((16,), jnp.float32)
        return 0
    lax.fori_loop(0, ZR, zrow, 0)

    for k in range(RPT // ZR):
        off = pl.multiple_of(sid * RPT + k * ZR, ZR)
        pltpu.sync_copy(ones_v.at[pl.ds(0, ZR)], deg_sh.at[pl.ds(off, ZR)])

    def orow(r, _):
        for j in range(8):
            ones_v[r, pl.ds(j * 16, 16)] = jnp.full((16,), 1.0, jnp.float32)
        return 0
    lax.fori_loop(0, EC, orow, 0)

    c0 = pl.multiple_of(wid * CPW, 8)
    pltpu.sync_copy(dst_hbm.at[pl.ds(c0, CPW)], dst_v)

    plsc.subcore_barrier()

    def body(j, _):
        pltpu.async_copy(ones_v, deg_sh.at[dst_v.at[j]], sem, add=True)
        return 0
    lax.fori_loop(0, CPW, body, 0)

    def drain(j, _):
        pltpu.make_async_copy(ones_v, deg_sh.at[dst_v.at[j]], sem).wait()
        return 0
    lax.fori_loop(0, CPW, drain, 0)

    plsc.subcore_barrier()

    r0 = pl.multiple_of(sid * RPT, ZR)
    pltpu.sync_copy(deg_sh.at[pl.ds(r0, RPT)],
                    deg_out.at[cid, pl.ds(r0, RPT)])


@functools.partial(
    pl.kernel,
    mesh=_mesh,
    out_type=jax.ShapeDtypeStruct((2, NP, D), jnp.float32),
    scratch_types=[
        pltpu.VMEM((CPW // 2, EC), jnp.int32),
        pltpu.VMEM((CPW // 2, EC), jnp.int32),
        pltpu.VMEM((EC, D), jnp.float32),
        pltpu.VMEM((EC, D), jnp.float32),
        pltpu.VMEM_SHARED((NP, D), jnp.float32),
        pltpu.SemaphoreType.DMA,
        pltpu.SemaphoreType.DMA,
        pltpu.SemaphoreType.DMA,
        pltpu.SemaphoreType.DMA,
    ],
)
def _sc_agg(h_hbm, src_hbm, dst_hbm, agg_out,
            src_v, dst_v, rows_a, rows_b, agg_sh,
            gsa, gsb, ssa, ssb):
    cid = lax.axis_index("c")
    sid = lax.axis_index("s")
    wid = cid * 16 + sid
    hp = CPW // 2

    def zrow(r, _):
        for j in range(8):
            rows_a[r, pl.ds(j * 16, 16)] = jnp.zeros((16,), jnp.float32)
        return 0
    lax.fori_loop(0, EC, zrow, 0)

    for k in range(RPT // EC):
        off = pl.multiple_of(sid * RPT + k * EC, ZR)
        pltpu.sync_copy(rows_a, agg_sh.at[pl.ds(off, EC)])

    plsc.subcore_barrier()

    def wait_gather(rows, sem2, j):
        pltpu.make_async_copy(h_hbm.at[src_v.at[j]], rows, sem2).wait()

    def wait_scatter(rows, sem2, j):
        pltpu.make_async_copy(rows, agg_sh.at[dst_v.at[j]], sem2).wait()

    for phase in range(2):
        c0 = pl.multiple_of(wid * CPW + phase * hp, 8)
        pltpu.sync_copy(src_hbm.at[pl.ds(c0, hp)], src_v)
        pltpu.sync_copy(dst_hbm.at[pl.ds(c0, hp)], dst_v)

        pltpu.async_copy(h_hbm.at[src_v.at[0]], rows_a, gsa)
        pltpu.async_copy(h_hbm.at[src_v.at[1]], rows_b, gsb)

        def body(g, _):
            j = 2 * g
            wait_gather(rows_a, gsa, j)
            pltpu.async_copy(rows_a, agg_sh.at[dst_v.at[j]], ssa, add=True)
            wait_gather(rows_b, gsb, j + 1)
            pltpu.async_copy(rows_b, agg_sh.at[dst_v.at[j + 1]], ssb,
                             add=True)
            wait_scatter(rows_a, ssa, j)
            pltpu.async_copy(h_hbm.at[src_v.at[j + 2]], rows_a, gsa)
            wait_scatter(rows_b, ssb, j + 1)
            pltpu.async_copy(h_hbm.at[src_v.at[j + 3]], rows_b, gsb)
            return 0

        lax.fori_loop(0, hp // 2 - 1, body, 0)

        j = hp - 2
        wait_gather(rows_a, gsa, j)
        pltpu.async_copy(rows_a, agg_sh.at[dst_v.at[j]], ssa, add=True)
        wait_gather(rows_b, gsb, j + 1)
        pltpu.async_copy(rows_b, agg_sh.at[dst_v.at[j + 1]], ssb, add=True)
        wait_scatter(rows_a, ssa, j)
        wait_scatter(rows_b, ssb, j + 1)

    plsc.subcore_barrier()

    r0 = pl.multiple_of(sid * RPT, ZR)
    pltpu.sync_copy(agg_sh.at[pl.ds(r0, RPT)],
                    agg_out.at[cid, pl.ds(r0, RPT)])


BM = 2000


def _tc_layer_kernel(agg_ref, h_ref, deg_ref, w_ref, b_ref, o_ref):
    d = deg_ref[0, :, 0:1] + deg_ref[1, :, 0:1]
    z = (agg_ref[0] + agg_ref[1] + h_ref[...]) / (d + 1.0)
    o_ref[...] = jnp.maximum(
        jnp.dot(z, w_ref[...], preferred_element_type=jnp.float32)
        + b_ref[...], 0.0)


def _tc_layer(agg, h, deg, W, b):
    return pl.pallas_call(
        _tc_layer_kernel,
        grid=(N_NODES // BM,),
        in_specs=[
            pl.BlockSpec((2, BM, D), lambda i: (0, i, 0)),
            pl.BlockSpec((BM, D), lambda i: (i, 0)),
            pl.BlockSpec((2, BM, D), lambda i: (0, i, 0)),
            pl.BlockSpec((D, D), lambda i: (0, 0)),
            pl.BlockSpec((1, D), lambda i: (0, 0)),
        ],
        out_specs=pl.BlockSpec((BM, D), lambda i: (i, 0)),
        out_shape=jax.ShapeDtypeStruct((N_NODES, D), jnp.float32),
    )(agg, h, deg, W, b.reshape(1, D))


def _tc_final_kernel(agg_ref, h_ref, deg_ref, w3_ref, b3_ref, wv_ref,
                     bv_ref, wc_ref, bc_ref, o_ref, acc):
    i = pl.program_id(0)
    d = deg_ref[0, :, 0:1] + deg_ref[1, :, 0:1]
    z = (agg_ref[0] + agg_ref[1] + h_ref[...]) / (d + 1.0)
    h3 = jnp.dot(z, w3_ref[...], preferred_element_type=jnp.float32) \
        + b3_ref[...]
    wv = jax.nn.sigmoid(
        jnp.dot(h3, wv_ref[...], preferred_element_type=jnp.float32)
        + bv_ref[...])
    part = jnp.sum(wv * h3, axis=0, keepdims=True)

    @pl.when(i == 0)
    def _():
        acc[...] = jnp.zeros_like(acc)

    acc[...] += part

    @pl.when(i == pl.num_programs(0) - 1)
    def _():
        hg = acc[...] / float(N_NODES)
        o_ref[...] = jnp.dot(hg, wc_ref[...],
                             preferred_element_type=jnp.float32) + bc_ref[...]


def _tc_final(agg, h, deg, W3, b3, Wv, bv, Wc, bc):
    return pl.pallas_call(
        _tc_final_kernel,
        grid=(N_NODES // BM,),
        in_specs=[
            pl.BlockSpec((2, BM, D), lambda i: (0, i, 0)),
            pl.BlockSpec((BM, D), lambda i: (i, 0)),
            pl.BlockSpec((2, BM, D), lambda i: (0, i, 0)),
            pl.BlockSpec((D, D), lambda i: (0, 0)),
            pl.BlockSpec((1, D), lambda i: (0, 0)),
            pl.BlockSpec((D, 1), lambda i: (0, 0)),
            pl.BlockSpec((1, 1), lambda i: (0, 0)),
            pl.BlockSpec((D, D_OUT), lambda i: (0, 0)),
            pl.BlockSpec((1, D_OUT), lambda i: (0, 0)),
        ],
        out_specs=pl.BlockSpec((1, D_OUT), lambda i: (0, 0)),
        out_shape=jax.ShapeDtypeStruct((1, D_OUT), jnp.float32),
        scratch_shapes=[pltpu.VMEM((1, D), jnp.float32)],
    )(agg, h, deg, W3, b3.reshape(1, D), Wv, bv.reshape(1, 1),
      Wc, bc.reshape(1, D_OUT))


@jax.jit
def _run(x, edge_index, W1, b1, W2, b2, W3, b3, Wv, bv, Wc, bc):
    npad = NW * CPW * EC - N_EDGES
    src = jnp.concatenate(
        [edge_index[0].astype(jnp.int32), jnp.zeros((npad,), jnp.int32)])
    dst = jnp.concatenate(
        [edge_index[1].astype(jnp.int32),
         N_NODES + (jnp.arange(npad, dtype=jnp.int32) % (NP - N_NODES))])
    src = src.reshape(NW * CPW, EC)
    dst = dst.reshape(NW * CPW, EC)

    deg = _sc_deg(dst)
    agg1 = _sc_agg(x, src, dst)
    h1 = _tc_layer(agg1, x, deg, W1, b1)
    agg2 = _sc_agg(h1, src, dst)
    h2 = _tc_layer(agg2, h1, deg, W2, b2)
    agg3 = _sc_agg(h2, src, dst)
    return _tc_final(agg3, h2, deg, W3, b3, Wv, bv, Wc, bc)


def kernel(x, edge_index, W1, b1, W2, b2, W3, b3, Wv, bv, Wc, bc):
    return _run(x, edge_index, W1, b1, W2, b2, W3, b3, Wv, bv, Wc, bc)

# --- scband reference (transcript-rebuilt; emitter-appended) ---
"""Pipeline reference for scband-sage-12841952215815 (READ-ONLY COPY).

The authoritative reference and input builder live on the scoring server;
editing this copy changes nothing except your own understanding.
"""

import jax, jax.numpy as jnp
import numpy as np

N_NODES = 10000
N_EDGES = 320000
D_IN = 128
D_HID = 128
D_OUT = 32


def setup_inputs(seed: int = 0) -> dict:
    key = jax.random.key(seed)
    ks = jax.random.split(key, 12)
    x = jax.random.normal(ks[0], (N_NODES, D_IN), dtype=jnp.float32)
    edge_index = jax.random.randint(ks[1], (2, N_EDGES), 0, N_NODES, dtype=jnp.int64)
    s = 1.0 / np.sqrt(D_HID)
    W1 = jax.random.normal(ks[2], (D_IN, D_HID), dtype=jnp.float32) * s
    b1 = jnp.zeros((D_HID,), dtype=jnp.float32)
    W2 = jax.random.normal(ks[3], (D_HID, D_HID), dtype=jnp.float32) * s
    b2 = jnp.zeros((D_HID,), dtype=jnp.float32)
    W3 = jax.random.normal(ks[4], (D_HID, D_HID), dtype=jnp.float32) * s
    b3 = jnp.zeros((D_HID,), dtype=jnp.float32)
    Wv = jax.random.normal(ks[5], (D_HID, 1), dtype=jnp.float32) * s
    bv = jnp.zeros((1,), dtype=jnp.float32)
    Wc = jax.random.normal(ks[6], (D_HID, D_OUT), dtype=jnp.float32) * s
    bc = jnp.zeros((D_OUT,), dtype=jnp.float32)
    return {"x": x, "edge_index": edge_index, "W1": W1, "b1": b1, "W2": W2, "b2": b2, "W3": W3, "b3": b3, "Wv": Wv, "bv": bv, "Wc": Wc, "bc": bc}


def _sage_gcn_layer(h, src, dst, deg, W, b):
    # DGL SAGEConv 'gcn' aggregator: (sum_{u in N(v)} h_u + h_v) / (deg(v) + 1), then linear
    agg = jax.ops.segment_sum(h[src], dst, num_segments=N_NODES)
    h_neigh = (agg + h) / (deg[:, None] + 1.0)
    return h_neigh @ W + b


def reference(x, edge_index, W1, b1, W2, b2, W3, b3, Wv, bv, Wc, bc):
    src = edge_index[0]
    dst = edge_index[1]
    deg = jax.ops.segment_sum(jnp.ones((N_EDGES,), dtype=jnp.float32), dst, num_segments=N_NODES)
    h = x  # dropout is identity in eval mode
    h = _sage_gcn_layer(h, src, dst, deg, W1, b1)
    h = jax.nn.relu(h)
    h = _sage_gcn_layer(h, src, dst, deg, W2, b2)
    h = jax.nn.relu(h)
    h = _sage_gcn_layer(h, src, dst, deg, W3, b3)
    w = jax.nn.sigmoid(h @ Wv + bv)  # [N, 1] vertex weights
    # dgl.mean_nodes(graph, 'h', 'w'): weight features then mean over nodes (single graph -> batch of 1)
    hg = jnp.mean(w * h, axis=0, keepdims=True)  # [1, D_HID]
    out = hg @ Wc + bc  # [1, D_OUT]
    return out

if __name__ == "__main__":
    import jax
    _d = setup_inputs()
    print(jax.jit(kernel)(*tuple(_d.values())))

</pallas_src>

<mosaic_0001>
#map = affine_map<(d0, d1) -> (0, 0)>
#map1 = affine_map<(d0, d1) -> (0, 0, 0)>
module attributes {stable_mosaic.version = 14 : i64} {
  func.func @_sc_agg(%arg0: i32, %arg1: i32, %arg2: memref<10000x128xf32, #tpu.memory_space<hbm>>, %arg3: memref<2560x128xi32, #tpu.memory_space<hbm>>, %arg4: memref<2560x128xi32, #tpu.memory_space<hbm>>, %arg5: memref<2x10240x128xf32, #tpu.memory_space<hbm>>, %arg6: memref<40x128xi32, #tpu.memory_space<vmem>>, %arg7: memref<40x128xi32, #tpu.memory_space<vmem>>, %arg8: memref<128x128xf32, #tpu.memory_space<vmem>>, %arg9: memref<128x128xf32, #tpu.memory_space<vmem>>, %arg10: memref<10240x128xf32, #tpu.memory_space<vmem_shared>>, %arg11: memref<!tpu.dma_semaphore, #tpu.memory_space<semaphore_mem>>, %arg12: memref<!tpu.dma_semaphore, #tpu.memory_space<semaphore_mem>>, %arg13: memref<!tpu.dma_semaphore, #tpu.memory_space<semaphore_mem>>, %arg14: memref<!tpu.dma_semaphore, #tpu.memory_space<semaphore_mem>>) attributes {dimension_semantics = [#tpu.dimension_semantics<core_parallel>, #tpu.dimension_semantics<subcore_parallel>], iteration_bounds = array<i64: 2, 16>, scalar_prefetch = 0 : i64, scratch_operands = 9 : i64, tpu.core_type = #tpu.core_type<sc_vector_subcore>, window_params = [{transform_indices = #map}, {transform_indices = #map}, {transform_indices = #map}, {transform_indices = #map1}]} {
    %mul3A = arith.constant 16 : i32
    %mul3A_0 = arith.muli %arg0, %mul3A : i32
    %add3A = arith.addi %mul3A_0, %arg1 : i32
    %scan3A = arith.constant 0 : i32
    %scan3A_1 = arith.constant 0 : i32
    %scan3A_2 = arith.constant 128 : i32
    %scan3A_3 = arith.addi %scan3A_1, %scan3A_2 : i32
    %scan3A_4 = arith.constant 1 : i32
    %scan3A_5 = scf.for %scan3A_169 = %scan3A_1 to %scan3A_3 step %scan3A_4 iter_args(%scan3A_170 = %scan3A) -> (i32)  : i32 {
      %broadcast_in_dim3A = arith.constant 0.000000e+00 : f32
      %broadcast_in_dim3A_171 = vector.broadcast %broadcast_in_dim3A : f32 to vector<16xf32>
      %swap3A = arith.index_cast %scan3A_169 : i32 to index
      %swap3A_172 = arith.constant 0 : index
      %swap3A_173 = tpu.vector_load %arg8[%swap3A, %swap3A_172] {strides = array<i32>} : memref<128x128xf32, #tpu.memory_space<vmem>>, vector<1x16xf32>,
      %swap3A_174 = vector.shape_cast %swap3A_173 : vector<1x16xf32> to vector<16xf32>
      %swap3A_175 = vector.shape_cast %broadcast_in_dim3A_171 : vector<16xf32> to vector<1x16xf32>
      tpu.vector_store %arg8[%swap3A, %swap3A_172], %swap3A_175 {strides = array<i32>} : memref<128x128xf32, #tpu.memory_space<vmem>>, vector<1x16xf32>,
      %broadcast_in_dim3A_176 = arith.constant 0.000000e+00 : f32
      %broadcast_in_dim3A_177 = vector.broadcast %broadcast_in_dim3A_176 : f32 to vector<16xf32>
      %swap3A_178 = arith.index_cast %scan3A_169 : i32 to index
      %swap3A_179 = arith.constant 16 : index
      %swap3A_180 = tpu.vector_load %arg8[%swap3A_178, %swap3A_179] {strides = array<i32>} : memref<128x128xf32, #tpu.memory_space<vmem>>, vector<1x16xf32>,
      %swap3A_181 = vector.shape_cast %swap3A_180 : vector<1x16xf32> to vector<16xf32>
      %swap3A_182 = vector.shape_cast %broadcast_in_dim3A_177 : vector<16xf32> to vector<1x16xf32>
      tpu.vector_store %arg8[%swap3A_178, %swap3A_179], %swap3A_182 {strides = array<i32>} : memref<128x128xf32, #tpu.memory_space<vmem>>, vector<1x16xf32>,
      %broadcast_in_dim3A_183 = arith.constant 0.000000e+00 : f32
      %broadcast_in_dim3A_184 = vector.broadcast %broadcast_in_dim3A_183 : f32 to vector<16xf32>
      %swap3A_185 = arith.index_cast %scan3A_169 : i32 to index
      %swap3A_186 = arith.constant 32 : index
      %swap3A_187 = tpu.vector_load %arg8[%swap3A_185, %swap3A_186] {strides = array<i32>} : memref<128x128xf32, #tpu.memory_space<vmem>>, vector<1x16xf32>,
      %swap3A_188 = vector.shape_cast %swap3A_187 : vector<1x16xf32> to vector<16xf32>
      %swap3A_189 = vector.shape_cast %broadcast_in_dim3A_184 : vector<16xf32> to vector<1x16xf32>
      tpu.vector_store %arg8[%swap3A_185, %swap3A_186], %swap3A_189 {strides = array<i32>} : memref<128x128xf32, #tpu.memory_space<vmem>>, vector<1x16xf32>,
      %broadcast_in_dim3A_190 = arith.constant 0.000000e+00 : f32
      %broadcast_in_dim3A_191 = vector.broadcast %broadcast_in_dim3A_190 : f32 to vector<16xf32>
      %swap3A_192 = arith.index_cast %scan3A_169 : i32 to index
      %swap3A_193 = arith.constant 48 : index
      %swap3A_194 = tpu.vector_load %arg8[%swap3A_192, %swap3A_193] {strides = array<i32>} : memref<128x128xf32, #tpu.memory_space<vmem>>, vector<1x16xf32>,
      %swap3A_195 = vector.shape_cast %swap3A_194 : vector<1x16xf32> to vector<16xf32>
      %swap3A_196 = vector.shape_cast %broadcast_in_dim3A_191 : vector<16xf32> to vector<1x16xf32>
      tpu.vector_store %arg8[%swap3A_192, %swap3A_193], %swap3A_196 {strides = array<i32>} : memref<128x128xf32, #tpu.memory_space<vmem>>, vector<1x16xf32>,
      %broadcast_in_dim3A_197 = arith.constant 0.000000e+00 : f32
      %broadcast_in_dim3A_198 = vector.broadcast %broadcast_in_dim3A_197 : f32 to vector<16xf32>
      %swap3A_199 = arith.index_cast %scan3A_169 : i32 to index
      %swap3A_200 = arith.constant 64 : index
      %swap3A_201 = tpu.vector_load %arg8[%swap3A_199, %swap3A_200] {strides = array<i32>} : memref<128x128xf32, #tpu.memory_space<vmem>>, vector<1x16xf32>,
      %swap3A_202 = vector.shape_cast %swap3A_201 : vector<1x16xf32> to vector<16xf32>
      %swap3A_203 = vector.shape_cast %broadcast_in_dim3A_198 : vector<16xf32> to vector<1x16xf32>
      tpu.vector_store %arg8[%swap3A_199, %swap3A_200], %swap3A_203 {strides = array<i32>} : memref<128x128xf32, #tpu.memory_space<vmem>>, vector<1x16xf32>,
      %broadcast_in_dim3A_204 = arith.constant 0.000000e+00 : f32
      %broadcast_in_dim3A_205 = vector.broadcast %broadcast_in_dim3A_204 : f32 to vector<16xf32>
      %swap3A_206 = arith.index_cast %scan3A_169 : i32 to index
      %swap3A_207 = arith.constant 80 : index
      %swap3A_208 = tpu.vector_load %arg8[%swap3A_206, %swap3A_207] {strides = array<i32>} : memref<128x128xf32, #tpu.memory_space<vmem>>, vector<1x16xf32>,
      %swap3A_209 = vector.shape_cast %swap3A_208 : vector<1x16xf32> to vector<16xf32>
      %swap3A_210 = vector.shape_cast %broadcast_in_dim3A_205 : vector<16xf32> to vector<1x16xf32>
      tpu.vector_store %arg8[%swap3A_206, %swap3A_207], %swap3A_210 {strides = array<i32>} : memref<128x128xf32, #tpu.memory_space<vmem>>, vector<1x16xf32>,
      %broadcast_in_dim3A_211 = arith.constant 0.000000e+00 : f32
      %broadcast_in_dim3A_212 = vector.broadcast %broadcast_in_dim3A_211 : f32 to vector<16xf32>
      %swap3A_213 = arith.index_cast %scan3A_169 : i32 to index
      %swap3A_214 = arith.constant 96 : index
      %swap3A_215 = tpu.vector_load %arg8[%swap3A_213, %swap3A_214] {strides = array<i32>} : memref<128x128xf32, #tpu.memory_space<vmem>>, vector<1x16xf32>,
      %swap3A_216 = vector.shape_cast %swap3A_215 : vector<1x16xf32> to vector<16xf32>
      %swap3A_217 = vector.shape_cast %broadcast_in_dim3A_212 : vector<16xf32> to vector<1x16xf32>
      tpu.vector_store %arg8[%swap3A_213, %swap3A_214], %swap3A_217 {strides = array<i32>} : memref<128x128xf32, #tpu.memory_space<vmem>>, vector<1x16xf32>,
      %broadcast_in_dim3A_218 = arith.constant 0.000000e+00 : f32
      %broadcast_in_dim3A_219 = vector.broadcast %broadcast_in_dim3A_218 : f32 to vector<16xf32>
      %swap3A_220 = arith.index_cast %scan3A_169 : i32 to index
      %swap3A_221 = arith.constant 112 : index
      %swap3A_222 = tpu.vector_load %arg8[%swap3A_220, %swap3A_221] {strides = array<i32>} : memref<128x128xf32, #tpu.memory_space<vmem>>, vector<1x16xf32>,
      %swap3A_223 = vector.shape_cast %swap3A_222 : vector<1x16xf32> to vector<16xf32>
      %swap3A_224 = vector.shape_cast %broadcast_in_dim3A_219 : vector<16xf32> to vector<1x16xf32>
      tpu.vector_store %arg8[%swap3A_220, %swap3A_221], %swap3A_224 {strides = array<i32>} : memref<128x128xf32, #tpu.memory_space<vmem>>, vector<1x16xf32>,
      %scan3A_225 = arith.constant 0 : i32
      scf.yield %scan3A_225 : i32
    }
    %scan3A_6 = arith.constant 128 : i32
    %mul3A_7 = arith.constant 640 : i32
    %mul3A_8 = arith.muli %arg1, %mul3A_7 : i32
    %add3A_9 = arith.constant 0 : i32
    %add3A_10 = arith.addi %mul3A_8, %add3A_9 : i32
    %multiple_of3A = tpu.assume_multiple %add3A_10, 64 : i32
    "tpu.region"() ({
      %run_scoped3A = tpu.sem_alloc : memref<!tpu.dma_semaphore, #tpu.memory_space<semaphore_mem>>
      %dma_start3A_169 = arith.constant 0 : i32
      %dma_start3A_170 = tpu.memref_slice %arg10[%multiple_of3A, %dma_start3A_169] : memref<10240x128xf32, #tpu.memory_space<vmem_shared>> -> memref<128x128xf32, #tpu.memory_space<vmem_shared>>
      %dma_start3A_171 = arith.constant 0 : i32
      %dma_start3A_172 = tpu.memref_slice %arg10[%multiple_of3A, %dma_start3A_171] : memref<10240x128xf32, #tpu.memory_space<vmem_shared>> -> memref<128x128xf32, #tpu.memory_space<vmem_shared>>
      tpu.enqueue_dma source(%arg8 : memref<128x128xf32, #tpu.memory_space<vmem>>) target(%dma_start3A_172 : memref<128x128xf32, #tpu.memory_space<vmem_shared>>) target_semaphore(%run_scoped3A : memref<!tpu.dma_semaphore, #tpu.memory_space<semaphore_mem>>)
      %dma_wait3A_173 = arith.constant 0 : i32
      %dma_wait3A_174 = tpu.memref_slice %arg10[%multiple_of3A, %dma_wait3A_173] : memref<10240x128xf32, #tpu.memory_space<vmem_shared>> -> memref<128x128xf32, #tpu.memory_space<vmem_shared>>
      %dma_wait3A_175 = arith.constant 0 : i32
      %dma_wait3A_176 = tpu.memref_slice %arg10[%multiple_of3A, %dma_wait3A_175] : memref<10240x128xf32, #tpu.memory_space<vmem_shared>> -> memref<128x128xf32, #tpu.memory_space<vmem_shared>>
      tpu.wait_dma2 semaphore(%run_scoped3A : memref<!tpu.dma_semaphore, #tpu.memory_space<semaphore_mem>>) src(%arg8 : memref<128x128xf32, #tpu.memory_space<vmem>>) dst(%dma_wait3A_176 : memref<128x128xf32, #tpu.memory_space<vmem_shared>>)
      tpu.yield
    }) : () -> ()
    %mul3A_11 = arith.constant 640 : i32
    %mul3A_12 = arith.muli %arg1, %mul3A_11 : i32
    %add3A_13 = arith.constant 128 : i32
    %add3A_14 = arith.addi %mul3A_12, %add3A_13 : i32
    %multiple_of3A_15 = tpu.assume_multiple %add3A_14, 64 : i32
    "tpu.region"() ({
      %run_scoped3A = tpu.sem_alloc : memref<!tpu.dma_semaphore, #tpu.memory_space<semaphore_mem>>
      %dma_start3A_169 = arith.constant 0 : i32
      %dma_start3A_170 = tpu.memref_slice %arg10[%multiple_of3A_15, %dma_start3A_169] : memref<10240x128xf32, #tpu.memory_space<vmem_shared>> -> memref<128x128xf32, #tpu.memory_space<vmem_shared>>
      %dma_start3A_171 = arith.constant 0 : i32
      %dma_start3A_172 = tpu.memref_slice %arg10[%multiple_of3A_15, %dma_start3A_171] : memref<10240x128xf32, #tpu.memory_space<vmem_shared>> -> memref<128x128xf32, #tpu.memory_space<vmem_shared>>
      tpu.enqueue_dma source(%arg8 : memref<128x128xf32, #tpu.memory_space<vmem>>) target(%dma_start3A_172 : memref<128x128xf32, #tpu.memory_space<vmem_shared>>) target_semaphore(%run_scoped3A : memref<!tpu.dma_semaphore, #tpu.memory_space<semaphore_mem>>)
      %dma_wait3A_173 = arith.constant 0 : i32
      %dma_wait3A_174 = tpu.memref_slice %arg10[%multiple_of3A_15, %dma_wait3A_173] : memref<10240x128xf32, #tpu.memory_space<vmem_shared>> -> memref<128x128xf32, #tpu.memory_space<vmem_shared>>
      %dma_wait3A_175 = arith.constant 0 : i32
      %dma_wait3A_176 = tpu.memref_slice %arg10[%multiple_of3A_15, %dma_wait3A_175] : memref<10240x128xf32, #tpu.memory_space<vmem_shared>> -> memref<128x128xf32, #tpu.memory_space<vmem_shared>>
      tpu.wait_dma2 semaphore(%run_scoped3A : memref<!tpu.dma_semaphore, #tpu.memory_space<semaphore_mem>>) src(%arg8 : memref<128x128xf32, #tpu.memory_space<vmem>>) dst(%dma_wait3A_176 : memref<128x128xf32, #tpu.memory_space<vmem_shared>>)
      tpu.yield
    }) : () -> ()
    %mul3A_16 = arith.constant 640 : i32
    %mul3A_17 = arith.muli %arg1, %mul3A_16 : i32
    %add3A_18 = arith.constant 256 : i32
    %add3A_19 = arith.addi %mul3A_17, %add3A_18 : i32
    %multiple_of3A_20 = tpu.assume_multiple %add3A_19, 64 : i32
    "tpu.region"() ({
      %run_scoped3A = tpu.sem_alloc : memref<!tpu.dma_semaphore, #tpu.memory_space<semaphore_mem>>
      %dma_start3A_169 = arith.constant 0 : i32
      %dma_start3A_170 = tpu.memref_slice %arg10[%multiple_of3A_20, %dma_start3A_169] : memref<10240x128xf32, #tpu.memory_space<vmem_shared>> -> memref<128x128xf32, #tpu.memory_space<vmem_shared>>
      %dma_start3A_171 = arith.constant 0 : i32
      %dma_start3A_172 = tpu.memref_slice %arg10[%multiple_of3A_20, %dma_start3A_171] : memref<10240x128xf32, #tpu.memory_space<vmem_shared>> -> memref<128x128xf32, #tpu.memory_space<vmem_shared>>
      tpu.enqueue_dma source(%arg8 : memref<128x128xf32, #tpu.memory_space<vmem>>) target(%dma_start3A_172 : memref<128x128xf32, #tpu.memory_space<vmem_shared>>) target_semaphore(%run_scoped3A : memref<!tpu.dma_semaphore, #tpu.memory_space<semaphore_mem>>)
      %dma_wait3A_173 = arith.constant 0 : i32
      %dma_wait3A_174 = tpu.memref_slice %arg10[%multiple_of3A_20, %dma_wait3A_173] : memref<10240x128xf32, #tpu.memory_space<vmem_shared>> -> memref<128x128xf32, #tpu.memory_space<vmem_shared>>
      %dma_wait3A_175 = arith.constant 0 : i32
      %dma_wait3A_176 = tpu.memref_slice %arg10[%multiple_of3A_20, %dma_wait3A_175] : memref<10240x128xf32, #tpu.memory_space<vmem_shared>> -> memref<128x128xf32, #tpu.memory_space<vmem_shared>>
      tpu.wait_dma2 semaphore(%run_scoped3A : memref<!tpu.dma_semaphore, #tpu.memory_space<semaphore_mem>>) src(%arg8 : memref<128x128xf32, #tpu.memory_space<vmem>>) dst(%dma_wait3A_176 : memref<128x128xf32, #tpu.memory_space<vmem_shared>>)
      tpu.yield
    }) : () -> ()
    %mul3A_21 = arith.constant 640 : i32
    %mul3A_22 = arith.muli %arg1, %mul3A_21 : i32
    %add3A_23 = arith.constant 384 : i32
    %add3A_24 = arith.addi %mul3A_22, %add3A_23 : i32
    %multiple_of3A_25 = tpu.assume_multiple %add3A_24, 64 : i32
    "tpu.region"() ({
      %run_scoped3A = tpu.sem_alloc : memref<!tpu.dma_semaphore, #tpu.memory_space<semaphore_mem>>
      %dma_start3A_169 = arith.constant 0 : i32
      %dma_start3A_170 = tpu.memref_slice %arg10[%multiple_of3A_25, %dma_start3A_169] : memref<10240x128xf32, #tpu.memory_space<vmem_shared>> -> memref<128x128xf32, #tpu.memory_space<vmem_shared>>
      %dma_start3A_171 = arith.constant 0 : i32
      %dma_start3A_172 = tpu.memref_slice %arg10[%multiple_of3A_25, %dma_start3A_171] : memref<10240x128xf32, #tpu.memory_space<vmem_shared>> -> memref<128x128xf32, #tpu.memory_space<vmem_shared>>
      tpu.enqueue_dma source(%arg8 : memref<128x128xf32, #tpu.memory_space<vmem>>) target(%dma_start3A_172 : memref<128x128xf32, #tpu.memory_space<vmem_shared>>) target_semaphore(%run_scoped3A : memref<!tpu.dma_semaphore, #tpu.memory_space<semaphore_mem>>)
      %dma_wait3A_173 = arith.constant 0 : i32
      %dma_wait3A_174 = tpu.memref_slice %arg10[%multiple_of3A_25, %dma_wait3A_173] : memref<10240x128xf32, #tpu.memory_space<vmem_shared>> -> memref<128x128xf32, #tpu.memory_space<vmem_shared>>
      %dma_wait3A_175 = arith.constant 0 : i32
      %dma_wait3A_176 = tpu.memref_slice %arg10[%multiple_of3A_25, %dma_wait3A_175] : memref<10240x128xf32, #tpu.memory_space<vmem_shared>> -> memref<128x128xf32, #tpu.memory_space<vmem_shared>>
      tpu.wait_dma2 semaphore(%run_scoped3A : memref<!tpu.dma_semaphore, #tpu.memory_space<semaphore_mem>>) src(%arg8 : memref<128x128xf32, #tpu.memory_space<vmem>>) dst(%dma_wait3A_176 : memref<128x128xf32, #tpu.memory_space<vmem_shared>>)
      tpu.yield
    }) : () -> ()
    %mul3A_26 = arith.constant 640 : i32
    %mul3A_27 = arith.muli %arg1, %mul3A_26 : i32
    %add3A_28 = arith.constant 512 : i32
    %add3A_29 = arith.addi %mul3A_27, %add3A_28 : i32
    %multiple_of3A_30 = tpu.assume_multiple %add3A_29, 64 : i32
    "tpu.region"() ({
      %run_scoped3A = tpu.sem_alloc : memref<!tpu.dma_semaphore, #tpu.memory_space<semaphore_mem>>
      %dma_start3A_169 = arith.constant 0 : i32
      %dma_start3A_170 = tpu.memref_slice %arg10[%multiple_of3A_30, %dma_start3A_169] : memref<10240x128xf32, #tpu.memory_space<vmem_shared>> -> memref<128x128xf32, #tpu.memory_space<vmem_shared>>
      %dma_start3A_171 = arith.constant 0 : i32
      %dma_start3A_172 = tpu.memref_slice %arg10[%multiple_of3A_30, %dma_start3A_171] : memref<10240x128xf32, #tpu.memory_space<vmem_shared>> -> memref<128x128xf32, #tpu.memory_space<vmem_shared>>
      tpu.enqueue_dma source(%arg8 : memref<128x128xf32, #tpu.memory_space<vmem>>) target(%dma_start3A_172 : memref<128x128xf32, #tpu.memory_space<vmem_shared>>) target_semaphore(%run_scoped3A : memref<!tpu.dma_semaphore, #tpu.memory_space<semaphore_mem>>)
      %dma_wait3A_173 = arith.constant 0 : i32
      %dma_wait3A_174 = tpu.memref_slice %arg10[%multiple_of3A_30, %dma_wait3A_173] : memref<10240x128xf32, #tpu.memory_space<vmem_shared>> -> memref<128x128xf32, #tpu.memory_space<vmem_shared>>
      %dma_wait3A_175 = arith.constant 0 : i32
      %dma_wait3A_176 = tpu.memref_slice %arg10[%multiple_of3A_30, %dma_wait3A_175] : memref<10240x128xf32, #tpu.memory_space<vmem_shared>> -> memref<128x128xf32, #tpu.memory_space<vmem_shared>>
      tpu.wait_dma2 semaphore(%run_scoped3A : memref<!tpu.dma_semaphore, #tpu.memory_space<semaphore_mem>>) src(%arg8 : memref<128x128xf32, #tpu.memory_space<vmem>>) dst(%dma_wait3A_176 : memref<128x128xf32, #tpu.memory_space<vmem_shared>>)
      tpu.yield
    }) : () -> ()
    %barrier3A = arith.constant 0 : index
    tpu.barrier barrier_id(%barrier3A)
    %mul3A_31 = arith.constant 80 : i32
    %mul3A_32 = arith.muli %add3A, %mul3A_31 : i32
    %add3A_33 = arith.constant 0 : i32
    %add3A_34 = arith.addi %mul3A_32, %add3A_33 : i32
    %multiple_of3A_35 = tpu.assume_multiple %add3A_34, 8 : i32
    "tpu.region"() ({
      %run_scoped3A = tpu.sem_alloc : memref<!tpu.dma_semaphore, #tpu.memory_space<semaphore_mem>>
      %dma_start3A_169 = arith.constant 0 : i32
      %dma_start3A_170 = tpu.memref_slice %arg3[%multiple_of3A_35, %dma_start3A_169] : memref<2560x128xi32, #tpu.memory_space<hbm>> -> memref<40x128xi32, #tpu.memory_space<hbm>>
      %dma_start3A_171 = arith.constant 0 : i32
      %dma_start3A_172 = tpu.memref_slice %arg3[%multiple_of3A_35, %dma_start3A_171] : memref<2560x128xi32, #tpu.memory_space<hbm>> -> memref<40x128xi32, #tpu.memory_space<hbm>>
      tpu.enqueue_dma source(%dma_start3A_172 : memref<40x128xi32, #tpu.memory_space<hbm>>) target(%arg6 : memref<40x128xi32, #tpu.memory_space<vmem>>) target_semaphore(%run_scoped3A : memref<!tpu.dma_semaphore, #tpu.memory_space<semaphore_mem>>)
      %dma_wait3A_173 = arith.constant 0 : i32
      %dma_wait3A_174 = tpu.memref_slice %arg3[%multiple_of3A_35, %dma_wait3A_173] : memref<2560x128xi32, #tpu.memory_space<hbm>> -> memref<40x128xi32, #tpu.memory_space<hbm>>
      %dma_wait3A_175 = arith.constant 0 : i32
      %dma_wait3A_176 = tpu.memref_slice %arg3[%multiple_of3A_35, %dma_wait3A_175] : memref<2560x128xi32, #tpu.memory_space<hbm>> -> memref<40x128xi32, #tpu.memory_space<hbm>>
      tpu.wait_dma2 semaphore(%run_scoped3A : memref<!tpu.dma_semaphore, #tpu.memory_space<semaphore_mem>>) src(%dma_wait3A_176 : memref<40x128xi32, #tpu.memory_space<hbm>>) dst(%arg6 : memref<40x128xi32, #tpu.memory_space<vmem>>)
      tpu.yield
    }) : () -> ()
    "tpu.region"() ({
      %run_scoped3A = tpu.sem_alloc : memref<!tpu.dma_semaphore, #tpu.memory_space<semaphore_mem>>
      %dma_start3A_169 = arith.constant 0 : i32
      %dma_start3A_170 = tpu.memref_slice %arg4[%multiple_of3A_35, %dma_start3A_169] : memref<2560x128xi32, #tpu.memory_space<hbm>> -> memref<40x128xi32, #tpu.memory_space<hbm>>
      %dma_start3A_171 = arith.constant 0 : i32
      %dma_start3A_172 = tpu.memref_slice %arg4[%multiple_of3A_35, %dma_start3A_171] : memref<2560x128xi32, #tpu.memory_space<hbm>> -> memref<40x128xi32, #tpu.memory_space<hbm>>
      tpu.enqueue_dma source(%dma_start3A_172 : memref<40x128xi32, #tpu.memory_space<hbm>>) target(%arg7 : memref<40x128xi32, #tpu.memory_space<vmem>>) target_semaphore(%run_scoped3A : memref<!tpu.dma_semaphore, #tpu.memory_space<semaphore_mem>>)
      %dma_wait3A_173 = arith.constant 0 : i32
      %dma_wait3A_174 = tpu.memref_slice %arg4[%multiple_of3A_35, %dma_wait3A_173] : memref<2560x128xi32, #tpu.memory_space<hbm>> -> memref<40x128xi32, #tpu.memory_space<hbm>>
      %dma_wait3A_175 = arith.constant 0 : i32
      %dma_wait3A_176 = tpu.memref_slice %arg4[%multiple_of3A_35, %dma_wait3A_175] : memref<2560x128xi32, #tpu.memory_space<hbm>> -> memref<40x128xi32, #tpu.memory_space<hbm>>
      tpu.wait_dma2 semaphore(%run_scoped3A : memref<!tpu.dma_semaphore, #tpu.memory_space<semaphore_mem>>) src(%dma_wait3A_176 : memref<40x128xi32, #tpu.memory_space<hbm>>) dst(%arg7 : memref<40x128xi32, #tpu.memory_space<vmem>>)
      tpu.yield
    }) : () -> ()
    %dma_start3A = arith.constant 0 : i32
    %dma_start3A_36 = arith.constant 0 : i32
    %dma_start3A_37 = tpu.memref_slice %arg6[%dma_start3A, %dma_start3A_36] : memref<40x128xi32, #tpu.memory_space<vmem>> -> memref<1x128xi32, #tpu.memory_space<vmem>>
    %dma_start3A_38 = tpu.memref_squeeze %dma_start3A_37 : memref<1x128xi32, #tpu.memory_space<vmem>> -> memref<128xi32, #tpu.memory_space<vmem>>
    %dma_start3A_39 = arith.constant 0 : i32
    %dma_start3A_40 = arith.constant 0 : i32
    %dma_start3A_41 = tpu.memref_slice %arg2[%dma_start3A_39, %dma_start3A_40] : memref<10000x128xf32, #tpu.memory_space<hbm>> -> memref<10000x128xf32, #tpu.memory_space<hbm>>
    tpu.enqueue_indirect_dma source(%dma_start3A_41 : memref<10000x128xf32, #tpu.memory_space<hbm>>) target(%arg8 : memref<128x128xf32, #tpu.memory_space<vmem>>) offsets(%dma_start3A_38 : memref<128xi32, #tpu.memory_space<vmem>>) semaphore(%arg11 : memref<!tpu.dma_semaphore, #tpu.memory_space<semaphore_mem>>)
    %dma_start3A_42 = arith.constant 1 : i32
    %dma_start3A_43 = arith.constant 0 : i32
    %dma_start3A_44 = tpu.memref_slice %arg6[%dma_start3A_42, %dma_start3A_43] : memref<40x128xi32, #tpu.memory_space<vmem>> -> memref<1x128xi32, #tpu.memory_space<vmem>>
    %dma_start3A_45 = tpu.memref_squeeze %dma_start3A_44 : memref<1x128xi32, #tpu.memory_space<vmem>> -> memref<128xi32, #tpu.memory_space<vmem>>
    %dma_start3A_46 = arith.constant 0 : i32
    %dma_start3A_47 = arith.constant 0 : i32
    %dma_start3A_48 = tpu.memref_slice %arg2[%dma_start3A_46, %dma_start3A_47] : memref<10000x128xf32, #tpu.memory_space<hbm>> -> memref<10000x128xf32, #tpu.memory_space<hbm>>
    tpu.enqueue_indirect_dma source(%dma_start3A_48 : memref<10000x128xf32, #tpu.memory_space<hbm>>) target(%arg9 : memref<128x128xf32, #tpu.memory_space<vmem>>) offsets(%dma_start3A_45 : memref<128xi32, #tpu.memory_space<vmem>>) semaphore(%arg12 : memref<!tpu.dma_semaphore, #tpu.memory_space<semaphore_mem>>)
    %scan3A_49 = arith.constant 0 : i32
    %scan3A_50 = arith.constant 0 : i32
    %scan3A_51 = arith.constant 19 : i32
    %scan3A_52 = arith.addi %scan3A_50, %scan3A_51 : i32
    %scan3A_53 = arith.constant 1 : i32
    %scan3A_54 = scf.for %scan3A_169 = %scan3A_50 to %scan3A_52 step %scan3A_53 iter_args(%scan3A_170 = %scan3A_49) -> (i32)  : i32 {
      %mul3A_171 = arith.constant 2 : i32
      %mul3A_172 = arith.muli %mul3A_171, %scan3A_169 : i32
      %dma_wait3A_173 = arith.constant 0 : i32
      %dma_wait3A_174 = tpu.memref_slice %arg6[%mul3A_172, %dma_wait3A_173] : memref<40x128xi32, #tpu.memory_space<vmem>> -> memref<1x128xi32, #tpu.memory_space<vmem>>
      %dma_wait3A_175 = tpu.memref_squeeze %dma_wait3A_174 : memref<1x128xi32, #tpu.memory_space<vmem>> -> memref<128xi32, #tpu.memory_space<vmem>>
      %dma_wait3A_176 = arith.constant 0 : i32
      %dma_wait3A_177 = arith.constant 0 : i32
      %dma_wait3A_178 = tpu.memref_slice %arg2[%dma_wait3A_176, %dma_wait3A_177] : memref<10000x128xf32, #tpu.memory_space<hbm>> -> memref<10000x128xf32, #tpu.memory_space<hbm>>
      tpu.wait_indirect_dma semaphore(%arg11 : memref<!tpu.dma_semaphore, #tpu.memory_space<semaphore_mem>>) src(%dma_wait3A_178 : memref<10000x128xf32, #tpu.memory_space<hbm>>) dst(%arg8 : memref<128x128xf32, #tpu.memory_space<vmem>>)
      %dma_start3A_179 = arith.constant 0 : i32
      %dma_start3A_180 = tpu.memref_slice %arg7[%mul3A_172, %dma_start3A_179] : memref<40x128xi32, #tpu.memory_space<vmem>> -> memref<1x128xi32, #tpu.memory_space<vmem>>
      %dma_start3A_181 = tpu.memref_squeeze %dma_start3A_180 : memref<1x128xi32, #tpu.memory_space<vmem>> -> memref<128xi32, #tpu.memory_space<vmem>>
      %dma_start3A_182 = arith.constant 0 : i32
      %dma_start3A_183 = arith.constant 0 : i32
      %dma_start3A_184 = tpu.memref_slice %arg10[%dma_start3A_182, %dma_start3A_183] : memref<10240x128xf32, #tpu.memory_space<vmem_shared>> -> memref<10240x128xf32, #tpu.memory_space<vmem_shared>>
      tpu.enqueue_indirect_dma source(%arg8 : memref<128x128xf32, #tpu.memory_space<vmem>>) target(%dma_start3A_184 : memref<10240x128xf32, #tpu.memory_space<vmem_shared>>) offsets(%dma_start3A_181 : memref<128xi32, #tpu.memory_space<vmem>>) semaphore(%arg13 : memref<!tpu.dma_semaphore, #tpu.memory_space<semaphore_mem>>) {add = true}
      %add3A_185 = arith.constant 1 : i32
      %add3A_186 = arith.addi %mul3A_172, %add3A_185 : i32
      %dma_wait3A_187 = arith.constant 0 : i32
      %dma_wait3A_188 = tpu.memref_slice %arg6[%add3A_186, %dma_wait3A_187] : memref<40x128xi32, #tpu.memory_space<vmem>> -> memref<1x128xi32, #tpu.memory_space<vmem>>
      %dma_wait3A_189 = tpu.memref_squeeze %dma_wait3A_188 : memref<1x128xi32, #tpu.memory_space<vmem>> -> memref<128xi32, #tpu.memory_space<vmem>>
      %dma_wait3A_190 = arith.constant 0 : i32
      %dma_wait3A_191 = arith.constant 0 : i32
      %dma_wait3A_192 = tpu.memref_slice %arg2[%dma_wait3A_190, %dma_wait3A_191] : memref<10000x128xf32, #tpu.memory_space<hbm>> -> memref<10000x128xf32, #tpu.memory_space<hbm>>
      tpu.wait_indirect_dma semaphore(%arg12 : memref<!tpu.dma_semaphore, #tpu.memory_space<semaphore_mem>>) src(%dma_wait3A_192 : memref<10000x128xf32, #tpu.memory_space<hbm>>) dst(%arg9 : memref<128x128xf32, #tpu.memory_space<vmem>>)
      %add3A_193 = arith.constant 1 : i32
      %add3A_194 = arith.addi %mul3A_172, %add3A_193 : i32
      %dma_start3A_195 = arith.constant 0 : i32
      %dma_start3A_196 = tpu.memref_slice %arg7[%add3A_194, %dma_start3A_195] : memref<40x128xi32, #tpu.memory_space<vmem>> -> memref<1x128xi32, #tpu.memory_space<vmem>>
      %dma_start3A_197 = tpu.memref_squeeze %dma_start3A_196 : memref<1x128xi32, #tpu.memory_space<vmem>> -> memref<128xi32, #tpu.memory_space<vmem>>
      %dma_start3A_198 = arith.constant 0 : i32
      %dma_start3A_199 = arith.constant 0 : i32
      %dma_start3A_200 = tpu.memref_slice %arg10[%dma_start3A_198, %dma_start3A_199] : memref<10240x128xf32, #tpu.memory_space<vmem_shared>> -> memref<10240x128xf32, #tpu.memory_space<vmem_shared>>
      tpu.enqueue_indirect_dma source(%arg9 : memref<128x128xf32, #tpu.memory_space<vmem>>) target(%dma_start3A_200 : memref<10240x128xf32, #tpu.memory_space<vmem_shared>>) offsets(%dma_start3A_197 : memref<128xi32, #tpu.memory_space<vmem>>) semaphore(%arg14 : memref<!tpu.dma_semaphore, #tpu.memory_space<semaphore_mem>>) {add = true}
      %dma_wait3A_201 = arith.constant 0 : i32
      %dma_wait3A_202 = tpu.memref_slice %arg7[%mul3A_172, %dma_wait3A_201] : memref<40x128xi32, #tpu.memory_space<vmem>> -> memref<1x128xi32, #tpu.memory_space<vmem>>
      %dma_wait3A_203 = tpu.memref_squeeze %dma_wait3A_202 : memref<1x128xi32, #tpu.memory_space<vmem>> -> memref<128xi32, #tpu.memory_space<vmem>>
      %dma_wait3A_204 = arith.constant 0 : i32
      %dma_wait3A_205 = arith.constant 0 : i32
      %dma_wait3A_206 = tpu.memref_slice %arg10[%dma_wait3A_204, %dma_wait3A_205] : memref<10240x128xf32, #tpu.memory_space<vmem_shared>> -> memref<10240x128xf32, #tpu.memory_space<vmem_shared>>
      tpu.wait_indirect_dma semaphore(%arg13 : memref<!tpu.dma_semaphore, #tpu.memory_space<semaphore_mem>>) src(%arg8 : memref<128x128xf32, #tpu.memory_space<vmem>>) dst(%dma_wait3A_206 : memref<10240x128xf32, #tpu.memory_space<vmem_shared>>)
      %add3A_207 = arith.constant 2 : i32
      %add3A_208 = arith.addi %mul3A_172, %add3A_207 : i32
      %dma_start3A_209 = arith.constant 0 : i32
      %dma_start3A_210 = tpu.memref_slice %arg6[%add3A_208, %dma_start3A_209] : memref<40x128xi32, #tpu.memory_space<vmem>> -> memref<1x128xi32, #tpu.memory_space<vmem>>
      %dma_start3A_211 = tpu.memref_squeeze %dma_start3A_210 : memref<1x128xi32, #tpu.memory_space<vmem>> -> memref<128xi32, #tpu.memory_space<vmem>>
      %dma_start3A_212 = arith.constant 0 : i32
      %dma_start3A_213 = arith.constant 0 : i32
      %dma_start3A_214 = tpu.memref_slice %arg2[%dma_start3A_212, %dma_start3A_213] : memref<10000x128xf32, #tpu.memory_space<hbm>> -> memref<10000x128xf32, #tpu.memory_space<hbm>>
      tpu.enqueue_indirect_dma source(%dma_start3A_214 : memref<10000x128xf32, #tpu.memory_space<hbm>>) target(%arg8 : memref<128x128xf32, #tpu.memory_space<vmem>>) offsets(%dma_start3A_211 : memref<128xi32, #tpu.memory_space<vmem>>) semaphore(%arg11 : memref<!tpu.dma_semaphore, #tpu.memory_space<semaphore_mem>>)
      %add3A_215 = arith.constant 1 : i32
      %add3A_216 = arith.addi %mul3A_172, %add3A_215 : i32
      %dma_wait3A_217 = arith.constant 0 : i32
      %dma_wait3A_218 = tpu.memref_slice %arg7[%add3A_216, %dma_wait3A_217] : memref<40x128xi32, #tpu.memory_space<vmem>> -> memref<1x128xi32, #tpu.memory_space<vmem>>
      %dma_wait3A_219 = tpu.memref_squeeze %dma_wait3A_218 : memref<1x128xi32, #tpu.memory_space<vmem>> -> memref<128xi32, #tpu.memory_space<vmem>>
      %dma_wait3A_220 = arith.constant 0 : i32
      %dma_wait3A_221 = arith.constant 0 : i32
      %dma_wait3A_222 = tpu.memref_slice %arg10[%dma_wait3A_220, %dma_wait3A_221] : memref<10240x128xf32, #tpu.memory_space<vmem_shared>> -> memref<10240x128xf32, #tpu.memory_space<vmem_shared>>
      tpu.wait_indirect_dma semaphore(%arg14 : memref<!tpu.dma_semaphore, #tpu.memory_space<semaphore_mem>>) src(%arg9 : memref<128x128xf32, #tpu.memory_space<vmem>>) dst(%dma_wait3A_222 : memref<10240x128xf32, #tpu.memory_space<vmem_shared>>)
      %add3A_223 = arith.constant 3 : i32
      %add3A_224 = arith.addi %mul3A_172, %add3A_223 : i32
      %dma_start3A_225 = arith.constant 0 : i32
      %dma_start3A_226 = tpu.memref_slice %arg6[%add3A_224, %dma_start3A_225] : memref<40x128xi32, #tpu.memory_space<vmem>> -> memref<1x128xi32, #tpu.memory_space<vmem>>
      %dma_start3A_227 = tpu.memref_squeeze %dma_start3A_226 : memref<1x128xi32, #tpu.memory_space<vmem>> -> memref<128xi32, #tpu.memory_space<vmem>>
      %dma_start3A_228 = arith.constant 0 : i32
      %dma_start3A_229 = arith.constant 0 : i32
      %dma_start3A_230 = tpu.memref_slice %arg2[%dma_start3A_228, %dma_start3A_229] : memref<10000x128xf32, #tpu.memory_space<hbm>> -> memref<10000x128xf32, #tpu.memory_space<hbm>>
      tpu.enqueue_indirect_dma source(%dma_start3A_230 : memref<10000x128xf32, #tpu.memory_space<hbm>>) target(%arg9 : memref<128x128xf32, #tpu.memory_space<vmem>>) offsets(%dma_start3A_227 : memref<128xi32, #tpu.memory_space<vmem>>) semaphore(%arg12 : memref<!tpu.dma_semaphore, #tpu.memory_space<semaphore_mem>>)
      %scan3A_231 = arith.constant 0 : i32
      scf.yield %scan3A_231 : i32
    }
    %scan3A_55 = arith.constant 19 : i32
    %dma_wait3A = arith.constant 38 : i32
    %dma_wait3A_56 = arith.constant 0 : i32
    %dma_wait3A_57 = tpu.memref_slice %arg6[%dma_wait3A, %dma_wait3A_56] : memref<40x128xi32, #tpu.memory_space<vmem>> -> memref<1x128xi32, #tpu.memory_space<vmem>>
    %dma_wait3A_58 = tpu.memref_squeeze %dma_wait3A_57 : memref<1x128xi32, #tpu.memory_space<vmem>> -> memref<128xi32, #tpu.memory_space<vmem>>
    %dma_wait3A_59 = arith.constant 0 : i32
    %dma_wait3A_60 = arith.constant 0 : i32
    %dma_wait3A_61 = tpu.memref_slice %arg2[%dma_wait3A_59, %dma_wait3A_60] : memref<10000x128xf32, #tpu.memory_space<hbm>> -> memref<10000x128xf32, #tpu.memory_space<hbm>>
    tpu.wait_indirect_dma semaphore(%arg11 : memref<!tpu.dma_semaphore, #tpu.memory_space<semaphore_mem>>) src(%dma_wait3A_61 : memref<10000x128xf32, #tpu.memory_space<hbm>>) dst(%arg8 : memref<128x128xf32, #tpu.memory_space<vmem>>)
    %dma_start3A_62 = arith.constant 38 : i32
    %dma_start3A_63 = arith.constant 0 : i32
    %dma_start3A_64 = tpu.memref_slice %arg7[%dma_start3A_62, %dma_start3A_63] : memref<40x128xi32, #tpu.memory_space<vmem>> -> memref<1x128xi32, #tpu.memory_space<vmem>>
    %dma_start3A_65 = tpu.memref_squeeze %dma_start3A_64 : memref<1x128xi32, #tpu.memory_space<vmem>> -> memref<128xi32, #tpu.memory_space<vmem>>
    %dma_start3A_66 = arith.constant 0 : i32
    %dma_start3A_67 = arith.constant 0 : i32
    %dma_start3A_68 = tpu.memref_slice %arg10[%dma_start3A_66, %dma_start3A_67] : memref<10240x128xf32, #tpu.memory_space<vmem_shared>> -> memref<10240x128xf32, #tpu.memory_space<vmem_shared>>
    tpu.enqueue_indirect_dma source(%arg8 : memref<128x128xf32, #tpu.memory_space<vmem>>) target(%dma_start3A_68 : memref<10240x128xf32, #tpu.memory_space<vmem_shared>>) offsets(%dma_start3A_65 : memref<128xi32, #tpu.memory_space<vmem>>) semaphore(%arg13 : memref<!tpu.dma_semaphore, #tpu.memory_space<semaphore_mem>>) {add = true}
    %dma_wait3A_69 = arith.constant 39 : i32
    %dma_wait3A_70 = arith.constant 0 : i32
    %dma_wait3A_71 = tpu.memref_slice %arg6[%dma_wait3A_69, %dma_wait3A_70] : memref<40x128xi32, #tpu.memory_space<vmem>> -> memref<1x128xi32, #tpu.memory_space<vmem>>
    %dma_wait3A_72 = tpu.memref_squeeze %dma_wait3A_71 : memref<1x128xi32, #tpu.memory_space<vmem>> -> memref<128xi32, #tpu.memory_space<vmem>>
    %dma_wait3A_73 = arith.constant 0 : i32
    %dma_wait3A_74 = arith.constant 0 : i32
    %dma_wait3A_75 = tpu.memref_slice %arg2[%dma_wait3A_73, %dma_wait3A_74] : memref<10000x128xf32, #tpu.memory_space<hbm>> -> memref<10000x128xf32, #tpu.memory_space<hbm>>
    tpu.wait_indirect_dma semaphore(%arg12 : memref<!tpu.dma_semaphore, #tpu.memory_space<semaphore_mem>>) src(%dma_wait3A_75 : memref<10000x128xf32, #tpu.memory_space<hbm>>) dst(%arg9 : memref<128x128xf32, #tpu.memory_space<vmem>>)
    %dma_start3A_76 = arith.constant 39 : i32
    %dma_start3A_77 = arith.constant 0 : i32
    %dma_start3A_78 = tpu.memref_slice %arg7[%dma_start3A_76, %dma_start3A_77] : memref<40x128xi32, #tpu.memory_space<vmem>> -> memref<1x128xi32, #tpu.memory_space<vmem>>
    %dma_start3A_79 = tpu.memref_squeeze %dma_start3A_78 : memref<1x128xi32, #tpu.memory_space<vmem>> -> memref<128xi32, #tpu.memory_space<vmem>>
    %dma_start3A_80 = arith.constant 0 : i32
    %dma_start3A_81 = arith.constant 0 : i32
    %dma_start3A_82 = tpu.memref_slice %arg10[%dma_start3A_80, %dma_start3A_81] : memref<10240x128xf32, #tpu.memory_space<vmem_shared>> -> memref<10240x128xf32, #tpu.memory_space<vmem_shared>>
    tpu.enqueue_indirect_dma source(%arg9 : memref<128x128xf32, #tpu.memory_space<vmem>>) target(%dma_start3A_82 : memref<10240x128xf32, #tpu.memory_space<vmem_shared>>) offsets(%dma_start3A_79 : memref<128xi32, #tpu.memory_space<vmem>>) semaphore(%arg14 : memref<!tpu.dma_semaphore, #tpu.memory_space<semaphore_mem>>) {add = true}
    %dma_wait3A_83 = arith.constant 38 : i32
    %dma_wait3A_84 = arith.constant 0 : i32
    %dma_wait3A_85 = tpu.memref_slice %arg7[%dma_wait3A_83, %dma_wait3A_84] : memref<40x128xi32, #tpu.memory_space<vmem>> -> memref<1x128xi32, #tpu.memory_space<vmem>>
    %dma_wait3A_86 = tpu.memref_squeeze %dma_wait3A_85 : memref<1x128xi32, #tpu.memory_space<vmem>> -> memref<128xi32, #tpu.memory_space<vmem>>
    %dma_wait3A_87 = arith.constant 0 : i32
    %dma_wait3A_88 = arith.constant 0 : i32
    %dma_wait3A_89 = tpu.memref_slice %arg10[%dma_wait3A_87, %dma_wait3A_88] : memref<10240x128xf32, #tpu.memory_space<vmem_shared>> -> memref<10240x128xf32, #tpu.memory_space<vmem_shared>>
    tpu.wait_indirect_dma semaphore(%arg13 : memref<!tpu.dma_semaphore, #tpu.memory_space<semaphore_mem>>) src(%arg8 : memref<128x128xf32, #tpu.memory_space<vmem>>) dst(%dma_wait3A_89 : memref<10240x128xf32, #tpu.memory_space<vmem_shared>>)
    %dma_wait3A_90 = arith.constant 39 : i32
    %dma_wait3A_91 = arith.constant 0 : i32
    %dma_wait3A_92 = tpu.memref_slice %arg7[%dma_wait3A_90, %dma_wait3A_91] : memref<40x128xi32, #tpu.memory_space<vmem>> -> memref<1x128xi32, #tpu.memory_space<vmem>>
    %dma_wait3A_93 = tpu.memref_squeeze %dma_wait3A_92 : memref<1x128xi32, #tpu.memory_space<vmem>> -> memref<128xi32, #tpu.memory_space<vmem>>
    %dma_wait3A_94 = arith.constant 0 : i32
    %dma_wait3A_95 = arith.constant 0 : i32
    %dma_wait3A_96 = tpu.memref_slice %arg10[%dma_wait3A_94, %dma_wait3A_95] : memref<10240x128xf32, #tpu.memory_space<vmem_shared>> -> memref<10240x128xf32, #tpu.memory_space<vmem_shared>>
    tpu.wait_indirect_dma semaphore(%arg14 : memref<!tpu.dma_semaphore, #tpu.memory_space<semaphore_mem>>) src(%arg9 : memref<128x128xf32, #tpu.memory_space<vmem>>) dst(%dma_wait3A_96 : memref<10240x128xf32, #tpu.memory_space<vmem_shared>>)
    %mul3A_97 = arith.constant 80 : i32
    %mul3A_98 = arith.muli %add3A, %mul3A_97 : i32
    %add3A_99 = arith.constant 40 : i32
    %add3A_100 = arith.addi %mul3A_98, %add3A_99 : i32
    %multiple_of3A_101 = tpu.assume_multiple %add3A_100, 8 : i32
    "tpu.region"() ({
      %run_scoped3A = tpu.sem_alloc : memref<!tpu.dma_semaphore, #tpu.memory_space<semaphore_mem>>
      %dma_start3A_169 = arith.constant 0 : i32
      %dma_start3A_170 = tpu.memref_slice %arg3[%multiple_of3A_101, %dma_start3A_169] : memref<2560x128xi32, #tpu.memory_space<hbm>> -> memref<40x128xi32, #tpu.memory_space<hbm>>
      %dma_start3A_171 = arith.constant 0 : i32
      %dma_start3A_172 = tpu.memref_slice %arg3[%multiple_of3A_101, %dma_start3A_171] : memref<2560x128xi32, #tpu.memory_space<hbm>> -> memref<40x128xi32, #tpu.memory_space<hbm>>
      tpu.enqueue_dma source(%dma_start3A_172 : memref<40x128xi32, #tpu.memory_space<hbm>>) target(%arg6 : memref<40x128xi32, #tpu.memory_space<vmem>>) target_semaphore(%run_scoped3A : memref<!tpu.dma_semaphore, #tpu.memory_space<semaphore_mem>>)
      %dma_wait3A_173 = arith.constant 0 : i32
      %dma_wait3A_174 = tpu.memref_slice %arg3[%multiple_of3A_101, %dma_wait3A_173] : memref<2560x128xi32, #tpu.memory_space<hbm>> -> memref<40x128xi32, #tpu.memory_space<hbm>>
      %dma_wait3A_175 = arith.constant 0 : i32
      %dma_wait3A_176 = tpu.memref_slice %arg3[%multiple_of3A_101, %dma_wait3A_175] : memref<2560x128xi32, #tpu.memory_space<hbm>> -> memref<40x128xi32, #tpu.memory_space<hbm>>
      tpu.wait_dma2 semaphore(%run_scoped3A : memref<!tpu.dma_semaphore, #tpu.memory_space<semaphore_mem>>) src(%dma_wait3A_176 : memref<40x128xi32, #tpu.memory_space<hbm>>) dst(%arg6 : memref<40x128xi32, #tpu.memory_space<vmem>>)
      tpu.yield
    }) : () -> ()
    "tpu.region"() ({
      %run_scoped3A = tpu.sem_alloc : memref<!tpu.dma_semaphore, #tpu.memory_space<semaphore_mem>>
      %dma_start3A_169 = arith.constant 0 : i32
      %dma_start3A_170 = tpu.memref_slice %arg4[%multiple_of3A_101, %dma_start3A_169] : memref<2560x128xi32, #tpu.memory_space<hbm>> -> memref<40x128xi32, #tpu.memory_space<hbm>>
      %dma_start3A_171 = arith.constant 0 : i32
      %dma_start3A_172 = tpu.memref_slice %arg4[%multiple_of3A_101, %dma_start3A_171] : memref<2560x128xi32, #tpu.memory_space<hbm>> -> memref<40x128xi32, #tpu.memory_space<hbm>>
      tpu.enqueue_dma source(%dma_start3A_172 : memref<40x128xi32, #tpu.memory_space<hbm>>) target(%arg7 : memref<40x128xi32, #tpu.memory_space<vmem>>) target_semaphore(%run_scoped3A : memref<!tpu.dma_semaphore, #tpu.memory_space<semaphore_mem>>)
      %dma_wait3A_173 = arith.constant 0 : i32
      %dma_wait3A_174 = tpu.memref_slice %arg4[%multiple_of3A_101, %dma_wait3A_173] : memref<2560x128xi32, #tpu.memory_space<hbm>> -> memref<40x128xi32, #tpu.memory_space<hbm>>
      %dma_wait3A_175 = arith.constant 0 : i32
      %dma_wait3A_176 = tpu.memref_slice %arg4[%multiple_of3A_101, %dma_wait3A_175] : memref<2560x128xi32, #tpu.memory_space<hbm>> -> memref<40x128xi32, #tpu.memory_space<hbm>>
      tpu.wait_dma2 semaphore(%run_scoped3A : memref<!tpu.dma_semaphore, #tpu.memory_space<semaphore_mem>>) src(%dma_wait3A_176 : memref<40x128xi32, #tpu.memory_space<hbm>>) dst(%arg7 : memref<40x128xi32, #tpu.memory_space<vmem>>)
      tpu.yield
    }) : () -> ()
    %dma_start3A_102 = arith.constant 0 : i32
    %dma_start3A_103 = arith.constant 0 : i32
    %dma_start3A_104 = tpu.memref_slice %arg6[%dma_start3A_102, %dma_start3A_103] : memref<40x128xi32, #tpu.memory_space<vmem>> -> memref<1x128xi32, #tpu.memory_space<vmem>>
    %dma_start3A_105 = tpu.memref_squeeze %dma_start3A_104 : memref<1x128xi32, #tpu.memory_space<vmem>> -> memref<128xi32, #tpu.memory_space<vmem>>
    %dma_start3A_106 = arith.constant 0 : i32
    %dma_start3A_107 = arith.constant 0 : i32
    %dma_start3A_108 = tpu.memref_slice %arg2[%dma_start3A_106, %dma_start3A_107] : memref<10000x128xf32, #tpu.memory_space<hbm>> -> memref<10000x128xf32, #tpu.memory_space<hbm>>
    tpu.enqueue_indirect_dma source(%dma_start3A_108 : memref<10000x128xf32, #tpu.memory_space<hbm>>) target(%arg8 : memref<128x128xf32, #tpu.memory_space<vmem>>) offsets(%dma_start3A_105 : memref<128xi32, #tpu.memory_space<vmem>>) semaphore(%arg11 : memref<!tpu.dma_semaphore, #tpu.memory_space<semaphore_mem>>)
    %dma_start3A_109 = arith.constant 1 : i32
    %dma_start3A_110 = arith.constant 0 : i32
    %dma_start3A_111 = tpu.memref_slice %arg6[%dma_start3A_109, %dma_start3A_110] : memref<40x128xi32, #tpu.memory_space<vmem>> -> memref<1x128xi32, #tpu.memory_space<vmem>>
    %dma_start3A_112 = tpu.memref_squeeze %dma_start3A_111 : memref<1x128xi32, #tpu.memory_space<vmem>> -> memref<128xi32, #tpu.memory_space<vmem>>
    %dma_start3A_113 = arith.constant 0 : i32
    %dma_start3A_114 = arith.constant 0 : i32
    %dma_start3A_115 = tpu.memref_slice %arg2[%dma_start3A_113, %dma_start3A_114] : memref<10000x128xf32, #tpu.memory_space<hbm>> -> memref<10000x128xf32, #tpu.memory_space<hbm>>
    tpu.enqueue_indirect_dma source(%dma_start3A_115 : memref<10000x128xf32, #tpu.memory_space<hbm>>) target(%arg9 : memref<128x128xf32, #tpu.memory_space<vmem>>) offsets(%dma_start3A_112 : memref<128xi32, #tpu.memory_space<vmem>>) semaphore(%arg12 : memref<!tpu.dma_semaphore, #tpu.memory_space<semaphore_mem>>)
    %scan3A_116 = arith.constant 0 : i32
    %scan3A_117 = arith.constant 0 : i32
    %scan3A_118 = arith.constant 19 : i32
    %scan3A_119 = arith.addi %scan3A_117, %scan3A_118 : i32
    %scan3A_120 = arith.constant 1 : i32
    %scan3A_121 = scf.for %scan3A_169 = %scan3A_117 to %scan3A_119 step %scan3A_120 iter_args(%scan3A_170 = %scan3A_116) -> (i32)  : i32 {
      %mul3A_171 = arith.constant 2 : i32
      %mul3A_172 = arith.muli %mul3A_171, %scan3A_169 : i32
      %dma_wait3A_173 = arith.constant 0 : i32
      %dma_wait3A_174 = tpu.memref_slice %arg6[%mul3A_172, %dma_wait3A_173] : memref<40x128xi32, #tpu.memory_space<vmem>> -> memref<1x128xi32, #tpu.memory_space<vmem>>
      %dma_wait3A_175 = tpu.memref_squeeze %dma_wait3A_174 : memref<1x128xi32, #tpu.memory_space<vmem>> -> memref<128xi32, #tpu.memory_space<vmem>>
      %dma_wait3A_176 = arith.constant 0 : i32
      %dma_wait3A_177 = arith.constant 0 : i32
      %dma_wait3A_178 = tpu.memref_slice %arg2[%dma_wait3A_176, %dma_wait3A_177] : memref<10000x128xf32, #tpu.memory_space<hbm>> -> memref<10000x128xf32, #tpu.memory_space<hbm>>
      tpu.wait_indirect_dma semaphore(%arg11 : memref<!tpu.dma_semaphore, #tpu.memory_space<semaphore_mem>>) src(%dma_wait3A_178 : memref<10000x128xf32, #tpu.memory_space<hbm>>) dst(%arg8 : memref<128x128xf32, #tpu.memory_space<vmem>>)
      %dma_start3A_179 = arith.constant 0 : i32
      %dma_start3A_180 = tpu.memref_slice %arg7[%mul3A_172, %dma_start3A_179] : memref<40x128xi32, #tpu.memory_space<vmem>> -> memref<1x128xi32, #tpu.memory_space<vmem>>
      %dma_start3A_181 = tpu.memref_squeeze %dma_start3A_180 : memref<1x128xi32, #tpu.memory_space<vmem>> -> memref<128xi32, #tpu.memory_space<vmem>>
      %dma_start3A_182 = arith.constant 0 : i32
      %dma_start3A_183 = arith.constant 0 : i32
      %dma_start3A_184 = tpu.memref_slice %arg10[%dma_start3A_182, %dma_start3A_183] : memref<10240x128xf32, #tpu.memory_space<vmem_shared>> -> memref<10240x128xf32, #tpu.memory_space<vmem_shared>>
      tpu.enqueue_indirect_dma source(%arg8 : memref<128x128xf32, #tpu.memory_space<vmem>>) target(%dma_start3A_184 : memref<10240x128xf32, #tpu.memory_space<vmem_shared>>) offsets(%dma_start3A_181 : memref<128xi32, #tpu.memory_space<vmem>>) semaphore(%arg13 : memref<!tpu.dma_semaphore, #tpu.memory_space<semaphore_mem>>) {add = true}
      %add3A_185 = arith.constant 1 : i32
      %add3A_186 = arith.addi %mul3A_172, %add3A_185 : i32
      %dma_wait3A_187 = arith.constant 0 : i32
      %dma_wait3A_188 = tpu.memref_slice %arg6[%add3A_186, %dma_wait3A_187] : memref<40x128xi32, #tpu.memory_space<vmem>> -> memref<1x128xi32, #tpu.memory_space<vmem>>
      %dma_wait3A_189 = tpu.memref_squeeze %dma_wait3A_188 : memref<1x128xi32, #tpu.memory_space<vmem>> -> memref<128xi32, #tpu.memory_space<vmem>>
      %dma_wait3A_190 = arith.constant 0 : i32
      %dma_wait3A_191 = arith.constant 0 : i32
      %dma_wait3A_192 = tpu.memref_slice %arg2[%dma_wait3A_190, %dma_wait3A_191] : memref<10000x128xf32, #tpu.memory_space<hbm>> -> memref<10000x128xf32, #tpu.memory_space<hbm>>
      tpu.wait_indirect_dma semaphore(%arg12 : memref<!tpu.dma_semaphore, #tpu.memory_space<semaphore_mem>>) src(%dma_wait3A_192 : memref<10000x128xf32, #tpu.memory_space<hbm>>) dst(%arg9 : memref<128x128xf32, #tpu.memory_space<vmem>>)
      %add3A_193 = arith.constant 1 : i32
      %add3A_194 = arith.addi %mul3A_172, %add3A_193 : i32
      %dma_start3A_195 = arith.constant 0 : i32
      %dma_start3A_196 = tpu.memref_slice %arg7[%add3A_194, %dma_start3A_195] : memref<40x128xi32, #tpu.memory_space<vmem>> -> memref<1x128xi32, #tpu.memory_space<vmem>>
      %dma_start3A_197 = tpu.memref_squeeze %dma_start3A_196 : memref<1x128xi32, #tpu.memory_space<vmem>> -> memref<128xi32, #tpu.memory_space<vmem>>
      %dma_start3A_198 = arith.constant 0 : i32
      %dma_start3A_199 = arith.constant 0 : i32
      %dma_start3A_200 = tpu.memref_slice %arg10[%dma_start3A_198, %dma_start3A_199] : memref<10240x128xf32, #tpu.memory_space<vmem_shared>> -> memref<10240x128xf32, #tpu.memory_space<vmem_shared>>
      tpu.enqueue_indirect_dma source(%arg9 : memref<128x128xf32, #tpu.memory_space<vmem>>) target(%dma_start3A_200 : memref<10240x128xf32, #tpu.memory_space<vmem_shared>>) offsets(%dma_start3A_197 : memref<128xi32, #tpu.memory_space<vmem>>) semaphore(%arg14 : memref<!tpu.dma_semaphore, #tpu.memory_space<semaphore_mem>>) {add = true}
      %dma_wait3A_201 = arith.constant 0 : i32
      %dma_wait3A_202 = tpu.memref_slice %arg7[%mul3A_172, %dma_wait3A_201] : memref<40x128xi32, #tpu.memory_space<vmem>> -> memref<1x128xi32, #tpu.memory_space<vmem>>
      %dma_wait3A_203 = tpu.memref_squeeze %dma_wait3A_202 : memref<1x128xi32, #tpu.memory_space<vmem>> -> memref<128xi32, #tpu.memory_space<vmem>>
      %dma_wait3A_204 = arith.constant 0 : i32
      %dma_wait3A_205 = arith.constant 0 : i32
      %dma_wait3A_206 = tpu.memref_slice %arg10[%dma_wait3A_204, %dma_wait3A_205] : memref<10240x128xf32, #tpu.memory_space<vmem_shared>> -> memref<10240x128xf32, #tpu.memory_space<vmem_shared>>
      tpu.wait_indirect_dma semaphore(%arg13 : memref<!tpu.dma_semaphore, #tpu.memory_space<semaphore_mem>>) src(%arg8 : memref<128x128xf32, #tpu.memory_space<vmem>>) dst(%dma_wait3A_206 : memref<10240x128xf32, #tpu.memory_space<vmem_shared>>)
      %add3A_207 = arith.constant 2 : i32
      %add3A_208 = arith.addi %mul3A_172, %add3A_207 : i32
      %dma_start3A_209 = arith.constant 0 : i32
      %dma_start3A_210 = tpu.memref_slice %arg6[%add3A_208, %dma_start3A_209] : memref<40x128xi32, #tpu.memory_space<vmem>> -> memref<1x128xi32, #tpu.memory_space<vmem>>
      %dma_start3A_211 = tpu.memref_squeeze %dma_start3A_210 : memref<1x128xi32, #tpu.memory_space<vmem>> -> memref<128xi32, #tpu.memory_space<vmem>>
      %dma_start3A_212 = arith.constant 0 : i32
      %dma_start3A_213 = arith.constant 0 : i32
      %dma_start3A_214 = tpu.memref_slice %arg2[%dma_start3A_212, %dma_start3A_213] : memref<10000x128xf32, #tpu.memory_space<hbm>> -> memref<10000x128xf32, #tpu.memory_space<hbm>>
      tpu.enqueue_indirect_dma source(%dma_start3A_214 : memref<10000x128xf32, #tpu.memory_space<hbm>>) target(%arg8 : memref<128x128xf32, #tpu.memory_space<vmem>>) offsets(%dma_start3A_211 : memref<128xi32, #tpu.memory_space<vmem>>) semaphore(%arg11 : memref<!tpu.dma_semaphore, #tpu.memory_space<semaphore_mem>>)
      %add3A_215 = arith.constant 1 : i32
      %add3A_216 = arith.addi %mul3A_172, %add3A_215 : i32
      %dma_wait3A_217 = arith.constant 0 : i32
      %dma_wait3A_218 = tpu.memref_slice %arg7[%add3A_216, %dma_wait3A_217] : memref<40x128xi32, #tpu.memory_space<vmem>> -> memref<1x128xi32, #tpu.memory_space<vmem>>
      %dma_wait3A_219 = tpu.memref_squeeze %dma_wait3A_218 : memref<1x128xi32, #tpu.memory_space<vmem>> -> memref<128xi32, #tpu.memory_space<vmem>>
      %dma_wait3A_220 = arith.constant 0 : i32
      %dma_wait3A_221 = arith.constant 0 : i32
      %dma_wait3A_222 = tpu.memref_slice %arg10[%dma_wait3A_220, %dma_wait3A_221] : memref<10240x128xf32, #tpu.memory_space<vmem_shared>> -> memref<10240x128xf32, #tpu.memory_space<vmem_shared>>
      tpu.wait_indirect_dma semaphore(%arg14 : memref<!tpu.dma_semaphore, #tpu.memory_space<semaphore_mem>>) src(%arg9 : memref<128x128xf32, #tpu.memory_space<vmem>>) dst(%dma_wait3A_222 : memref<10240x128xf32, #tpu.memory_space<vmem_shared>>)
      %add3A_223 = arith.constant 3 : i32
      %add3A_224 = arith.addi %mul3A_172, %add3A_223 : i32
      %dma_start3A_225 = arith.constant 0 : i32
      %dma_start3A_226 = tpu.memref_slice %arg6[%add3A_224, %dma_start3A_225] : memref<40x128xi32, #tpu.memory_space<vmem>> -> memref<1x128xi32, #tpu.memory_space<vmem>>
      %dma_start3A_227 = tpu.memref_squeeze %dma_start3A_226 : memref<1x128xi32, #tpu.memory_space<vmem>> -> memref<128xi32, #tpu.memory_space<vmem>>
      %dma_start3A_228 = arith.constant 0 : i32
      %dma_start3A_229 = arith.constant 0 : i32
      %dma_start3A_230 = tpu.memref_slice %arg2[%dma_start3A_228, %dma_start3A_229] : memref<10000x128xf32, #tpu.memory_space<hbm>> -> memref<10000x128xf32, #tpu.memory_space<hbm>>
      tpu.enqueue_indirect_dma source(%dma_start3A_230 : memref<10000x128xf32, #tpu.memory_space<hbm>>) target(%arg9 : memref<128x128xf32, #tpu.memory_space<vmem>>) offsets(%dma_start3A_227 : memref<128xi32, #tpu.memory_space<vmem>>) semaphore(%arg12 : memref<!tpu.dma_semaphore, #tpu.memory_space<semaphore_mem>>)
      %scan3A_231 = arith.constant 0 : i32
      scf.yield %scan3A_231 : i32
    }
    %scan3A_122 = arith.constant 19 : i32
    %dma_wait3A_123 = arith.constant 38 : i32
    %dma_wait3A_124 = arith.constant 0 : i32
    %dma_wait3A_125 = tpu.memref_slice %arg6[%dma_wait3A_123, %dma_wait3A_124] : memref<40x128xi32, #tpu.memory_space<vmem>> -> memref<1x128xi32, #tpu.memory_space<vmem>>
    %dma_wait3A_126 = tpu.memref_squeeze %dma_wait3A_125 : memref<1x128xi32, #tpu.memory_space<vmem>> -> memref<128xi32, #tpu.memory_space<vmem>>
    %dma_wait3A_127 = arith.constant 0 : i32
    %dma_wait3A_128 = arith.constant 0 : i32
    %dma_wait3A_129 = tpu.memref_slice %arg2[%dma_wait3A_127, %dma_wait3A_128] : memref<10000x128xf32, #tpu.memory_space<hbm>> -> memref<10000x128xf32, #tpu.memory_space<hbm>>
    tpu.wait_indirect_dma semaphore(%arg11 : memref<!tpu.dma_semaphore, #tpu.memory_space<semaphore_mem>>) src(%dma_wait3A_129 : memref<10000x128xf32, #tpu.memory_space<hbm>>) dst(%arg8 : memref<128x128xf32, #tpu.memory_space<vmem>>)
    %dma_start3A_130 = arith.constant 38 : i32
    %dma_start3A_131 = arith.constant 0 : i32
    %dma_start3A_132 = tpu.memref_slice %arg7[%dma_start3A_130, %dma_start3A_131] : memref<40x128xi32, #tpu.memory_space<vmem>> -> memref<1x128xi32, #tpu.memory_space<vmem>>
    %dma_start3A_133 = tpu.memref_squeeze %dma_start3A_132 : memref<1x128xi32, #tpu.memory_space<vmem>> -> memref<128xi32, #tpu.memory_space<vmem>>
    %dma_start3A_134 = arith.constant 0 : i32
    %dma_start3A_135 = arith.constant 0 : i32
    %dma_start3A_136 = tpu.memref_slice %arg10[%dma_start3A_134, %dma_start3A_135] : memref<10240x128xf32, #tpu.memory_space<vmem_shared>> -> memref<10240x128xf32, #tpu.memory_space<vmem_shared>>
    tpu.enqueue_indirect_dma source(%arg8 : memref<128x128xf32, #tpu.memory_space<vmem>>) target(%dma_start3A_136 : memref<10240x128xf32, #tpu.memory_space<vmem_shared>>) offsets(%dma_start3A_133 : memref<128xi32, #tpu.memory_space<vmem>>) semaphore(%arg13 : memref<!tpu.dma_semaphore, #tpu.memory_space<semaphore_mem>>) {add = true}
    %dma_wait3A_137 = arith.constant 39 : i32
    %dma_wait3A_138 = arith.constant 0 : i32
    %dma_wait3A_139 = tpu.memref_slice %arg6[%dma_wait3A_137, %dma_wait3A_138] : memref<40x128xi32, #tpu.memory_space<vmem>> -> memref<1x128xi32, #tpu.memory_space<vmem>>
    %dma_wait3A_140 = tpu.memref_squeeze %dma_wait3A_139 : memref<1x128xi32, #tpu.memory_space<vmem>> -> memref<128xi32, #tpu.memory_space<vmem>>
    %dma_wait3A_141 = arith.constant 0 : i32
    %dma_wait3A_142 = arith.constant 0 : i32
    %dma_wait3A_143 = tpu.memref_slice %arg2[%dma_wait3A_141, %dma_wait3A_142] : memref<10000x128xf32, #tpu.memory_space<hbm>> -> memref<10000x128xf32, #tpu.memory_space<hbm>>
    tpu.wait_indirect_dma semaphore(%arg12 : memref<!tpu.dma_semaphore, #tpu.memory_space<semaphore_mem>>) src(%dma_wait3A_143 : memref<10000x128xf32, #tpu.memory_space<hbm>>) dst(%arg9 : memref<128x128xf32, #tpu.memory_space<vmem>>)
    %dma_start3A_144 = arith.constant 39 : i32
    %dma_start3A_145 = arith.constant 0 : i32
    %dma_start3A_146 = tpu.memref_slice %arg7[%dma_start3A_144, %dma_start3A_145] : memref<40x128xi32, #tpu.memory_space<vmem>> -> memref<1x128xi32, #tpu.memory_space<vmem>>
    %dma_start3A_147 = tpu.memref_squeeze %dma_start3A_146 : memref<1x128xi32, #tpu.memory_space<vmem>> -> memref<128xi32, #tpu.memory_space<vmem>>
    %dma_start3A_148 = arith.constant 0 : i32
    %dma_start3A_149 = arith.constant 0 : i32
    %dma_start3A_150 = tpu.memref_slice %arg10[%dma_start3A_148, %dma_start3A_149] : memref<10240x128xf32, #tpu.memory_space<vmem_shared>> -> memref<10240x128xf32, #tpu.memory_space<vmem_shared>>
    tpu.enqueue_indirect_dma source(%arg9 : memref<128x128xf32, #tpu.memory_space<vmem>>) target(%dma_start3A_150 : memref<10240x128xf32, #tpu.memory_space<vmem_shared>>) offsets(%dma_start3A_147 : memref<128xi32, #tpu.memory_space<vmem>>) semaphore(%arg14 : memref<!tpu.dma_semaphore, #tpu.memory_space<semaphore_mem>>) {add = true}
    %dma_wait3A_151 = arith.constant 38 : i32
    %dma_wait3A_152 = arith.constant 0 : i32
    %dma_wait3A_153 = tpu.memref_slice %arg7[%dma_wait3A_151, %dma_wait3A_152] : memref<40x128xi32, #tpu.memory_space<vmem>> -> memref<1x128xi32, #tpu.memory_space<vmem>>
    %dma_wait3A_154 = tpu.memref_squeeze %dma_wait3A_153 : memref<1x128xi32, #tpu.memory_space<vmem>> -> memref<128xi32, #tpu.memory_space<vmem>>
    %dma_wait3A_155 = arith.constant 0 : i32
    %dma_wait3A_156 = arith.constant 0 : i32
    %dma_wait3A_157 = tpu.memref_slice %arg10[%dma_wait3A_155, %dma_wait3A_156] : memref<10240x128xf32, #tpu.memory_space<vmem_shared>> -> memref<10240x128xf32, #tpu.memory_space<vmem_shared>>
    tpu.wait_indirect_dma semaphore(%arg13 : memref<!tpu.dma_semaphore, #tpu.memory_space<semaphore_mem>>) src(%arg8 : memref<128x128xf32, #tpu.memory_space<vmem>>) dst(%dma_wait3A_157 : memref<10240x128xf32, #tpu.memory_space<vmem_shared>>)
    %dma_wait3A_158 = arith.constant 39 : i32
    %dma_wait3A_159 = arith.constant 0 : i32
    %dma_wait3A_160 = tpu.memref_slice %arg7[%dma_wait3A_158, %dma_wait3A_159] : memref<40x128xi32, #tpu.memory_space<vmem>> -> memref<1x128xi32, #tpu.memory_space<vmem>>
    %dma_wait3A_161 = tpu.memref_squeeze %dma_wait3A_160 : memref<1x128xi32, #tpu.memory_space<vmem>> -> memref<128xi32, #tpu.memory_space<vmem>>
    %dma_wait3A_162 = arith.constant 0 : i32
    %dma_wait3A_163 = arith.constant 0 : i32
    %dma_wait3A_164 = tpu.memref_slice %arg10[%dma_wait3A_162, %dma_wait3A_163] : memref<10240x128xf32, #tpu.memory_space<vmem_shared>> -> memref<10240x128xf32, #tpu.memory_space<vmem_shared>>
    tpu.wait_indirect_dma semaphore(%arg14 : memref<!tpu.dma_semaphore, #tpu.memory_space<semaphore_mem>>) src(%arg9 : memref<128x128xf32, #tpu.memory_space<vmem>>) dst(%dma_wait3A_164 : memref<10240x128xf32, #tpu.memory_space<vmem_shared>>)
    %barrier3A_165 = arith.constant 0 : index
    tpu.barrier barrier_id(%barrier3A_165)
    %mul3A_166 = arith.constant 640 : i32
    %mul3A_167 = arith.muli %arg1, %mul3A_166 : i32
    %multiple_of3A_168 = tpu.assume_multiple %mul3A_167, 64 : i32
    "tpu.region"() ({
      %run_scoped3A = tpu.sem_alloc : memref<!tpu.dma_semaphore, #tpu.memory_space<semaphore_mem>>
      %dma_start3A_169 = arith.constant 0 : i32
      %dma_start3A_170 = tpu.memref_slice %arg5[%arg0, %multiple_of3A_168, %dma_start3A_169] : memref<2x10240x128xf32, #tpu.memory_space<hbm>> -> memref<1x640x128xf32, #tpu.memory_space<hbm>>
      %dma_start3A_171 = tpu.memref_squeeze %dma_start3A_170 : memref<1x640x128xf32, #tpu.memory_space<hbm>> -> memref<640x128xf32, #tpu.memory_space<hbm>>
      %dma_start3A_172 = arith.constant 0 : i32
      %dma_start3A_173 = tpu.memref_slice %arg10[%multiple_of3A_168, %dma_start3A_172] : memref<10240x128xf32, #tpu.memory_space<vmem_shared>> -> memref<640x128xf32, #tpu.memory_space<vmem_shared>>
      tpu.enqueue_dma source(%dma_start3A_173 : memref<640x128xf32, #tpu.memory_space<vmem_shared>>) target(%dma_start3A_171 : memref<640x128xf32, #tpu.memory_space<hbm>>) target_semaphore(%run_scoped3A : memref<!tpu.dma_semaphore, #tpu.memory_space<semaphore_mem>>)
      %dma_wait3A_174 = arith.constant 0 : i32
      %dma_wait3A_175 = tpu.memref_slice %arg5[%arg0, %multiple_of3A_168, %dma_wait3A_174] : memref<2x10240x128xf32, #tpu.memory_space<hbm>> -> memref<1x640x128xf32, #tpu.memory_space<hbm>>
      %dma_wait3A_176 = tpu.memref_squeeze %dma_wait3A_175 : memref<1x640x128xf32, #tpu.memory_space<hbm>> -> memref<640x128xf32, #tpu.memory_space<hbm>>
      %dma_wait3A_177 = arith.constant 0 : i32
      %dma_wait3A_178 = tpu.memref_slice %arg10[%multiple_of3A_168, %dma_wait3A_177] : memref<10240x128xf32, #tpu.memory_space<vmem_shared>> -> memref<640x128xf32, #tpu.memory_space<vmem_shared>>
      tpu.wait_dma2 semaphore(%run_scoped3A : memref<!tpu.dma_semaphore, #tpu.memory_space<semaphore_mem>>) src(%dma_wait3A_178 : memref<640x128xf32, #tpu.memory_space<vmem_shared>>) dst(%dma_wait3A_176 : memref<640x128xf32, #tpu.memory_space<hbm>>)
      tpu.yield
    }) : () -> ()
    return
  }
}

#map = affine_map<(d0, d1) -> (0, 0)>
#map1 = affine_map<(d0, d1) -> (0, 0, 0)>
module attributes {stable_mosaic.version = 14 : i64} {
  func.func @_sc_agg(%arg0: i32, %arg1: i32, %arg2: memref<10000x128xf32, #tpu.memory_space<hbm>>, %arg3: memref<2560x128xi32, #tpu.memory_space<hbm>>, %arg4: memref<2560x128xi32, #tpu.memory_space<hbm>>, %arg5: memref<2x10240x128xf32, #tpu.memory_space<hbm>>, %arg6: memref<40x128xi32, #tpu.memory_space<vmem>>, %arg7: memref<40x128xi32, #tpu.memory_space<vmem>>, %arg8: memref<128x128xf32, #tpu.memory_space<vmem>>, %arg9: memref<128x128xf32, #tpu.memory_space<vmem>>, %arg10: memref<10240x128xf32, #tpu.memory_space<vmem_shared>>, %arg11: memref<!tpu.dma_semaphore, #tpu.memory_space<semaphore_mem>>, %arg12: memref<!tpu.dma_semaphore, #tpu.memory_space<semaphore_mem>>, %arg13: memref<!tpu.dma_semaphore, #tpu.memory_space<semaphore_mem>>, %arg14: memref<!tpu.dma_semaphore, #tpu.memory_space<semaphore_mem>>) attributes {dimension_semantics = [#tpu.dimension_semantics<core_parallel>, #tpu.dimension_semantics<subcore_parallel>], iteration_bounds = array<i64: 2, 16>, scalar_prefetch = 0 : i64, scratch_operands = 9 : i64, tpu.core_type = #tpu.core_type<sc_vector_subcore>, window_params = [{transform_indices = #map}, {transform_indices = #map}, {transform_indices = #map}, {transform_indices = #map1}]} {
    %mul3A = arith.constant 16 : i32
    %mul3A_0 = arith.muli %arg0, %mul3A : i32
    %add3A = arith.addi %mul3A_0, %arg1 : i32
    %scan3A = arith.constant 0 : i32
    %scan3A_1 = arith.constant 0 : i32
    %scan3A_2 = arith.constant 128 : i32
    %scan3A_3 = arith.addi %scan3A_1, %scan3A_2 : i32
    %scan3A_4 = arith.constant 1 : i32
    %scan3A_5 = scf.for %scan3A_169 = %scan3A_1 to %scan3A_3 step %scan3A_4 iter_args(%scan3A_170 = %scan3A) -> (i32)  : i32 {
      %broadcast_in_dim3A = arith.constant 0.000000e+00 : f32
      %broadcast_in_dim3A_171 = vector.broadcast %broadcast_in_dim3A : f32 to vector<16xf32>
      %swap3A = arith.index_cast %scan3A_169 : i32 to index
      %swap3A_172 = arith.constant 0 : index
      %swap3A_173 = tpu.vector_load %arg8[%swap3A, %swap3A_172] {strides = array<i32>} : memref<128x128xf32, #tpu.memory_space<vmem>>, vector<1x16xf32>,
      %swap3A_174 = vector.shape_cast %swap3A_173 : vector<1x16xf32> to vector<16xf32>
      %swap3A_175 = vector.shape_cast %broadcast_in_dim3A_171 : vector<16xf32> to vector<1x16xf32>
      tpu.vector_store %arg8[%swap3A, %swap3A_172], %swap3A_175 {strides = array<i32>} : memref<128x128xf32, #tpu.memory_space<vmem>>, vector<1x16xf32>,
      %broadcast_in_dim3A_176 = arith.constant 0.000000e+00 : f32
      %broadcast_in_dim3A_177 = vector.broadcast %broadcast_in_dim3A_176 : f32 to vector<16xf32>
      %swap3A_178 = arith.index_cast %scan3A_169 : i32 to index
      %swap3A_179 = arith.constant 16 : index
      %swap3A_180 = tpu.vector_load %arg8[%swap3A_178, %swap3A_179] {strides = array<i32>} : memref<128x128xf32, #tpu.memory_space<vmem>>, vector<1x16xf32>,
      %swap3A_181 = vector.shape_cast %swap3A_180 : vector<1x16xf32> to vector<16xf32>
      %swap3A_182 = vector.shape_cast %broadcast_in_dim3A_177 : vector<16xf32> to vector<1x16xf32>
      tpu.vector_store %arg8[%swap3A_178, %swap3A_179], %swap3A_182 {strides = array<i32>} : memref<128x128xf32, #tpu.memory_space<vmem>>, vector<1x16xf32>,
      %broadcast_in_dim3A_183 = arith.constant 0.000000e+00 : f32
      %broadcast_in_dim3A_184 = vector.broadcast %broadcast_in_dim3A_183 : f32 to vector<16xf32>
      %swap3A_185 = arith.index_cast %scan3A_169 : i32 to index
      %swap3A_186 = arith.constant 32 : index
      %swap3A_187 = tpu.vector_load %arg8[%swap3A_185, %swap3A_186] {strides = array<i32>} : memref<128x128xf32, #tpu.memory_space<vmem>>, vector<1x16xf32>,
      %swap3A_188 = vector.shape_cast %swap3A_187 : vector<1x16xf32> to vector<16xf32>
      %swap3A_189 = vector.shape_cast %broadcast_in_dim3A_184 : vector<16xf32> to vector<1x16xf32>
      tpu.vector_store %arg8[%swap3A_185, %swap3A_186], %swap3A_189 {strides = array<i32>} : memref<128x128xf32, #tpu.memory_space<vmem>>, vector<1x16xf32>,
      %broadcast_in_dim3A_190 = arith.constant 0.000000e+00 : f32
      %broadcast_in_dim3A_191 = vector.broadcast %broadcast_in_dim3A_190 : f32 to vector<16xf32>
      %swap3A_192 = arith.index_cast %scan3A_169 : i32 to index
      %swap3A_193 = arith.constant 48 : index
      %swap3A_194 = tpu.vector_load %arg8[%swap3A_192, %swap3A_193] {strides = array<i32>} : memref<128x128xf32, #tpu.memory_space<vmem>>, vector<1x16xf32>,
      %swap3A_195 = vector.shape_cast %swap3A_194 : vector<1x16xf32> to vector<16xf32>
      %swap3A_196 = vector.shape_cast %broadcast_in_dim3A_191 : vector<16xf32> to vector<1x16xf32>
      tpu.vector_store %arg8[%swap3A_192, %swap3A_193], %swap3A_196 {strides = array<i32>} : memref<128x128xf32, #tpu.memory_space<vmem>>, vector<1x16xf32>,
      %broadcast_in_dim3A_197 = arith.constant 0.000000e+00 : f32
      %broadcast_in_dim3A_198 = vector.broadcast %broadcast_in_dim3A_197 : f32 to vector<16xf32>
      %swap3A_199 = arith.index_cast %scan3A_169 : i32 to index
      %swap3A_200 = arith.constant 64 : index
      %swap3A_201 = tpu.vector_load %arg8[%swap3A_199, %swap3A_200] {strides = array<i32>} : memref<128x128xf32, #tpu.memory_space<vmem>>, vector<1x16xf32>,
      %swap3A_202 = vector.shape_cast %swap3A_201 : vector<1x16xf32> to vector<16xf32>
      %swap3A_203 = vector.shape_cast %broadcast_in_dim3A_198 : vector<16xf32> to vector<1x16xf32>
      tpu.vector_store %arg8[%swap3A_199, %swap3A_200], %swap3A_203 {strides = array<i32>} : memref<128x128xf32, #tpu.memory_space<vmem>>, vector<1x16xf32>,
      %broadcast_in_dim3A_204 = arith.constant 0.000000e+00 : f32
      %broadcast_in_dim3A_205 = vector.broadcast %broadcast_in_dim3A_204 : f32 to vector<16xf32>
      %swap3A_206 = arith.index_cast %scan3A_169 : i32 to index
      %swap3A_207 = arith.constant 80 : index
      %swap3A_208 = tpu.vector_load %arg8[%swap3A_206, %swap3A_207] {strides = array<i32>} : memref<128x128xf32, #tpu.memory_space<vmem>>, vector<1x16xf32>,
      %swap3A_209 = vector.shape_cast %swap3A_208 : vector<1x16xf32> to vector<16xf32>
      %swap3A_210 = vector.shape_cast %broadcast_in_dim3A_205 : vector<16xf32> to vector<1x16xf32>
      tpu.vector_store %arg8[%swap3A_206, %swap3A_207], %swap3A_210 {strides = array<i32>} : memref<128x128xf32, #tpu.memory_space<vmem>>, vector<1x16xf32>,
      %broadcast_in_dim3A_211 = arith.constant 0.000000e+00 : f32
      %broadcast_in_dim3A_212 = vector.broadcast %broadcast_in_dim3A_211 : f32 to vector<16xf32>
      %swap3A_213 = arith.index_cast %scan3A_169 : i32 to index
      %swap3A_214 = arith.constant 96 : index
      %swap3A_215 = tpu.vector_load %arg8[%swap3A_213, %swap3A_214] {strides = array<i32>} : memref<128x128xf32, #tpu.memory_space<vmem>>, vector<1x16xf32>,
      %swap3A_216 = vector.shape_cast %swap3A_215 : vector<1x16xf32> to vector<16xf32>
      %swap3A_217 = vector.shape_cast %broadcast_in_dim3A_212 : vector<16xf32> to vector<1x16xf32>
      tpu.vector_store %arg8[%swap3A_213, %swap3A_214], %swap3A_217 {strides = array<i32>} : memref<128x128xf32, #tpu.memory_space<vmem>>, vector<1x16xf32>,
      %broadcast_in_dim3A_218 = arith.constant 0.000000e+00 : f32
      %broadcast_in_dim3A_219 = vector.broadcast %broadcast_in_dim3A_218 : f32 to vector<16xf32>
      %swap3A_220 = arith.index_cast %scan3A_169 : i32 to index
      %swap3A_221 = arith.constant 112 : index
      %swap3A_222 = tpu.vector_load %arg8[%swap3A_220, %swap3A_221] {strides = array<i32>} : memref<128x128xf32, #tpu.memory_space<vmem>>, vector<1x16xf32>,
      %swap3A_223 = vector.shape_cast %swap3A_222 : vector<1x16xf32> to vector<16xf32>
      %swap3A_224 = vector.shape_cast %broadcast_in_dim3A_219 : vector<16xf32> to vector<1x16xf32>
      tpu.vector_store %arg8[%swap3A_220, %swap3A_221], %swap3A_224 {strides = array<i32>} : memref<128x128xf32, #tpu.memory_space<vmem>>, vector<1x16xf32>,
      %scan3A_225 = arith.constant 0 : i32
      scf.yield %scan3A_225 : i32
    }
    %scan3A_6 = arith.constant 128 : i32
    %mul3A_7 = arith.constant 640 : i32
    %mul3A_8 = arith.muli %arg1, %mul3A_7 : i32
    %add3A_9 = arith.constant 0 : i32
    %add3A_10 = arith.addi %mul3A_8, %add3A_9 : i32
    %multiple_of3A = tpu.assume_multiple %add3A_10, 64 : i32
    "tpu.region"() ({
      %run_scoped3A = tpu.sem_alloc : memref<!tpu.dma_semaphore, #tpu.memory_space<semaphore_mem>>
      %dma_start3A_169 = arith.constant 0 : i32
      %dma_start3A_170 = tpu.memref_slice %arg10[%multiple_of3A, %dma_start3A_169] : memref<10240x128xf32, #tpu.memory_space<vmem_shared>> -> memref<128x128xf32, #tpu.memory_space<vmem_shared>>
      %dma_start3A_171 = arith.constant 0 : i32
      %dma_start3A_172 = tpu.memref_slice %arg10[%multiple_of3A, %dma_start3A_171] : memref<10240x128xf32, #tpu.memory_space<vmem_shared>> -> memref<128x128xf32, #tpu.memory_space<vmem_shared>>
      tpu.enqueue_dma source(%arg8 : memref<128x128xf32, #tpu.memory_space<vmem>>) target(%dma_start3A_172 : memref<128x128xf32, #tpu.memory_space<vmem_shared>>) target_semaphore(%run_scoped3A : memref<!tpu.dma_semaphore, #tpu.memory_space<semaphore_mem>>)
      %dma_wait3A_173 = arith.constant 0 : i32
      %dma_wait3A_174 = tpu.memref_slice %arg10[%multiple_of3A, %dma_wait3A_173] : memref<10240x128xf32, #tpu.memory_space<vmem_shared>> -> memref<128x128xf32, #tpu.memory_space<vmem_shared>>
      %dma_wait3A_175 = arith.constant 0 : i32
      %dma_wait3A_176 = tpu.memref_slice %arg10[%multiple_of3A, %dma_wait3A_175] : memref<10240x128xf32, #tpu.memory_space<vmem_shared>> -> memref<128x128xf32, #tpu.memory_space<vmem_shared>>
      tpu.wait_dma2 semaphore(%run_scoped3A : memref<!tpu.dma_semaphore, #tpu.memory_space<semaphore_mem>>) src(%arg8 : memref<128x128xf32, #tpu.memory_space<vmem>>) dst(%dma_wait3A_176 : memref<128x128xf32, #tpu.memory_space<vmem_shared>>)
      tpu.yield
    }) : () -> ()
    %mul3A_11 = arith.constant 640 : i32
    %mul3A_12 = arith.muli %arg1, %mul3A_11 : i32
    %add3A_13 = arith.constant 128 : i32
    %add3A_14 = arith.addi %mul3A_12, %add3A_13 : i32
    %multiple_of3A_15 = tpu.assume_multiple %add3A_14, 64 : i32
    "tpu.region"() ({
      %run_scoped3A = tpu.sem_alloc : memref<!tpu.dma_semaphore, #tpu.memory_space<semaphore_mem>>
      %dma_start3A_169 = arith.constant 0 : i32
      %dma_start3A_170 = tpu.memref_slice %arg10[%multiple_of3A_15, %dma_start3A_169] : memref<10240x128xf32, #tpu.memory_space<vmem_shared>> -> memref<128x128xf32, #tpu.memory_space<vmem_shared>>
      %dma_start3A_171 = arith.constant 0 : i32
      %dma_start3A_172 = tpu.memref_slice %arg10[%multiple_of3A_15, %dma_start3A_171] : memref<10240x128xf32, #tpu.memory_space<vmem_shared>> -> memref<128x128xf32, #tpu.memory_space<vmem_shared>>
      tpu.enqueue_dma source(%arg8 : memref<128x128xf32, #tpu.memory_space<vmem>>) target(%dma_start3A_172 : memref<128x128xf32, #tpu.memory_space<vmem_shared>>) target_semaphore(%run_scoped3A : memref<!tpu.dma_semaphore, #tpu.memory_space<semaphore_mem>>)
      %dma_wait3A_173 = arith.constant 0 : i32
      %dma_wait3A_174 = tpu.memref_slice %arg10[%multiple_of3A_15, %dma_wait3A_173] : memref<10240x128xf32, #tpu.memory_space<vmem_shared>> -> memref<128x128xf32, #tpu.memory_space<vmem_shared>>
      %dma_wait3A_175 = arith.constant 0 : i32
      %dma_wait3A_176 = tpu.memref_slice %arg10[%multiple_of3A_15, %dma_wait3A_175] : memref<10240x128xf32, #tpu.memory_space<vmem_shared>> -> memref<128x128xf32, #tpu.memory_space<vmem_shared>>
      tpu.wait_dma2 semaphore(%run_scoped3A : memref<!tpu.dma_semaphore, #tpu.memory_space<semaphore_mem>>) src(%arg8 : memref<128x128xf32, #tpu.memory_space<vmem>>) dst(%dma_wait3A_176 : memref<128x128xf32, #tpu.memory_space<vmem_shared>>)
      tpu.yield
    }) : () -> ()
    %mul3A_16 = arith.constant 640 : i32
    %mul3A_17 = arith.muli %arg1, %mul3A_16 : i32
    %add3A_18 = arith.constant 256 : i32
    %add3A_19 = arith.addi %mul3A_17, %add3A_18 : i32
    %multiple_of3A_20 = tpu.assume_multiple %add3A_19, 64 : i32
    "tpu.region"() ({
      %run_scoped3A = tpu.sem_alloc : memref<!tpu.dma_semaphore, #tpu.memory_space<semaphore_mem>>
      %dma_start3A_169 = arith.constant 0 : i32
      %dma_start3A_170 = tpu.memref_slice %arg10[%multiple_of3A_20, %dma_start3A_169] : memref<10240x128xf32, #tpu.memory_space<vmem_shared>> -> memref<128x128xf32, #tpu.memory_space<vmem_shared>>
      %dma_start3A_171 = arith.constant 0 : i32
      %dma_start3A_172 = tpu.memref_slice %arg10[%multiple_of3A_20, %dma_start3A_171] : memref<10240x128xf32, #tpu.memory_space<vmem_shared>> -> memref<128x128xf32, #tpu.memory_space<vmem_shared>>
      tpu.enqueue_dma source(%arg8 : memref<128x128xf32, #tpu.memory_space<vmem>>) target(%dma_start3A_172 : memref<128x128xf32, #tpu.memory_space<vmem_shared>>) target_semaphore(%run_scoped3A : memref<!tpu.dma_semaphore, #tpu.memory_space<semaphore_mem>>)
      %dma_wait3A_173 = arith.constant 0 : i32
      %dma_wait3A_174 = tpu.memref_slice %arg10[%multiple_of3A_20, %dma_wait3A_173] : memref<10240x128xf32, #tpu.memory_space<vmem_shared>> -> memref<128x128xf32, #tpu.memory_space<vmem_shared>>
      %dma_wait3A_175 = arith.constant 0 : i32
      %dma_wait3A_176 = tpu.memref_slice %arg10[%multiple_of3A_20, %dma_wait3A_175] : memref<10240x128xf32, #tpu.memory_space<vmem_shared>> -> memref<128x128xf32, #tpu.memory_space<vmem_shared>>
      tpu.wait_dma2 semaphore(%run_scoped3A : memref<!tpu.dma_semaphore, #tpu.memory_space<semaphore_mem>>) src(%arg8 : memref<128x128xf32, #tpu.memory_space<vmem>>) dst(%dma_wait3A_176 : memref<128x128xf32, #tpu.memory_space<vmem_shared>>)
      tpu.yield
    }) : () -> ()
    %mul3A_21 = arith.constant 640 : i32
    %mul3A_22 = arith.muli %arg1, %mul3A_21 : i32
    %add3A_23 = arith.constant 384 : i32
    %add3A_24 = arith.addi %mul3A_22, %add3A_23 : i32
    %multiple_of3A_25 = tpu.assume_multiple %add3A_24, 64 : i32
    "tpu.region"() ({
      %run_scoped3A = tpu.sem_alloc : memref<!tpu.dma_semaphore, #tpu.memory_space<semaphore_mem>>
      %dma_start3A_169 = arith.constant 0 : i32
      %dma_start3A_170 = tpu.memref_slice %arg10[%multiple_of3A_25, %dma_start3A_169] : memref<10240x128xf32, #tpu.memory_space<vmem_shared>> -> memref<128x128xf32, #tpu.memory_space<vmem_shared>>
      %dma_start3A_171 = arith.constant 0 : i32
      %dma_start3A_172 = tpu.memref_slice %arg10[%multiple_of3A_25, %dma_start3A_171] : memref<10240x128xf32, #tpu.memory_space<vmem_shared>> -> memref<128x128xf32, #tpu.memory_space<vmem_shared>>
      tpu.enqueue_dma source(%arg8 : memref<128x128xf32, #tpu.memory_space<vmem>>) target(%dma_start3A_172 : memref<128x128xf32, #tpu.memory_space<vmem_shared>>) target_semaphore(%run_scoped3A : memref<!tpu.dma_semaphore, #tpu.memory_space<semaphore_mem>>)
      %dma_wait3A_173 = arith.constant 0 : i32
      %dma_wait3A_174 = tpu.memref_slice %arg10[%multiple_of3A_25, %dma_wait3A_173] : memref<10240x128xf32, #tpu.memory_space<vmem_shared>> -> memref<128x128xf32, #tpu.memory_space<vmem_shared>>
      %dma_wait3A_175 = arith.constant 0 : i32
      %dma_wait3A_176 = tpu.memref_slice %arg10[%multiple_of3A_25, %dma_wait3A_175] : memref<10240x128xf32, #tpu.memory_space<vmem_shared>> -> memref<128x128xf32, #tpu.memory_space<vmem_shared>>
      tpu.wait_dma2 semaphore(%run_scoped3A : memref<!tpu.dma_semaphore, #tpu.memory_space<semaphore_mem>>) src(%arg8 : memref<128x128xf32, #tpu.memory_space<vmem>>) dst(%dma_wait3A_176 : memref<128x128xf32, #tpu.memory_space<vmem_shared>>)
      tpu.yield
    }) : () -> ()
    %mul3A_26 = arith.constant 640 : i32
    %mul3A_27 = arith.muli %arg1, %mul3A_26 : i32
    %add3A_28 = arith.constant 512 : i32
    %add3A_29 = arith.addi %mul3A_27, %add3A_28 : i32
    %multiple_of3A_30 = tpu.assume_multiple %add3A_29, 64 : i32
    "tpu.region"() ({
      %run_scoped3A = tpu.sem_alloc : memref<!tpu.dma_semaphore, #tpu.memory_space<semaphore_mem>>
      %dma_start3A_169 = arith.constant 0 : i32
      %dma_start3A_170 = tpu.memref_slice %arg10[%multiple_of3A_30, %dma_start3A_169] : memref<10240x128xf32, #tpu.memory_space<vmem_shared>> -> memref<128x128xf32, #tpu.memory_space<vmem_shared>>
      %dma_start3A_171 = arith.constant 0 : i32
      %dma_start3A_172 = tpu.memref_slice %arg10[%multiple_of3A_30, %dma_start3A_171] : memref<10240x128xf32, #tpu.memory_space<vmem_shared>> -> memref<128x128xf32, #tpu.memory_space<vmem_shared>>
      tpu.enqueue_dma source(%arg8 : memref<128x128xf32, #tpu.memory_space<vmem>>) target(%dma_start3A_172 : memref<128x128xf32, #tpu.memory_space<vmem_shared>>) target_semaphore(%run_scoped3A : memref<!tpu.dma_semaphore, #tpu.memory_space<semaphore_mem>>)
      %dma_wait3A_173 = arith.constant 0 : i32
      %dma_wait3A_174 = tpu.memref_slice %arg10[%multiple_of3A_30, %dma_wait3A_173] : memref<10240x128xf32, #tpu.memory_space<vmem_shared>> -> memref<128x128xf32, #tpu.memory_space<vmem_shared>>
      %dma_wait3A_175 = arith.constant 0 : i32
      %dma_wait3A_176 = tpu.memref_slice %arg10[%multiple_of3A_30, %dma_wait3A_175] : memref<10240x128xf32, #tpu.memory_space<vmem_shared>> -> memref<128x128xf32, #tpu.memory_space<vmem_shared>>
      tpu.wait_dma2 semaphore(%run_scoped3A : memref<!tpu.dma_semaphore, #tpu.memory_space<semaphore_mem>>) src(%arg8 : memref<128x128xf32, #tpu.memory_space<vmem>>) dst(%dma_wait3A_176 : memref<128x128xf32, #tpu.memory_space<vmem_shared>>)
      tpu.yield
    }) : () -> ()
    %barrier3A = arith.constant 0 : index
    tpu.barrier barrier_id(%barrier3A)
    %mul3A_31 = arith.constant 80 : i32
    %mul3A_32 = arith.muli %add3A, %mul3A_31 : i32
    %add3A_33 = arith.constant 0 : i32
    %add3A_34 = arith.addi %mul3A_32, %add3A_33 : i32
    %multiple_of3A_35 = tpu.assume_multiple %add3A_34, 8 : i32
    "tpu.region"() ({
      %run_scoped3A = tpu.sem_alloc : memref<!tpu.dma_semaphore, #tpu.memory_space<semaphore_mem>>
      %dma_start3A_169 = arith.constant 0 : i32
      %dma_start3A_170 = tpu.memref_slice %arg3[%multiple_of3A_35, %dma_start3A_169] : memref<2560x128xi32, #tpu.memory_space<hbm>> -> memref<40x128xi32, #tpu.memory_space<hbm>>
      %dma_start3A_171 = arith.constant 0 : i32
      %dma_start3A_172 = tpu.memref_slice %arg3[%multiple_of3A_35, %dma_start3A_171] : memref<2560x128xi32, #tpu.memory_space<hbm>> -> memref<40x128xi32, #tpu.memory_space<hbm>>
      tpu.enqueue_dma source(%dma_start3A_172 : memref<40x128xi32, #tpu.memory_space<hbm>>) target(%arg6 : memref<40x128xi32, #tpu.memory_space<vmem>>) target_semaphore(%run_scoped3A : memref<!tpu.dma_semaphore, #tpu.memory_space<semaphore_mem>>)
      %dma_wait3A_173 = arith.constant 0 : i32
      %dma_wait3A_174 = tpu.memref_slice %arg3[%multiple_of3A_35, %dma_wait3A_173] : memref<2560x128xi32, #tpu.memory_space<hbm>> -> memref<40x128xi32, #tpu.memory_space<hbm>>
      %dma_wait3A_175 = arith.constant 0 : i32
      %dma_wait3A_176 = tpu.memref_slice %arg3[%multiple_of3A_35, %dma_wait3A_175] : memref<2560x128xi32, #tpu.memory_space<hbm>> -> memref<40x128xi32, #tpu.memory_space<hbm>>
      tpu.wait_dma2 semaphore(%run_scoped3A : memref<!tpu.dma_semaphore, #tpu.memory_space<semaphore_mem>>) src(%dma_wait3A_176 : memref<40x128xi32, #tpu.memory_space<hbm>>) dst(%arg6 : memref<40x128xi32, #tpu.memory_space<vmem>>)
      tpu.yield
    }) : () -> ()
    "tpu.region"() ({
      %run_scoped3A = tpu.sem_alloc : memref<!tpu.dma_semaphore, #tpu.memory_space<semaphore_mem>>
      %dma_start3A_169 = arith.constant 0 : i32
      %dma_start3A_170 = tpu.memref_slice %arg4[%multiple_of3A_35, %dma_start3A_169] : memref<2560x128xi32, #tpu.memory_space<hbm>> -> memref<40x128xi32, #tpu.memory_space<hbm>>
      %dma_start3A_171 = arith.constant 0 : i32
      %dma_start3A_172 = tpu.memref_slice %arg4[%multiple_of3A_35, %dma_start3A_171] : memref<2560x128xi32, #tpu.memory_space<hbm>> -> memref<40x128xi32, #tpu.memory_space<hbm>>
      tpu.enqueue_dma source(%dma_start3A_172 : memref<40x128xi32, #tpu.memory_space<hbm>>) target(%arg7 : memref<40x128xi32, #tpu.memory_space<vmem>>) target_semaphore(%run_scoped3A : memref<!tpu.dma_semaphore, #tpu.memory_space<semaphore_mem>>)
      %dma_wait3A_173 = arith.constant 0 : i32
      %dma_wait3A_174 = tpu.memref_slice %arg4[%multiple_of3A_35, %dma_wait3A_173] : memref<2560x128xi32, #tpu.memory_space<hbm>> -> memref<40x128xi32, #tpu.memory_space<hbm>>
      %dma_wait3A_175 = arith.constant 0 : i32
      %dma_wait3A_176 = tpu.memref_slice %arg4[%multiple_of3A_35, %dma_wait3A_175] : memref<2560x128xi32, #tpu.memory_space<hbm>> -> memref<40x128xi32, #tpu.memory_space<hbm>>
      tpu.wait_dma2 semaphore(%run_scoped3A : memref<!tpu.dma_semaphore, #tpu.memory_space<semaphore_mem>>) src(%dma_wait3A_176 : memref<40x128xi32, #tpu.memory_space<hbm>>) dst(%arg7 : memref<40x128xi32, #tpu.memory_space<vmem>>)
      tpu.yield
    }) : () -> ()
    %dma_start3A = arith.constant 0 : i32
    %dma_start3A_36 = arith.constant 0 : i32
    %dma_start3A_37 = tpu.memref_slice %arg6[%dma_start3A, %dma_start3A_36] : memref<40x128xi32, #tpu.memory_space<vmem>> -> memref<1x128xi32, #tpu.memory_space<vmem>>
    %dma_start3A_38 = tpu.memref_squeeze %dma_start3A_37 : memref<1x128xi32, #tpu.memory_space<vmem>> -> memref<128xi32, #tpu.memory_space<vmem>>
    %dma_start3A_39 = arith.constant 0 : i32
    %dma_start3A_40 = arith.constant 0 : i32
    %dma_start3A_41 = tpu.memref_slice %arg2[%dma_start3A_39, %dma_start3A_40] : memref<10000x128xf32, #tpu.memory_space<hbm>> -> memref<10000x128xf32, #tpu.memory_space<hbm>>
    tpu.enqueue_indirect_dma source(%dma_start3A_41 : memref<10000x128xf32, #tpu.memory_space<hbm>>) target(%arg8 : memref<128x128xf32, #tpu.memory_space<vmem>>) offsets(%dma_start3A_38 : memref<128xi32, #tpu.memory_space<vmem>>) semaphore(%arg11 : memref<!tpu.dma_semaphore, #tpu.memory_space<semaphore_mem>>)
    %dma_start3A_42 = arith.constant 1 : i32
    %dma_start3A_43 = arith.constant 0 : i32
    %dma_start3A_44 = tpu.memref_slice %arg6[%dma_start3A_42, %dma_start3A_43] : memref<40x128xi32, #tpu.memory_space<vmem>> -> memref<1x128xi32, #tpu.memory_space<vmem>>
    %dma_start3A_45 = tpu.memref_squeeze %dma_start3A_44 : memref<1x128xi32, #tpu.memory_space<vmem>> -> memref<128xi32, #tpu.memory_space<vmem>>
    %dma_start3A_46 = arith.constant 0 : i32
    %dma_start3A_47 = arith.constant 0 : i32
    %dma_start3A_48 = tpu.memref_slice %arg2[%dma_start3A_46, %dma_start3A_47] : memref<10000x128xf32, #tpu.memory_space<hbm>> -> memref<10000x128xf32, #tpu.memory_space<hbm>>
    tpu.enqueue_indirect_dma source(%dma_start3A_48 : memref<10000x128xf32, #tpu.memory_space<hbm>>) target(%arg9 : memref<128x128xf32, #tpu.memory_space<vmem>>) offsets(%dma_start3A_45 : memref<128xi32, #tpu.memory_space<vmem>>) semaphore(%arg12 : memref<!tpu.dma_semaphore, #tpu.memory_space<semaphore_mem>>)
    %scan3A_49 = arith.constant 0 : i32
    %scan3A_50 = arith.constant 0 : i32
    %scan3A_51 = arith.constant 19 : i32
    %scan3A_52 = arith.addi %scan3A_50, %scan3A_51 : i32
    %scan3A_53 = arith.constant 1 : i32
    %scan3A_54 = scf.for %scan3A_169 = %scan3A_50 to %scan3A_52 step %scan3A_53 iter_args(%scan3A_170 = %scan3A_49) -> (i32)  : i32 {
      %mul3A_171 = arith.constant 2 : i32
      %mul3A_172 = arith.muli %mul3A_171, %scan3A_169 : i32
      %dma_wait3A_173 = arith.constant 0 : i32
      %dma_wait3A_174 = tpu.memref_slice %arg6[%mul3A_172, %dma_wait3A_173] : memref<40x128xi32, #tpu.memory_space<vmem>> -> memref<1x128xi32, #tpu.memory_space<vmem>>
      %dma_wait3A_175 = tpu.memref_squeeze %dma_wait3A_174 : memref<1x128xi32, #tpu.memory_space<vmem>> -> memref<128xi32, #tpu.memory_space<vmem>>
      %dma_wait3A_176 = arith.constant 0 : i32
      %dma_wait3A_177 = arith.constant 0 : i32
      %dma_wait3A_178 = tpu.memref_slice %arg2[%dma_wait3A_176, %dma_wait3A_177] : memref<10000x128xf32, #tpu.memory_space<hbm>> -> memref<10000x128xf32, #tpu.memory_space<hbm>>
      tpu.wait_indirect_dma semaphore(%arg11 : memref<!tpu.dma_semaphore, #tpu.memory_space<semaphore_mem>>) src(%dma_wait3A_178 : memref<10000x128xf32, #tpu.memory_space<hbm>>) dst(%arg8 : memref<128x128xf32, #tpu.memory_space<vmem>>)
      %dma_start3A_179 = arith.constant 0 : i32
      %dma_start3A_180 = tpu.memref_slice %arg7[%mul3A_172, %dma_start3A_179] : memref<40x128xi32, #tpu.memory_space<vmem>> -> memref<1x128xi32, #tpu.memory_space<vmem>>
      %dma_start3A_181 = tpu.memref_squeeze %dma_start3A_180 : memref<1x128xi32, #tpu.memory_space<vmem>> -> memref<128xi32, #tpu.memory_space<vmem>>
      %dma_start3A_182 = arith.constant 0 : i32
      %dma_start3A_183 = arith.constant 0 : i32
      %dma_start3A_184 = tpu.memref_slice %arg10[%dma_start3A_182, %dma_start3A_183] : memref<10240x128xf32, #tpu.memory_space<vmem_shared>> -> memref<10240x128xf32, #tpu.memory_space<vmem_shared>>
      tpu.enqueue_indirect_dma source(%arg8 : memref<128x128xf32, #tpu.memory_space<vmem>>) target(%dma_start3A_184 : memref<10240x128xf32, #tpu.memory_space<vmem_shared>>) offsets(%dma_start3A_181 : memref<128xi32, #tpu.memory_space<vmem>>) semaphore(%arg13 : memref<!tpu.dma_semaphore, #tpu.memory_space<semaphore_mem>>) {add = true}
      %add3A_185 = arith.constant 1 : i32
      %add3A_186 = arith.addi %mul3A_172, %add3A_185 : i32
      %dma_wait3A_187 = arith.constant 0 : i32
      %dma_wait3A_188 = tpu.memref_slice %arg6[%add3A_186, %dma_wait3A_187] : memref<40x128xi32, #tpu.memory_space<vmem>> -> memref<1x128xi32, #tpu.memory_space<vmem>>
      %dma_wait3A_189 = tpu.memref_squeeze %dma_wait3A_188 : memref<1x128xi32, #tpu.memory_space<vmem>> -> memref<128xi32, #tpu.memory_space<vmem>>
      %dma_wait3A_190 = arith.constant 0 : i32
      %dma_wait3A_191 = arith.constant 0 : i32
      %dma_wait3A_192 = tpu.memref_slice %arg2[%dma_wait3A_190, %dma_wait3A_191] : memref<10000x128xf32, #tpu.memory_space<hbm>> -> memref<10000x128xf32, #tpu.memory_space<hbm>>
      tpu.wait_indirect_dma semaphore(%arg12 : memref<!tpu.dma_semaphore, #tpu.memory_space<semaphore_mem>>) src(%dma_wait3A_192 : memref<10000x128xf32, #tpu.memory_space<hbm>>) dst(%arg9 : memref<128x128xf32, #tpu.memory_space<vmem>>)
      %add3A_193 = arith.constant 1 : i32
      %add3A_194 = arith.addi %mul3A_172, %add3A_193 : i32
      %dma_start3A_195 = arith.constant 0 : i32
      %dma_start3A_196 = tpu.memref_slice %arg7[%add3A_194, %dma_start3A_195] : memref<40x128xi32, #tpu.memory_space<vmem>> -> memref<1x128xi32, #tpu.memory_space<vmem>>
      %dma_start3A_197 = tpu.memref_squeeze %dma_start3A_196 : memref<1x128xi32, #tpu.memory_space<vmem>> -> memref<128xi32, #tpu.memory_space<vmem>>
      %dma_start3A_198 = arith.constant 0 : i32
      %dma_start3A_199 = arith.constant 0 : i32
      %dma_start3A_200 = tpu.memref_slice %arg10[%dma_start3A_198, %dma_start3A_199] : memref<10240x128xf32, #tpu.memory_space<vmem_shared>> -> memref<10240x128xf32, #tpu.memory_space<vmem_shared>>
      tpu.enqueue_indirect_dma source(%arg9 : memref<128x128xf32, #tpu.memory_space<vmem>>) target(%dma_start3A_200 : memref<10240x128xf32, #tpu.memory_space<vmem_shared>>) offsets(%dma_start3A_197 : memref<128xi32, #tpu.memory_space<vmem>>) semaphore(%arg14 : memref<!tpu.dma_semaphore, #tpu.memory_space<semaphore_mem>>) {add = true}
      %dma_wait3A_201 = arith.constant 0 : i32
      %dma_wait3A_202 = tpu.memref_slice %arg7[%mul3A_172, %dma_wait3A_201] : memref<40x128xi32, #tpu.memory_space<vmem>> -> memref<1x128xi32, #tpu.memory_space<vmem>>
      %dma_wait3A_203 = tpu.memref_squeeze %dma_wait3A_202 : memref<1x128xi32, #tpu.memory_space<vmem>> -> memref<128xi32, #tpu.memory_space<vmem>>
      %dma_wait3A_204 = arith.constant 0 : i32
      %dma_wait3A_205 = arith.constant 0 : i32
      %dma_wait3A_206 = tpu.memref_slice %arg10[%dma_wait3A_204, %dma_wait3A_205] : memref<10240x128xf32, #tpu.memory_space<vmem_shared>> -> memref<10240x128xf32, #tpu.memory_space<vmem_shared>>
      tpu.wait_indirect_dma semaphore(%arg13 : memref<!tpu.dma_semaphore, #tpu.memory_space<semaphore_mem>>) src(%arg8 : memref<128x128xf32, #tpu.memory_space<vmem>>) dst(%dma_wait3A_206 : memref<10240x128xf32, #tpu.memory_space<vmem_shared>>)
      %add3A_207 = arith.constant 2 : i32
      %add3A_208 = arith.addi %mul3A_172, %add3A_207 : i32
      %dma_start3A_209 = arith.constant 0 : i32
      %dma_start3A_210 = tpu.memref_slice %arg6[%add3A_208, %dma_start3A_209] : memref<40x128xi32, #tpu.memory_space<vmem>> -> memref<1x128xi32, #tpu.memory_space<vmem>>
      %dma_start3A_211 = tpu.memref_squeeze %dma_start3A_210 : memref<1x128xi32, #tpu.memory_space<vmem>> -> memref<128xi32, #tpu.memory_space<vmem>>
      %dma_start3A_212 = arith.constant 0 : i32
      %dma_start3A_213 = arith.constant 0 : i32
      %dma_start3A_214 = tpu.memref_slice %arg2[%dma_start3A_212, %dma_start3A_213] : memref<10000x128xf32, #tpu.memory_space<hbm>> -> memref<10000x128xf32, #tpu.memory_space<hbm>>
      tpu.enqueue_indirect_dma source(%dma_start3A_214 : memref<10000x128xf32, #tpu.memory_space<hbm>>) target(%arg8 : memref<128x128xf32, #tpu.memory_space<vmem>>) offsets(%dma_start3A_211 : memref<128xi32, #tpu.memory_space<vmem>>) semaphore(%arg11 : memref<!tpu.dma_semaphore, #tpu.memory_space<semaphore_mem>>)
      %add3A_215 = arith.constant 1 : i32
      %add3A_216 = arith.addi %mul3A_172, %add3A_215 : i32
      %dma_wait3A_217 = arith.constant 0 : i32
      %dma_wait3A_218 = tpu.memref_slice %arg7[%add3A_216, %dma_wait3A_217] : memref<40x128xi32, #tpu.memory_space<vmem>> -> memref<1x128xi32, #tpu.memory_space<vmem>>
      %dma_wait3A_219 = tpu.memref_squeeze %dma_wait3A_218 : memref<1x128xi32, #tpu.memory_space<vmem>> -> memref<128xi32, #tpu.memory_space<vmem>>
      %dma_wait3A_220 = arith.constant 0 : i32
      %dma_wait3A_221 = arith.constant 0 : i32
      %dma_wait3A_222 = tpu.memref_slice %arg10[%dma_wait3A_220, %dma_wait3A_221] : memref<10240x128xf32, #tpu.memory_space<vmem_shared>> -> memref<10240x128xf32, #tpu.memory_space<vmem_shared>>
      tpu.wait_indirect_dma semaphore(%arg14 : memref<!tpu.dma_semaphore, #tpu.memory_space<semaphore_mem>>) src(%arg9 : memref<128x128xf32, #tpu.memory_space<vmem>>) dst(%dma_wait3A_222 : memref<10240x128xf32, #tpu.memory_space<vmem_shared>>)
      %add3A_223 = arith.constant 3 : i32
      %add3A_224 = arith.addi %mul3A_172, %add3A_223 : i32
      %dma_start3A_225 = arith.constant 0 : i32
      %dma_start3A_226 = tpu.memref_slice %arg6[%add3A_224, %dma_start3A_225] : memref<40x128xi32, #tpu.memory_space<vmem>> -> memref<1x128xi32, #tpu.memory_space<vmem>>
      %dma_start3A_227 = tpu.memref_squeeze %dma_start3A_226 : memref<1x128xi32, #tpu.memory_space<vmem>> -> memref<128xi32, #tpu.memory_space<vmem>>
      %dma_start3A_228 = arith.constant 0 : i32
      %dma_start3A_229 = arith.constant 0 : i32
      %dma_start3A_230 = tpu.memref_slice %arg2[%dma_start3A_228, %dma_start3A_229] : memref<10000x128xf32, #tpu.memory_space<hbm>> -> memref<10000x128xf32, #tpu.memory_space<hbm>>
      tpu.enqueue_indirect_dma source(%dma_start3A_230 : memref<10000x128xf32, #tpu.memory_space<hbm>>) target(%arg9 : memref<128x128xf32, #tpu.memory_space<vmem>>) offsets(%dma_start3A_227 : memref<128xi32, #tpu.memory_space<vmem>>) semaphore(%arg12 : memref<!tpu.dma_semaphore, #tpu.memory_space<semaphore_mem>>)
      %scan3A_231 = arith.constant 0 : i32
      scf.yield %scan3A_231 : i32
    }
    %scan3A_55 = arith.constant 19 : i32
    %dma_wait3A = arith.constant 38 : i32
    %dma_wait3A_56 = arith.constant 0 : i32
    %dma_wait3A_57 = tpu.memref_slice %arg6[%dma_wait3A, %dma_wait3A_56] : memref<40x128xi32, #tpu.memory_space<vmem>> -> memref<1x128xi32, #tpu.memory_space<vmem>>
    %dma_wait3A_58 = tpu.memref_squeeze %dma_wait3A_57 : memref<1x128xi32, #tpu.memory_space<vmem>> -> memref<128xi32, #tpu.memory_space<vmem>>
    %dma_wait3A_59 = arith.constant 0 : i32
    %dma_wait3A_60 = arith.constant 0 : i32
    %dma_wait3A_61 = tpu.memref_slice %arg2[%dma_wait3A_59, %dma_wait3A_60] : memref<10000x128xf32, #tpu.memory_space<hbm>> -> memref<10000x128xf32, #tpu.memory_space<hbm>>
    tpu.wait_indirect_dma semaphore(%arg11 : memref<!tpu.dma_semaphore, #tpu.memory_space<semaphore_mem>>) src(%dma_wait3A_61 : memref<10000x128xf32, #tpu.memory_space<hbm>>) dst(%arg8 : memref<128x128xf32, #tpu.memory_space<vmem>>)
    %dma_start3A_62 = arith.constant 38 : i32
    %dma_start3A_63 = arith.constant 0 : i32
    %dma_start3A_64 = tpu.memref_slice %arg7[%dma_start3A_62, %dma_start3A_63] : memref<40x128xi32, #tpu.memory_space<vmem>> -> memref<1x128xi32, #tpu.memory_space<vmem>>
    %dma_start3A_65 = tpu.memref_squeeze %dma_start3A_64 : memref<1x128xi32, #tpu.memory_space<vmem>> -> memref<128xi32, #tpu.memory_space<vmem>>
    %dma_start3A_66 = arith.constant 0 : i32
    %dma_start3A_67 = arith.constant 0 : i32
    %dma_start3A_68 = tpu.memref_slice %arg10[%dma_start3A_66, %dma_start3A_67] : memref<10240x128xf32, #tpu.memory_space<vmem_shared>> -> memref<10240x128xf32, #tpu.memory_space<vmem_shared>>
    tpu.enqueue_indirect_dma source(%arg8 : memref<128x128xf32, #tpu.memory_space<vmem>>) target(%dma_start3A_68 : memref<10240x128xf32, #tpu.memory_space<vmem_shared>>) offsets(%dma_start3A_65 : memref<128xi32, #tpu.memory_space<vmem>>) semaphore(%arg13 : memref<!tpu.dma_semaphore, #tpu.memory_space<semaphore_mem>>) {add = true}
    %dma_wait3A_69 = arith.constant 39 : i32
    %dma_wait3A_70 = arith.constant 0 : i32
    %dma_wait3A_71 = tpu.memref_slice %arg6[%dma_wait3A_69, %dma_wait3A_70] : memref<40x128xi32, #tpu.memory_space<vmem>> -> memref<1x128xi32, #tpu.memory_space<vmem>>
    %dma_wait3A_72 = tpu.memref_squeeze %dma_wait3A_71 : memref<1x128xi32, #tpu.memory_space<vmem>> -> memref<128xi32, #tpu.memory_space<vmem>>
    %dma_wait3A_73 = arith.constant 0 : i32
    %dma_wait3A_74 = arith.constant 0 : i32
    %dma_wait3A_75 = tpu.memref_slice %arg2[%dma_wait3A_73, %dma_wait3A_74] : memref<10000x128xf32, #tpu.memory_space<hbm>> -> memref<10000x128xf32, #tpu.memory_space<hbm>>
    tpu.wait_indirect_dma semaphore(%arg12 : memref<!tpu.dma_semaphore, #tpu.memory_space<semaphore_mem>>) src(%dma_wait3A_75 : memref<10000x128xf32, #tpu.memory_space<hbm>>) dst(%arg9 : memref<128x128xf32, #tpu.memory_space<vmem>>)
    %dma_start3A_76 = arith.constant 39 : i32
    %dma_start3A_77 = arith.constant 0 : i32
    %dma_start3A_78 = tpu.memref_slice %arg7[%dma_start3A_76, %dma_start3A_77] : memref<40x128xi32, #tpu.memory_space<vmem>> -> memref<1x128xi32, #tpu.memory_space<vmem>>
    %dma_start3A_79 = tpu.memref_squeeze %dma_start3A_78 : memref<1x128xi32, #tpu.memory_space<vmem>> -> memref<128xi32, #tpu.memory_space<vmem>>
    %dma_start3A_80 = arith.constant 0 : i32
    %dma_start3A_81 = arith.constant 0 : i32
    %dma_start3A_82 = tpu.memref_slice %arg10[%dma_start3A_80, %dma_start3A_81] : memref<10240x128xf32, #tpu.memory_space<vmem_shared>> -> memref<10240x128xf32, #tpu.memory_space<vmem_shared>>
    tpu.enqueue_indirect_dma source(%arg9 : memref<128x128xf32, #tpu.memory_space<vmem>>) target(%dma_start3A_82 : memref<10240x128xf32, #tpu.memory_space<vmem_shared>>) offsets(%dma_start3A_79 : memref<128xi32, #tpu.memory_space<vmem>>) semaphore(%arg14 : memref<!tpu.dma_semaphore, #tpu.memory_space<semaphore_mem>>) {add = true}
    %dma_wait3A_83 = arith.constant 38 : i32
    %dma_wait3A_84 = arith.constant 0 : i32
    %dma_wait3A_85 = tpu.memref_slice %arg7[%dma_wait3A_83, %dma_wait3A_84] : memref<40x128xi32, #tpu.memory_space<vmem>> -> memref<1x128xi32, #tpu.memory_space<vmem>>
    %dma_wait3A_86 = tpu.memref_squeeze %dma_wait3A_85 : memref<1x128xi32, #tpu.memory_space<vmem>> -> memref<128xi32, #tpu.memory_space<vmem>>
    %dma_wait3A_87 = arith.constant 0 : i32
    %dma_wait3A_88 = arith.constant 0 : i32
    %dma_wait3A_89 = tpu.memref_slice %arg10[%dma_wait3A_87, %dma_wait3A_88] : memref<10240x128xf32, #tpu.memory_space<vmem_shared>> -> memref<10240x128xf32, #tpu.memory_space<vmem_shared>>
    tpu.wait_indirect_dma semaphore(%arg13 : memref<!tpu.dma_semaphore, #tpu.memory_space<semaphore_mem>>) src(%arg8 : memref<128x128xf32, #tpu.memory_space<vmem>>) dst(%dma_wait3A_89 : memref<10240x128xf32, #tpu.memory_space<vmem_shared>>)
    %dma_wait3A_90 = arith.constant 39 : i32
    %dma_wait3A_91 = arith.constant 0 : i32
    %dma_wait3A_92 = tpu.memref_slice %arg7[%dma_wait3A_90, %dma_wait3A_91] : memref<40x128xi32, #tpu.memory_space<vmem>> -> memref<1x128xi32, #tpu.memory_space<vmem>>
    %dma_wait3A_93 = tpu.memref_squeeze %dma_wait3A_92 : memref<1x128xi32, #tpu.memory_space<vmem>> -> memref<128xi32, #tpu.memory_space<vmem>>
    %dma_wait3A_94 = arith.constant 0 : i32
    %dma_wait3A_95 = arith.constant 0 : i32
    %dma_wait3A_96 = tpu.memref_slice %arg10[%dma_wait3A_94, %dma_wait3A_95] : memref<10240x128xf32, #tpu.memory_space<vmem_shared>> -> memref<10240x128xf32, #tpu.memory_space<vmem_shared>>
    tpu.wait_indirect_dma semaphore(%arg14 : memref<!tpu.dma_semaphore, #tpu.memory_space<semaphore_mem>>) src(%arg9 : memref<128x128xf32, #tpu.memory_space<vmem>>) dst(%dma_wait3A_96 : memref<10240x128xf32, #tpu.memory_space<vmem_shared>>)
    %mul3A_97 = arith.constant 80 : i32
    %mul3A_98 = arith.muli %add3A, %mul3A_97 : i32
    %add3A_99 = arith.constant 40 : i32
    %add3A_100 = arith.addi %mul3A_98, %add3A_99 : i32
    %multiple_of3A_101 = tpu.assume_multiple %add3A_100, 8 : i32
    "tpu.region"() ({
      %run_scoped3A = tpu.sem_alloc : memref<!tpu.dma_semaphore, #tpu.memory_space<semaphore_mem>>
      %dma_start3A_169 = arith.constant 0 : i32
      %dma_start3A_170 = tpu.memref_slice %arg3[%multiple_of3A_101, %dma_start3A_169] : memref<2560x128xi32, #tpu.memory_space<hbm>> -> memref<40x128xi32, #tpu.memory_space<hbm>>
      %dma_start3A_171 = arith.constant 0 : i32
      %dma_start3A_172 = tpu.memref_slice %arg3[%multiple_of3A_101, %dma_start3A_171] : memref<2560x128xi32, #tpu.memory_space<hbm>> -> memref<40x128xi32, #tpu.memory_space<hbm>>
      tpu.enqueue_dma source(%dma_start3A_172 : memref<40x128xi32, #tpu.memory_space<hbm>>) target(%arg6 : memref<40x128xi32, #tpu.memory_space<vmem>>) target_semaphore(%run_scoped3A : memref<!tpu.dma_semaphore, #tpu.memory_space<semaphore_mem>>)
      %dma_wait3A_173 = arith.constant 0 : i32
      %dma_wait3A_174 = tpu.memref_slice %arg3[%multiple_of3A_101, %dma_wait3A_173] : memref<2560x128xi32, #tpu.memory_space<hbm>> -> memref<40x128xi32, #tpu.memory_space<hbm>>
      %dma_wait3A_175 = arith.constant 0 : i32
      %dma_wait3A_176 = tpu.memref_slice %arg3[%multiple_of3A_101, %dma_wait3A_175] : memref<2560x128xi32, #tpu.memory_space<hbm>> -> memref<40x128xi32, #tpu.memory_space<hbm>>
      tpu.wait_dma2 semaphore(%run_scoped3A : memref<!tpu.dma_semaphore, #tpu.memory_space<semaphore_mem>>) src(%dma_wait3A_176 : memref<40x128xi32, #tpu.memory_space<hbm>>) dst(%arg6 : memref<40x128xi32, #tpu.memory_space<vmem>>)
      tpu.yield
    }) : () -> ()
    "tpu.region"() ({
      %run_scoped3A = tpu.sem_alloc : memref<!tpu.dma_semaphore, #tpu.memory_space<semaphore_mem>>
      %dma_start3A_169 = arith.constant 0 : i32
      %dma_start3A_170 = tpu.memref_slice %arg4[%multiple_of3A_101, %dma_start3A_169] : memref<2560x128xi32, #tpu.memory_space<hbm>> -> memref<40x128xi32, #tpu.memory_space<hbm>>
      %dma_start3A_171 = arith.constant 0 : i32
      %dma_start3A_172 = tpu.memref_slice %arg4[%multiple_of3A_101, %dma_start3A_171] : memref<2560x128xi32, #tpu.memory_space<hbm>> -> memref<40x128xi32, #tpu.memory_space<hbm>>
      tpu.enqueue_dma source(%dma_start3A_172 : memref<40x128xi32, #tpu.memory_space<hbm>>) target(%arg7 : memref<40x128xi32, #tpu.memory_space<vmem>>) target_semaphore(%run_scoped3A : memref<!tpu.dma_semaphore, #tpu.memory_space<semaphore_mem>>)
      %dma_wait3A_173 = arith.constant 0 : i32
      %dma_wait3A_174 = tpu.memref_slice %arg4[%multiple_of3A_101, %dma_wait3A_173] : memref<2560x128xi32, #tpu.memory_space<hbm>> -> memref<40x128xi32, #tpu.memory_space<hbm>>
      %dma_wait3A_175 = arith.constant 0 : i32
      %dma_wait3A_176 = tpu.memref_slice %arg4[%multiple_of3A_101, %dma_wait3A_175] : memref<2560x128xi32, #tpu.memory_space<hbm>> -> memref<40x128xi32, #tpu.memory_space<hbm>>
      tpu.wait_dma2 semaphore(%run_scoped3A : memref<!tpu.dma_semaphore, #tpu.memory_space<semaphore_mem>>) src(%dma_wait3A_176 : memref<40x128xi32, #tpu.memory_space<hbm>>) dst(%arg7 : memref<40x128xi32, #tpu.memory_space<vmem>>)
      tpu.yield
    }) : () -> ()
    %dma_start3A_102 = arith.constant 0 : i32
    %dma_start3A_103 = arith.constant 0 : i32
    %dma_start3A_104 = tpu.memref_slice %arg6[%dma_start3A_102, %dma_start3A_103] : memref<40x128xi32, #tpu.memory_space<vmem>> -> memref<1x128xi32, #tpu.memory_space<vmem>>
    %dma_start3A_105 = tpu.memref_squeeze %dma_start3A_104 : memref<1x128xi32, #tpu.memory_space<vmem>> -> memref<128xi32, #tpu.memory_space<vmem>>
    %dma_start3A_106 = arith.constant 0 : i32
    %dma_start3A_107 = arith.constant 0 : i32
    %dma_start3A_108 = tpu.memref_slice %arg2[%dma_start3A_106, %dma_start3A_107] : memref<10000x128xf32, #tpu.memory_space<hbm>> -> memref<10000x128xf32, #tpu.memory_space<hbm>>
    tpu.enqueue_indirect_dma source(%dma_start3A_108 : memref<10000x128xf32, #tpu.memory_space<hbm>>) target(%arg8 : memref<128x128xf32, #tpu.memory_space<vmem>>) offsets(%dma_start3A_105 : memref<128xi32, #tpu.memory_space<vmem>>) semaphore(%arg11 : memref<!tpu.dma_semaphore, #tpu.memory_space<semaphore_mem>>)
    %dma_start3A_109 = arith.constant 1 : i32
    %dma_start3A_110 = arith.constant 0 : i32
    %dma_start3A_111 = tpu.memref_slice %arg6[%dma_start3A_109, %dma_start3A_110] : memref<40x128xi32, #tpu.memory_space<vmem>> -> memref<1x128xi32, #tpu.memory_space<vmem>>
    %dma_start3A_112 = tpu.memref_squeeze %dma_start3A_111 : memref<1x128xi32, #tpu.memory_space<vmem>> -> memref<128xi32, #tpu.memory_space<vmem>>
    %dma_start3A_113 = arith.constant 0 : i32
    %dma_start3A_114 = arith.constant 0 : i32
    %dma_start3A_115 = tpu.memref_slice %arg2[%dma_start3A_113, %dma_start3A_114] : memref<10000x128xf32, #tpu.memory_space<hbm>> -> memref<10000x128xf32, #tpu.memory_space<hbm>>
    tpu.enqueue_indirect_dma source(%dma_start3A_115 : memref<10000x128xf32, #tpu.memory_space<hbm>>) target(%arg9 : memref<128x128xf32, #tpu.memory_space<vmem>>) offsets(%dma_start3A_112 : memref<128xi32, #tpu.memory_space<vmem>>) semaphore(%arg12 : memref<!tpu.dma_semaphore, #tpu.memory_space<semaphore_mem>>)
    %scan3A_116 = arith.constant 0 : i32
    %scan3A_117 = arith.constant 0 : i32
    %scan3A_118 = arith.constant 19 : i32
    %scan3A_119 = arith.addi %scan3A_117, %scan3A_118 : i32
    %scan3A_120 = arith.constant 1 : i32
    %scan3A_121 = scf.for %scan3A_169 = %scan3A_117 to %scan3A_119 step %scan3A_120 iter_args(%scan3A_170 = %scan3A_116) -> (i32)  : i32 {
      %mul3A_171 = arith.constant 2 : i32
      %mul3A_172 = arith.muli %mul3A_171, %scan3A_169 : i32
      %dma_wait3A_173 = arith.constant 0 : i32
      %dma_wait3A_174 = tpu.memref_slice %arg6[%mul3A_172, %dma_wait3A_173] : memref<40x128xi32, #tpu.memory_space<vmem>> -> memref<1x128xi32, #tpu.memory_space<vmem>>
      %dma_wait3A_175 = tpu.memref_squeeze %dma_wait3A_174 : memref<1x128xi32, #tpu.memory_space<vmem>> -> memref<128xi32, #tpu.memory_space<vmem>>
      %dma_wait3A_176 = arith.constant 0 : i32
      %dma_wait3A_177 = arith.constant 0 : i32
      %dma_wait3A_178 = tpu.memref_slice %arg2[%dma_wait3A_176, %dma_wait3A_177] : memref<10000x128xf32, #tpu.memory_space<hbm>> -> memref<10000x128xf32, #tpu.memory_space<hbm>>
      tpu.wait_indirect_dma semaphore(%arg11 : memref<!tpu.dma_semaphore, #tpu.memory_space<semaphore_mem>>) src(%dma_wait3A_178 : memref<10000x128xf32, #tpu.memory_space<hbm>>) dst(%arg8 : memref<128x128xf32, #tpu.memory_space<vmem>>)
      %dma_start3A_179 = arith.constant 0 : i32
      %dma_start3A_180 = tpu.memref_slice %arg7[%mul3A_172, %dma_start3A_179] : memref<40x128xi32, #tpu.memory_space<vmem>> -> memref<1x128xi32, #tpu.memory_space<vmem>>
      %dma_start3A_181 = tpu.memref_squeeze %dma_start3A_180 : memref<1x128xi32, #tpu.memory_space<vmem>> -> memref<128xi32, #tpu.memory_space<vmem>>
      %dma_start3A_182 = arith.constant 0 : i32
      %dma_start3A_183 = arith.constant 0 : i32
      %dma_start3A_184 = tpu.memref_slice %arg10[%dma_start3A_182, %dma_start3A_183] : memref<10240x128xf32, #tpu.memory_space<vmem_shared>> -> memref<10240x128xf32, #tpu.memory_space<vmem_shared>>
      tpu.enqueue_indirect_dma source(%arg8 : memref<128x128xf32, #tpu.memory_space<vmem>>) target(%dma_start3A_184 : memref<10240x128xf32, #tpu.memory_space<vmem_shared>>) offsets(%dma_start3A_181 : memref<128xi32, #tpu.memory_space<vmem>>) semaphore(%arg13 : memref<!tpu.dma_semaphore, #tpu.memory_space<semaphore_mem>>) {add = true}
      %add3A_185 = arith.constant 1 : i32
      %add3A_186 = arith.addi %mul3A_172, %add3A_185 : i32
      %dma_wait3A_187 = arith.constant 0 : i32
      %dma_wait3A_188 = tpu.memref_slice %arg6[%add3A_186, %dma_wait3A_187] : memref<40x128xi32, #tpu.memory_space<vmem>> -> memref<1x128xi32, #tpu.memory_space<vmem>>
      %dma_wait3A_189 = tpu.memref_squeeze %dma_wait3A_188 : memref<1x128xi32, #tpu.memory_space<vmem>> -> memref<128xi32, #tpu.memory_space<vmem>>
      %dma_wait3A_190 = arith.constant 0 : i32
      %dma_wait3A_191 = arith.constant 0 : i32
      %dma_wait3A_192 = tpu.memref_slice %arg2[%dma_wait3A_190, %dma_wait3A_191] : memref<10000x128xf32, #tpu.memory_space<hbm>> -> memref<10000x128xf32, #tpu.memory_space<hbm>>
      tpu.wait_indirect_dma semaphore(%arg12 : memref<!tpu.dma_semaphore, #tpu.memory_space<semaphore_mem>>) src(%dma_wait3A_192 : memref<10000x128xf32, #tpu.memory_space<hbm>>) dst(%arg9 : memref<128x128xf32, #tpu.memory_space<vmem>>)
      %add3A_193 = arith.constant 1 : i32
      %add3A_194 = arith.addi %mul3A_172, %add3A_193 : i32
      %dma_start3A_195 = arith.constant 0 : i32
      %dma_start3A_196 = tpu.memref_slice %arg7[%add3A_194, %dma_start3A_195] : memref<40x128xi32, #tpu.memory_space<vmem>> -> memref<1x128xi32, #tpu.memory_space<vmem>>
      %dma_start3A_197 = tpu.memref_squeeze %dma_start3A_196 : memref<1x128xi32, #tpu.memory_space<vmem>> -> memref<128xi32, #tpu.memory_space<vmem>>
      %dma_start3A_198 = arith.constant 0 : i32
      %dma_start3A_199 = arith.constant 0 : i32
      %dma_start3A_200 = tpu.memref_slice %arg10[%dma_start3A_198, %dma_start3A_199] : memref<10240x128xf32, #tpu.memory_space<vmem_shared>> -> memref<10240x128xf32, #tpu.memory_space<vmem_shared>>
      tpu.enqueue_indirect_dma source(%arg9 : memref<128x128xf32, #tpu.memory_space<vmem>>) target(%dma_start3A_200 : memref<10240x128xf32, #tpu.memory_space<vmem_shared>>) offsets(%dma_start3A_197 : memref<128xi32, #tpu.memory_space<vmem>>) semaphore(%arg14 : memref<!tpu.dma_semaphore, #tpu.memory_space<semaphore_mem>>) {add = true}
      %dma_wait3A_201 = arith.constant 0 : i32
      %dma_wait3A_202 = tpu.memref_slice %arg7[%mul3A_172, %dma_wait3A_201] : memref<40x128xi32, #tpu.memory_space<vmem>> -> memref<1x128xi32, #tpu.memory_space<vmem>>
      %dma_wait3A_203 = tpu.memref_squeeze %dma_wait3A_202 : memref<1x128xi32, #tpu.memory_space<vmem>> -> memref<128xi32, #tpu.memory_space<vmem>>
      %dma_wait3A_204 = arith.constant 0 : i32
      %dma_wait3A_205 = arith.constant 0 : i32
      %dma_wait3A_206 = tpu.memref_slice %arg10[%dma_wait3A_204, %dma_wait3A_205] : memref<10240x128xf32, #tpu.memory_space<vmem_shared>> -> memref<10240x128xf32, #tpu.memory_space<vmem_shared>>
      tpu.wait_indirect_dma semaphore(%arg13 : memref<!tpu.dma_semaphore, #tpu.memory_space<semaphore_mem>>) src(%arg8 : memref<128x128xf32, #tpu.memory_space<vmem>>) dst(%dma_wait3A_206 : memref<10240x128xf32, #tpu.memory_space<vmem_shared>>)
      %add3A_207 = arith.constant 2 : i32
      %add3A_208 = arith.addi %mul3A_172, %add3A_207 : i32
      %dma_start3A_209 = arith.constant 0 : i32
      %dma_start3A_210 = tpu.memref_slice %arg6[%add3A_208, %dma_start3A_209] : memref<40x128xi32, #tpu.memory_space<vmem>> -> memref<1x128xi32, #tpu.memory_space<vmem>>
      %dma_start3A_211 = tpu.memref_squeeze %dma_start3A_210 : memref<1x128xi32, #tpu.memory_space<vmem>> -> memref<128xi32, #tpu.memory_space<vmem>>
      %dma_start3A_212 = arith.constant 0 : i32
      %dma_start3A_213 = arith.constant 0 : i32
      %dma_start3A_214 = tpu.memref_slice %arg2[%dma_start3A_212, %dma_start3A_213] : memref<10000x128xf32, #tpu.memory_space<hbm>> -> memref<10000x128xf32, #tpu.memory_space<hbm>>
      tpu.enqueue_indirect_dma source(%dma_start3A_214 : memref<10000x128xf32, #tpu.memory_space<hbm>>) target(%arg8 : memref<128x128xf32, #tpu.memory_space<vmem>>) offsets(%dma_start3A_211 : memref<128xi32, #tpu.memory_space<vmem>>) semaphore(%arg11 : memref<!tpu.dma_semaphore, #tpu.memory_space<semaphore_mem>>)
      %add3A_215 = arith.constant 1 : i32
      %add3A_216 = arith.addi %mul3A_172, %add3A_215 : i32
      %dma_wait3A_217 = arith.constant 0 : i32
      %dma_wait3A_218 = tpu.memref_slice %arg7[%add3A_216, %dma_wait3A_217] : memref<40x128xi32, #tpu.memory_space<vmem>> -> memref<1x128xi32, #tpu.memory_space<vmem>>
      %dma_wait3A_219 = tpu.memref_squeeze %dma_wait3A_218 : memref<1x128xi32, #tpu.memory_space<vmem>> -> memref<128xi32, #tpu.memory_space<vmem>>
      %dma_wait3A_220 = arith.constant 0 : i32
      %dma_wait3A_221 = arith.constant 0 : i32
      %dma_wait3A_222 = tpu.memref_slice %arg10[%dma_wait3A_220, %dma_wait3A_221] : memref<10240x128xf32, #tpu.memory_space<vmem_shared>> -> memref<10240x128xf32, #tpu.memory_space<vmem_shared>>
      tpu.wait_indirect_dma semaphore(%arg14 : memref<!tpu.dma_semaphore, #tpu.memory_space<semaphore_mem>>) src(%arg9 : memref<128x128xf32, #tpu.memory_space<vmem>>) dst(%dma_wait3A_222 : memref<10240x128xf32, #tpu.memory_space<vmem_shared>>)
      %add3A_223 = arith.constant 3 : i32
      %add3A_224 = arith.addi %mul3A_172, %add3A_223 : i32
      %dma_start3A_225 = arith.constant 0 : i32
      %dma_start3A_226 = tpu.memref_slice %arg6[%add3A_224, %dma_start3A_225] : memref<40x128xi32, #tpu.memory_space<vmem>> -> memref<1x128xi32, #tpu.memory_space<vmem>>
      %dma_start3A_227 = tpu.memref_squeeze %dma_start3A_226 : memref<1x128xi32, #tpu.memory_space<vmem>> -> memref<128xi32, #tpu.memory_space<vmem>>
      %dma_start3A_228 = arith.constant 0 : i32
      %dma_start3A_229 = arith.constant 0 : i32
      %dma_start3A_230 = tpu.memref_slice %arg2[%dma_start3A_228, %dma_start3A_229] : memref<10000x128xf32, #tpu.memory_space<hbm>> -> memref<10000x128xf32, #tpu.memory_space<hbm>>
      tpu.enqueue_indirect_dma source(%dma_start3A_230 : memref<10000x128xf32, #tpu.memory_space<hbm>>) target(%arg9 : memref<128x128xf32, #tpu.memory_space<vmem>>) offsets(%dma_start3A_227 : memref<128xi32, #tpu.memory_space<vmem>>) semaphore(%arg12 : memref<!tpu.dma_semaphore, #tpu.memory_space<semaphore_mem>>)
      %scan3A_231 = arith.constant 0 : i32
      scf.yield %scan3A_231 : i32
    }
    %scan3A_122 = arith.constant 19 : i32
    %dma_wait3A_123 = arith.constant 38 : i32
    %dma_wait3A_124 = arith.constant 0 : i32
    %dma_wait3A_125 = tpu.memref_slice %arg6[%dma_wait3A_123, %dma_wait3A_124] : memref<40x128xi32, #tpu.memory_space<vmem>> -> memref<1x128xi32, #tpu.memory_space<vmem>>
    %dma_wait3A_126 = tpu.memref_squeeze %dma_wait3A_125 : memref<1x128xi32, #tpu.memory_space<vmem>> -> memref<128xi32, #tpu.memory_space<vmem>>
    %dma_wait3A_127 = arith.constant 0 : i32
    %dma_wait3A_128 = arith.constant 0 : i32
    %dma_wait3A_129 = tpu.memref_slice %arg2[%dma_wait3A_127, %dma_wait3A_128] : memref<10000x128xf32, #tpu.memory_space<hbm>> -> memref<10000x128xf32, #tpu.memory_space<hbm>>
    tpu.wait_indirect_dma semaphore(%arg11 : memref<!tpu.dma_semaphore, #tpu.memory_space<semaphore_mem>>) src(%dma_wait3A_129 : memref<10000x128xf32, #tpu.memory_space<hbm>>) dst(%arg8 : memref<128x128xf32, #tpu.memory_space<vmem>>)
    %dma_start3A_130 = arith.constant 38 : i32
    %dma_start3A_131 = arith.constant 0 : i32
    %dma_start3A_132 = tpu.memref_slice %arg7[%dma_start3A_130, %dma_start3A_131] : memref<40x128xi32, #tpu.memory_space<vmem>> -> memref<1x128xi32, #tpu.memory_space<vmem>>
    %dma_start3A_133 = tpu.memref_squeeze %dma_start3A_132 : memref<1x128xi32, #tpu.memory_space<vmem>> -> memref<128xi32, #tpu.memory_space<vmem>>
    %dma_start3A_134 = arith.constant 0 : i32
    %dma_start3A_135 = arith.constant 0 : i32
    %dma_start3A_136 = tpu.memref_slice %arg10[%dma_start3A_134, %dma_start3A_135] : memref<10240x128xf32, #tpu.memory_space<vmem_shared>> -> memref<10240x128xf32, #tpu.memory_space<vmem_shared>>
    tpu.enqueue_indirect_dma source(%arg8 : memref<128x128xf32, #tpu.memory_space<vmem>>) target(%dma_start3A_136 : memref<10240x128xf32, #tpu.memory_space<vmem_shared>>) offsets(%dma_start3A_133 : memref<128xi32, #tpu.memory_space<vmem>>) semaphore(%arg13 : memref<!tpu.dma_semaphore, #tpu.memory_space<semaphore_mem>>) {add = true}
    %dma_wait3A_137 = arith.constant 39 : i32
    %dma_wait3A_138 = arith.constant 0 : i32
    %dma_wait3A_139 = tpu.memref_slice %arg6[%dma_wait3A_137, %dma_wait3A_138] : memref<40x128xi32, #tpu.memory_space<vmem>> -> memref<1x128xi32, #tpu.memory_space<vmem>>
    %dma_wait3A_140 = tpu.memref_squeeze %dma_wait3A_139 : memref<1x128xi32, #tpu.memory_space<vmem>> -> memref<128xi32, #tpu.memory_space<vmem>>
    %dma_wait3A_141 = arith.constant 0 : i32
    %dma_wait3A_142 = arith.constant 0 : i32
    %dma_wait3A_143 = tpu.memref_slice %arg2[%dma_wait3A_141, %dma_wait3A_142] : memref<10000x128xf32, #tpu.memory_space<hbm>> -> memref<10000x128xf32, #tpu.memory_space<hbm>>
    tpu.wait_indirect_dma semaphore(%arg12 : memref<!tpu.dma_semaphore, #tpu.memory_space<semaphore_mem>>) src(%dma_wait3A_143 : memref<10000x128xf32, #tpu.memory_space<hbm>>) dst(%arg9 : memref<128x128xf32, #tpu.memory_space<vmem>>)
    %dma_start3A_144 = arith.constant 39 : i32
    %dma_start3A_145 = arith.constant 0 : i32
    %dma_start3A_146 = tpu.memref_slice %arg7[%dma_start3A_144, %dma_start3A_145] : memref<40x128xi32, #tpu.memory_space<vmem>> -> memref<1x128xi32, #tpu.memory_space<vmem>>
    %dma_start3A_147 = tpu.memref_squeeze %dma_start3A_146 : memref<1x128xi32, #tpu.memory_space<vmem>> -> memref<128xi32, #tpu.memory_space<vmem>>
    %dma_start3A_148 = arith.constant 0 : i32
    %dma_start3A_149 = arith.constant 0 : i32
    %dma_start3A_150 = tpu.memref_slice %arg10[%dma_start3A_148, %dma_start3A_149] : memref<10240x128xf32, #tpu.memory_space<vmem_shared>> -> memref<10240x128xf32, #tpu.memory_space<vmem_shared>>
    tpu.enqueue_indirect_dma source(%arg9 : memref<128x128xf32, #tpu.memory_space<vmem>>) target(%dma_start3A_150 : memref<10240x128xf32, #tpu.memory_space<vmem_shared>>) offsets(%dma_start3A_147 : memref<128xi32, #tpu.memory_space<vmem>>) semaphore(%arg14 : memref<!tpu.dma_semaphore, #tpu.memory_space<semaphore_mem>>) {add = true}
    %dma_wait3A_151 = arith.constant 38 : i32
    %dma_wait3A_152 = arith.constant 0 : i32
    %dma_wait3A_153 = tpu.memref_slice %arg7[%dma_wait3A_151, %dma_wait3A_152] : memref<40x128xi32, #tpu.memory_space<vmem>> -> memref<1x128xi32, #tpu.memory_space<vmem>>
    %dma_wait3A_154 = tpu.memref_squeeze %dma_wait3A_153 : memref<1x128xi32, #tpu.memory_space<vmem>> -> memref<128xi32, #tpu.memory_space<vmem>>
    %dma_wait3A_155 = arith.constant 0 : i32
    %dma_wait3A_156 = arith.constant 0 : i32
    %dma_wait3A_157 = tpu.memref_slice %arg10[%dma_wait3A_155, %dma_wait3A_156] : memref<10240x128xf32, #tpu.memory_space<vmem_shared>> -> memref<10240x128xf32, #tpu.memory_space<vmem_shared>>
    tpu.wait_indirect_dma semaphore(%arg13 : memref<!tpu.dma_semaphore, #tpu.memory_space<semaphore_mem>>) src(%arg8 : memref<128x128xf32, #tpu.memory_space<vmem>>) dst(%dma_wait3A_157 : memref<10240x128xf32, #tpu.memory_space<vmem_shared>>)
    %dma_wait3A_158 = arith.constant 39 : i32
    %dma_wait3A_159 = arith.constant 0 : i32
    %dma_wait3A_160 = tpu.memref_slice %arg7[%dma_wait3A_158, %dma_wait3A_159] : memref<40x128xi32, #tpu.memory_space<vmem>> -> memref<1x128xi32, #tpu.memory_space<vmem>>
    %dma_wait3A_161 = tpu.memref_squeeze %dma_wait3A_160 : memref<1x128xi32, #tpu.memory_space<vmem>> -> memref<128xi32, #tpu.memory_space<vmem>>
    %dma_wait3A_162 = arith.constant 0 : i32
    %dma_wait3A_163 = arith.constant 0 : i32
    %dma_wait3A_164 = tpu.memref_slice %arg10[%dma_wait3A_162, %dma_wait3A_163] : memref<10240x128xf32, #tpu.memory_space<vmem_shared>> -> memref<10240x128xf32, #tpu.memory_space<vmem_shared>>
    tpu.wait_indirect_dma semaphore(%arg14 : memref<!tpu.dma_semaphore, #tpu.memory_space<semaphore_mem>>) src(%arg9 : memref<128x128xf32, #tpu.memory_space<vmem>>) dst(%dma_wait3A_164 : memref<10240x128xf32, #tpu.memory_space<vmem_shared>>)
    %barrier3A_165 = arith.constant 0 : index
    tpu.barrier barrier_id(%barrier3A_165)
    %mul3A_166 = arith.constant 640 : i32
    %mul3A_167 = arith.muli %arg1, %mul3A_166 : i32
    %multiple_of3A_168 = tpu.assume_multiple %mul3A_167, 64 : i32
    "tpu.region"() ({
      %run_scoped3A = tpu.sem_alloc : memref<!tpu.dma_semaphore, #tpu.memory_space<semaphore_mem>>
      %dma_start3A_169 = arith.constant 0 : i32
      %dma_start3A_170 = tpu.memref_slice %arg5[%arg0, %multiple_of3A_168, %dma_start3A_169] : memref<2x10240x128xf32, #tpu.memory_space<hbm>> -> memref<1x640x128xf32, #tpu.memory_space<hbm>>
      %dma_start3A_171 = tpu.memref_squeeze %dma_start3A_170 : memref<1x640x128xf32, #tpu.memory_space<hbm>> -> memref<640x128xf32, #tpu.memory_space<hbm>>
      %dma_start3A_172 = arith.constant 0 : i32
      %dma_start3A_173 = tpu.memref_slice %arg10[%multiple_of3A_168, %dma_start3A_172] : memref<10240x128xf32, #tpu.memory_space<vmem_shared>> -> memref<640x128xf32, #tpu.memory_space<vmem_shared>>
      tpu.enqueue_dma source(%dma_start3A_173 : memref<640x128xf32, #tpu.memory_space<vmem_shared>>) target(%dma_start3A_171 : memref<640x128xf32, #tpu.memory_space<hbm>>) target_semaphore(%run_scoped3A : memref<!tpu.dma_semaphore, #tpu.memory_space<semaphore_mem>>)
      %dma_wait3A_174 = arith.constant 0 : i32
      %dma_wait3A_175 = tpu.memref_slice %arg5[%arg0, %multiple_of3A_168, %dma_wait3A_174] : memref<2x10240x128xf32, #tpu.memory_space<hbm>> -> memref<1x640x128xf32, #tpu.memory_space<hbm>>
      %dma_wait3A_176 = tpu.memref_squeeze %dma_wait3A_175 : memref<1x640x128xf32, #tpu.memory_space<hbm>> -> memref<640x128xf32, #tpu.memory_space<hbm>>
      %dma_wait3A_177 = arith.constant 0 : i32
      %dma_wait3A_178 = tpu.memref_slice %arg10[%multiple_of3A_168, %dma_wait3A_177] : memref<10240x128xf32, #tpu.memory_space<vmem_shared>> -> memref<640x128xf32, #tpu.memory_space<vmem_shared>>
      tpu.wait_dma2 semaphore(%run_scoped3A : memref<!tpu.dma_semaphore, #tpu.memory_space<semaphore_mem>>) src(%dma_wait3A_178 : memref<640x128xf32, #tpu.memory_space<vmem_shared>>) dst(%dma_wait3A_176 : memref<640x128xf32, #tpu.memory_space<hbm>>)
      tpu.yield
    }) : () -> ()
    return
  }
}

#map = affine_map<(d0, d1) -> (0, 0)>
#map1 = affine_map<(d0, d1) -> (0, 0, 0)>
module attributes {stable_mosaic.version = 14 : i64} {
  func.func @_sc_deg(%arg0: i32, %arg1: i32, %arg2: memref<2560x128xi32, #tpu.memory_space<hbm>>, %arg3: memref<2x10240x128xf32, #tpu.memory_space<hbm>>, %arg4: memref<80x128xi32, #tpu.memory_space<vmem>>, %arg5: memref<128x128xf32, #tpu.memory_space<vmem>>, %arg6: memref<10240x128xf32, #tpu.memory_space<vmem_shared>>, %arg7: memref<!tpu.dma_semaphore, #tpu.memory_space<semaphore_mem>>) attributes {dimension_semantics = [#tpu.dimension_semantics<core_parallel>, #tpu.dimension_semantics<subcore_parallel>], iteration_bounds = array<i64: 2, 16>, scalar_prefetch = 0 : i64, scratch_operands = 4 : i64, tpu.core_type = #tpu.core_type<sc_vector_subcore>, window_params = [{transform_indices = #map}, {transform_indices = #map1}]} {
    %mul3A = arith.constant 16 : i32
    %mul3A_0 = arith.muli %arg0, %mul3A : i32
    %add3A = arith.addi %mul3A_0, %arg1 : i32
    %scan3A = arith.constant 0 : i32
    %scan3A_1 = arith.constant 0 : i32
    %scan3A_2 = arith.constant 64 : i32
    %scan3A_3 = arith.addi %scan3A_1, %scan3A_2 : i32
    %scan3A_4 = arith.constant 1 : i32
    %scan3A_5 = scf.for %scan3A_84 = %scan3A_1 to %scan3A_3 step %scan3A_4 iter_args(%scan3A_85 = %scan3A) -> (i32)  : i32 {
      %broadcast_in_dim3A = arith.constant 0.000000e+00 : f32
      %broadcast_in_dim3A_86 = vector.broadcast %broadcast_in_dim3A : f32 to vector<16xf32>
      %swap3A = arith.index_cast %scan3A_84 : i32 to index
      %swap3A_87 = arith.constant 0 : index
      %swap3A_88 = tpu.vector_load %arg5[%swap3A, %swap3A_87] {strides = array<i32>} : memref<128x128xf32, #tpu.memory_space<vmem>>, vector<1x16xf32>,
      %swap3A_89 = vector.shape_cast %swap3A_88 : vector<1x16xf32> to vector<16xf32>
      %swap3A_90 = vector.shape_cast %broadcast_in_dim3A_86 : vector<16xf32> to vector<1x16xf32>
      tpu.vector_store %arg5[%swap3A, %swap3A_87], %swap3A_90 {strides = array<i32>} : memref<128x128xf32, #tpu.memory_space<vmem>>, vector<1x16xf32>,
      %broadcast_in_dim3A_91 = arith.constant 0.000000e+00 : f32
      %broadcast_in_dim3A_92 = vector.broadcast %broadcast_in_dim3A_91 : f32 to vector<16xf32>
      %swap3A_93 = arith.index_cast %scan3A_84 : i32 to index
      %swap3A_94 = arith.constant 16 : index
      %swap3A_95 = tpu.vector_load %arg5[%swap3A_93, %swap3A_94] {strides = array<i32>} : memref<128x128xf32, #tpu.memory_space<vmem>>, vector<1x16xf32>,
      %swap3A_96 = vector.shape_cast %swap3A_95 : vector<1x16xf32> to vector<16xf32>
      %swap3A_97 = vector.shape_cast %broadcast_in_dim3A_92 : vector<16xf32> to vector<1x16xf32>
      tpu.vector_store %arg5[%swap3A_93, %swap3A_94], %swap3A_97 {strides = array<i32>} : memref<128x128xf32, #tpu.memory_space<vmem>>, vector<1x16xf32>,
      %broadcast_in_dim3A_98 = arith.constant 0.000000e+00 : f32
      %broadcast_in_dim3A_99 = vector.broadcast %broadcast_in_dim3A_98 : f32 to vector<16xf32>
      %swap3A_100 = arith.index_cast %scan3A_84 : i32 to index
      %swap3A_101 = arith.constant 32 : index
      %swap3A_102 = tpu.vector_load %arg5[%swap3A_100, %swap3A_101] {strides = array<i32>} : memref<128x128xf32, #tpu.memory_space<vmem>>, vector<1x16xf32>,
      %swap3A_103 = vector.shape_cast %swap3A_102 : vector<1x16xf32> to vector<16xf32>
      %swap3A_104 = vector.shape_cast %broadcast_in_dim3A_99 : vector<16xf32> to vector<1x16xf32>
      tpu.vector_store %arg5[%swap3A_100, %swap3A_101], %swap3A_104 {strides = array<i32>} : memref<128x128xf32, #tpu.memory_space<vmem>>, vector<1x16xf32>,
      %broadcast_in_dim3A_105 = arith.constant 0.000000e+00 : f32
      %broadcast_in_dim3A_106 = vector.broadcast %broadcast_in_dim3A_105 : f32 to vector<16xf32>
      %swap3A_107 = arith.index_cast %scan3A_84 : i32 to index
      %swap3A_108 = arith.constant 48 : index
      %swap3A_109 = tpu.vector_load %arg5[%swap3A_107, %swap3A_108] {strides = array<i32>} : memref<128x128xf32, #tpu.memory_space<vmem>>, vector<1x16xf32>,
      %swap3A_110 = vector.shape_cast %swap3A_109 : vector<1x16xf32> to vector<16xf32>
      %swap3A_111 = vector.shape_cast %broadcast_in_dim3A_106 : vector<16xf32> to vector<1x16xf32>
      tpu.vector_store %arg5[%swap3A_107, %swap3A_108], %swap3A_111 {strides = array<i32>} : memref<128x128xf32, #tpu.memory_space<vmem>>, vector<1x16xf32>,
      %broadcast_in_dim3A_112 = arith.constant 0.000000e+00 : f32
      %broadcast_in_dim3A_113 = vector.broadcast %broadcast_in_dim3A_112 : f32 to vector<16xf32>
      %swap3A_114 = arith.index_cast %scan3A_84 : i32 to index
      %swap3A_115 = arith.constant 64 : index
      %swap3A_116 = tpu.vector_load %arg5[%swap3A_114, %swap3A_115] {strides = array<i32>} : memref<128x128xf32, #tpu.memory_space<vmem>>, vector<1x16xf32>,
      %swap3A_117 = vector.shape_cast %swap3A_116 : vector<1x16xf32> to vector<16xf32>
      %swap3A_118 = vector.shape_cast %broadcast_in_dim3A_113 : vector<16xf32> to vector<1x16xf32>
      tpu.vector_store %arg5[%swap3A_114, %swap3A_115], %swap3A_118 {strides = array<i32>} : memref<128x128xf32, #tpu.memory_space<vmem>>, vector<1x16xf32>,
      %broadcast_in_dim3A_119 = arith.constant 0.000000e+00 : f32
      %broadcast_in_dim3A_120 = vector.broadcast %broadcast_in_dim3A_119 : f32 to vector<16xf32>
      %swap3A_121 = arith.index_cast %scan3A_84 : i32 to index
      %swap3A_122 = arith.constant 80 : index
      %swap3A_123 = tpu.vector_load %arg5[%swap3A_121, %swap3A_122] {strides = array<i32>} : memref<128x128xf32, #tpu.memory_space<vmem>>, vector<1x16xf32>,
      %swap3A_124 = vector.shape_cast %swap3A_123 : vector<1x16xf32> to vector<16xf32>
      %swap3A_125 = vector.shape_cast %broadcast_in_dim3A_120 : vector<16xf32> to vector<1x16xf32>
      tpu.vector_store %arg5[%swap3A_121, %swap3A_122], %swap3A_125 {strides = array<i32>} : memref<128x128xf32, #tpu.memory_space<vmem>>, vector<1x16xf32>,
      %broadcast_in_dim3A_126 = arith.constant 0.000000e+00 : f32
      %broadcast_in_dim3A_127 = vector.broadcast %broadcast_in_dim3A_126 : f32 to vector<16xf32>
      %swap3A_128 = arith.index_cast %scan3A_84 : i32 to index
      %swap3A_129 = arith.constant 96 : index
      %swap3A_130 = tpu.vector_load %arg5[%swap3A_128, %swap3A_129] {strides = array<i32>} : memref<128x128xf32, #tpu.memory_space<vmem>>, vector<1x16xf32>,
      %swap3A_131 = vector.shape_cast %swap3A_130 : vector<1x16xf32> to vector<16xf32>
      %swap3A_132 = vector.shape_cast %broadcast_in_dim3A_127 : vector<16xf32> to vector<1x16xf32>
      tpu.vector_store %arg5[%swap3A_128, %swap3A_129], %swap3A_132 {strides = array<i32>} : memref<128x128xf32, #tpu.memory_space<vmem>>, vector<1x16xf32>,
      %broadcast_in_dim3A_133 = arith.constant 0.000000e+00 : f32
      %broadcast_in_dim3A_134 = vector.broadcast %broadcast_in_dim3A_133 : f32 to vector<16xf32>
      %swap3A_135 = arith.index_cast %scan3A_84 : i32 to index
      %swap3A_136 = arith.constant 112 : index
      %swap3A_137 = tpu.vector_load %arg5[%swap3A_135, %swap3A_136] {strides = array<i32>} : memref<128x128xf32, #tpu.memory_space<vmem>>, vector<1x16xf32>,
      %swap3A_138 = vector.shape_cast %swap3A_137 : vector<1x16xf32> to vector<16xf32>
      %swap3A_139 = vector.shape_cast %broadcast_in_dim3A_134 : vector<16xf32> to vector<1x16xf32>
      tpu.vector_store %arg5[%swap3A_135, %swap3A_136], %swap3A_139 {strides = array<i32>} : memref<128x128xf32, #tpu.memory_space<vmem>>, vector<1x16xf32>,
      %scan3A_140 = arith.constant 0 : i32
      scf.yield %scan3A_140 : i32
    }
    %scan3A_6 = arith.constant 64 : i32
    %mul3A_7 = arith.constant 640 : i32
    %mul3A_8 = arith.muli %arg1, %mul3A_7 : i32
    %add3A_9 = arith.constant 0 : i32
    %add3A_10 = arith.addi %mul3A_8, %add3A_9 : i32
    %multiple_of3A = tpu.assume_multiple %add3A_10, 64 : i32
    "tpu.region"() ({
      %run_scoped3A = tpu.sem_alloc : memref<!tpu.dma_semaphore, #tpu.memory_space<semaphore_mem>>
      %dma_start3A = arith.constant 0 : i32
      %dma_start3A_84 = arith.constant 0 : i32
      %dma_start3A_85 = tpu.memref_slice %arg5[%dma_start3A, %dma_start3A_84] : memref<128x128xf32, #tpu.memory_space<vmem>> -> memref<64x128xf32, #tpu.memory_space<vmem>>
      %dma_start3A_86 = arith.constant 0 : i32
      %dma_start3A_87 = tpu.memref_slice %arg6[%multiple_of3A, %dma_start3A_86] : memref<10240x128xf32, #tpu.memory_space<vmem_shared>> -> memref<64x128xf32, #tpu.memory_space<vmem_shared>>
      %dma_start3A_88 = arith.constant 0 : i32
      %dma_start3A_89 = tpu.memref_slice %arg6[%multiple_of3A, %dma_start3A_88] : memref<10240x128xf32, #tpu.memory_space<vmem_shared>> -> memref<64x128xf32, #tpu.memory_space<vmem_shared>>
      %dma_start3A_90 = arith.constant 0 : i32
      %dma_start3A_91 = arith.constant 0 : i32
      %dma_start3A_92 = tpu.memref_slice %arg5[%dma_start3A_90, %dma_start3A_91] : memref<128x128xf32, #tpu.memory_space<vmem>> -> memref<64x128xf32, #tpu.memory_space<vmem>>
      tpu.enqueue_dma source(%dma_start3A_92 : memref<64x128xf32, #tpu.memory_space<vmem>>) target(%dma_start3A_89 : memref<64x128xf32, #tpu.memory_space<vmem_shared>>) target_semaphore(%run_scoped3A : memref<!tpu.dma_semaphore, #tpu.memory_space<semaphore_mem>>)
      %dma_wait3A = arith.constant 0 : i32
      %dma_wait3A_93 = arith.constant 0 : i32
      %dma_wait3A_94 = tpu.memref_slice %arg5[%dma_wait3A, %dma_wait3A_93] : memref<128x128xf32, #tpu.memory_space<vmem>> -> memref<64x128xf32, #tpu.memory_space<vmem>>
      %dma_wait3A_95 = arith.constant 0 : i32
      %dma_wait3A_96 = tpu.memref_slice %arg6[%multiple_of3A, %dma_wait3A_95] : memref<10240x128xf32, #tpu.memory_space<vmem_shared>> -> memref<64x128xf32, #tpu.memory_space<vmem_shared>>
      %dma_wait3A_97 = arith.constant 0 : i32
      %dma_wait3A_98 = tpu.memref_slice %arg6[%multiple_of3A, %dma_wait3A_97] : memref<10240x128xf32, #tpu.memory_space<vmem_shared>> -> memref<64x128xf32, #tpu.memory_space<vmem_shared>>
      %dma_wait3A_99 = arith.constant 0 : i32
      %dma_wait3A_100 = arith.constant 0 : i32
      %dma_wait3A_101 = tpu.memref_slice %arg5[%dma_wait3A_99, %dma_wait3A_100] : memref<128x128xf32, #tpu.memory_space<vmem>> -> memref<64x128xf32, #tpu.memory_space<vmem>>
      tpu.wait_dma2 semaphore(%run_scoped3A : memref<!tpu.dma_semaphore, #tpu.memory_space<semaphore_mem>>) src(%dma_wait3A_101 : memref<64x128xf32, #tpu.memory_space<vmem>>) dst(%dma_wait3A_98 : memref<64x128xf32, #tpu.memory_space<vmem_shared>>)
      tpu.yield
    }) : () -> ()
    %mul3A_11 = arith.constant 640 : i32
    %mul3A_12 = arith.muli %arg1, %mul3A_11 : i32
    %add3A_13 = arith.constant 64 : i32
    %add3A_14 = arith.addi %mul3A_12, %add3A_13 : i32
    %multiple_of3A_15 = tpu.assume_multiple %add3A_14, 64 : i32
    "tpu.region"() ({
      %run_scoped3A = tpu.sem_alloc : memref<!tpu.dma_semaphore, #tpu.memory_space<semaphore_mem>>
      %dma_start3A = arith.constant 0 : i32
      %dma_start3A_84 = arith.constant 0 : i32
      %dma_start3A_85 = tpu.memref_slice %arg5[%dma_start3A, %dma_start3A_84] : memref<128x128xf32, #tpu.memory_space<vmem>> -> memref<64x128xf32, #tpu.memory_space<vmem>>
      %dma_start3A_86 = arith.constant 0 : i32
      %dma_start3A_87 = tpu.memref_slice %arg6[%multiple_of3A_15, %dma_start3A_86] : memref<10240x128xf32, #tpu.memory_space<vmem_shared>> -> memref<64x128xf32, #tpu.memory_space<vmem_shared>>
      %dma_start3A_88 = arith.constant 0 : i32
      %dma_start3A_89 = tpu.memref_slice %arg6[%multiple_of3A_15, %dma_start3A_88] : memref<10240x128xf32, #tpu.memory_space<vmem_shared>> -> memref<64x128xf32, #tpu.memory_space<vmem_shared>>
      %dma_start3A_90 = arith.constant 0 : i32
      %dma_start3A_91 = arith.constant 0 : i32
      %dma_start3A_92 = tpu.memref_slice %arg5[%dma_start3A_90, %dma_start3A_91] : memref<128x128xf32, #tpu.memory_space<vmem>> -> memref<64x128xf32, #tpu.memory_space<vmem>>
      tpu.enqueue_dma source(%dma_start3A_92 : memref<64x128xf32, #tpu.memory_space<vmem>>) target(%dma_start3A_89 : memref<64x128xf32, #tpu.memory_space<vmem_shared>>) target_semaphore(%run_scoped3A : memref<!tpu.dma_semaphore, #tpu.memory_space<semaphore_mem>>)
      %dma_wait3A = arith.constant 0 : i32
      %dma_wait3A_93 = arith.constant 0 : i32
      %dma_wait3A_94 = tpu.memref_slice %arg5[%dma_wait3A, %dma_wait3A_93] : memref<128x128xf32, #tpu.memory_space<vmem>> -> memref<64x128xf32, #tpu.memory_space<vmem>>
      %dma_wait3A_95 = arith.constant 0 : i32
      %dma_wait3A_96 = tpu.memref_slice %arg6[%multiple_of3A_15, %dma_wait3A_95] : memref<10240x128xf32, #tpu.memory_space<vmem_shared>> -> memref<64x128xf32, #tpu.memory_space<vmem_shared>>
      %dma_wait3A_97 = arith.constant 0 : i32
      %dma_wait3A_98 = tpu.memref_slice %arg6[%multiple_of3A_15, %dma_wait3A_97] : memref<10240x128xf32, #tpu.memory_space<vmem_shared>> -> memref<64x128xf32, #tpu.memory_space<vmem_shared>>
      %dma_wait3A_99 = arith.constant 0 : i32
      %dma_wait3A_100 = arith.constant 0 : i32
      %dma_wait3A_101 = tpu.memref_slice %arg5[%dma_wait3A_99, %dma_wait3A_100] : memref<128x128xf32, #tpu.memory_space<vmem>> -> memref<64x128xf32, #tpu.memory_space<vmem>>
      tpu.wait_dma2 semaphore(%run_scoped3A : memref<!tpu.dma_semaphore, #tpu.memory_space<semaphore_mem>>) src(%dma_wait3A_101 : memref<64x128xf32, #tpu.memory_space<vmem>>) dst(%dma_wait3A_98 : memref<64x128xf32, #tpu.memory_space<vmem_shared>>)
      tpu.yield
    }) : () -> ()
    %mul3A_16 = arith.constant 640 : i32
    %mul3A_17 = arith.muli %arg1, %mul3A_16 : i32
    %add3A_18 = arith.constant 128 : i32
    %add3A_19 = arith.addi %mul3A_17, %add3A_18 : i32
    %multiple_of3A_20 = tpu.assume_multiple %add3A_19, 64 : i32
    "tpu.region"() ({
      %run_scoped3A = tpu.sem_alloc : memref<!tpu.dma_semaphore, #tpu.memory_space<semaphore_mem>>
      %dma_start3A = arith.constant 0 : i32
      %dma_start3A_84 = arith.constant 0 : i32
      %dma_start3A_85 = tpu.memref_slice %arg5[%dma_start3A, %dma_start3A_84] : memref<128x128xf32, #tpu.memory_space<vmem>> -> memref<64x128xf32, #tpu.memory_space<vmem>>
      %dma_start3A_86 = arith.constant 0 : i32
      %dma_start3A_87 = tpu.memref_slice %arg6[%multiple_of3A_20, %dma_start3A_86] : memref<10240x128xf32, #tpu.memory_space<vmem_shared>> -> memref<64x128xf32, #tpu.memory_space<vmem_shared>>
      %dma_start3A_88 = arith.constant 0 : i32
      %dma_start3A_89 = tpu.memref_slice %arg6[%multiple_of3A_20, %dma_start3A_88] : memref<10240x128xf32, #tpu.memory_space<vmem_shared>> -> memref<64x128xf32, #tpu.memory_space<vmem_shared>>
      %dma_start3A_90 = arith.constant 0 : i32
      %dma_start3A_91 = arith.constant 0 : i32
      %dma_start3A_92 = tpu.memref_slice %arg5[%dma_start3A_90, %dma_start3A_91] : memref<128x128xf32, #tpu.memory_space<vmem>> -> memref<64x128xf32, #tpu.memory_space<vmem>>
      tpu.enqueue_dma source(%dma_start3A_92 : memref<64x128xf32, #tpu.memory_space<vmem>>) target(%dma_start3A_89 : memref<64x128xf32, #tpu.memory_space<vmem_shared>>) target_semaphore(%run_scoped3A : memref<!tpu.dma_semaphore, #tpu.memory_space<semaphore_mem>>)
      %dma_wait3A = arith.constant 0 : i32
      %dma_wait3A_93 = arith.constant 0 : i32
      %dma_wait3A_94 = tpu.memref_slice %arg5[%dma_wait3A, %dma_wait3A_93] : memref<128x128xf32, #tpu.memory_space<vmem>> -> memref<64x128xf32, #tpu.memory_space<vmem>>
      %dma_wait3A_95 = arith.constant 0 : i32
      %dma_wait3A_96 = tpu.memref_slice %arg6[%multiple_of3A_20, %dma_wait3A_95] : memref<10240x128xf32, #tpu.memory_space<vmem_shared>> -> memref<64x128xf32, #tpu.memory_space<vmem_shared>>
      %dma_wait3A_97 = arith.constant 0 : i32
      %dma_wait3A_98 = tpu.memref_slice %arg6[%multiple_of3A_20, %dma_wait3A_97] : memref<10240x128xf32, #tpu.memory_space<vmem_shared>> -> memref<64x128xf32, #tpu.memory_space<vmem_shared>>
      %dma_wait3A_99 = arith.constant 0 : i32
      %dma_wait3A_100 = arith.constant 0 : i32
      %dma_wait3A_101 = tpu.memref_slice %arg5[%dma_wait3A_99, %dma_wait3A_100] : memref<128x128xf32, #tpu.memory_space<vmem>> -> memref<64x128xf32, #tpu.memory_space<vmem>>
      tpu.wait_dma2 semaphore(%run_scoped3A : memref<!tpu.dma_semaphore, #tpu.memory_space<semaphore_mem>>) src(%dma_wait3A_101 : memref<64x128xf32, #tpu.memory_space<vmem>>) dst(%dma_wait3A_98 : memref<64x128xf32, #tpu.memory_space<vmem_shared>>)
      tpu.yield
    }) : () -> ()
    %mul3A_21 = arith.constant 640 : i32
    %mul3A_22 = arith.muli %arg1, %mul3A_21 : i32
    %add3A_23 = arith.constant 192 : i32
    %add3A_24 = arith.addi %mul3A_22, %add3A_23 : i32
    %multiple_of3A_25 = tpu.assume_multiple %add3A_24, 64 : i32
    "tpu.region"() ({
      %run_scoped3A = tpu.sem_alloc : memref<!tpu.dma_semaphore, #tpu.memory_space<semaphore_mem>>
      %dma_start3A = arith.constant 0 : i32
      %dma_start3A_84 = arith.constant 0 : i32
      %dma_start3A_85 = tpu.memref_slice %arg5[%dma_start3A, %dma_start3A_84] : memref<128x128xf32, #tpu.memory_space<vmem>> -> memref<64x128xf32, #tpu.memory_space<vmem>>
      %dma_start3A_86 = arith.constant 0 : i32
      %dma_start3A_87 = tpu.memref_slice %arg6[%multiple_of3A_25, %dma_start3A_86] : memref<10240x128xf32, #tpu.memory_space<vmem_shared>> -> memref<64x128xf32, #tpu.memory_space<vmem_shared>>
      %dma_start3A_88 = arith.constant 0 : i32
      %dma_start3A_89 = tpu.memref_slice %arg6[%multiple_of3A_25, %dma_start3A_88] : memref<10240x128xf32, #tpu.memory_space<vmem_shared>> -> memref<64x128xf32, #tpu.memory_space<vmem_shared>>
      %dma_start3A_90 = arith.constant 0 : i32
      %dma_start3A_91 = arith.constant 0 : i32
      %dma_start3A_92 = tpu.memref_slice %arg5[%dma_start3A_90, %dma_start3A_91] : memref<128x128xf32, #tpu.memory_space<vmem>> -> memref<64x128xf32, #tpu.memory_space<vmem>>
      tpu.enqueue_dma source(%dma_start3A_92 : memref<64x128xf32, #tpu.memory_space<vmem>>) target(%dma_start3A_89 : memref<64x128xf32, #tpu.memory_space<vmem_shared>>) target_semaphore(%run_scoped3A : memref<!tpu.dma_semaphore, #tpu.memory_space<semaphore_mem>>)
      %dma_wait3A = arith.constant 0 : i32
      %dma_wait3A_93 = arith.constant 0 : i32
      %dma_wait3A_94 = tpu.memref_slice %arg5[%dma_wait3A, %dma_wait3A_93] : memref<128x128xf32, #tpu.memory_space<vmem>> -> memref<64x128xf32, #tpu.memory_space<vmem>>
      %dma_wait3A_95 = arith.constant 0 : i32
      %dma_wait3A_96 = tpu.memref_slice %arg6[%multiple_of3A_25, %dma_wait3A_95] : memref<10240x128xf32, #tpu.memory_space<vmem_shared>> -> memref<64x128xf32, #tpu.memory_space<vmem_shared>>
      %dma_wait3A_97 = arith.constant 0 : i32
      %dma_wait3A_98 = tpu.memref_slice %arg6[%multiple_of3A_25, %dma_wait3A_97] : memref<10240x128xf32, #tpu.memory_space<vmem_shared>> -> memref<64x128xf32, #tpu.memory_space<vmem_shared>>
      %dma_wait3A_99 = arith.constant 0 : i32
      %dma_wait3A_100 = arith.constant 0 : i32
      %dma_wait3A_101 = tpu.memref_slice %arg5[%dma_wait3A_99, %dma_wait3A_100] : memref<128x128xf32, #tpu.memory_space<vmem>> -> memref<64x128xf32, #tpu.memory_space<vmem>>
      tpu.wait_dma2 semaphore(%run_scoped3A : memref<!tpu.dma_semaphore, #tpu.memory_space<semaphore_mem>>) src(%dma_wait3A_101 : memref<64x128xf32, #tpu.memory_space<vmem>>) dst(%dma_wait3A_98 : memref<64x128xf32, #tpu.memory_space<vmem_shared>>)
      tpu.yield
    }) : () -> ()
    %mul3A_26 = arith.constant 640 : i32
    %mul3A_27 = arith.muli %arg1, %mul3A_26 : i32
    %add3A_28 = arith.constant 256 : i32
    %add3A_29 = arith.addi %mul3A_27, %add3A_28 : i32
    %multiple_of3A_30 = tpu.assume_multiple %add3A_29, 64 : i32
    "tpu.region"() ({
      %run_scoped3A = tpu.sem_alloc : memref<!tpu.dma_semaphore, #tpu.memory_space<semaphore_mem>>
      %dma_start3A = arith.constant 0 : i32
      %dma_start3A_84 = arith.constant 0 : i32
      %dma_start3A_85 = tpu.memref_slice %arg5[%dma_start3A, %dma_start3A_84] : memref<128x128xf32, #tpu.memory_space<vmem>> -> memref<64x128xf32, #tpu.memory_space<vmem>>
      %dma_start3A_86 = arith.constant 0 : i32
      %dma_start3A_87 = tpu.memref_slice %arg6[%multiple_of3A_30, %dma_start3A_86] : memref<10240x128xf32, #tpu.memory_space<vmem_shared>> -> memref<64x128xf32, #tpu.memory_space<vmem_shared>>
      %dma_start3A_88 = arith.constant 0 : i32
      %dma_start3A_89 = tpu.memref_slice %arg6[%multiple_of3A_30, %dma_start3A_88] : memref<10240x128xf32, #tpu.memory_space<vmem_shared>> -> memref<64x128xf32, #tpu.memory_space<vmem_shared>>
      %dma_start3A_90 = arith.constant 0 : i32
      %dma_start3A_91 = arith.constant 0 : i32
      %dma_start3A_92 = tpu.memref_slice %arg5[%dma_start3A_90, %dma_start3A_91] : memref<128x128xf32, #tpu.memory_space<vmem>> -> memref<64x128xf32, #tpu.memory_space<vmem>>
      tpu.enqueue_dma source(%dma_start3A_92 : memref<64x128xf32, #tpu.memory_space<vmem>>) target(%dma_start3A_89 : memref<64x128xf32, #tpu.memory_space<vmem_shared>>) target_semaphore(%run_scoped3A : memref<!tpu.dma_semaphore, #tpu.memory_space<semaphore_mem>>)
      %dma_wait3A = arith.constant 0 : i32
      %dma_wait3A_93 = arith.constant 0 : i32
      %dma_wait3A_94 = tpu.memref_slice %arg5[%dma_wait3A, %dma_wait3A_93] : memref<128x128xf32, #tpu.memory_space<vmem>> -> memref<64x128xf32, #tpu.memory_space<vmem>>
      %dma_wait3A_95 = arith.constant 0 : i32
      %dma_wait3A_96 = tpu.memref_slice %arg6[%multiple_of3A_30, %dma_wait3A_95] : memref<10240x128xf32, #tpu.memory_space<vmem_shared>> -> memref<64x128xf32, #tpu.memory_space<vmem_shared>>
      %dma_wait3A_97 = arith.constant 0 : i32
      %dma_wait3A_98 = tpu.memref_slice %arg6[%multiple_of3A_30, %dma_wait3A_97] : memref<10240x128xf32, #tpu.memory_space<vmem_shared>> -> memref<64x128xf32, #tpu.memory_space<vmem_shared>>
      %dma_wait3A_99 = arith.constant 0 : i32
      %dma_wait3A_100 = arith.constant 0 : i32
      %dma_wait3A_101 = tpu.memref_slice %arg5[%dma_wait3A_99, %dma_wait3A_100] : memref<128x128xf32, #tpu.memory_space<vmem>> -> memref<64x128xf32, #tpu.memory_space<vmem>>
      tpu.wait_dma2 semaphore(%run_scoped3A : memref<!tpu.dma_semaphore, #tpu.memory_space<semaphore_mem>>) src(%dma_wait3A_101 : memref<64x128xf32, #tpu.memory_space<vmem>>) dst(%dma_wait3A_98 : memref<64x128xf32, #tpu.memory_space<vmem_shared>>)
      tpu.yield
    }) : () -> ()
    %mul3A_31 = arith.constant 640 : i32
    %mul3A_32 = arith.muli %arg1, %mul3A_31 : i32
    %add3A_33 = arith.constant 320 : i32
    %add3A_34 = arith.addi %mul3A_32, %add3A_33 : i32
    %multiple_of3A_35 = tpu.assume_multiple %add3A_34, 64 : i32
    "tpu.region"() ({
      %run_scoped3A = tpu.sem_alloc : memref<!tpu.dma_semaphore, #tpu.memory_space<semaphore_mem>>
      %dma_start3A = arith.constant 0 : i32
      %dma_start3A_84 = arith.constant 0 : i32
      %dma_start3A_85 = tpu.memref_slice %arg5[%dma_start3A, %dma_start3A_84] : memref<128x128xf32, #tpu.memory_space<vmem>> -> memref<64x128xf32, #tpu.memory_space<vmem>>
      %dma_start3A_86 = arith.constant 0 : i32
      %dma_start3A_87 = tpu.memref_slice %arg6[%multiple_of3A_35, %dma_start3A_86] : memref<10240x128xf32, #tpu.memory_space<vmem_shared>> -> memref<64x128xf32, #tpu.memory_space<vmem_shared>>
      %dma_start3A_88 = arith.constant 0 : i32
      %dma_start3A_89 = tpu.memref_slice %arg6[%multiple_of3A_35, %dma_start3A_88] : memref<10240x128xf32, #tpu.memory_space<vmem_shared>> -> memref<64x128xf32, #tpu.memory_space<vmem_shared>>
      %dma_start3A_90 = arith.constant 0 : i32
      %dma_start3A_91 = arith.constant 0 : i32
      %dma_start3A_92 = tpu.memref_slice %arg5[%dma_start3A_90, %dma_start3A_91] : memref<128x128xf32, #tpu.memory_space<vmem>> -> memref<64x128xf32, #tpu.memory_space<vmem>>
      tpu.enqueue_dma source(%dma_start3A_92 : memref<64x128xf32, #tpu.memory_space<vmem>>) target(%dma_start3A_89 : memref<64x128xf32, #tpu.memory_space<vmem_shared>>) target_semaphore(%run_scoped3A : memref<!tpu.dma_semaphore, #tpu.memory_space<semaphore_mem>>)
      %dma_wait3A = arith.constant 0 : i32
      %dma_wait3A_93 = arith.constant 0 : i32
      %dma_wait3A_94 = tpu.memref_slice %arg5[%dma_wait3A, %dma_wait3A_93] : memref<128x128xf32, #tpu.memory_space<vmem>> -> memref<64x128xf32, #tpu.memory_space<vmem>>
      %dma_wait3A_95 = arith.constant 0 : i32
      %dma_wait3A_96 = tpu.memref_slice %arg6[%multiple_of3A_35, %dma_wait3A_95] : memref<10240x128xf32, #tpu.memory_space<vmem_shared>> -> memref<64x128xf32, #tpu.memory_space<vmem_shared>>
      %dma_wait3A_97 = arith.constant 0 : i32
      %dma_wait3A_98 = tpu.memref_slice %arg6[%multiple_of3A_35, %dma_wait3A_97] : memref<10240x128xf32, #tpu.memory_space<vmem_shared>> -> memref<64x128xf32, #tpu.memory_space<vmem_shared>>
      %dma_wait3A_99 = arith.constant 0 : i32
      %dma_wait3A_100 = arith.constant 0 : i32
      %dma_wait3A_101 = tpu.memref_slice %arg5[%dma_wait3A_99, %dma_wait3A_100] : memref<128x128xf32, #tpu.memory_space<vmem>> -> memref<64x128xf32, #tpu.memory_space<vmem>>
      tpu.wait_dma2 semaphore(%run_scoped3A : memref<!tpu.dma_semaphore, #tpu.memory_space<semaphore_mem>>) src(%dma_wait3A_101 : memref<64x128xf32, #tpu.memory_space<vmem>>) dst(%dma_wait3A_98 : memref<64x128xf32, #tpu.memory_space<vmem_shared>>)
      tpu.yield
    }) : () -> ()
    %mul3A_36 = arith.constant 640 : i32
    %mul3A_37 = arith.muli %arg1, %mul3A_36 : i32
    %add3A_38 = arith.constant 384 : i32
    %add3A_39 = arith.addi %mul3A_37, %add3A_38 : i32
    %multiple_of3A_40 = tpu.assume_multiple %add3A_39, 64 : i32
    "tpu.region"() ({
      %run_scoped3A = tpu.sem_alloc : memref<!tpu.dma_semaphore, #tpu.memory_space<semaphore_mem>>
      %dma_start3A = arith.constant 0 : i32
      %dma_start3A_84 = arith.constant 0 : i32
      %dma_start3A_85 = tpu.memref_slice %arg5[%dma_start3A, %dma_start3A_84] : memref<128x128xf32, #tpu.memory_space<vmem>> -> memref<64x128xf32, #tpu.memory_space<vmem>>
      %dma_start3A_86 = arith.constant 0 : i32
      %dma_start3A_87 = tpu.memref_slice %arg6[%multiple_of3A_40, %dma_start3A_86] : memref<10240x128xf32, #tpu.memory_space<vmem_shared>> -> memref<64x128xf32, #tpu.memory_space<vmem_shared>>
      %dma_start3A_88 = arith.constant 0 : i32
      %dma_start3A_89 = tpu.memref_slice %arg6[%multiple_of3A_40, %dma_start3A_88] : memref<10240x128xf32, #tpu.memory_space<vmem_shared>> -> memref<64x128xf32, #tpu.memory_space<vmem_shared>>
      %dma_start3A_90 = arith.constant 0 : i32
      %dma_start3A_91 = arith.constant 0 : i32
      %dma_start3A_92 = tpu.memref_slice %arg5[%dma_start3A_90, %dma_start3A_91] : memref<128x128xf32, #tpu.memory_space<vmem>> -> memref<64x128xf32, #tpu.memory_space<vmem>>
      tpu.enqueue_dma source(%dma_start3A_92 : memref<64x128xf32, #tpu.memory_space<vmem>>) target(%dma_start3A_89 : memref<64x128xf32, #tpu.memory_space<vmem_shared>>) target_semaphore(%run_scoped3A : memref<!tpu.dma_semaphore, #tpu.memory_space<semaphore_mem>>)
      %dma_wait3A = arith.constant 0 : i32
      %dma_wait3A_93 = arith.constant 0 : i32
      %dma_wait3A_94 = tpu.memref_slice %arg5[%dma_wait3A, %dma_wait3A_93] : memref<128x128xf32, #tpu.memory_space<vmem>> -> memref<64x128xf32, #tpu.memory_space<vmem>>
      %dma_wait3A_95 = arith.constant 0 : i32
      %dma_wait3A_96 = tpu.memref_slice %arg6[%multiple_of3A_40, %dma_wait3A_95] : memref<10240x128xf32, #tpu.memory_space<vmem_shared>> -> memref<64x128xf32, #tpu.memory_space<vmem_shared>>
      %dma_wait3A_97 = arith.constant 0 : i32
      %dma_wait3A_98 = tpu.memref_slice %arg6[%multiple_of3A_40, %dma_wait3A_97] : memref<10240x128xf32, #tpu.memory_space<vmem_shared>> -> memref<64x128xf32, #tpu.memory_space<vmem_shared>>
      %dma_wait3A_99 = arith.constant 0 : i32
      %dma_wait3A_100 = arith.constant 0 : i32
      %dma_wait3A_101 = tpu.memref_slice %arg5[%dma_wait3A_99, %dma_wait3A_100] : memref<128x128xf32, #tpu.memory_space<vmem>> -> memref<64x128xf32, #tpu.memory_space<vmem>>
      tpu.wait_dma2 semaphore(%run_scoped3A : memref<!tpu.dma_semaphore, #tpu.memory_space<semaphore_mem>>) src(%dma_wait3A_101 : memref<64x128xf32, #tpu.memory_space<vmem>>) dst(%dma_wait3A_98 : memref<64x128xf32, #tpu.memory_space<vmem_shared>>)
      tpu.yield
    }) : () -> ()
    %mul3A_41 = arith.constant 640 : i32
    %mul3A_42 = arith.muli %arg1, %mul3A_41 : i32
    %add3A_43 = arith.constant 448 : i32
    %add3A_44 = arith.addi %mul3A_42, %add3A_43 : i32
    %multiple_of3A_45 = tpu.assume_multiple %add3A_44, 64 : i32
    "tpu.region"() ({
      %run_scoped3A = tpu.sem_alloc : memref<!tpu.dma_semaphore, #tpu.memory_space<semaphore_mem>>
      %dma_start3A = arith.constant 0 : i32
      %dma_start3A_84 = arith.constant 0 : i32
      %dma_start3A_85 = tpu.memref_slice %arg5[%dma_start3A, %dma_start3A_84] : memref<128x128xf32, #tpu.memory_space<vmem>> -> memref<64x128xf32, #tpu.memory_space<vmem>>
      %dma_start3A_86 = arith.constant 0 : i32
      %dma_start3A_87 = tpu.memref_slice %arg6[%multiple_of3A_45, %dma_start3A_86] : memref<10240x128xf32, #tpu.memory_space<vmem_shared>> -> memref<64x128xf32, #tpu.memory_space<vmem_shared>>
      %dma_start3A_88 = arith.constant 0 : i32
      %dma_start3A_89 = tpu.memref_slice %arg6[%multiple_of3A_45, %dma_start3A_88] : memref<10240x128xf32, #tpu.memory_space<vmem_shared>> -> memref<64x128xf32, #tpu.memory_space<vmem_shared>>
      %dma_start3A_90 = arith.constant 0 : i32
      %dma_start3A_91 = arith.constant 0 : i32
      %dma_start3A_92 = tpu.memref_slice %arg5[%dma_start3A_90, %dma_start3A_91] : memref<128x128xf32, #tpu.memory_space<vmem>> -> memref<64x128xf32, #tpu.memory_space<vmem>>
      tpu.enqueue_dma source(%dma_start3A_92 : memref<64x128xf32, #tpu.memory_space<vmem>>) target(%dma_start3A_89 : memref<64x128xf32, #tpu.memory_space<vmem_shared>>) target_semaphore(%run_scoped3A : memref<!tpu.dma_semaphore, #tpu.memory_space<semaphore_mem>>)
      %dma_wait3A = arith.constant 0 : i32
      %dma_wait3A_93 = arith.constant 0 : i32
      %dma_wait3A_94 = tpu.memref_slice %arg5[%dma_wait3A, %dma_wait3A_93] : memref<128x128xf32, #tpu.memory_space<vmem>> -> memref<64x128xf32, #tpu.memory_space<vmem>>
      %dma_wait3A_95 = arith.constant 0 : i32
      %dma_wait3A_96 = tpu.memref_slice %arg6[%multiple_of3A_45, %dma_wait3A_95] : memref<10240x128xf32, #tpu.memory_space<vmem_shared>> -> memref<64x128xf32, #tpu.memory_space<vmem_shared>>
      %dma_wait3A_97 = arith.constant 0 : i32
      %dma_wait3A_98 = tpu.memref_slice %arg6[%multiple_of3A_45, %dma_wait3A_97] : memref<10240x128xf32, #tpu.memory_space<vmem_shared>> -> memref<64x128xf32, #tpu.memory_space<vmem_shared>>
      %dma_wait3A_99 = arith.constant 0 : i32
      %dma_wait3A_100 = arith.constant 0 : i32
      %dma_wait3A_101 = tpu.memref_slice %arg5[%dma_wait3A_99, %dma_wait3A_100] : memref<128x128xf32, #tpu.memory_space<vmem>> -> memref<64x128xf32, #tpu.memory_space<vmem>>
      tpu.wait_dma2 semaphore(%run_scoped3A : memref<!tpu.dma_semaphore, #tpu.memory_space<semaphore_mem>>) src(%dma_wait3A_101 : memref<64x128xf32, #tpu.memory_space<vmem>>) dst(%dma_wait3A_98 : memref<64x128xf32, #tpu.memory_space<vmem_shared>>)
      tpu.yield
    }) : () -> ()
    %mul3A_46 = arith.constant 640 : i32
    %mul3A_47 = arith.muli %arg1, %mul3A_46 : i32
    %add3A_48 = arith.constant 512 : i32
    %add3A_49 = arith.addi %mul3A_47, %add3A_48 : i32
    %multiple_of3A_50 = tpu.assume_multiple %add3A_49, 64 : i32
    "tpu.region"() ({
      %run_scoped3A = tpu.sem_alloc : memref<!tpu.dma_semaphore, #tpu.memory_space<semaphore_mem>>
      %dma_start3A = arith.constant 0 : i32
      %dma_start3A_84 = arith.constant 0 : i32
      %dma_start3A_85 = tpu.memref_slice %arg5[%dma_start3A, %dma_start3A_84] : memref<128x128xf32, #tpu.memory_space<vmem>> -> memref<64x128xf32, #tpu.memory_space<vmem>>
      %dma_start3A_86 = arith.constant 0 : i32
      %dma_start3A_87 = tpu.memref_slice %arg6[%multiple_of3A_50, %dma_start3A_86] : memref<10240x128xf32, #tpu.memory_space<vmem_shared>> -> memref<64x128xf32, #tpu.memory_space<vmem_shared>>
      %dma_start3A_88 = arith.constant 0 : i32
      %dma_start3A_89 = tpu.memref_slice %arg6[%multiple_of3A_50, %dma_start3A_88] : memref<10240x128xf32, #tpu.memory_space<vmem_shared>> -> memref<64x128xf32, #tpu.memory_space<vmem_shared>>
      %dma_start3A_90 = arith.constant 0 : i32
      %dma_start3A_91 = arith.constant 0 : i32
      %dma_start3A_92 = tpu.memref_slice %arg5[%dma_start3A_90, %dma_start3A_91] : memref<128x128xf32, #tpu.memory_space<vmem>> -> memref<64x128xf32, #tpu.memory_space<vmem>>
      tpu.enqueue_dma source(%dma_start3A_92 : memref<64x128xf32, #tpu.memory_space<vmem>>) target(%dma_start3A_89 : memref<64x128xf32, #tpu.memory_space<vmem_shared>>) target_semaphore(%run_scoped3A : memref<!tpu.dma_semaphore, #tpu.memory_space<semaphore_mem>>)
      %dma_wait3A = arith.constant 0 : i32
      %dma_wait3A_93 = arith.constant 0 : i32
      %dma_wait3A_94 = tpu.memref_slice %arg5[%dma_wait3A, %dma_wait3A_93] : memref<128x128xf32, #tpu.memory_space<vmem>> -> memref<64x128xf32, #tpu.memory_space<vmem>>
      %dma_wait3A_95 = arith.constant 0 : i32
      %dma_wait3A_96 = tpu.memref_slice %arg6[%multiple_of3A_50, %dma_wait3A_95] : memref<10240x128xf32, #tpu.memory_space<vmem_shared>> -> memref<64x128xf32, #tpu.memory_space<vmem_shared>>
      %dma_wait3A_97 = arith.constant 0 : i32
      %dma_wait3A_98 = tpu.memref_slice %arg6[%multiple_of3A_50, %dma_wait3A_97] : memref<10240x128xf32, #tpu.memory_space<vmem_shared>> -> memref<64x128xf32, #tpu.memory_space<vmem_shared>>
      %dma_wait3A_99 = arith.constant 0 : i32
      %dma_wait3A_100 = arith.constant 0 : i32
      %dma_wait3A_101 = tpu.memref_slice %arg5[%dma_wait3A_99, %dma_wait3A_100] : memref<128x128xf32, #tpu.memory_space<vmem>> -> memref<64x128xf32, #tpu.memory_space<vmem>>
      tpu.wait_dma2 semaphore(%run_scoped3A : memref<!tpu.dma_semaphore, #tpu.memory_space<semaphore_mem>>) src(%dma_wait3A_101 : memref<64x128xf32, #tpu.memory_space<vmem>>) dst(%dma_wait3A_98 : memref<64x128xf32, #tpu.memory_space<vmem_shared>>)
      tpu.yield
    }) : () -> ()
    %mul3A_51 = arith.constant 640 : i32
    %mul3A_52 = arith.muli %arg1, %mul3A_51 : i32
    %add3A_53 = arith.constant 576 : i32
    %add3A_54 = arith.addi %mul3A_52, %add3A_53 : i32
    %multiple_of3A_55 = tpu.assume_multiple %add3A_54, 64 : i32
    "tpu.region"() ({
      %run_scoped3A = tpu.sem_alloc : memref<!tpu.dma_semaphore, #tpu.memory_space<semaphore_mem>>
      %dma_start3A = arith.constant 0 : i32
      %dma_start3A_84 = arith.constant 0 : i32
      %dma_start3A_85 = tpu.memref_slice %arg5[%dma_start3A, %dma_start3A_84] : memref<128x128xf32, #tpu.memory_space<vmem>> -> memref<64x128xf32, #tpu.memory_space<vmem>>
      %dma_start3A_86 = arith.constant 0 : i32
      %dma_start3A_87 = tpu.memref_slice %arg6[%multiple_of3A_55, %dma_start3A_86] : memref<10240x128xf32, #tpu.memory_space<vmem_shared>> -> memref<64x128xf32, #tpu.memory_space<vmem_shared>>
      %dma_start3A_88 = arith.constant 0 : i32
      %dma_start3A_89 = tpu.memref_slice %arg6[%multiple_of3A_55, %dma_start3A_88] : memref<10240x128xf32, #tpu.memory_space<vmem_shared>> -> memref<64x128xf32, #tpu.memory_space<vmem_shared>>
      %dma_start3A_90 = arith.constant 0 : i32
      %dma_start3A_91 = arith.constant 0 : i32
      %dma_start3A_92 = tpu.memref_slice %arg5[%dma_start3A_90, %dma_start3A_91] : memref<128x128xf32, #tpu.memory_space<vmem>> -> memref<64x128xf32, #tpu.memory_space<vmem>>
      tpu.enqueue_dma source(%dma_start3A_92 : memref<64x128xf32, #tpu.memory_space<vmem>>) target(%dma_start3A_89 : memref<64x128xf32, #tpu.memory_space<vmem_shared>>) target_semaphore(%run_scoped3A : memref<!tpu.dma_semaphore, #tpu.memory_space<semaphore_mem>>)
      %dma_wait3A = arith.constant 0 : i32
      %dma_wait3A_93 = arith.constant 0 : i32
      %dma_wait3A_94 = tpu.memref_slice %arg5[%dma_wait3A, %dma_wait3A_93] : memref<128x128xf32, #tpu.memory_space<vmem>> -> memref<64x128xf32, #tpu.memory_space<vmem>>
      %dma_wait3A_95 = arith.constant 0 : i32
      %dma_wait3A_96 = tpu.memref_slice %arg6[%multiple_of3A_55, %dma_wait3A_95] : memref<10240x128xf32, #tpu.memory_space<vmem_shared>> -> memref<64x128xf32, #tpu.memory_space<vmem_shared>>
      %dma_wait3A_97 = arith.constant 0 : i32
      %dma_wait3A_98 = tpu.memref_slice %arg6[%multiple_of3A_55, %dma_wait3A_97] : memref<10240x128xf32, #tpu.memory_space<vmem_shared>> -> memref<64x128xf32, #tpu.memory_space<vmem_shared>>
      %dma_wait3A_99 = arith.constant 0 : i32
      %dma_wait3A_100 = arith.constant 0 : i32
      %dma_wait3A_101 = tpu.memref_slice %arg5[%dma_wait3A_99, %dma_wait3A_100] : memref<128x128xf32, #tpu.memory_space<vmem>> -> memref<64x128xf32, #tpu.memory_space<vmem>>
      tpu.wait_dma2 semaphore(%run_scoped3A : memref<!tpu.dma_semaphore, #tpu.memory_space<semaphore_mem>>) src(%dma_wait3A_101 : memref<64x128xf32, #tpu.memory_space<vmem>>) dst(%dma_wait3A_98 : memref<64x128xf32, #tpu.memory_space<vmem_shared>>)
      tpu.yield
    }) : () -> ()
    %scan3A_56 = arith.constant 0 : i32
    %scan3A_57 = arith.constant 0 : i32
    %scan3A_58 = arith.constant 128 : i32
    %scan3A_59 = arith.addi %scan3A_57, %scan3A_58 : i32
    %scan3A_60 = arith.constant 1 : i32
    %scan3A_61 = scf.for %scan3A_84 = %scan3A_57 to %scan3A_59 step %scan3A_60 iter_args(%scan3A_85 = %scan3A_56) -> (i32)  : i32 {
      %broadcast_in_dim3A = arith.constant 1.000000e+00 : f32
      %broadcast_in_dim3A_86 = vector.broadcast %broadcast_in_dim3A : f32 to vector<16xf32>
      %swap3A = arith.index_cast %scan3A_84 : i32 to index
      %swap3A_87 = arith.constant 0 : index
      %swap3A_88 = tpu.vector_load %arg5[%swap3A, %swap3A_87] {strides = array<i32>} : memref<128x128xf32, #tpu.memory_space<vmem>>, vector<1x16xf32>,
      %swap3A_89 = vector.shape_cast %swap3A_88 : vector<1x16xf32> to vector<16xf32>
      %swap3A_90 = vector.shape_cast %broadcast_in_dim3A_86 : vector<16xf32> to vector<1x16xf32>
      tpu.vector_store %arg5[%swap3A, %swap3A_87], %swap3A_90 {strides = array<i32>} : memref<128x128xf32, #tpu.memory_space<vmem>>, vector<1x16xf32>,
      %broadcast_in_dim3A_91 = arith.constant 1.000000e+00 : f32
      %broadcast_in_dim3A_92 = vector.broadcast %broadcast_in_dim3A_91 : f32 to vector<16xf32>
      %swap3A_93 = arith.index_cast %scan3A_84 : i32 to index
      %swap3A_94 = arith.constant 16 : index
      %swap3A_95 = tpu.vector_load %arg5[%swap3A_93, %swap3A_94] {strides = array<i32>} : memref<128x128xf32, #tpu.memory_space<vmem>>, vector<1x16xf32>,
      %swap3A_96 = vector.shape_cast %swap3A_95 : vector<1x16xf32> to vector<16xf32>
      %swap3A_97 = vector.shape_cast %broadcast_in_dim3A_92 : vector<16xf32> to vector<1x16xf32>
      tpu.vector_store %arg5[%swap3A_93, %swap3A_94], %swap3A_97 {strides = array<i32>} : memref<128x128xf32, #tpu.memory_space<vmem>>, vector<1x16xf32>,
      %broadcast_in_dim3A_98 = arith.constant 1.000000e+00 : f32
      %broadcast_in_dim3A_99 = vector.broadcast %broadcast_in_dim3A_98 : f32 to vector<16xf32>
      %swap3A_100 = arith.index_cast %scan3A_84 : i32 to index
      %swap3A_101 = arith.constant 32 : index
      %swap3A_102 = tpu.vector_load %arg5[%swap3A_100, %swap3A_101] {strides = array<i32>} : memref<128x128xf32, #tpu.memory_space<vmem>>, vector<1x16xf32>,
      %swap3A_103 = vector.shape_cast %swap3A_102 : vector<1x16xf32> to vector<16xf32>
      %swap3A_104 = vector.shape_cast %broadcast_in_dim3A_99 : vector<16xf32> to vector<1x16xf32>
      tpu.vector_store %arg5[%swap3A_100, %swap3A_101], %swap3A_104 {strides = array<i32>} : memref<128x128xf32, #tpu.memory_space<vmem>>, vector<1x16xf32>,
      %broadcast_in_dim3A_105 = arith.constant 1.000000e+00 : f32
      %broadcast_in_dim3A_106 = vector.broadcast %broadcast_in_dim3A_105 : f32 to vector<16xf32>
      %swap3A_107 = arith.index_cast %scan3A_84 : i32 to index
      %swap3A_108 = arith.constant 48 : index
      %swap3A_109 = tpu.vector_load %arg5[%swap3A_107, %swap3A_108] {strides = array<i32>} : memref<128x128xf32, #tpu.memory_space<vmem>>, vector<1x16xf32>,
      %swap3A_110 = vector.shape_cast %swap3A_109 : vector<1x16xf32> to vector<16xf32>
      %swap3A_111 = vector.shape_cast %broadcast_in_dim3A_106 : vector<16xf32> to vector<1x16xf32>
      tpu.vector_store %arg5[%swap3A_107, %swap3A_108], %swap3A_111 {strides = array<i32>} : memref<128x128xf32, #tpu.memory_space<vmem>>, vector<1x16xf32>,
      %broadcast_in_dim3A_112 = arith.constant 1.000000e+00 : f32
      %broadcast_in_dim3A_113 = vector.broadcast %broadcast_in_dim3A_112 : f32 to vector<16xf32>
      %swap3A_114 = arith.index_cast %scan3A_84 : i32 to index
      %swap3A_115 = arith.constant 64 : index
      %swap3A_116 = tpu.vector_load %arg5[%swap3A_114, %swap3A_115] {strides = array<i32>} : memref<128x128xf32, #tpu.memory_space<vmem>>, vector<1x16xf32>,
      %swap3A_117 = vector.shape_cast %swap3A_116 : vector<1x16xf32> to vector<16xf32>
      %swap3A_118 = vector.shape_cast %broadcast_in_dim3A_113 : vector<16xf32> to vector<1x16xf32>
      tpu.vector_store %arg5[%swap3A_114, %swap3A_115], %swap3A_118 {strides = array<i32>} : memref<128x128xf32, #tpu.memory_space<vmem>>, vector<1x16xf32>,
      %broadcast_in_dim3A_119 = arith.constant 1.000000e+00 : f32
      %broadcast_in_dim3A_120 = vector.broadcast %broadcast_in_dim3A_119 : f32 to vector<16xf32>
      %swap3A_121 = arith.index_cast %scan3A_84 : i32 to index
      %swap3A_122 = arith.constant 80 : index
      %swap3A_123 = tpu.vector_load %arg5[%swap3A_121, %swap3A_122] {strides = array<i32>} : memref<128x128xf32, #tpu.memory_space<vmem>>, vector<1x16xf32>,
      %swap3A_124 = vector.shape_cast %swap3A_123 : vector<1x16xf32> to vector<16xf32>
      %swap3A_125 = vector.shape_cast %broadcast_in_dim3A_120 : vector<16xf32> to vector<1x16xf32>
      tpu.vector_store %arg5[%swap3A_121, %swap3A_122], %swap3A_125 {strides = array<i32>} : memref<128x128xf32, #tpu.memory_space<vmem>>, vector<1x16xf32>,
      %broadcast_in_dim3A_126 = arith.constant 1.000000e+00 : f32
      %broadcast_in_dim3A_127 = vector.broadcast %broadcast_in_dim3A_126 : f32 to vector<16xf32>
      %swap3A_128 = arith.index_cast %scan3A_84 : i32 to index
      %swap3A_129 = arith.constant 96 : index
      %swap3A_130 = tpu.vector_load %arg5[%swap3A_128, %swap3A_129] {strides = array<i32>} : memref<128x128xf32, #tpu.memory_space<vmem>>, vector<1x16xf32>,
      %swap3A_131 = vector.shape_cast %swap3A_130 : vector<1x16xf32> to vector<16xf32>
      %swap3A_132 = vector.shape_cast %broadcast_in_dim3A_127 : vector<16xf32> to vector<1x16xf32>
      tpu.vector_store %arg5[%swap3A_128, %swap3A_129], %swap3A_132 {strides = array<i32>} : memref<128x128xf32, #tpu.memory_space<vmem>>, vector<1x16xf32>,
      %broadcast_in_dim3A_133 = arith.constant 1.000000e+00 : f32
      %broadcast_in_dim3A_134 = vector.broadcast %broadcast_in_dim3A_133 : f32 to vector<16xf32>
      %swap3A_135 = arith.index_cast %scan3A_84 : i32 to index
      %swap3A_136 = arith.constant 112 : index
      %swap3A_137 = tpu.vector_load %arg5[%swap3A_135, %swap3A_136] {strides = array<i32>} : memref<128x128xf32, #tpu.memory_space<vmem>>, vector<1x16xf32>,
      %swap3A_138 = vector.shape_cast %swap3A_137 : vector<1x16xf32> to vector<16xf32>
      %swap3A_139 = vector.shape_cast %broadcast_in_dim3A_134 : vector<16xf32> to vector<1x16xf32>
      tpu.vector_store %arg5[%swap3A_135, %swap3A_136], %swap3A_139 {strides = array<i32>} : memref<128x128xf32, #tpu.memory_space<vmem>>, vector<1x16xf32>,
      %scan3A_140 = arith.constant 0 : i32
      scf.yield %scan3A_140 : i32
    }
    %scan3A_62 = arith.constant 128 : i32
    %mul3A_63 = arith.constant 80 : i32
    %mul3A_64 = arith.muli %add3A, %mul3A_63 : i32
    %multiple_of3A_65 = tpu.assume_multiple %mul3A_64, 8 : i32
    "tpu.region"() ({
      %run_scoped3A = tpu.sem_alloc : memref<!tpu.dma_semaphore, #tpu.memory_space<semaphore_mem>>
      %dma_start3A = arith.constant 0 : i32
      %dma_start3A_84 = tpu.memref_slice %arg2[%multiple_of3A_65, %dma_start3A] : memref<2560x128xi32, #tpu.memory_space<hbm>> -> memref<80x128xi32, #tpu.memory_space<hbm>>
      %dma_start3A_85 = arith.constant 0 : i32
      %dma_start3A_86 = tpu.memref_slice %arg2[%multiple_of3A_65, %dma_start3A_85] : memref<2560x128xi32, #tpu.memory_space<hbm>> -> memref<80x128xi32, #tpu.memory_space<hbm>>
      tpu.enqueue_dma source(%dma_start3A_86 : memref<80x128xi32, #tpu.memory_space<hbm>>) target(%arg4 : memref<80x128xi32, #tpu.memory_space<vmem>>) target_semaphore(%run_scoped3A : memref<!tpu.dma_semaphore, #tpu.memory_space<semaphore_mem>>)
      %dma_wait3A = arith.constant 0 : i32
      %dma_wait3A_87 = tpu.memref_slice %arg2[%multiple_of3A_65, %dma_wait3A] : memref<2560x128xi32, #tpu.memory_space<hbm>> -> memref<80x128xi32, #tpu.memory_space<hbm>>
      %dma_wait3A_88 = arith.constant 0 : i32
      %dma_wait3A_89 = tpu.memref_slice %arg2[%multiple_of3A_65, %dma_wait3A_88] : memref<2560x128xi32, #tpu.memory_space<hbm>> -> memref<80x128xi32, #tpu.memory_space<hbm>>
      tpu.wait_dma2 semaphore(%run_scoped3A : memref<!tpu.dma_semaphore, #tpu.memory_space<semaphore_mem>>) src(%dma_wait3A_89 : memref<80x128xi32, #tpu.memory_space<hbm>>) dst(%arg4 : memref<80x128xi32, #tpu.memory_space<vmem>>)
      tpu.yield
    }) : () -> ()
    %barrier3A = arith.constant 0 : index
    tpu.barrier barrier_id(%barrier3A)
    %scan3A_66 = arith.constant 0 : i32
    %scan3A_67 = arith.constant 0 : i32
    %scan3A_68 = arith.constant 80 : i32
    %scan3A_69 = arith.addi %scan3A_67, %scan3A_68 : i32
    %scan3A_70 = arith.constant 1 : i32
    %scan3A_71 = scf.for %scan3A_84 = %scan3A_67 to %scan3A_69 step %scan3A_70 iter_args(%scan3A_85 = %scan3A_66) -> (i32)  : i32 {
      %dma_start3A = arith.constant 0 : i32
      %dma_start3A_86 = tpu.memref_slice %arg4[%scan3A_84, %dma_start3A] : memref<80x128xi32, #tpu.memory_space<vmem>> -> memref<1x128xi32, #tpu.memory_space<vmem>>
      %dma_start3A_87 = tpu.memref_squeeze %dma_start3A_86 : memref<1x128xi32, #tpu.memory_space<vmem>> -> memref<128xi32, #tpu.memory_space<vmem>>
      %dma_start3A_88 = arith.constant 0 : i32
      %dma_start3A_89 = arith.constant 0 : i32
      %dma_start3A_90 = tpu.memref_slice %arg6[%dma_start3A_88, %dma_start3A_89] : memref<10240x128xf32, #tpu.memory_space<vmem_shared>> -> memref<10240x128xf32, #tpu.memory_space<vmem_shared>>
      tpu.enqueue_indirect_dma source(%arg5 : memref<128x128xf32, #tpu.memory_space<vmem>>) target(%dma_start3A_90 : memref<10240x128xf32, #tpu.memory_space<vmem_shared>>) offsets(%dma_start3A_87 : memref<128xi32, #tpu.memory_space<vmem>>) semaphore(%arg7 : memref<!tpu.dma_semaphore, #tpu.memory_space<semaphore_mem>>) {add = true}
      %scan3A_91 = arith.constant 0 : i32
      scf.yield %scan3A_91 : i32
    }
    %scan3A_72 = arith.constant 80 : i32
    %scan3A_73 = arith.constant 0 : i32
    %scan3A_74 = arith.constant 0 : i32
    %scan3A_75 = arith.constant 80 : i32
    %scan3A_76 = arith.addi %scan3A_74, %scan3A_75 : i32
    %scan3A_77 = arith.constant 1 : i32
    %scan3A_78 = scf.for %scan3A_84 = %scan3A_74 to %scan3A_76 step %scan3A_77 iter_args(%scan3A_85 = %scan3A_73) -> (i32)  : i32 {
      %dma_wait3A = arith.constant 0 : i32
      %dma_wait3A_86 = tpu.memref_slice %arg4[%scan3A_84, %dma_wait3A] : memref<80x128xi32, #tpu.memory_space<vmem>> -> memref<1x128xi32, #tpu.memory_space<vmem>>
      %dma_wait3A_87 = tpu.memref_squeeze %dma_wait3A_86 : memref<1x128xi32, #tpu.memory_space<vmem>> -> memref<128xi32, #tpu.memory_space<vmem>>
      %dma_wait3A_88 = arith.constant 0 : i32
      %dma_wait3A_89 = arith.constant 0 : i32
      %dma_wait3A_90 = tpu.memref_slice %arg6[%dma_wait3A_88, %dma_wait3A_89] : memref<10240x128xf32, #tpu.memory_space<vmem_shared>> -> memref<10240x128xf32, #tpu.memory_space<vmem_shared>>
      tpu.wait_indirect_dma semaphore(%arg7 : memref<!tpu.dma_semaphore, #tpu.memory_space<semaphore_mem>>) src(%arg5 : memref<128x128xf32, #tpu.memory_space<vmem>>) dst(%dma_wait3A_90 : memref<10240x128xf32, #tpu.memory_space<vmem_shared>>)
      %scan3A_91 = arith.constant 0 : i32
      scf.yield %scan3A_91 : i32
    }
    %scan3A_79 = arith.constant 80 : i32
    %barrier3A_80 = arith.constant 0 : index
    tpu.barrier barrier_id(%barrier3A_80)
    %mul3A_81 = arith.constant 640 : i32
    %mul3A_82 = arith.muli %arg1, %mul3A_81 : i32
    %multiple_of3A_83 = tpu.assume_multiple %mul3A_82, 64 : i32
    "tpu.region"() ({
      %run_scoped3A = tpu.sem_alloc : memref<!tpu.dma_semaphore, #tpu.memory_space<semaphore_mem>>
      %dma_start3A = arith.constant 0 : i32
      %dma_start3A_84 = tpu.memref_slice %arg3[%arg0, %multiple_of3A_83, %dma_start3A] : memref<2x10240x128xf32, #tpu.memory_space<hbm>> -> memref<1x640x128xf32, #tpu.memory_space<hbm>>
      %dma_start3A_85 = tpu.memref_squeeze %dma_start3A_84 : memref<1x640x128xf32, #tpu.memory_space<hbm>> -> memref<640x128xf32, #tpu.memory_space<hbm>>
      %dma_start3A_86 = arith.constant 0 : i32
      %dma_start3A_87 = tpu.memref_slice %arg6[%multiple_of3A_83, %dma_start3A_86] : memref<10240x128xf32, #tpu.memory_space<vmem_shared>> -> memref<640x128xf32, #tpu.memory_space<vmem_shared>>
      tpu.enqueue_dma source(%dma_start3A_87 : memref<640x128xf32, #tpu.memory_space<vmem_shared>>) target(%dma_start3A_85 : memref<640x128xf32, #tpu.memory_space<hbm>>) target_semaphore(%run_scoped3A : memref<!tpu.dma_semaphore, #tpu.memory_space<semaphore_mem>>)
      %dma_wait3A = arith.constant 0 : i32
      %dma_wait3A_88 = tpu.memref_slice %arg3[%arg0, %multiple_of3A_83, %dma_wait3A] : memref<2x10240x128xf32, #tpu.memory_space<hbm>> -> memref<1x640x128xf32, #tpu.memory_space<hbm>>
      %dma_wait3A_89 = tpu.memref_squeeze %dma_wait3A_88 : memref<1x640x128xf32, #tpu.memory_space<hbm>> -> memref<640x128xf32, #tpu.memory_space<hbm>>
      %dma_wait3A_90 = arith.constant 0 : i32
      %dma_wait3A_91 = tpu.memref_slice %arg6[%multiple_of3A_83, %dma_wait3A_90] : memref<10240x128xf32, #tpu.memory_space<vmem_shared>> -> memref<640x128xf32, #tpu.memory_space<vmem_shared>>
      tpu.wait_dma2 semaphore(%run_scoped3A : memref<!tpu.dma_semaphore, #tpu.memory_space<semaphore_mem>>) src(%dma_wait3A_91 : memref<640x128xf32, #tpu.memory_space<vmem_shared>>) dst(%dma_wait3A_89 : memref<640x128xf32, #tpu.memory_space<hbm>>)
      tpu.yield
    }) : () -> ()
    return
  }
}

#map = affine_map<(d0, d1) -> (0, 0)>
#map1 = affine_map<(d0, d1) -> (0, 0, 0)>
module attributes {stable_mosaic.version = 14 : i64} {
  func.func @_sc_agg(%arg0: i32, %arg1: i32, %arg2: memref<10000x128xf32, #tpu.memory_space<hbm>>, %arg3: memref<2560x128xi32, #tpu.memory_space<hbm>>, %arg4: memref<2560x128xi32, #tpu.memory_space<hbm>>, %arg5: memref<2x10240x128xf32, #tpu.memory_space<hbm>>, %arg6: memref<40x128xi32, #tpu.memory_space<vmem>>, %arg7: memref<40x128xi32, #tpu.memory_space<vmem>>, %arg8: memref<128x128xf32, #tpu.memory_space<vmem>>, %arg9: memref<128x128xf32, #tpu.memory_space<vmem>>, %arg10: memref<10240x128xf32, #tpu.memory_space<vmem_shared>>, %arg11: memref<!tpu.dma_semaphore, #tpu.memory_space<semaphore_mem>>, %arg12: memref<!tpu.dma_semaphore, #tpu.memory_space<semaphore_mem>>, %arg13: memref<!tpu.dma_semaphore, #tpu.memory_space<semaphore_mem>>, %arg14: memref<!tpu.dma_semaphore, #tpu.memory_space<semaphore_mem>>) attributes {dimension_semantics = [#tpu.dimension_semantics<core_parallel>, #tpu.dimension_semantics<subcore_parallel>], iteration_bounds = array<i64: 2, 16>, scalar_prefetch = 0 : i64, scratch_operands = 9 : i64, tpu.core_type = #tpu.core_type<sc_vector_subcore>, window_params = [{transform_indices = #map}, {transform_indices = #map}, {transform_indices = #map}, {transform_indices = #map1}]} {
    %mul3A = arith.constant 16 : i32
    %mul3A_0 = arith.muli %arg0, %mul3A : i32
    %add3A = arith.addi %mul3A_0, %arg1 : i32
    %scan3A = arith.constant 0 : i32
    %scan3A_1 = arith.constant 0 : i32
    %scan3A_2 = arith.constant 128 : i32
    %scan3A_3 = arith.addi %scan3A_1, %scan3A_2 : i32
    %scan3A_4 = arith.constant 1 : i32
    %scan3A_5 = scf.for %scan3A_169 = %scan3A_1 to %scan3A_3 step %scan3A_4 iter_args(%scan3A_170 = %scan3A) -> (i32)  : i32 {
      %broadcast_in_dim3A = arith.constant 0.000000e+00 : f32
      %broadcast_in_dim3A_171 = vector.broadcast %broadcast_in_dim3A : f32 to vector<16xf32>
      %swap3A = arith.index_cast %scan3A_169 : i32 to index
      %swap3A_172 = arith.constant 0 : index
      %swap3A_173 = tpu.vector_load %arg8[%swap3A, %swap3A_172] {strides = array<i32>} : memref<128x128xf32, #tpu.memory_space<vmem>>, vector<1x16xf32>,
      %swap3A_174 = vector.shape_cast %swap3A_173 : vector<1x16xf32> to vector<16xf32>
      %swap3A_175 = vector.shape_cast %broadcast_in_dim3A_171 : vector<16xf32> to vector<1x16xf32>
      tpu.vector_store %arg8[%swap3A, %swap3A_172], %swap3A_175 {strides = array<i32>} : memref<128x128xf32, #tpu.memory_space<vmem>>, vector<1x16xf32>,
      %broadcast_in_dim3A_176 = arith.constant 0.000000e+00 : f32
      %broadcast_in_dim3A_177 = vector.broadcast %broadcast_in_dim3A_176 : f32 to vector<16xf32>
      %swap3A_178 = arith.index_cast %scan3A_169 : i32 to index
      %swap3A_179 = arith.constant 16 : index
      %swap3A_180 = tpu.vector_load %arg8[%swap3A_178, %swap3A_179] {strides = array<i32>} : memref<128x128xf32, #tpu.memory_space<vmem>>, vector<1x16xf32>,
      %swap3A_181 = vector.shape_cast %swap3A_180 : vector<1x16xf32> to vector<16xf32>
      %swap3A_182 = vector.shape_cast %broadcast_in_dim3A_177 : vector<16xf32> to vector<1x16xf32>
      tpu.vector_store %arg8[%swap3A_178, %swap3A_179], %swap3A_182 {strides = array<i32>} : memref<128x128xf32, #tpu.memory_space<vmem>>, vector<1x16xf32>,
      %broadcast_in_dim3A_183 = arith.constant 0.000000e+00 : f32
      %broadcast_in_dim3A_184 = vector.broadcast %broadcast_in_dim3A_183 : f32 to vector<16xf32>
      %swap3A_185 = arith.index_cast %scan3A_169 : i32 to index
      %swap3A_186 = arith.constant 32 : index
      %swap3A_187 = tpu.vector_load %arg8[%swap3A_185, %swap3A_186] {strides = array<i32>} : memref<128x128xf32, #tpu.memory_space<vmem>>, vector<1x16xf32>,
      %swap3A_188 = vector.shape_cast %swap3A_187 : vector<1x16xf32> to vector<16xf32>
      %swap3A_189 = vector.shape_cast %broadcast_in_dim3A_184 : vector<16xf32> to vector<1x16xf32>
      tpu.vector_store %arg8[%swap3A_185, %swap3A_186], %swap3A_189 {strides = array<i32>} : memref<128x128xf32, #tpu.memory_space<vmem>>, vector<1x16xf32>,
      %broadcast_in_dim3A_190 = arith.constant 0.000000e+00 : f32
      %broadcast_in_dim3A_191 = vector.broadcast %broadcast_in_dim3A_190 : f32 to vector<16xf32>
      %swap3A_192 = arith.index_cast %scan3A_169 : i32 to index
      %swap3A_193 = arith.constant 48 : index
      %swap3A_194 = tpu.vector_load %arg8[%swap3A_192, %swap3A_193] {strides = array<i32>} : memref<128x128xf32, #tpu.memory_space<vmem>>, vector<1x16xf32>,
      %swap3A_195 = vector.shape_cast %swap3A_194 : vector<1x16xf32> to vector<16xf32>
      %swap3A_196 = vector.shape_cast %broadcast_in_dim3A_191 : vector<16xf32> to vector<1x16xf32>
      tpu.vector_store %arg8[%swap3A_192, %swap3A_193], %swap3A_196 {strides = array<i32>} : memref<128x128xf32, #tpu.memory_space<vmem>>, vector<1x16xf32>,
      %broadcast_in_dim3A_197 = arith.constant 0.000000e+00 : f32
      %broadcast_in_dim3A_198 = vector.broadcast %broadcast_in_dim3A_197 : f32 to vector<16xf32>
      %swap3A_199 = arith.index_cast %scan3A_169 : i32 to index
      %swap3A_200 = arith.constant 64 : index
      %swap3A_201 = tpu.vector_load %arg8[%swap3A_199, %swap3A_200] {strides = array<i32>} : memref<128x128xf32, #tpu.memory_space<vmem>>, vector<1x16xf32>,
      %swap3A_202 = vector.shape_cast %swap3A_201 : vector<1x16xf32> to vector<16xf32>
      %swap3A_203 = vector.shape_cast %broadcast_in_dim3A_198 : vector<16xf32> to vector<1x16xf32>
      tpu.vector_store %arg8[%swap3A_199, %swap3A_200], %swap3A_203 {strides = array<i32>} : memref<128x128xf32, #tpu.memory_space<vmem>>, vector<1x16xf32>,
      %broadcast_in_dim3A_204 = arith.constant 0.000000e+00 : f32
      %broadcast_in_dim3A_205 = vector.broadcast %broadcast_in_dim3A_204 : f32 to vector<16xf32>
      %swap3A_206 = arith.index_cast %scan3A_169 : i32 to index
      %swap3A_207 = arith.constant 80 : index
      %swap3A_208 = tpu.vector_load %arg8[%swap3A_206, %swap3A_207] {strides = array<i32>} : memref<128x128xf32, #tpu.memory_space<vmem>>, vector<1x16xf32>,
      %swap3A_209 = vector.shape_cast %swap3A_208 : vector<1x16xf32> to vector<16xf32>
      %swap3A_210 = vector.shape_cast %broadcast_in_dim3A_205 : vector<16xf32> to vector<1x16xf32>
      tpu.vector_store %arg8[%swap3A_206, %swap3A_207], %swap3A_210 {strides = array<i32>} : memref<128x128xf32, #tpu.memory_space<vmem>>, vector<1x16xf32>,
      %broadcast_in_dim3A_211 = arith.constant 0.000000e+00 : f32
      %broadcast_in_dim3A_212 = vector.broadcast %broadcast_in_dim3A_211 : f32 to vector<16xf32>
      %swap3A_213 = arith.index_cast %scan3A_169 : i32 to index
      %swap3A_214 = arith.constant 96 : index
      %swap3A_215 = tpu.vector_load %arg8[%swap3A_213, %swap3A_214] {strides = array<i32>} : memref<128x128xf32, #tpu.memory_space<vmem>>, vector<1x16xf32>,
      %swap3A_216 = vector.shape_cast %swap3A_215 : vector<1x16xf32> to vector<16xf32>
      %swap3A_217 = vector.shape_cast %broadcast_in_dim3A_212 : vector<16xf32> to vector<1x16xf32>
      tpu.vector_store %arg8[%swap3A_213, %swap3A_214], %swap3A_217 {strides = array<i32>} : memref<128x128xf32, #tpu.memory_space<vmem>>, vector<1x16xf32>,
      %broadcast_in_dim3A_218 = arith.constant 0.000000e+00 : f32
      %broadcast_in_dim3A_219 = vector.broadcast %broadcast_in_dim3A_218 : f32 to vector<16xf32>
      %swap3A_220 = arith.index_cast %scan3A_169 : i32 to index
      %swap3A_221 = arith.constant 112 : index
      %swap3A_222 = tpu.vector_load %arg8[%swap3A_220, %swap3A_221] {strides = array<i32>} : memref<128x128xf32, #tpu.memory_space<vmem>>, vector<1x16xf32>,
      %swap3A_223 = vector.shape_cast %swap3A_222 : vector<1x16xf32> to vector<16xf32>
      %swap3A_224 = vector.shape_cast %broadcast_in_dim3A_219 : vector<16xf32> to vector<1x16xf32>
      tpu.vector_store %arg8[%swap3A_220, %swap3A_221], %swap3A_224 {strides = array<i32>} : memref<128x128xf32, #tpu.memory_space<vmem>>, vector<1x16xf32>,
      %scan3A_225 = arith.constant 0 : i32
      scf.yield %scan3A_225 : i32
    }
    %scan3A_6 = arith.constant 128 : i32
    %mul3A_7 = arith.constant 640 : i32
    %mul3A_8 = arith.muli %arg1, %mul3A_7 : i32
    %add3A_9 = arith.constant 0 : i32
    %add3A_10 = arith.addi %mul3A_8, %add3A_9 : i32
    %multiple_of3A = tpu.assume_multiple %add3A_10, 64 : i32
    "tpu.region"() ({
      %run_scoped3A = tpu.sem_alloc : memref<!tpu.dma_semaphore, #tpu.memory_space<semaphore_mem>>
      %dma_start3A_169 = arith.constant 0 : i32
      %dma_start3A_170 = tpu.memref_slice %arg10[%multiple_of3A, %dma_start3A_169] : memref<10240x128xf32, #tpu.memory_space<vmem_shared>> -> memref<128x128xf32, #tpu.memory_space<vmem_shared>>
      %dma_start3A_171 = arith.constant 0 : i32
      %dma_start3A_172 = tpu.memref_slice %arg10[%multiple_of3A, %dma_start3A_171] : memref<10240x128xf32, #tpu.memory_space<vmem_shared>> -> memref<128x128xf32, #tpu.memory_space<vmem_shared>>
      tpu.enqueue_dma source(%arg8 : memref<128x128xf32, #tpu.memory_space<vmem>>) target(%dma_start3A_172 : memref<128x128xf32, #tpu.memory_space<vmem_shared>>) target_semaphore(%run_scoped3A : memref<!tpu.dma_semaphore, #tpu.memory_space<semaphore_mem>>)
      %dma_wait3A_173 = arith.constant 0 : i32
      %dma_wait3A_174 = tpu.memref_slice %arg10[%multiple_of3A, %dma_wait3A_173] : memref<10240x128xf32, #tpu.memory_space<vmem_shared>> -> memref<128x128xf32, #tpu.memory_space<vmem_shared>>
      %dma_wait3A_175 = arith.constant 0 : i32
      %dma_wait3A_176 = tpu.memref_slice %arg10[%multiple_of3A, %dma_wait3A_175] : memref<10240x128xf32, #tpu.memory_space<vmem_shared>> -> memref<128x128xf32, #tpu.memory_space<vmem_shared>>
      tpu.wait_dma2 semaphore(%run_scoped3A : memref<!tpu.dma_semaphore, #tpu.memory_space<semaphore_mem>>) src(%arg8 : memref<128x128xf32, #tpu.memory_space<vmem>>) dst(%dma_wait3A_176 : memref<128x128xf32, #tpu.memory_space<vmem_shared>>)
      tpu.yield
    }) : () -> ()
    %mul3A_11 = arith.constant 640 : i32
    %mul3A_12 = arith.muli %arg1, %mul3A_11 : i32
    %add3A_13 = arith.constant 128 : i32
    %add3A_14 = arith.addi %mul3A_12, %add3A_13 : i32
    %multiple_of3A_15 = tpu.assume_multiple %add3A_14, 64 : i32
    "tpu.region"() ({
      %run_scoped3A = tpu.sem_alloc : memref<!tpu.dma_semaphore, #tpu.memory_space<semaphore_mem>>
      %dma_start3A_169 = arith.constant 0 : i32
      %dma_start3A_170 = tpu.memref_slice %arg10[%multiple_of3A_15, %dma_start3A_169] : memref<10240x128xf32, #tpu.memory_space<vmem_shared>> -> memref<128x128xf32, #tpu.memory_space<vmem_shared>>
      %dma_start3A_171 = arith.constant 0 : i32
      %dma_start3A_172 = tpu.memref_slice %arg10[%multiple_of3A_15, %dma_start3A_171] : memref<10240x128xf32, #tpu.memory_space<vmem_shared>> -> memref<128x128xf32, #tpu.memory_space<vmem_shared>>
      tpu.enqueue_dma source(%arg8 : memref<128x128xf32, #tpu.memory_space<vmem>>) target(%dma_start3A_172 : memref<128x128xf32, #tpu.memory_space<vmem_shared>>) target_semaphore(%run_scoped3A : memref<!tpu.dma_semaphore, #tpu.memory_space<semaphore_mem>>)
      %dma_wait3A_173 = arith.constant 0 : i32
      %dma_wait3A_174 = tpu.memref_slice %arg10[%multiple_of3A_15, %dma_wait3A_173] : memref<10240x128xf32, #tpu.memory_space<vmem_shared>> -> memref<128x128xf32, #tpu.memory_space<vmem_shared>>
      %dma_wait3A_175 = arith.constant 0 : i32
      %dma_wait3A_176 = tpu.memref_slice %arg10[%multiple_of3A_15, %dma_wait3A_175] : memref<10240x128xf32, #tpu.memory_space<vmem_shared>> -> memref<128x128xf32, #tpu.memory_space<vmem_shared>>
      tpu.wait_dma2 semaphore(%run_scoped3A : memref<!tpu.dma_semaphore, #tpu.memory_space<semaphore_mem>>) src(%arg8 : memref<128x128xf32, #tpu.memory_space<vmem>>) dst(%dma_wait3A_176 : memref<128x128xf32, #tpu.memory_space<vmem_shared>>)
      tpu.yield
    }) : () -> ()
    %mul3A_16 = arith.constant 640 : i32
    %mul3A_17 = arith.muli %arg1, %mul3A_16 : i32
    %add3A_18 = arith.constant 256 : i32
    %add3A_19 = arith.addi %mul3A_17, %add3A_18 : i32
    %multiple_of3A_20 = tpu.assume_multiple %add3A_19, 64 : i32
    "tpu.region"() ({
      %run_scoped3A = tpu.sem_alloc : memref<!tpu.dma_semaphore, #tpu.memory_space<semaphore_mem>>
      %dma_start3A_169 = arith.constant 0 : i32
      %dma_start3A_170 = tpu.memref_slice %arg10[%multiple_of3A_20, %dma_start3A_169] : memref<10240x128xf32, #tpu.memory_space<vmem_shared>> -> memref<128x128xf32, #tpu.memory_space<vmem_shared>>
      %dma_start3A_171 = arith.constant 0 : i32
      %dma_start3A_172 = tpu.memref_slice %arg10[%multiple_of3A_20, %dma_start3A_171] : memref<10240x128xf32, #tpu.memory_space<vmem_shared>> -> memref<128x128xf32, #tpu.memory_space<vmem_shared>>
      tpu.enqueue_dma source(%arg8 : memref<128x128xf32, #tpu.memory_space<vmem>>) target(%dma_start3A_172 : memref<128x128xf32, #tpu.memory_space<vmem_shared>>) target_semaphore(%run_scoped3A : memref<!tpu.dma_semaphore, #tpu.memory_space<semaphore_mem>>)
      %dma_wait3A_173 = arith.constant 0 : i32
      %dma_wait3A_174 = tpu.memref_slice %arg10[%multiple_of3A_20, %dma_wait3A_173] : memref<10240x128xf32, #tpu.memory_space<vmem_shared>> -> memref<128x128xf32, #tpu.memory_space<vmem_shared>>
      %dma_wait3A_175 = arith.constant 0 : i32
      %dma_wait3A_176 = tpu.memref_slice %arg10[%multiple_of3A_20, %dma_wait3A_175] : memref<10240x128xf32, #tpu.memory_space<vmem_shared>> -> memref<128x128xf32, #tpu.memory_space<vmem_shared>>
      tpu.wait_dma2 semaphore(%run_scoped3A : memref<!tpu.dma_semaphore, #tpu.memory_space<semaphore_mem>>) src(%arg8 : memref<128x128xf32, #tpu.memory_space<vmem>>) dst(%dma_wait3A_176 : memref<128x128xf32, #tpu.memory_space<vmem_shared>>)
      tpu.yield
    }) : () -> ()
    %mul3A_21 = arith.constant 640 : i32
    %mul3A_22 = arith.muli %arg1, %mul3A_21 : i32
    %add3A_23 = arith.constant 384 : i32
    %add3A_24 = arith.addi %mul3A_22, %add3A_23 : i32
    %multiple_of3A_25 = tpu.assume_multiple %add3A_24, 64 : i32
    "tpu.region"() ({
      %run_scoped3A = tpu.sem_alloc : memref<!tpu.dma_semaphore, #tpu.memory_space<semaphore_mem>>
      %dma_start3A_169 = arith.constant 0 : i32
      %dma_start3A_170 = tpu.memref_slice %arg10[%multiple_of3A_25, %dma_start3A_169] : memref<10240x128xf32, #tpu.memory_space<vmem_shared>> -> memref<128x128xf32, #tpu.memory_space<vmem_shared>>
      %dma_start3A_171 = arith.constant 0 : i32
      %dma_start3A_172 = tpu.memref_slice %arg10[%multiple_of3A_25, %dma_start3A_171] : memref<10240x128xf32, #tpu.memory_space<vmem_shared>> -> memref<128x128xf32, #tpu.memory_space<vmem_shared>>
      tpu.enqueue_dma source(%arg8 : memref<128x128xf32, #tpu.memory_space<vmem>>) target(%dma_start3A_172 : memref<128x128xf32, #tpu.memory_space<vmem_shared>>) target_semaphore(%run_scoped3A : memref<!tpu.dma_semaphore, #tpu.memory_space<semaphore_mem>>)
      %dma_wait3A_173 = arith.constant 0 : i32
      %dma_wait3A_174 = tpu.memref_slice %arg10[%multiple_of3A_25, %dma_wait3A_173] : memref<10240x128xf32, #tpu.memory_space<vmem_shared>> -> memref<128x128xf32, #tpu.memory_space<vmem_shared>>
      %dma_wait3A_175 = arith.constant 0 : i32
      %dma_wait3A_176 = tpu.memref_slice %arg10[%multiple_of3A_25, %dma_wait3A_175] : memref<10240x128xf32, #tpu.memory_space<vmem_shared>> -> memref<128x128xf32, #tpu.memory_space<vmem_shared>>
      tpu.wait_dma2 semaphore(%run_scoped3A : memref<!tpu.dma_semaphore, #tpu.memory_space<semaphore_mem>>) src(%arg8 : memref<128x128xf32, #tpu.memory_space<vmem>>) dst(%dma_wait3A_176 : memref<128x128xf32, #tpu.memory_space<vmem_shared>>)
      tpu.yield
    }) : () -> ()
    %mul3A_26 = arith.constant 640 : i32
    %mul3A_27 = arith.muli %arg1, %mul3A_26 : i32
    %add3A_28 = arith.constant 512 : i32
    %add3A_29 = arith.addi %mul3A_27, %add3A_28 : i32
    %multiple_of3A_30 = tpu.assume_multiple %add3A_29, 64 : i32
    "tpu.region"() ({
      %run_scoped3A = tpu.sem_alloc : memref<!tpu.dma_semaphore, #tpu.memory_space<semaphore_mem>>
      %dma_start3A_169 = arith.constant 0 : i32
      %dma_start3A_170 = tpu.memref_slice %arg10[%multiple_of3A_30, %dma_start3A_169] : memref<10240x128xf32, #tpu.memory_space<vmem_shared>> -> memref<128x128xf32, #tpu.memory_space<vmem_shared>>
      %dma_start3A_171 = arith.constant 0 : i32
      %dma_start3A_172 = tpu.memref_slice %arg10[%multiple_of3A_30, %dma_start3A_171] : memref<10240x128xf32, #tpu.memory_space<vmem_shared>> -> memref<128x128xf32, #tpu.memory_space<vmem_shared>>
      tpu.enqueue_dma source(%arg8 : memref<128x128xf32, #tpu.memory_space<vmem>>) target(%dma_start3A_172 : memref<128x128xf32, #tpu.memory_space<vmem_shared>>) target_semaphore(%run_scoped3A : memref<!tpu.dma_semaphore, #tpu.memory_space<semaphore_mem>>)
      %dma_wait3A_173 = arith.constant 0 : i32
      %dma_wait3A_174 = tpu.memref_slice %arg10[%multiple_of3A_30, %dma_wait3A_173] : memref<10240x128xf32, #tpu.memory_space<vmem_shared>> -> memref<128x128xf32, #tpu.memory_space<vmem_shared>>
      %dma_wait3A_175 = arith.constant 0 : i32
      %dma_wait3A_176 = tpu.memref_slice %arg10[%multiple_of3A_30, %dma_wait3A_175] : memref<10240x128xf32, #tpu.memory_space<vmem_shared>> -> memref<128x128xf32, #tpu.memory_space<vmem_shared>>
      tpu.wait_dma2 semaphore(%run_scoped3A : memref<!tpu.dma_semaphore, #tpu.memory_space<semaphore_mem>>) src(%arg8 : memref<128x128xf32, #tpu.memory_space<vmem>>) dst(%dma_wait3A_176 : memref<128x128xf32, #tpu.memory_space<vmem_shared>>)
      tpu.yield
    }) : () -> ()
    %barrier3A = arith.constant 0 : index
    tpu.barrier barrier_id(%barrier3A)
    %mul3A_31 = arith.constant 80 : i32
    %mul3A_32 = arith.muli %add3A, %mul3A_31 : i32
    %add3A_33 = arith.constant 0 : i32
    %add3A_34 = arith.addi %mul3A_32, %add3A_33 : i32
    %multiple_of3A_35 = tpu.assume_multiple %add3A_34, 8 : i32
    "tpu.region"() ({
      %run_scoped3A = tpu.sem_alloc : memref<!tpu.dma_semaphore, #tpu.memory_space<semaphore_mem>>
      %dma_start3A_169 = arith.constant 0 : i32
      %dma_start3A_170 = tpu.memref_slice %arg3[%multiple_of3A_35, %dma_start3A_169] : memref<2560x128xi32, #tpu.memory_space<hbm>> -> memref<40x128xi32, #tpu.memory_space<hbm>>
      %dma_start3A_171 = arith.constant 0 : i32
      %dma_start3A_172 = tpu.memref_slice %arg3[%multiple_of3A_35, %dma_start3A_171] : memref<2560x128xi32, #tpu.memory_space<hbm>> -> memref<40x128xi32, #tpu.memory_space<hbm>>
      tpu.enqueue_dma source(%dma_start3A_172 : memref<40x128xi32, #tpu.memory_space<hbm>>) target(%arg6 : memref<40x128xi32, #tpu.memory_space<vmem>>) target_semaphore(%run_scoped3A : memref<!tpu.dma_semaphore, #tpu.memory_space<semaphore_mem>>)
      %dma_wait3A_173 = arith.constant 0 : i32
      %dma_wait3A_174 = tpu.memref_slice %arg3[%multiple_of3A_35, %dma_wait3A_173] : memref<2560x128xi32, #tpu.memory_space<hbm>> -> memref<40x128xi32, #tpu.memory_space<hbm>>
      %dma_wait3A_175 = arith.constant 0 : i32
      %dma_wait3A_176 = tpu.memref_slice %arg3[%multiple_of3A_35, %dma_wait3A_175] : memref<2560x128xi32, #tpu.memory_space<hbm>> -> memref<40x128xi32, #tpu.memory_space<hbm>>
      tpu.wait_dma2 semaphore(%run_scoped3A : memref<!tpu.dma_semaphore, #tpu.memory_space<semaphore_mem>>) src(%dma_wait3A_176 : memref<40x128xi32, #tpu.memory_space<hbm>>) dst(%arg6 : memref<40x128xi32, #tpu.memory_space<vmem>>)
      tpu.yield
    }) : () -> ()
    "tpu.region"() ({
      %run_scoped3A = tpu.sem_alloc : memref<!tpu.dma_semaphore, #tpu.memory_space<semaphore_mem>>
      %dma_start3A_169 = arith.constant 0 : i32
      %dma_start3A_170 = tpu.memref_slice %arg4[%multiple_of3A_35, %dma_start3A_169] : memref<2560x128xi32, #tpu.memory_space<hbm>> -> memref<40x128xi32, #tpu.memory_space<hbm>>
      %dma_start3A_171 = arith.constant 0 : i32
      %dma_start3A_172 = tpu.memref_slice %arg4[%multiple_of3A_35, %dma_start3A_171] : memref<2560x128xi32, #tpu.memory_space<hbm>> -> memref<40x128xi32, #tpu.memory_space<hbm>>
      tpu.enqueue_dma source(%dma_start3A_172 : memref<40x128xi32, #tpu.memory_space<hbm>>) target(%arg7 : memref<40x128xi32, #tpu.memory_space<vmem>>) target_semaphore(%run_scoped3A : memref<!tpu.dma_semaphore, #tpu.memory_space<semaphore_mem>>)
      %dma_wait3A_173 = arith.constant 0 : i32
      %dma_wait3A_174 = tpu.memref_slice %arg4[%multiple_of3A_35, %dma_wait3A_173] : memref<2560x128xi32, #tpu.memory_space<hbm>> -> memref<40x128xi32, #tpu.memory_space<hbm>>
      %dma_wait3A_175 = arith.constant 0 : i32
      %dma_wait3A_176 = tpu.memref_slice %arg4[%multiple_of3A_35, %dma_wait3A_175] : memref<2560x128xi32, #tpu.memory_space<hbm>> -> memref<40x128xi32, #tpu.memory_space<hbm>>
      tpu.wait_dma2 semaphore(%run_scoped3A : memref<!tpu.dma_semaphore, #tpu.memory_space<semaphore_mem>>) src(%dma_wait3A_176 : memref<40x128xi32, #tpu.memory_space<hbm>>) dst(%arg7 : memref<40x128xi32, #tpu.memory_space<vmem>>)
      tpu.yield
    }) : () -> ()
    %dma_start3A = arith.constant 0 : i32
    %dma_start3A_36 = arith.constant 0 : i32
    %dma_start3A_37 = tpu.memref_slice %arg6[%dma_start3A, %dma_start3A_36] : memref<40x128xi32, #tpu.memory_space<vmem>> -> memref<1x128xi32, #tpu.memory_space<vmem>>
    %dma_start3A_38 = tpu.memref_squeeze %dma_start3A_37 : memref<1x128xi32, #tpu.memory_space<vmem>> -> memref<128xi32, #tpu.memory_space<vmem>>
    %dma_start3A_39 = arith.constant 0 : i32
    %dma_start3A_40 = arith.constant 0 : i32
    %dma_start3A_41 = tpu.memref_slice %arg2[%dma_start3A_39, %dma_start3A_40] : memref<10000x128xf32, #tpu.memory_space<hbm>> -> memref<10000x128xf32, #tpu.memory_space<hbm>>
    tpu.enqueue_indirect_dma source(%dma_start3A_41 : memref<10000x128xf32, #tpu.memory_space<hbm>>) target(%arg8 : memref<128x128xf32, #tpu.memory_space<vmem>>) offsets(%dma_start3A_38 : memref<128xi32, #tpu.memory_space<vmem>>) semaphore(%arg11 : memref<!tpu.dma_semaphore, #tpu.memory_space<semaphore_mem>>)
    %dma_start3A_42 = arith.constant 1 : i32
    %dma_start3A_43 = arith.constant 0 : i32
    %dma_start3A_44 = tpu.memref_slice %arg6[%dma_start3A_42, %dma_start3A_43] : memref<40x128xi32, #tpu.memory_space<vmem>> -> memref<1x128xi32, #tpu.memory_space<vmem>>
    %dma_start3A_45 = tpu.memref_squeeze %dma_start3A_44 : memref<1x128xi32, #tpu.memory_space<vmem>> -> memref<128xi32, #tpu.memory_space<vmem>>
    %dma_start3A_46 = arith.constant 0 : i32
    %dma_start3A_47 = arith.constant 0 : i32
    %dma_start3A_48 = tpu.memref_slice %arg2[%dma_start3A_46, %dma_start3A_47] : memref<10000x128xf32, #tpu.memory_space<hbm>> -> memref<10000x128xf32, #tpu.memory_space<hbm>>
    tpu.enqueue_indirect_dma source(%dma_start3A_48 : memref<10000x128xf32, #tpu.memory_space<hbm>>) target(%arg9 : memref<128x128xf32, #tpu.memory_space<vmem>>) offsets(%dma_start3A_45 : memref<128xi32, #tpu.memory_space<vmem>>) semaphore(%arg12 : memref<!tpu.dma_semaphore, #tpu.memory_space<semaphore_mem>>)
    %scan3A_49 = arith.constant 0 : i32
    %scan3A_50 = arith.constant 0 : i32
    %scan3A_51 = arith.constant 19 : i32
    %scan3A_52 = arith.addi %scan3A_50, %scan3A_51 : i32
    %scan3A_53 = arith.constant 1 : i32
    %scan3A_54 = scf.for %scan3A_169 = %scan3A_50 to %scan3A_52 step %scan3A_53 iter_args(%scan3A_170 = %scan3A_49) -> (i32)  : i32 {
      %mul3A_171 = arith.constant 2 : i32
      %mul3A_172 = arith.muli %mul3A_171, %scan3A_169 : i32
      %dma_wait3A_173 = arith.constant 0 : i32
      %dma_wait3A_174 = tpu.memref_slice %arg6[%mul3A_172, %dma_wait3A_173] : memref<40x128xi32, #tpu.memory_space<vmem>> -> memref<1x128xi32, #tpu.memory_space<vmem>>
      %dma_wait3A_175 = tpu.memref_squeeze %dma_wait3A_174 : memref<1x128xi32, #tpu.memory_space<vmem>> -> memref<128xi32, #tpu.memory_space<vmem>>
      %dma_wait3A_176 = arith.constant 0 : i32
      %dma_wait3A_177 = arith.constant 0 : i32
      %dma_wait3A_178 = tpu.memref_slice %arg2[%dma_wait3A_176, %dma_wait3A_177] : memref<10000x128xf32, #tpu.memory_space<hbm>> -> memref<10000x128xf32, #tpu.memory_space<hbm>>
      tpu.wait_indirect_dma semaphore(%arg11 : memref<!tpu.dma_semaphore, #tpu.memory_space<semaphore_mem>>) src(%dma_wait3A_178 : memref<10000x128xf32, #tpu.memory_space<hbm>>) dst(%arg8 : memref<128x128xf32, #tpu.memory_space<vmem>>)
      %dma_start3A_179 = arith.constant 0 : i32
      %dma_start3A_180 = tpu.memref_slice %arg7[%mul3A_172, %dma_start3A_179] : memref<40x128xi32, #tpu.memory_space<vmem>> -> memref<1x128xi32, #tpu.memory_space<vmem>>
      %dma_start3A_181 = tpu.memref_squeeze %dma_start3A_180 : memref<1x128xi32, #tpu.memory_space<vmem>> -> memref<128xi32, #tpu.memory_space<vmem>>
      %dma_start3A_182 = arith.constant 0 : i32
      %dma_start3A_183 = arith.constant 0 : i32
      %dma_start3A_184 = tpu.memref_slice %arg10[%dma_start3A_182, %dma_start3A_183] : memref<10240x128xf32, #tpu.memory_space<vmem_shared>> -> memref<10240x128xf32, #tpu.memory_space<vmem_shared>>
      tpu.enqueue_indirect_dma source(%arg8 : memref<128x128xf32, #tpu.memory_space<vmem>>) target(%dma_start3A_184 : memref<10240x128xf32, #tpu.memory_space<vmem_shared>>) offsets(%dma_start3A_181 : memref<128xi32, #tpu.memory_space<vmem>>) semaphore(%arg13 : memref<!tpu.dma_semaphore, #tpu.memory_space<semaphore_mem>>) {add = true}
      %add3A_185 = arith.constant 1 : i32
      %add3A_186 = arith.addi %mul3A_172, %add3A_185 : i32
      %dma_wait3A_187 = arith.constant 0 : i32
      %dma_wait3A_188 = tpu.memref_slice %arg6[%add3A_186, %dma_wait3A_187] : memref<40x128xi32, #tpu.memory_space<vmem>> -> memref<1x128xi32, #tpu.memory_space<vmem>>
      %dma_wait3A_189 = tpu.memref_squeeze %dma_wait3A_188 : memref<1x128xi32, #tpu.memory_space<vmem>> -> memref<128xi32, #tpu.memory_space<vmem>>
      %dma_wait3A_190 = arith.constant 0 : i32
      %dma_wait3A_191 = arith.constant 0 : i32
      %dma_wait3A_192 = tpu.memref_slice %arg2[%dma_wait3A_190, %dma_wait3A_191] : memref<10000x128xf32, #tpu.memory_space<hbm>> -> memref<10000x128xf32, #tpu.memory_space<hbm>>
      tpu.wait_indirect_dma semaphore(%arg12 : memref<!tpu.dma_semaphore, #tpu.memory_space<semaphore_mem>>) src(%dma_wait3A_192 : memref<10000x128xf32, #tpu.memory_space<hbm>>) dst(%arg9 : memref<128x128xf32, #tpu.memory_space<vmem>>)
      %add3A_193 = arith.constant 1 : i32
      %add3A_194 = arith.addi %mul3A_172, %add3A_193 : i32
      %dma_start3A_195 = arith.constant 0 : i32
      %dma_start3A_196 = tpu.memref_slice %arg7[%add3A_194, %dma_start3A_195] : memref<40x128xi32, #tpu.memory_space<vmem>> -> memref<1x128xi32, #tpu.memory_space<vmem>>
      %dma_start3A_197 = tpu.memref_squeeze %dma_start3A_196 : memref<1x128xi32, #tpu.memory_space<vmem>> -> memref<128xi32, #tpu.memory_space<vmem>>
      %dma_start3A_198 = arith.constant 0 : i32
      %dma_start3A_199 = arith.constant 0 : i32
      %dma_start3A_200 = tpu.memref_slice %arg10[%dma_start3A_198, %dma_start3A_199] : memref<10240x128xf32, #tpu.memory_space<vmem_shared>> -> memref<10240x128xf32, #tpu.memory_space<vmem_shared>>
      tpu.enqueue_indirect_dma source(%arg9 : memref<128x128xf32, #tpu.memory_space<vmem>>) target(%dma_start3A_200 : memref<10240x128xf32, #tpu.memory_space<vmem_shared>>) offsets(%dma_start3A_197 : memref<128xi32, #tpu.memory_space<vmem>>) semaphore(%arg14 : memref<!tpu.dma_semaphore, #tpu.memory_space<semaphore_mem>>) {add = true}
      %dma_wait3A_201 = arith.constant 0 : i32
      %dma_wait3A_202 = tpu.memref_slice %arg7[%mul3A_172, %dma_wait3A_201] : memref<40x128xi32, #tpu.memory_space<vmem>> -> memref<1x128xi32, #tpu.memory_space<vmem>>
      %dma_wait3A_203 = tpu.memref_squeeze %dma_wait3A_202 : memref<1x128xi32, #tpu.memory_space<vmem>> -> memref<128xi32, #tpu.memory_space<vmem>>
      %dma_wait3A_204 = arith.constant 0 : i32
      %dma_wait3A_205 = arith.constant 0 : i32
      %dma_wait3A_206 = tpu.memref_slice %arg10[%dma_wait3A_204, %dma_wait3A_205] : memref<10240x128xf32, #tpu.memory_space<vmem_shared>> -> memref<10240x128xf32, #tpu.memory_space<vmem_shared>>
      tpu.wait_indirect_dma semaphore(%arg13 : memref<!tpu.dma_semaphore, #tpu.memory_space<semaphore_mem>>) src(%arg8 : memref<128x128xf32, #tpu.memory_space<vmem>>) dst(%dma_wait3A_206 : memref<10240x128xf32, #tpu.memory_space<vmem_shared>>)
      %add3A_207 = arith.constant 2 : i32
      %add3A_208 = arith.addi %mul3A_172, %add3A_207 : i32
      %dma_start3A_209 = arith.constant 0 : i32
      %dma_start3A_210 = tpu.memref_slice %arg6[%add3A_208, %dma_start3A_209] : memref<40x128xi32, #tpu.memory_space<vmem>> -> memref<1x128xi32, #tpu.memory_space<vmem>>
      %dma_start3A_211 = tpu.memref_squeeze %dma_start3A_210 : memref<1x128xi32, #tpu.memory_space<vmem>> -> memref<128xi32, #tpu.memory_space<vmem>>
      %dma_start3A_212 = arith.constant 0 : i32
      %dma_start3A_213 = arith.constant 0 : i32
      %dma_start3A_214 = tpu.memref_slice %arg2[%dma_start3A_212, %dma_start3A_213] : memref<10000x128xf32, #tpu.memory_space<hbm>> -> memref<10000x128xf32, #tpu.memory_space<hbm>>
      tpu.enqueue_indirect_dma source(%dma_start3A_214 : memref<10000x128xf32, #tpu.memory_space<hbm>>) target(%arg8 : memref<128x128xf32, #tpu.memory_space<vmem>>) offsets(%dma_start3A_211 : memref<128xi32, #tpu.memory_space<vmem>>) semaphore(%arg11 : memref<!tpu.dma_semaphore, #tpu.memory_space<semaphore_mem>>)
      %add3A_215 = arith.constant 1 : i32
      %add3A_216 = arith.addi %mul3A_172, %add3A_215 : i32
      %dma_wait3A_217 = arith.constant 0 : i32
      %dma_wait3A_218 = tpu.memref_slice %arg7[%add3A_216, %dma_wait3A_217] : memref<40x128xi32, #tpu.memory_space<vmem>> -> memref<1x128xi32, #tpu.memory_space<vmem>>
      %dma_wait3A_219 = tpu.memref_squeeze %dma_wait3A_218 : memref<1x128xi32, #tpu.memory_space<vmem>> -> memref<128xi32, #tpu.memory_space<vmem>>
      %dma_wait3A_220 = arith.constant 0 : i32
      %dma_wait3A_221 = arith.constant 0 : i32
      %dma_wait3A_222 = tpu.memref_slice %arg10[%dma_wait3A_220, %dma_wait3A_221] : memref<10240x128xf32, #tpu.memory_space<vmem_shared>> -> memref<10240x128xf32, #tpu.memory_space<vmem_shared>>
      tpu.wait_indirect_dma semaphore(%arg14 : memref<!tpu.dma_semaphore, #tpu.memory_space<semaphore_mem>>) src(%arg9 : memref<128x128xf32, #tpu.memory_space<vmem>>) dst(%dma_wait3A_222 : memref<10240x128xf32, #tpu.memory_space<vmem_shared>>)
      %add3A_223 = arith.constant 3 : i32
      %add3A_224 = arith.addi %mul3A_172, %add3A_223 : i32
      %dma_start3A_225 = arith.constant 0 : i32
      %dma_start3A_226 = tpu.memref_slice %arg6[%add3A_224, %dma_start3A_225] : memref<40x128xi32, #tpu.memory_space<vmem>> -> memref<1x128xi32, #tpu.memory_space<vmem>>
      %dma_start3A_227 = tpu.memref_squeeze %dma_start3A_226 : memref<1x128xi32, #tpu.memory_space<vmem>> -> memref<128xi32, #tpu.memory_space<vmem>>
      %dma_start3A_228 = arith.constant 0 : i32
      %dma_start3A_229 = arith.constant 0 : i32
      %dma_start3A_230 = tpu.memref_slice %arg2[%dma_start3A_228, %dma_start3A_229] : memref<10000x128xf32, #tpu.memory_space<hbm>> -> memref<10000x128xf32, #tpu.memory_space<hbm>>
      tpu.enqueue_indirect_dma source(%dma_start3A_230 : memref<10000x128xf32, #tpu.memory_space<hbm>>) target(%arg9 : memref<128x128xf32, #tpu.memory_space<vmem>>) offsets(%dma_start3A_227 : memref<128xi32, #tpu.memory_space<vmem>>) semaphore(%arg12 : memref<!tpu.dma_semaphore, #tpu.memory_space<semaphore_mem>>)
      %scan3A_231 = arith.constant 0 : i32
      scf.yield %scan3A_231 : i32
    }
    %scan3A_55 = arith.constant 19 : i32
    %dma_wait3A = arith.constant 38 : i32
    %dma_wait3A_56 = arith.constant 0 : i32
    %dma_wait3A_57 = tpu.memref_slice %arg6[%dma_wait3A, %dma_wait3A_56] : memref<40x128xi32, #tpu.memory_space<vmem>> -> memref<1x128xi32, #tpu.memory_space<vmem>>
    %dma_wait3A_58 = tpu.memref_squeeze %dma_wait3A_57 : memref<1x128xi32, #tpu.memory_space<vmem>> -> memref<128xi32, #tpu.memory_space<vmem>>
    %dma_wait3A_59 = arith.constant 0 : i32
    %dma_wait3A_60 = arith.constant 0 : i32
    %dma_wait3A_61 = tpu.memref_slice %arg2[%dma_wait3A_59, %dma_wait3A_60] : memref<10000x128xf32, #tpu.memory_space<hbm>> -> memref<10000x128xf32, #tpu.memory_space<hbm>>
    tpu.wait_indirect_dma semaphore(%arg11 : memref<!tpu.dma_semaphore, #tpu.memory_space<semaphore_mem>>) src(%dma_wait3A_61 : memref<10000x128xf32, #tpu.memory_space<hbm>>) dst(%arg8 : memref<128x128xf32, #tpu.memory_space<vmem>>)
    %dma_start3A_62 = arith.constant 38 : i32
    %dma_start3A_63 = arith.constant 0 : i32
    %dma_start3A_64 = tpu.memref_slice %arg7[%dma_start3A_62, %dma_start3A_63] : memref<40x128xi32, #tpu.memory_space<vmem>> -> memref<1x128xi32, #tpu.memory_space<vmem>>
    %dma_start3A_65 = tpu.memref_squeeze %dma_start3A_64 : memref<1x128xi32, #tpu.memory_space<vmem>> -> memref<128xi32, #tpu.memory_space<vmem>>
    %dma_start3A_66 = arith.constant 0 : i32
    %dma_start3A_67 = arith.constant 0 : i32
    %dma_start3A_68 = tpu.memref_slice %arg10[%dma_start3A_66, %dma_start3A_67] : memref<10240x128xf32, #tpu.memory_space<vmem_shared>> -> memref<10240x128xf32, #tpu.memory_space<vmem_shared>>
    tpu.enqueue_indirect_dma source(%arg8 : memref<128x128xf32, #tpu.memory_space<vmem>>) target(%dma_start3A_68 : memref<10240x128xf32, #tpu.memory_space<vmem_shared>>) offsets(%dma_start3A_65 : memref<128xi32, #tpu.memory_space<vmem>>) semaphore(%arg13 : memref<!tpu.dma_semaphore, #tpu.memory_space<semaphore_mem>>) {add = true}
    %dma_wait3A_69 = arith.constant 39 : i32
    %dma_wait3A_70 = arith.constant 0 : i32
    %dma_wait3A_71 = tpu.memref_slice %arg6[%dma_wait3A_69, %dma_wait3A_70] : memref<40x128xi32, #tpu.memory_space<vmem>> -> memref<1x128xi32, #tpu.memory_space<vmem>>
    %dma_wait3A_72 = tpu.memref_squeeze %dma_wait3A_71 : memref<1x128xi32, #tpu.memory_space<vmem>> -> memref<128xi32, #tpu.memory_space<vmem>>
    %dma_wait3A_73 = arith.constant 0 : i32
    %dma_wait3A_74 = arith.constant 0 : i32
    %dma_wait3A_75 = tpu.memref_slice %arg2[%dma_wait3A_73, %dma_wait3A_74] : memref<10000x128xf32, #tpu.memory_space<hbm>> -> memref<10000x128xf32, #tpu.memory_space<hbm>>
    tpu.wait_indirect_dma semaphore(%arg12 : memref<!tpu.dma_semaphore, #tpu.memory_space<semaphore_mem>>) src(%dma_wait3A_75 : memref<10000x128xf32, #tpu.memory_space<hbm>>) dst(%arg9 : memref<128x128xf32, #tpu.memory_space<vmem>>)
    %dma_start3A_76 = arith.constant 39 : i32
    %dma_start3A_77 = arith.constant 0 : i32
    %dma_start3A_78 = tpu.memref_slice %arg7[%dma_start3A_76, %dma_start3A_77] : memref<40x128xi32, #tpu.memory_space<vmem>> -> memref<1x128xi32, #tpu.memory_space<vmem>>
    %dma_start3A_79 = tpu.memref_squeeze %dma_start3A_78 : memref<1x128xi32, #tpu.memory_space<vmem>> -> memref<128xi32, #tpu.memory_space<vmem>>
    %dma_start3A_80 = arith.constant 0 : i32
    %dma_start3A_81 = arith.constant 0 : i32
    %dma_start3A_82 = tpu.memref_slice %arg10[%dma_start3A_80, %dma_start3A_81] : memref<10240x128xf32, #tpu.memory_space<vmem_shared>> -> memref<10240x128xf32, #tpu.memory_space<vmem_shared>>
    tpu.enqueue_indirect_dma source(%arg9 : memref<128x128xf32, #tpu.memory_space<vmem>>) target(%dma_start3A_82 : memref<10240x128xf32, #tpu.memory_space<vmem_shared>>) offsets(%dma_start3A_79 : memref<128xi32, #tpu.memory_space<vmem>>) semaphore(%arg14 : memref<!tpu.dma_semaphore, #tpu.memory_space<semaphore_mem>>) {add = true}
    %dma_wait3A_83 = arith.constant 38 : i32
    %dma_wait3A_84 = arith.constant 0 : i32
    %dma_wait3A_85 = tpu.memref_slice %arg7[%dma_wait3A_83, %dma_wait3A_84] : memref<40x128xi32, #tpu.memory_space<vmem>> -> memref<1x128xi32, #tpu.memory_space<vmem>>
    %dma_wait3A_86 = tpu.memref_squeeze %dma_wait3A_85 : memref<1x128xi32, #tpu.memory_space<vmem>> -> memref<128xi32, #tpu.memory_space<vmem>>
    %dma_wait3A_87 = arith.constant 0 : i32
    %dma_wait3A_88 = arith.constant 0 : i32
    %dma_wait3A_89 = tpu.memref_slice %arg10[%dma_wait3A_87, %dma_wait3A_88] : memref<10240x128xf32, #tpu.memory_space<vmem_shared>> -> memref<10240x128xf32, #tpu.memory_space<vmem_shared>>
    tpu.wait_indirect_dma semaphore(%arg13 : memref<!tpu.dma_semaphore, #tpu.memory_space<semaphore_mem>>) src(%arg8 : memref<128x128xf32, #tpu.memory_space<vmem>>) dst(%dma_wait3A_89 : memref<10240x128xf32, #tpu.memory_space<vmem_shared>>)
    %dma_wait3A_90 = arith.constant 39 : i32
    %dma_wait3A_91 = arith.constant 0 : i32
    %dma_wait3A_92 = tpu.memref_slice %arg7[%dma_wait3A_90, %dma_wait3A_91] : memref<40x128xi32, #tpu.memory_space<vmem>> -> memref<1x128xi32, #tpu.memory_space<vmem>>
    %dma_wait3A_93 = tpu.memref_squeeze %dma_wait3A_92 : memref<1x128xi32, #tpu.memory_space<vmem>> -> memref<128xi32, #tpu.memory_space<vmem>>
    %dma_wait3A_94 = arith.constant 0 : i32
    %dma_wait3A_95 = arith.constant 0 : i32
    %dma_wait3A_96 = tpu.memref_slice %arg10[%dma_wait3A_94, %dma_wait3A_95] : memref<10240x128xf32, #tpu.memory_space<vmem_shared>> -> memref<10240x128xf32, #tpu.memory_space<vmem_shared>>
    tpu.wait_indirect_dma semaphore(%arg14 : memref<!tpu.dma_semaphore, #tpu.memory_space<semaphore_mem>>) src(%arg9 : memref<128x128xf32, #tpu.memory_space<vmem>>) dst(%dma_wait3A_96 : memref<10240x128xf32, #tpu.memory_space<vmem_shared>>)
    %mul3A_97 = arith.constant 80 : i32
    %mul3A_98 = arith.muli %add3A, %mul3A_97 : i32
    %add3A_99 = arith.constant 40 : i32
    %add3A_100 = arith.addi %mul3A_98, %add3A_99 : i32
    %multiple_of3A_101 = tpu.assume_multiple %add3A_100, 8 : i32
    "tpu.region"() ({
      %run_scoped3A = tpu.sem_alloc : memref<!tpu.dma_semaphore, #tpu.memory_space<semaphore_mem>>
      %dma_start3A_169 = arith.constant 0 : i32
      %dma_start3A_170 = tpu.memref_slice %arg3[%multiple_of3A_101, %dma_start3A_169] : memref<2560x128xi32, #tpu.memory_space<hbm>> -> memref<40x128xi32, #tpu.memory_space<hbm>>
      %dma_start3A_171 = arith.constant 0 : i32
      %dma_start3A_172 = tpu.memref_slice %arg3[%multiple_of3A_101, %dma_start3A_171] : memref<2560x128xi32, #tpu.memory_space<hbm>> -> memref<40x128xi32, #tpu.memory_space<hbm>>
      tpu.enqueue_dma source(%dma_start3A_172 : memref<40x128xi32, #tpu.memory_space<hbm>>) target(%arg6 : memref<40x128xi32, #tpu.memory_space<vmem>>) target_semaphore(%run_scoped3A : memref<!tpu.dma_semaphore, #tpu.memory_space<semaphore_mem>>)
      %dma_wait3A_173 = arith.constant 0 : i32
      %dma_wait3A_174 = tpu.memref_slice %arg3[%multiple_of3A_101, %dma_wait3A_173] : memref<2560x128xi32, #tpu.memory_space<hbm>> -> memref<40x128xi32, #tpu.memory_space<hbm>>
      %dma_wait3A_175 = arith.constant 0 : i32
      %dma_wait3A_176 = tpu.memref_slice %arg3[%multiple_of3A_101, %dma_wait3A_175] : memref<2560x128xi32, #tpu.memory_space<hbm>> -> memref<40x128xi32, #tpu.memory_space<hbm>>
      tpu.wait_dma2 semaphore(%run_scoped3A : memref<!tpu.dma_semaphore, #tpu.memory_space<semaphore_mem>>) src(%dma_wait3A_176 : memref<40x128xi32, #tpu.memory_space<hbm>>) dst(%arg6 : memref<40x128xi32, #tpu.memory_space<vmem>>)
      tpu.yield
    }) : () -> ()
    "tpu.region"() ({
      %run_scoped3A = tpu.sem_alloc : memref<!tpu.dma_semaphore, #tpu.memory_space<semaphore_mem>>
      %dma_start3A_169 = arith.constant 0 : i32
      %dma_start3A_170 = tpu.memref_slice %arg4[%multiple_of3A_101, %dma_start3A_169] : memref<2560x128xi32, #tpu.memory_space<hbm>> -> memref<40x128xi32, #tpu.memory_space<hbm>>
      %dma_start3A_171 = arith.constant 0 : i32
      %dma_start3A_172 = tpu.memref_slice %arg4[%multiple_of3A_101, %dma_start3A_171] : memref<2560x128xi32, #tpu.memory_space<hbm>> -> memref<40x128xi32, #tpu.memory_space<hbm>>
      tpu.enqueue_dma source(%dma_start3A_172 : memref<40x128xi32, #tpu.memory_space<hbm>>) target(%arg7 : memref<40x128xi32, #tpu.memory_space<vmem>>) target_semaphore(%run_scoped3A : memref<!tpu.dma_semaphore, #tpu.memory_space<semaphore_mem>>)
      %dma_wait3A_173 = arith.constant 0 : i32
      %dma_wait3A_174 = tpu.memref_slice %arg4[%multiple_of3A_101, %dma_wait3A_173] : memref<2560x128xi32, #tpu.memory_space<hbm>> -> memref<40x128xi32, #tpu.memory_space<hbm>>
      %dma_wait3A_175 = arith.constant 0 : i32
      %dma_wait3A_176 = tpu.memref_slice %arg4[%multiple_of3A_101, %dma_wait3A_175] : memref<2560x128xi32, #tpu.memory_space<hbm>> -> memref<40x128xi32, #tpu.memory_space<hbm>>
      tpu.wait_dma2 semaphore(%run_scoped3A : memref<!tpu.dma_semaphore, #tpu.memory_space<semaphore_mem>>) src(%dma_wait3A_176 : memref<40x128xi32, #tpu.memory_space<hbm>>) dst(%arg7 : memref<40x128xi32, #tpu.memory_space<vmem>>)
      tpu.yield
    }) : () -> ()
    %dma_start3A_102 = arith.constant 0 : i32
    %dma_start3A_103 = arith.constant 0 : i32
    %dma_start3A_104 = tpu.memref_slice %arg6[%dma_start3A_102, %dma_start3A_103] : memref<40x128xi32, #tpu.memory_space<vmem>> -> memref<1x128xi32, #tpu.memory_space<vmem>>
    %dma_start3A_105 = tpu.memref_squeeze %dma_start3A_104 : memref<1x128xi32, #tpu.memory_space<vmem>> -> memref<128xi32, #tpu.memory_space<vmem>>
    %dma_start3A_106 = arith.constant 0 : i32
    %dma_start3A_107 = arith.constant 0 : i32
    %dma_start3A_108 = tpu.memref_slice %arg2[%dma_start3A_106, %dma_start3A_107] : memref<10000x128xf32, #tpu.memory_space<hbm>> -> memref<10000x128xf32, #tpu.memory_space<hbm>>
    tpu.enqueue_indirect_dma source(%dma_start3A_108 : memref<10000x128xf32, #tpu.memory_space<hbm>>) target(%arg8 : memref<128x128xf32, #tpu.memory_space<vmem>>) offsets(%dma_start3A_105 : memref<128xi32, #tpu.memory_space<vmem>>) semaphore(%arg11 : memref<!tpu.dma_semaphore, #tpu.memory_space<semaphore_mem>>)
    %dma_start3A_109 = arith.constant 1 : i32
    %dma_start3A_110 = arith.constant 0 : i32
    %dma_start3A_111 = tpu.memref_slice %arg6[%dma_start3A_109, %dma_start3A_110] : memref<40x128xi32, #tpu.memory_space<vmem>> -> memref<1x128xi32, #tpu.memory_space<vmem>>
    %dma_start3A_112 = tpu.memref_squeeze %dma_start3A_111 : memref<1x128xi32, #tpu.memory_space<vmem>> -> memref<128xi32, #tpu.memory_space<vmem>>
    %dma_start3A_113 = arith.constant 0 : i32
    %dma_start3A_114 = arith.constant 0 : i32
    %dma_start3A_115 = tpu.memref_slice %arg2[%dma_start3A_113, %dma_start3A_114] : memref<10000x128xf32, #tpu.memory_space<hbm>> -> memref<10000x128xf32, #tpu.memory_space<hbm>>
    tpu.enqueue_indirect_dma source(%dma_start3A_115 : memref<10000x128xf32, #tpu.memory_space<hbm>>) target(%arg9 : memref<128x128xf32, #tpu.memory_space<vmem>>) offsets(%dma_start3A_112 : memref<128xi32, #tpu.memory_space<vmem>>) semaphore(%arg12 : memref<!tpu.dma_semaphore, #tpu.memory_space<semaphore_mem>>)
    %scan3A_116 = arith.constant 0 : i32
    %scan3A_117 = arith.constant 0 : i32
    %scan3A_118 = arith.constant 19 : i32
    %scan3A_119 = arith.addi %scan3A_117, %scan3A_118 : i32
    %scan3A_120 = arith.constant 1 : i32
    %scan3A_121 = scf.for %scan3A_169 = %scan3A_117 to %scan3A_119 step %scan3A_120 iter_args(%scan3A_170 = %scan3A_116) -> (i32)  : i32 {
      %mul3A_171 = arith.constant 2 : i32
      %mul3A_172 = arith.muli %mul3A_171, %scan3A_169 : i32
      %dma_wait3A_173 = arith.constant 0 : i32
      %dma_wait3A_174 = tpu.memref_slice %arg6[%mul3A_172, %dma_wait3A_173] : memref<40x128xi32, #tpu.memory_space<vmem>> -> memref<1x128xi32, #tpu.memory_space<vmem>>
      %dma_wait3A_175 = tpu.memref_squeeze %dma_wait3A_174 : memref<1x128xi32, #tpu.memory_space<vmem>> -> memref<128xi32, #tpu.memory_space<vmem>>
      %dma_wait3A_176 = arith.constant 0 : i32
      %dma_wait3A_177 = arith.constant 0 : i32
      %dma_wait3A_178 = tpu.memref_slice %arg2[%dma_wait3A_176, %dma_wait3A_177] : memref<10000x128xf32, #tpu.memory_space<hbm>> -> memref<10000x128xf32, #tpu.memory_space<hbm>>
      tpu.wait_indirect_dma semaphore(%arg11 : memref<!tpu.dma_semaphore, #tpu.memory_space<semaphore_mem>>) src(%dma_wait3A_178 : memref<10000x128xf32, #tpu.memory_space<hbm>>) dst(%arg8 : memref<128x128xf32, #tpu.memory_space<vmem>>)
      %dma_start3A_179 = arith.constant 0 : i32
      %dma_start3A_180 = tpu.memref_slice %arg7[%mul3A_172, %dma_start3A_179] : memref<40x128xi32, #tpu.memory_space<vmem>> -> memref<1x128xi32, #tpu.memory_space<vmem>>
      %dma_start3A_181 = tpu.memref_squeeze %dma_start3A_180 : memref<1x128xi32, #tpu.memory_space<vmem>> -> memref<128xi32, #tpu.memory_space<vmem>>
      %dma_start3A_182 = arith.constant 0 : i32
      %dma_start3A_183 = arith.constant 0 : i32
      %dma_start3A_184 = tpu.memref_slice %arg10[%dma_start3A_182, %dma_start3A_183] : memref<10240x128xf32, #tpu.memory_space<vmem_shared>> -> memref<10240x128xf32, #tpu.memory_space<vmem_shared>>
      tpu.enqueue_indirect_dma source(%arg8 : memref<128x128xf32, #tpu.memory_space<vmem>>) target(%dma_start3A_184 : memref<10240x128xf32, #tpu.memory_space<vmem_shared>>) offsets(%dma_start3A_181 : memref<128xi32, #tpu.memory_space<vmem>>) semaphore(%arg13 : memref<!tpu.dma_semaphore, #tpu.memory_space<semaphore_mem>>) {add = true}
      %add3A_185 = arith.constant 1 : i32
      %add3A_186 = arith.addi %mul3A_172, %add3A_185 : i32
      %dma_wait3A_187 = arith.constant 0 : i32
      %dma_wait3A_188 = tpu.memref_slice %arg6[%add3A_186, %dma_wait3A_187] : memref<40x128xi32, #tpu.memory_space<vmem>> -> memref<1x128xi32, #tpu.memory_space<vmem>>
      %dma_wait3A_189 = tpu.memref_squeeze %dma_wait3A_188 : memref<1x128xi32, #tpu.memory_space<vmem>> -> memref<128xi32, #tpu.memory_space<vmem>>
      %dma_wait3A_190 = arith.constant 0 : i32
      %dma_wait3A_191 = arith.constant 0 : i32
      %dma_wait3A_192 = tpu.memref_slice %arg2[%dma_wait3A_190, %dma_wait3A_191] : memref<10000x128xf32, #tpu.memory_space<hbm>> -> memref<10000x128xf32, #tpu.memory_space<hbm>>
      tpu.wait_indirect_dma semaphore(%arg12 : memref<!tpu.dma_semaphore, #tpu.memory_space<semaphore_mem>>) src(%dma_wait3A_192 : memref<10000x128xf32, #tpu.memory_space<hbm>>) dst(%arg9 : memref<128x128xf32, #tpu.memory_space<vmem>>)
      %add3A_193 = arith.constant 1 : i32
      %add3A_194 = arith.addi %mul3A_172, %add3A_193 : i32
      %dma_start3A_195 = arith.constant 0 : i32
      %dma_start3A_196 = tpu.memref_slice %arg7[%add3A_194, %dma_start3A_195] : memref<40x128xi32, #tpu.memory_space<vmem>> -> memref<1x128xi32, #tpu.memory_space<vmem>>
      %dma_start3A_197 = tpu.memref_squeeze %dma_start3A_196 : memref<1x128xi32, #tpu.memory_space<vmem>> -> memref<128xi32, #tpu.memory_space<vmem>>
      %dma_start3A_198 = arith.constant 0 : i32
      %dma_start3A_199 = arith.constant 0 : i32
      %dma_start3A_200 = tpu.memref_slice %arg10[%dma_start3A_198, %dma_start3A_199] : memref<10240x128xf32, #tpu.memory_space<vmem_shared>> -> memref<10240x128xf32, #tpu.memory_space<vmem_shared>>
      tpu.enqueue_indirect_dma source(%arg9 : memref<128x128xf32, #tpu.memory_space<vmem>>) target(%dma_start3A_200 : memref<10240x128xf32, #tpu.memory_space<vmem_shared>>) offsets(%dma_start3A_197 : memref<128xi32, #tpu.memory_space<vmem>>) semaphore(%arg14 : memref<!tpu.dma_semaphore, #tpu.memory_space<semaphore_mem>>) {add = true}
      %dma_wait3A_201 = arith.constant 0 : i32
      %dma_wait3A_202 = tpu.memref_slice %arg7[%mul3A_172, %dma_wait3A_201] : memref<40x128xi32, #tpu.memory_space<vmem>> -> memref<1x128xi32, #tpu.memory_space<vmem>>
      %dma_wait3A_203 = tpu.memref_squeeze %dma_wait3A_202 : memref<1x128xi32, #tpu.memory_space<vmem>> -> memref<128xi32, #tpu.memory_space<vmem>>
      %dma_wait3A_204 = arith.constant 0 : i32
      %dma_wait3A_205 = arith.constant 0 : i32
      %dma_wait3A_206 = tpu.memref_slice %arg10[%dma_wait3A_204, %dma_wait3A_205] : memref<10240x128xf32, #tpu.memory_space<vmem_shared>> -> memref<10240x128xf32, #tpu.memory_space<vmem_shared>>
      tpu.wait_indirect_dma semaphore(%arg13 : memref<!tpu.dma_semaphore, #tpu.memory_space<semaphore_mem>>) src(%arg8 : memref<128x128xf32, #tpu.memory_space<vmem>>) dst(%dma_wait3A_206 : memref<10240x128xf32, #tpu.memory_space<vmem_shared>>)
      %add3A_207 = arith.constant 2 : i32
      %add3A_208 = arith.addi %mul3A_172, %add3A_207 : i32
      %dma_start3A_209 = arith.constant 0 : i32
      %dma_start3A_210 = tpu.memref_slice %arg6[%add3A_208, %dma_start3A_209] : memref<40x128xi32, #tpu.memory_space<vmem>> -> memref<1x128xi32, #tpu.memory_space<vmem>>
      %dma_start3A_211 = tpu.memref_squeeze %dma_start3A_210 : memref<1x128xi32, #tpu.memory_space<vmem>> -> memref<128xi32, #tpu.memory_space<vmem>>
      %dma_start3A_212 = arith.constant 0 : i32
      %dma_start3A_213 = arith.constant 0 : i32
      %dma_start3A_214 = tpu.memref_slice %arg2[%dma_start3A_212, %dma_start3A_213] : memref<10000x128xf32, #tpu.memory_space<hbm>> -> memref<10000x128xf32, #tpu.memory_space<hbm>>
      tpu.enqueue_indirect_dma source(%dma_start3A_214 : memref<10000x128xf32, #tpu.memory_space<hbm>>) target(%arg8 : memref<128x128xf32, #tpu.memory_space<vmem>>) offsets(%dma_start3A_211 : memref<128xi32, #tpu.memory_space<vmem>>) semaphore(%arg11 : memref<!tpu.dma_semaphore, #tpu.memory_space<semaphore_mem>>)
      %add3A_215 = arith.constant 1 : i32
      %add3A_216 = arith.addi %mul3A_172, %add3A_215 : i32
      %dma_wait3A_217 = arith.constant 0 : i32
      %dma_wait3A_218 = tpu.memref_slice %arg7[%add3A_216, %dma_wait3A_217] : memref<40x128xi32, #tpu.memory_space<vmem>> -> memref<1x128xi32, #tpu.memory_space<vmem>>
      %dma_wait3A_219 = tpu.memref_squeeze %dma_wait3A_218 : memref<1x128xi32, #tpu.memory_space<vmem>> -> memref<128xi32, #tpu.memory_space<vmem>>
      %dma_wait3A_220 = arith.constant 0 : i32
      %dma_wait3A_221 = arith.constant 0 : i32
      %dma_wait3A_222 = tpu.memref_slice %arg10[%dma_wait3A_220, %dma_wait3A_221] : memref<10240x128xf32, #tpu.memory_space<vmem_shared>> -> memref<10240x128xf32, #tpu.memory_space<vmem_shared>>
      tpu.wait_indirect_dma semaphore(%arg14 : memref<!tpu.dma_semaphore, #tpu.memory_space<semaphore_mem>>) src(%arg9 : memref<128x128xf32, #tpu.memory_space<vmem>>) dst(%dma_wait3A_222 : memref<10240x128xf32, #tpu.memory_space<vmem_shared>>)
      %add3A_223 = arith.constant 3 : i32
      %add3A_224 = arith.addi %mul3A_172, %add3A_223 : i32
      %dma_start3A_225 = arith.constant 0 : i32
      %dma_start3A_226 = tpu.memref_slice %arg6[%add3A_224, %dma_start3A_225] : memref<40x128xi32, #tpu.memory_space<vmem>> -> memref<1x128xi32, #tpu.memory_space<vmem>>
      %dma_start3A_227 = tpu.memref_squeeze %dma_start3A_226 : memref<1x128xi32, #tpu.memory_space<vmem>> -> memref<128xi32, #tpu.memory_space<vmem>>
      %dma_start3A_228 = arith.constant 0 : i32
      %dma_start3A_229 = arith.constant 0 : i32
      %dma_start3A_230 = tpu.memref_slice %arg2[%dma_start3A_228, %dma_start3A_229] : memref<10000x128xf32, #tpu.memory_space<hbm>> -> memref<10000x128xf32, #tpu.memory_space<hbm>>
      tpu.enqueue_indirect_dma source(%dma_start3A_230 : memref<10000x128xf32, #tpu.memory_space<hbm>>) target(%arg9 : memref<128x128xf32, #tpu.memory_space<vmem>>) offsets(%dma_start3A_227 : memref<128xi32, #tpu.memory_space<vmem>>) semaphore(%arg12 : memref<!tpu.dma_semaphore, #tpu.memory_space<semaphore_mem>>)
      %scan3A_231 = arith.constant 0 : i32
      scf.yield %scan3A_231 : i32
    }
    %scan3A_122 = arith.constant 19 : i32
    %dma_wait3A_123 = arith.constant 38 : i32
    %dma_wait3A_124 = arith.constant 0 : i32
    %dma_wait3A_125 = tpu.memref_slice %arg6[%dma_wait3A_123, %dma_wait3A_124] : memref<40x128xi32, #tpu.memory_space<vmem>> -> memref<1x128xi32, #tpu.memory_space<vmem>>
    %dma_wait3A_126 = tpu.memref_squeeze %dma_wait3A_125 : memref<1x128xi32, #tpu.memory_space<vmem>> -> memref<128xi32, #tpu.memory_space<vmem>>
    %dma_wait3A_127 = arith.constant 0 : i32
    %dma_wait3A_128 = arith.constant 0 : i32
    %dma_wait3A_129 = tpu.memref_slice %arg2[%dma_wait3A_127, %dma_wait3A_128] : memref<10000x128xf32, #tpu.memory_space<hbm>> -> memref<10000x128xf32, #tpu.memory_space<hbm>>
    tpu.wait_indirect_dma semaphore(%arg11 : memref<!tpu.dma_semaphore, #tpu.memory_space<semaphore_mem>>) src(%dma_wait3A_129 : memref<10000x128xf32, #tpu.memory_space<hbm>>) dst(%arg8 : memref<128x128xf32, #tpu.memory_space<vmem>>)
    %dma_start3A_130 = arith.constant 38 : i32
    %dma_start3A_131 = arith.constant 0 : i32
    %dma_start3A_132 = tpu.memref_slice %arg7[%dma_start3A_130, %dma_start3A_131] : memref<40x128xi32, #tpu.memory_space<vmem>> -> memref<1x128xi32, #tpu.memory_space<vmem>>
    %dma_start3A_133 = tpu.memref_squeeze %dma_start3A_132 : memref<1x128xi32, #tpu.memory_space<vmem>> -> memref<128xi32, #tpu.memory_space<vmem>>
    %dma_start3A_134 = arith.constant 0 : i32
    %dma_start3A_135 = arith.constant 0 : i32
    %dma_start3A_136 = tpu.memref_slice %arg10[%dma_start3A_134, %dma_start3A_135] : memref<10240x128xf32, #tpu.memory_space<vmem_shared>> -> memref<10240x128xf32, #tpu.memory_space<vmem_shared>>
    tpu.enqueue_indirect_dma source(%arg8 : memref<128x128xf32, #tpu.memory_space<vmem>>) target(%dma_start3A_136 : memref<10240x128xf32, #tpu.memory_space<vmem_shared>>) offsets(%dma_start3A_133 : memref<128xi32, #tpu.memory_space<vmem>>) semaphore(%arg13 : memref<!tpu.dma_semaphore, #tpu.memory_space<semaphore_mem>>) {add = true}
    %dma_wait3A_137 = arith.constant 39 : i32
    %dma_wait3A_138 = arith.constant 0 : i32
    %dma_wait3A_139 = tpu.memref_slice %arg6[%dma_wait3A_137, %dma_wait3A_138] : memref<40x128xi32, #tpu.memory_space<vmem>> -> memref<1x128xi32, #tpu.memory_space<vmem>>
    %dma_wait3A_140 = tpu.memref_squeeze %dma_wait3A_139 : memref<1x128xi32, #tpu.memory_space<vmem>> -> memref<128xi32, #tpu.memory_space<vmem>>
    %dma_wait3A_141 = arith.constant 0 : i32
    %dma_wait3A_142 = arith.constant 0 : i32
    %dma_wait3A_143 = tpu.memref_slice %arg2[%dma_wait3A_141, %dma_wait3A_142] : memref<10000x128xf32, #tpu.memory_space<hbm>> -> memref<10000x128xf32, #tpu.memory_space<hbm>>
    tpu.wait_indirect_dma semaphore(%arg12 : memref<!tpu.dma_semaphore, #tpu.memory_space<semaphore_mem>>) src(%dma_wait3A_143 : memref<10000x128xf32, #tpu.memory_space<hbm>>) dst(%arg9 : memref<128x128xf32, #tpu.memory_space<vmem>>)
    %dma_start3A_144 = arith.constant 39 : i32
    %dma_start3A_145 = arith.constant 0 : i32
    %dma_start3A_146 = tpu.memref_slice %arg7[%dma_start3A_144, %dma_start3A_145] : memref<40x128xi32, #tpu.memory_space<vmem>> -> memref<1x128xi32, #tpu.memory_space<vmem>>
    %dma_start3A_147 = tpu.memref_squeeze %dma_start3A_146 : memref<1x128xi32, #tpu.memory_space<vmem>> -> memref<128xi32, #tpu.memory_space<vmem>>
    %dma_start3A_148 = arith.constant 0 : i32
    %dma_start3A_149 = arith.constant 0 : i32
    %dma_start3A_150 = tpu.memref_slice %arg10[%dma_start3A_148, %dma_start3A_149] : memref<10240x128xf32, #tpu.memory_space<vmem_shared>> -> memref<10240x128xf32, #tpu.memory_space<vmem_shared>>
    tpu.enqueue_indirect_dma source(%arg9 : memref<128x128xf32, #tpu.memory_space<vmem>>) target(%dma_start3A_150 : memref<10240x128xf32, #tpu.memory_space<vmem_shared>>) offsets(%dma_start3A_147 : memref<128xi32, #tpu.memory_space<vmem>>) semaphore(%arg14 : memref<!tpu.dma_semaphore, #tpu.memory_space<semaphore_mem>>) {add = true}
    %dma_wait3A_151 = arith.constant 38 : i32
    %dma_wait3A_152 = arith.constant 0 : i32
    %dma_wait3A_153 = tpu.memref_slice %arg7[%dma_wait3A_151, %dma_wait3A_152] : memref<40x128xi32, #tpu.memory_space<vmem>> -> memref<1x128xi32, #tpu.memory_space<vmem>>
    %dma_wait3A_154 = tpu.memref_squeeze %dma_wait3A_153 : memref<1x128xi32, #tpu.memory_space<vmem>> -> memref<128xi32, #tpu.memory_space<vmem>>
    %dma_wait3A_155 = arith.constant 0 : i32
    %dma_wait3A_156 = arith.constant 0 : i32
    %dma_wait3A_157 = tpu.memref_slice %arg10[%dma_wait3A_155, %dma_wait3A_156] : memref<10240x128xf32, #tpu.memory_space<vmem_shared>> -> memref<10240x128xf32, #tpu.memory_space<vmem_shared>>
    tpu.wait_indirect_dma semaphore(%arg13 : memref<!tpu.dma_semaphore, #tpu.memory_space<semaphore_mem>>) src(%arg8 : memref<128x128xf32, #tpu.memory_space<vmem>>) dst(%dma_wait3A_157 : memref<10240x128xf32, #tpu.memory_space<vmem_shared>>)
    %dma_wait3A_158 = arith.constant 39 : i32
    %dma_wait3A_159 = arith.constant 0 : i32
    %dma_wait3A_160 = tpu.memref_slice %arg7[%dma_wait3A_158, %dma_wait3A_159] : memref<40x128xi32, #tpu.memory_space<vmem>> -> memref<1x128xi32, #tpu.memory_space<vmem>>
    %dma_wait3A_161 = tpu.memref_squeeze %dma_wait3A_160 : memref<1x128xi32, #tpu.memory_space<vmem>> -> memref<128xi32, #tpu.memory_space<vmem>>
    %dma_wait3A_162 = arith.constant 0 : i32
    %dma_wait3A_163 = arith.constant 0 : i32
    %dma_wait3A_164 = tpu.memref_slice %arg10[%dma_wait3A_162, %dma_wait3A_163] : memref<10240x128xf32, #tpu.memory_space<vmem_shared>> -> memref<10240x128xf32, #tpu.memory_space<vmem_shared>>
    tpu.wait_indirect_dma semaphore(%arg14 : memref<!tpu.dma_semaphore, #tpu.memory_space<semaphore_mem>>) src(%arg9 : memref<128x128xf32, #tpu.memory_space<vmem>>) dst(%dma_wait3A_164 : memref<10240x128xf32, #tpu.memory_space<vmem_shared>>)
    %barrier3A_165 = arith.constant 0 : index
    tpu.barrier barrier_id(%barrier3A_165)
    %mul3A_166 = arith.constant 640 : i32
    %mul3A_167 = arith.muli %arg1, %mul3A_166 : i32
    %multiple_of3A_168 = tpu.assume_multiple %mul3A_167, 64 : i32
    "tpu.region"() ({
      %run_scoped3A = tpu.sem_alloc : memref<!tpu.dma_semaphore, #tpu.memory_space<semaphore_mem>>
      %dma_start3A_169 = arith.constant 0 : i32
      %dma_start3A_170 = tpu.memref_slice %arg5[%arg0, %multiple_of3A_168, %dma_start3A_169] : memref<2x10240x128xf32, #tpu.memory_space<hbm>> -> memref<1x640x128xf32, #tpu.memory_space<hbm>>
      %dma_start3A_171 = tpu.memref_squeeze %dma_start3A_170 : memref<1x640x128xf32, #tpu.memory_space<hbm>> -> memref<640x128xf32, #tpu.memory_space<hbm>>
      %dma_start3A_172 = arith.constant 0 : i32
      %dma_start3A_173 = tpu.memref_slice %arg10[%multiple_of3A_168, %dma_start3A_172] : memref<10240x128xf32, #tpu.memory_space<vmem_shared>> -> memref<640x128xf32, #tpu.memory_space<vmem_shared>>
      tpu.enqueue_dma source(%dma_start3A_173 : memref<640x128xf32, #tpu.memory_space<vmem_shared>>) target(%dma_start3A_171 : memref<640x128xf32, #tpu.memory_space<hbm>>) target_semaphore(%run_scoped3A : memref<!tpu.dma_semaphore, #tpu.memory_space<semaphore_mem>>)
      %dma_wait3A_174 = arith.constant 0 : i32
      %dma_wait3A_175 = tpu.memref_slice %arg5[%arg0, %multiple_of3A_168, %dma_wait3A_174] : memref<2x10240x128xf32, #tpu.memory_space<hbm>> -> memref<1x640x128xf32, #tpu.memory_space<hbm>>
      %dma_wait3A_176 = tpu.memref_squeeze %dma_wait3A_175 : memref<1x640x128xf32, #tpu.memory_space<hbm>> -> memref<640x128xf32, #tpu.memory_space<hbm>>
      %dma_wait3A_177 = arith.constant 0 : i32
      %dma_wait3A_178 = tpu.memref_slice %arg10[%multiple_of3A_168, %dma_wait3A_177] : memref<10240x128xf32, #tpu.memory_space<vmem_shared>> -> memref<640x128xf32, #tpu.memory_space<vmem_shared>>
      tpu.wait_dma2 semaphore(%run_scoped3A : memref<!tpu.dma_semaphore, #tpu.memory_space<semaphore_mem>>) src(%dma_wait3A_178 : memref<640x128xf32, #tpu.memory_space<vmem_shared>>) dst(%dma_wait3A_176 : memref<640x128xf32, #tpu.memory_space<hbm>>)
      tpu.yield
    }) : () -> ()
    return
  }
}

module attributes {stable_mosaic.version = 14 : i64} {
  func.func @_tc_layer_kernel(%arg0: i32, %arg1: memref<2x2000x128xf32, #tpu.memory_space<vmem>>, %arg2: memref<2000x128xf32, #tpu.memory_space<vmem>>, %arg3: memref<2x2000x128xf32, #tpu.memory_space<vmem>>, %arg4: memref<128x128xf32, #tpu.memory_space<vmem>>, %arg5: memref<1x128xf32, #tpu.memory_space<vmem>>, %arg6: memref<2000x128xf32, #tpu.memory_space<vmem>>) attributes {dimension_semantics = [#tpu.dimension_semantics<arbitrary>], iteration_bounds = array<i64: 5>, scalar_prefetch = 0 : i64, scratch_operands = 0 : i64, tpu.core_type = #tpu.core_type<tc>, window_params = [{transform_indices = @transform_0, window_bounds = array<i64: 2, 2000, 128>}, {transform_indices = @transform_1, window_bounds = array<i64: 2000, 128>}, {transform_indices = @transform_2, window_bounds = array<i64: 2, 2000, 128>}, {pipeline_mode = #tpu.pipeline_mode<synchronous>, transform_indices = @transform_3, window_bounds = array<i64: 128, 128>}, {pipeline_mode = #tpu.pipeline_mode<synchronous>, transform_indices = @transform_4, window_bounds = array<i64: 1, 128>}, {transform_indices = @transform_5, window_bounds = array<i64: 2000, 128>}]} {
    %get3A = arith.constant 0 : index
    %get3A_0 = arith.constant 0 : index
    %get3A_1 = arith.constant 0 : index
    %get3A_2 = vector.load %arg3[%get3A, %get3A_0, %get3A_1] : memref<2x2000x128xf32, #tpu.memory_space<vmem>>, vector<1x2000x1xf32>
    %get3A_3 = vector.shape_cast %get3A_2 : vector<1x2000x1xf32> to vector<2000x1xf32>
    %get3A_4 = arith.constant 1 : index
    %get3A_5 = arith.constant 0 : index
    %get3A_6 = arith.constant 0 : index
    %get3A_7 = vector.load %arg3[%get3A_4, %get3A_5, %get3A_6] : memref<2x2000x128xf32, #tpu.memory_space<vmem>>, vector<1x2000x1xf32>
    %get3A_8 = vector.shape_cast %get3A_7 : vector<1x2000x1xf32> to vector<2000x1xf32>
    %add3A = arith.addf %get3A_3, %get3A_8 : vector<2000x1xf32>
    %get3A_9 = arith.constant 0 : index
    %get3A_10 = arith.constant 0 : index
    %get3A_11 = arith.constant 0 : index
    %get3A_12 = vector.load %arg1[%get3A_9, %get3A_10, %get3A_11] : memref<2x2000x128xf32, #tpu.memory_space<vmem>>, vector<1x2000x128xf32>
    %get3A_13 = vector.shape_cast %get3A_12 : vector<1x2000x128xf32> to vector<2000x128xf32>
    %get3A_14 = arith.constant 1 : index
    %get3A_15 = arith.constant 0 : index
    %get3A_16 = arith.constant 0 : index
    %get3A_17 = vector.load %arg1[%get3A_14, %get3A_15, %get3A_16] : memref<2x2000x128xf32, #tpu.memory_space<vmem>>, vector<1x2000x128xf32>
    %get3A_18 = vector.shape_cast %get3A_17 : vector<1x2000x128xf32> to vector<2000x128xf32>
    %add3A_19 = arith.addf %get3A_13, %get3A_18 : vector<2000x128xf32>
    %get3A_20 = arith.constant 0 : index
    %get3A_21 = arith.constant 0 : index
    %get3A_22 = vector.load %arg2[%get3A_20, %get3A_21] : memref<2000x128xf32, #tpu.memory_space<vmem>>, vector<2000x128xf32>
    %add3A_23 = arith.addf %add3A_19, %get3A_22 : vector<2000x128xf32>
    %add3A_24 = arith.constant 1.000000e+00 : f32
    %add3A_25 = vector.broadcast %add3A_24 : f32 to vector<2000x1xf32>
    %add3A_26 = arith.addf %add3A, %add3A_25 : vector<2000x1xf32>
    %div3A = vector.broadcast %add3A_26 : vector<2000x1xf32> to vector<2000x128xf32>
    %div3A_27 = arith.divf %add3A_23, %div3A : vector<2000x128xf32>
    %get3A_28 = arith.constant 0 : index
    %get3A_29 = arith.constant 0 : index
    %get3A_30 = vector.load %arg4[%get3A_28, %get3A_29] : memref<128x128xf32, #tpu.memory_space<vmem>>, vector<128x128xf32>
    %dot_general3A = arith.constant dense<0.000000e+00> : vector<2000x128xf32>
    %dot_general3A_31 = tpu.matmul %div3A_27, %get3A_30, %dot_general3A {dimension_numbers = #tpu.dot_dimension_numbers<[1], [0], [0], [1], [0, 0, 1, 1], [], []>, transpose_lhs_hint = false} : vector<2000x128xf32>, vector<128x128xf32>, vector<2000x128xf32> -> vector<2000x128xf32>
    %get3A_32 = arith.constant 0 : index
    %get3A_33 = arith.constant 0 : index
    %get3A_34 = vector.load %arg5[%get3A_32, %get3A_33] : memref<1x128xf32, #tpu.memory_space<vmem>>, vector<1x128xf32>
    %add3A_35 = vector.broadcast %get3A_34 : vector<1x128xf32> to vector<2000x128xf32>
    %add3A_36 = arith.addf %dot_general3A_31, %add3A_35 : vector<2000x128xf32>
    %max3A = arith.constant 0.000000e+00 : f32
    %max3A_37 = vector.broadcast %max3A : f32 to vector<2000x128xf32>
    %max3A_38 = arith.maximumf %add3A_36, %max3A_37 : vector<2000x128xf32>
    %swap3A = arith.constant 0 : index
    %swap3A_39 = arith.constant 0 : index
    %swap3A_40 = vector.load %arg6[%swap3A, %swap3A_39] : memref<2000x128xf32, #tpu.memory_space<vmem>>, vector<2000x128xf32>
    tpu.vector_store %arg6[%swap3A, %swap3A_39], %max3A_38 {strides = array<i32>} : memref<2000x128xf32, #tpu.memory_space<vmem>>, vector<2000x128xf32>,
    return
  }
  func.func @transform_0(%arg0: i32) -> (i32, i32, i32) {
    %c0_i32 = arith.constant 0 : i32
    %c0_i32_0 = arith.constant 0 : i32
    %c0_i32_1 = arith.constant 0 : i32
    return %c0_i32, %arg0, %c0_i32_0 : i32, i32, i32
  }
  func.func @transform_1(%arg0: i32) -> (i32, i32) {
    %c0_i32 = arith.constant 0 : i32
    %c0_i32_0 = arith.constant 0 : i32
    return %arg0, %c0_i32 : i32, i32
  }
  func.func @transform_2(%arg0: i32) -> (i32, i32, i32) {
    %c0_i32 = arith.constant 0 : i32
    %c0_i32_0 = arith.constant 0 : i32
    %c0_i32_1 = arith.constant 0 : i32
    return %c0_i32, %arg0, %c0_i32_0 : i32, i32, i32
  }
  func.func @transform_3(%arg0: i32) -> (i32, i32) {
    %c0_i32 = arith.constant 0 : i32
    %c0_i32_0 = arith.constant 0 : i32
    %c0_i32_1 = arith.constant 0 : i32
    return %c0_i32, %c0_i32_0 : i32, i32
  }
  func.func @transform_4(%arg0: i32) -> (i32, i32) {
    %c0_i32 = arith.constant 0 : i32
    %c0_i32_0 = arith.constant 0 : i32
    %c0_i32_1 = arith.constant 0 : i32
    return %c0_i32, %c0_i32_0 : i32, i32
  }
  func.func @transform_5(%arg0: i32) -> (i32, i32) {
    %c0_i32 = arith.constant 0 : i32
    %c0_i32_0 = arith.constant 0 : i32
    return %arg0, %c0_i32 : i32, i32
  }
}

module attributes {stable_mosaic.version = 14 : i64} {
  func.func @_tc_final_kernel(%arg0: i32, %arg1: memref<2x2000x128xf32, #tpu.memory_space<vmem>>, %arg2: memref<2000x128xf32, #tpu.memory_space<vmem>>, %arg3: memref<2x2000x128xf32, #tpu.memory_space<vmem>>, %arg4: memref<128x128xf32, #tpu.memory_space<vmem>>, %arg5: memref<1x128xf32, #tpu.memory_space<vmem>>, %arg6: memref<128x1xf32, #tpu.memory_space<vmem>>, %arg7: memref<1x1xf32, #tpu.memory_space<vmem>>, %arg8: memref<128x32xf32, #tpu.memory_space<vmem>>, %arg9: memref<1x32xf32, #tpu.memory_space<vmem>>, %arg10: memref<1x32xf32, #tpu.memory_space<vmem>>, %arg11: memref<1x128xf32, #tpu.memory_space<vmem>>) attributes {dimension_semantics = [#tpu.dimension_semantics<arbitrary>], iteration_bounds = array<i64: 5>, scalar_prefetch = 0 : i64, scratch_operands = 1 : i64, tpu.core_type = #tpu.core_type<tc>, window_params = [{transform_indices = @transform_0, window_bounds = array<i64: 2, 2000, 128>}, {transform_indices = @transform_1, window_bounds = array<i64: 2000, 128>}, {transform_indices = @transform_2, window_bounds = array<i64: 2, 2000, 128>}, {pipeline_mode = #tpu.pipeline_mode<synchronous>, transform_indices = @transform_3, window_bounds = array<i64: 128, 128>}, {pipeline_mode = #tpu.pipeline_mode<synchronous>, transform_indices = @transform_4, window_bounds = array<i64: 1, 128>}, {pipeline_mode = #tpu.pipeline_mode<synchronous>, transform_indices = @transform_5, window_bounds = array<i64: 128, 1>}, {pipeline_mode = #tpu.pipeline_mode<synchronous>, transform_indices = @transform_6, window_bounds = array<i64: 1, 1>}, {pipeline_mode = #tpu.pipeline_mode<synchronous>, transform_indices = @transform_7, window_bounds = array<i64: 128, 32>}, {pipeline_mode = #tpu.pipeline_mode<synchronous>, transform_indices = @transform_8, window_bounds = array<i64: 1, 32>}, {pipeline_mode = #tpu.pipeline_mode<synchronous>, transform_indices = @transform_9, window_bounds = array<i64: 1, 32>}]} {
    %get3A = arith.constant 0 : index
    %get3A_0 = arith.constant 0 : index
    %get3A_1 = arith.constant 0 : index
    %get3A_2 = vector.load %arg3[%get3A, %get3A_0, %get3A_1] : memref<2x2000x128xf32, #tpu.memory_space<vmem>>, vector<1x2000x1xf32>
    %get3A_3 = vector.shape_cast %get3A_2 : vector<1x2000x1xf32> to vector<2000x1xf32>
    %get3A_4 = arith.constant 1 : index
    %get3A_5 = arith.constant 0 : index
    %get3A_6 = arith.constant 0 : index
    %get3A_7 = vector.load %arg3[%get3A_4, %get3A_5, %get3A_6] : memref<2x2000x128xf32, #tpu.memory_space<vmem>>, vector<1x2000x1xf32>
    %get3A_8 = vector.shape_cast %get3A_7 : vector<1x2000x1xf32> to vector<2000x1xf32>
    %add3A = arith.addf %get3A_3, %get3A_8 : vector<2000x1xf32>
    %get3A_9 = arith.constant 0 : index
    %get3A_10 = arith.constant 0 : index
    %get3A_11 = arith.constant 0 : index
    %get3A_12 = vector.load %arg1[%get3A_9, %get3A_10, %get3A_11] : memref<2x2000x128xf32, #tpu.memory_space<vmem>>, vector<1x2000x128xf32>
    %get3A_13 = vector.shape_cast %get3A_12 : vector<1x2000x128xf32> to vector<2000x128xf32>
    %get3A_14 = arith.constant 1 : index
    %get3A_15 = arith.constant 0 : index
    %get3A_16 = arith.constant 0 : index
    %get3A_17 = vector.load %arg1[%get3A_14, %get3A_15, %get3A_16] : memref<2x2000x128xf32, #tpu.memory_space<vmem>>, vector<1x2000x128xf32>
    %get3A_18 = vector.shape_cast %get3A_17 : vector<1x2000x128xf32> to vector<2000x128xf32>
    %add3A_19 = arith.addf %get3A_13, %get3A_18 : vector<2000x128xf32>
    %get3A_20 = arith.constant 0 : index
    %get3A_21 = arith.constant 0 : index
    %get3A_22 = vector.load %arg2[%get3A_20, %get3A_21] : memref<2000x128xf32, #tpu.memory_space<vmem>>, vector<2000x128xf32>
    %add3A_23 = arith.addf %add3A_19, %get3A_22 : vector<2000x128xf32>
    %add3A_24 = arith.constant 1.000000e+00 : f32
    %add3A_25 = vector.broadcast %add3A_24 : f32 to vector<2000x1xf32>
    %add3A_26 = arith.addf %add3A, %add3A_25 : vector<2000x1xf32>
    %div3A = vector.broadcast %add3A_26 : vector<2000x1xf32> to vector<2000x128xf32>
    %div3A_27 = arith.divf %add3A_23, %div3A : vector<2000x128xf32>
    %get3A_28 = arith.constant 0 : index
    %get3A_29 = arith.constant 0 : index
    %get3A_30 = vector.load %arg4[%get3A_28, %get3A_29] : memref<128x128xf32, #tpu.memory_space<vmem>>, vector<128x128xf32>
    %dot_general3A = arith.constant dense<0.000000e+00> : vector<2000x128xf32>
    %dot_general3A_31 = tpu.matmul %div3A_27, %get3A_30, %dot_general3A {dimension_numbers = #tpu.dot_dimension_numbers<[1], [0], [0], [1], [0, 0, 1, 1], [], []>, transpose_lhs_hint = false} : vector<2000x128xf32>, vector<128x128xf32>, vector<2000x128xf32> -> vector<2000x128xf32>
    %get3A_32 = arith.constant 0 : index
    %get3A_33 = arith.constant 0 : index
    %get3A_34 = vector.load %arg5[%get3A_32, %get3A_33] : memref<1x128xf32, #tpu.memory_space<vmem>>, vector<1x128xf32>
    %add3A_35 = vector.broadcast %get3A_34 : vector<1x128xf32> to vector<2000x128xf32>
    %add3A_36 = arith.addf %dot_general3A_31, %add3A_35 : vector<2000x128xf32>
    %get3A_37 = arith.constant 0 : index
    %get3A_38 = arith.constant 0 : index
    %get3A_39 = vector.load %arg6[%get3A_37, %get3A_38] : memref<128x1xf32, #tpu.memory_space<vmem>>, vector<128x1xf32>
    %dot_general3A_40 = arith.constant dense<0.000000e+00> : vector<2000x1xf32>
    %dot_general3A_41 = tpu.matmul %add3A_36, %get3A_39, %dot_general3A_40 {dimension_numbers = #tpu.dot_dimension_numbers<[1], [0], [0], [1], [0, 0, 1, 1], [], []>, transpose_lhs_hint = false} : vector<2000x128xf32>, vector<128x1xf32>, vector<2000x1xf32> -> vector<2000x1xf32>
    %get3A_42 = arith.constant 0 : index
    %get3A_43 = arith.constant 0 : index
    %get3A_44 = vector.load %arg7[%get3A_42, %get3A_43] : memref<1x1xf32, #tpu.memory_space<vmem>>, vector<1x1xf32>
    %add3A_45 = vector.broadcast %get3A_44 : vector<1x1xf32> to vector<2000x1xf32>
    %add3A_46 = arith.addf %dot_general3A_41, %add3A_45 : vector<2000x1xf32>
    %logistic3A = arith.negf %add3A_46 : vector<2000x1xf32>
    %logistic3A_47 = math.exp %logistic3A : vector<2000x1xf32>
    %logistic3A_48 = arith.constant 1.000000e+00 : f32
    %logistic3A_49 = vector.broadcast %logistic3A_48 : f32 to vector<2000x1xf32>
    %logistic3A_50 = arith.addf %logistic3A_49, %logistic3A_47 : vector<2000x1xf32>
    %logistic3A_51 = arith.divf %logistic3A_49, %logistic3A_50 : vector<2000x1xf32>
    %mul3A = vector.broadcast %logistic3A_51 : vector<2000x1xf32> to vector<2000x128xf32>
    %mul3A_52 = arith.mulf %mul3A, %add3A_36 : vector<2000x128xf32>
    %reduce_sum3A = arith.constant dense<0.000000e+00> : vector<128xf32>
    %reduce_sum3A_53 = vector.multi_reduction <add>, %mul3A_52, %reduce_sum3A [0] : vector<2000x128xf32> to vector<128xf32>
    %broadcast_in_dim3A = vector.shape_cast %reduce_sum3A_53 : vector<128xf32> to vector<1x128xf32>
    %eq3A = arith.constant 0 : i32
    %eq3A_54 = arith.cmpi eq, %arg0, %eq3A : i32
    %convert_element_type3A = arith.extui %eq3A_54 : i1 to i32
    %cond3A = arith.constant 0 : i32
    %cond3A_55 = arith.cmpi ne, %convert_element_type3A, %cond3A : i32
    scf.if %cond3A_55 {
      %broadcast_in_dim3A_67 = arith.constant 0.000000e+00 : f32
      %broadcast_in_dim3A_68 = vector.broadcast %broadcast_in_dim3A_67 : f32 to vector<1x128xf32>
      %swap3A_69 = arith.constant 0 : index
      %swap3A_70 = arith.constant 0 : index
      %swap3A_71 = vector.load %arg11[%swap3A_69, %swap3A_70] : memref<1x128xf32, #tpu.memory_space<vmem>>, vector<1x128xf32>
      tpu.vector_store %arg11[%swap3A_69, %swap3A_70], %broadcast_in_dim3A_68 {strides = array<i32>} : memref<1x128xf32, #tpu.memory_space<vmem>>, vector<1x128xf32>,
    } else {
    }
    %get3A_56 = arith.constant 0 : index
    %get3A_57 = arith.constant 0 : index
    %get3A_58 = vector.load %arg11[%get3A_56, %get3A_57] : memref<1x128xf32, #tpu.memory_space<vmem>>, vector<1x128xf32>
    %add3A_59 = arith.addf %get3A_58, %broadcast_in_dim3A : vector<1x128xf32>
    %swap3A = arith.constant 0 : index
    %swap3A_60 = arith.constant 0 : index
    %swap3A_61 = vector.load %arg11[%swap3A, %swap3A_60] : memref<1x128xf32, #tpu.memory_space<vmem>>, vector<1x128xf32>
    tpu.vector_store %arg11[%swap3A, %swap3A_60], %add3A_59 {strides = array<i32>} : memref<1x128xf32, #tpu.memory_space<vmem>>, vector<1x128xf32>,
    %eq3A_62 = arith.constant 4 : i32
    %eq3A_63 = arith.cmpi eq, %arg0, %eq3A_62 : i32
    %convert_element_type3A_64 = arith.extui %eq3A_63 : i1 to i32
    %cond3A_65 = arith.constant 0 : i32
    %cond3A_66 = arith.cmpi ne, %convert_element_type3A_64, %cond3A_65 : i32
    scf.if %cond3A_66 {
      %get3A_67 = arith.constant 0 : index
      %get3A_68 = arith.constant 0 : index
      %get3A_69 = vector.load %arg11[%get3A_67, %get3A_68] : memref<1x128xf32, #tpu.memory_space<vmem>>, vector<1x128xf32>
      %div3A_70 = arith.constant 1.000000e+04 : f32
      %div3A_71 = vector.broadcast %div3A_70 : f32 to vector<1x128xf32>
      %div3A_72 = arith.divf %get3A_69, %div3A_71 : vector<1x128xf32>
      %get3A_73 = arith.constant 0 : index
      %get3A_74 = arith.constant 0 : index
      %get3A_75 = vector.load %arg8[%get3A_73, %get3A_74] : memref<128x32xf32, #tpu.memory_space<vmem>>, vector<128x32xf32>
      %dot_general3A_76 = arith.constant dense<0.000000e+00> : vector<1x32xf32>
      %dot_general3A_77 = tpu.matmul %div3A_72, %get3A_75, %dot_general3A_76 {dimension_numbers = #tpu.dot_dimension_numbers<[1], [0], [0], [1], [0, 0, 1, 1], [], []>, transpose_lhs_hint = false} : vector<1x128xf32>, vector<128x32xf32>, vector<1x32xf32> -> vector<1x32xf32>
      %get3A_78 = arith.constant 0 : index
      %get3A_79 = arith.constant 0 : index
      %get3A_80 = vector.load %arg9[%get3A_78, %get3A_79] : memref<1x32xf32, #tpu.memory_space<vmem>>, vector<1x32xf32>
      %add3A_81 = arith.addf %dot_general3A_77, %get3A_80 : vector<1x32xf32>
      %swap3A_82 = arith.constant 0 : index
      %swap3A_83 = arith.constant 0 : index
      %swap3A_84 = vector.load %arg10[%swap3A_82, %swap3A_83] : memref<1x32xf32, #tpu.memory_space<vmem>>, vector<1x32xf32>
      tpu.vector_store %arg10[%swap3A_82, %swap3A_83], %add3A_81 {strides = array<i32>} : memref<1x32xf32, #tpu.memory_space<vmem>>, vector<1x32xf32>,
    } else {
    }
    return
  }
  func.func @transform_0(%arg0: i32) -> (i32, i32, i32) {
    %c0_i32 = arith.constant 0 : i32
    %c0_i32_0 = arith.constant 0 : i32
    %c0_i32_1 = arith.constant 0 : i32
    return %c0_i32, %arg0, %c0_i32_0 : i32, i32, i32
  }
  func.func @transform_1(%arg0: i32) -> (i32, i32) {
    %c0_i32 = arith.constant 0 : i32
    %c0_i32_0 = arith.constant 0 : i32
    return %arg0, %c0_i32 : i32, i32
  }
  func.func @transform_2(%arg0: i32) -> (i32, i32, i32) {
    %c0_i32 = arith.constant 0 : i32
    %c0_i32_0 = arith.constant 0 : i32
    %c0_i32_1 = arith.constant 0 : i32
    return %c0_i32, %arg0, %c0_i32_0 : i32, i32, i32
  }
  func.func @transform_3(%arg0: i32) -> (i32, i32) {
    %c0_i32 = arith.constant 0 : i32
    %c0_i32_0 = arith.constant 0 : i32
    %c0_i32_1 = arith.constant 0 : i32
    return %c0_i32, %c0_i32_0 : i32, i32
  }
  func.func @transform_4(%arg0: i32) -> (i32, i32) {
    %c0_i32 = arith.constant 0 : i32
    %c0_i32_0 = arith.constant 0 : i32
    %c0_i32_1 = arith.constant 0 : i32
    return %c0_i32, %c0_i32_0 : i32, i32
  }
  func.func @transform_5(%arg0: i32) -> (i32, i32) {
    %c0_i32 = arith.constant 0 : i32
    %c0_i32_0 = arith.constant 0 : i32
    %c0_i32_1 = arith.constant 0 : i32
    return %c0_i32, %c0_i32_0 : i32, i32
  }
  func.func @transform_6(%arg0: i32) -> (i32, i32) {
    %c0_i32 = arith.constant 0 : i32
    %c0_i32_0 = arith.constant 0 : i32
    %c0_i32_1 = arith.constant 0 : i32
    return %c0_i32, %c0_i32_0 : i32, i32
  }
  func.func @transform_7(%arg0: i32) -> (i32, i32) {
    %c0_i32 = arith.constant 0 : i32
    %c0_i32_0 = arith.constant 0 : i32
    %c0_i32_1 = arith.constant 0 : i32
    return %c0_i32, %c0_i32_0 : i32, i32
  }
  func.func @transform_8(%arg0: i32) -> (i32, i32) {
    %c0_i32 = arith.constant 0 : i32
    %c0_i32_0 = arith.constant 0 : i32
    %c0_i32_1 = arith.constant 0 : i32
    return %c0_i32, %c0_i32_0 : i32, i32
  }
  func.func @transform_9(%arg0: i32) -> (i32, i32) {
    %c0_i32 = arith.constant 0 : i32
    %c0_i32_0 = arith.constant 0 : i32
    %c0_i32_1 = arith.constant 0 : i32
    return %c0_i32, %c0_i32_0 : i32, i32
  }
}

</mosaic_0001>

<sc_bundles>
// kernel: _run.12.cloned.1.call-start
scs
__scs_entry_jumppad:
0x0: {  	(pc) =	sbr.rel $0x88, $3  }
0x1: {  	(tag) =	ssettag $0x0;
	lr =	simm.s32 $0x1  }
0x2: {  	[smem:$0x3F95] =	sst lr;
	_ =	strace $0xD0000000  }
0x3: {  	_ = 	snop  }
0x4: {  	_ = 	snop  }
0x5: {  	_ = 	snop  }
0x6: {  	_ = 	snop  }
0x7: {  	_ = 	snop  }
__scs_overlays_trampoline_lowered:
0x8: {  	[smem:$0x3FA4] =	sst s0  }
0x9: {  	[smem:$0x3FA5] =	sst s1  }
0xa: {  	[smem:$0x3FA6] =	sst s2  }
0xb: {  	[smem:$0x3FA7] =	sst s3  }
0xc: {  	[smem:$0x3FA8] =	sst s4  }
0xd: {  	[smem:$0x3FA9] =	sst s5  }
0xe: {  	[smem:$0x3FAA] =	sst s6  }
0xf: {  	[smem:$0x3FAB] =	sst s7  }
0x10: {  	[smem:$0x3FAC] =	sst s8  }
0x11: {  	[smem:$0x3FAD] =	sst s9;
	s0 =	simm.s32 @!p0 $0x0  }
0x12: {  	s1 =	sld [smem:$0x3F93];
	s0 =	simm.s32 @p0 $0x1  }
0x13: {  	[smem:$0x3FAE] =	sst s0;
	s0 =	simm.s32 @!p1 $0x0  }
0x14: {  	s2 =	sld [smem:$0x3F92];
	s0 =	simm.s32 @p1 $0x1  }
0x15: {  	[smem:$0x3FAF] =	sst s0;
	s0 =	simm.s32 @!p2 $0x0  }
0x16: {  	s3 =	sld [smem:$0x3FDB];
	s0 =	simm.s32 @p2 $0x1  }
0x17: {  	s4 =	simm.s32 $0x1BF5;
	[smem:$0x3FB1] =	sst s0  }
0x18: {  	s0 =	sld [smem:$0x3F94];
	_ =	swait.ge [sflag:s4], $0x0  }
0x19: {  	s7 =	sld [smem:$0x3F95]  }
0x1a: {  	s8 =	sadd.s32 $0xFFFFE003, lr  }
0x1b: {  	s9 =	sadd.s32 $0xFFFFFEF7, lr;
	s5 =	simm.s32 $0xFFFFFFFF;
	p2 =	slt.u32 s8, $0xFFFFF086  }
0x1c: {  	p1 =	slt.u32 s9, $0xF7A;
	s5 =	simm.s32 @!p2 $0x0  }
0x1d: {  	s5 =	simm.s32 @p1 $0x1;
	p0 =	seq.s32 s7, s2  }
0x1e: {  	s7 =	smul.u32 @!p0 $0xF7A, s2;
	p2 =	seq.s32 @!p0 s5, $0x0  }
0x1f: {  	s9 =	smul.u32 $0xF7A, s1;
	s8 =	simm.s32 @!p0 $0x1BF5;
	p2 =	por !p2, p0  }
0x20: {  	[sflag:s8] =	ssyncset.s32 @!p0 $0xFFFFF086;
	s6 =	sadd.s32 @!p0 s3, s7;
	s7 =	simm.s32 @!p0 $0x108  }
0x21: {  	s3 =	sadd.s32 s3, s9;
	s6 =	sadd.s32 @!p0 $0x88, s6;
	s7 =	simm.s32 @p2 $0x1082  }
0x22: {  	[simem:s7], [sflag:s8] =	dma.local @!p0 [hbm:s6], $0xF7A  }
0x23: {  	s9 =	sor.u32 $0xD0000000, s2;
	s6 =	simm.s32 $0x108;
	_ =	swait.ge @!p0 [sflag:s8], $0x0  }
0x24: {  	s3 =	sadd.s32 $0x88, s3;
	s6 =	simm.s32 @!p1 $0x1082;
	[sflag:s4] =	ssyncset.s32 $0xFFFFF086  }
0x25: {  	[simem:s6], [sflag:s4] =	dma.local [hbm:s3], $0xF7A  }
0x26: {  	[smem:$0x3F95] =	sst s1;
	(tag) =	ssettag s2;
	_ =	strace s9  }
0x27: {  	s1 =	sld [smem:$0x3FA5]  }
0x28: {  	s2 =	sld [smem:$0x3FA6]  }
0x29: {  	s4 =	sld [smem:$0x3FA8]  }
0x2a: {  	p0 =	seq.s32 s5, $0x0;
	s5 =	sld [smem:$0x3FA9]  }
0x2b: {  	s6 =	sld [smem:$0x3FAA]  }
0x2c: {  	s7 =	sld [smem:$0x3FAB]  }
0x2d: {  	s3 =	simm.s32 $0x108;
	s8 =	sld [smem:$0x3FAC]  }
0x2e: {  	s3 =	simm.s32 @!p0 $0x1082;
	s9 =	sld [smem:$0x3FAD]  }
0x2f: {  	lr =	sadd.s32 s0, s3;
	s0 =	sld [smem:$0x3FA4]  }
0x30: {  	s3 =	sld [smem:$0x3FA7]  }
0x31: {  	[smem:$0x3FB0] =	sst s10  }
0x32: {  	s10 =	sld [smem:$0x3FAE];
	_ =	sdelay $0x3  }
0x33: {  	p0 =	seq.s32 s10, $0x1;
	s10 =	sld [smem:$0x3FB0];
	_ =	sdelay $0x3  }
0x34: {  	[smem:$0x3FB0] =	sst s10  }
0x35: {  	s10 =	sld [smem:$0x3FAF];
	_ =	sdelay $0x3  }
0x36: {  	p1 =	seq.s32 s10, $0x1;
	s10 =	sld [smem:$0x3FB0];
	_ =	sdelay $0x3  }
0x37: {  	[smem:$0x3FB0] =	sst s10  }
0x38: {  	s10 =	sld [smem:$0x3FB1]  }
0x39: {  	_ = 	snop;
	(pc) =	sbr.ind lr, $3  }
0x3a: {  	_ = 	snop  }
0x3b: {  	_ = 	snop  }
0x3c: {  	p2 =	seq.s32 s10, $0x1;
	s10 =	sld [smem:$0x3FB0]  }
0x3d: {  	_ =	shalt  }
0x3e: {  	_ =	shalt  }
0x3f: {  	_ =	shalt  }
0x40: {  	_ =	shalt  }
0x41: {  	_ =	shalt  }
0x42: {  	_ =	shalt  }
0x43: {  	_ =	shalt  }
0x44: {  	_ =	shalt  }
0x45: {  	_ =	shalt  }
0x46: {  	_ =	shalt  }
0x47: {  	_ =	shalt  }
0x48: {  	_ =	shalt  }
0x49: {  	_ =	shalt  }
0x4a: {  	_ =	shalt  }
0x4b: {  	_ =	shalt  }
0x4c: {  	_ =	shalt  }
0x4d: {  	_ =	shalt  }
0x4e: {  	_ =	shalt  }
0x4f: {  	_ =	shalt  }
0x50: {  	_ =	shalt  }
0x51: {  	_ =	shalt  }
0x52: {  	_ =	shalt  }
0x53: {  	_ =	shalt  }
0x54: {  	_ =	shalt  }
0x55: {  	_ =	shalt  }
0x56: {  	_ =	shalt  }
0x57: {  	_ =	shalt  }
0x58: {  	_ =	shalt  }
0x59: {  	_ =	shalt  }
0x5a: {  	_ =	shalt  }
0x5b: {  	_ =	shalt  }
0x5c: {  	_ =	shalt  }
0x5d: {  	_ =	shalt  }
0x5e: {  	_ =	shalt  }
0x5f: {  	_ =	shalt  }
0x60: {  	_ =	shalt  }
0x61: {  	_ =	shalt  }
0x62: {  	_ =	shalt  }
0x63: {  	_ =	shalt  }
0x64: {  	_ =	shalt  }
0x65: {  	_ =	shalt  }
0x66: {  	_ =	shalt  }
0x67: {  	_ =	shalt  }
0x68: {  	_ =	shalt  }
0x69: {  	_ =	shalt  }
0x6a: {  	_ =	shalt  }
0x6b: {  	_ =	shalt  }
0x6c: {  	_ =	shalt  }
0x6d: {  	_ =	shalt  }
0x6e: {  	_ =	shalt  }
0x6f: {  	_ =	shalt  }
0x70: {  	_ =	shalt  }
0x71: {  	_ =	shalt  }
0x72: {  	_ =	shalt  }
0x73: {  	_ =	shalt  }
0x74: {  	_ =	shalt  }
0x75: {  	_ =	shalt  }
0x76: {  	_ =	shalt  }
0x77: {  	_ =	shalt  }
0x78: {  	_ =	shalt  }
0x79: {  	_ =	shalt  }
0x7a: {  	_ =	shalt  }
0x7b: {  	_ =	shalt  }
0x7c: {  	_ =	shalt  }
0x7d: {  	_ =	shalt  }
0x7e: {  	_ =	shalt  }
0x7f: {  	_ =	shalt  }
0x80: {  	_ =	shalt  }
0x81: {  	_ =	shalt  }
0x82: {  	_ =	shalt  }
0x83: {  	_ =	shalt  }
0x84: {  	_ =	shalt  }
0x85: {  	_ =	shalt  }
0x86: {  	_ =	shalt  }
0x87: {  	_ =	shalt  }
.Lfunc_end0:
.L_simem_size_0:
called_computation.1_lowered:
.L_overlay_start_0:
0x88: {  	s2 =	sld [smem:$0x3FD9]  }
0x89: {  	s3 =	sld [smem:$0x3FFE];
	_ =	sdelay $0x1  }
0x8a: {  	s1 =	srdreg.scid  }
0x8b: {  	s0 =	sand.u32 $0x1, s1  }
0x8c: {  	s17 =	sshll.u32 s0, $0xA;
	s2 =	sadd.s32 s3, s2  }
0x8d: {  	s2 =	sadd.s32 s2, s17  }
0x8e: {  	[smem:$0x3FBC] =	sst s2  }
0x8f: {  	_ = 	snop  }
0x90: {  	s2 =	sld [smem:$0x3FC9];
	(tm) =	ssettm $0x1  }
0x91: {  	s18 =	sld [smem:$0x3FFB];
	_ =	sdelay $0x3  }
0x92: {  	_ =	strace s18  }
0x93: {  	s3 =	sld [smem:$0x3FFC];
	_ =	sdelay $0x3  }
0x94: {  	_ =	strace s3  }
0x95: {  	s3 =	sld [smem:$0x3FFD];
	_ =	sdelay $0x3  }
0x96: {  	_ =	strace s3  }
0x97: {  	_ =	strace $0x8FFFFFFF  }
0x98: {  	s19 =	sld [smem:$0x3FDB];
	_ =	sdelay $0x1  }
0x99: {  	s4 =	simm.s32 $_scs_section_size  }
0x9a: {  	s5 =	simm.s32 $_size__tile_overlayer_lowered;
	s6 =	simm.s32 $_tile_overlayer_lowered  }
0x9b: {  	s22 =	simm.s32 $0x1BFF;
	s21 =	sshll.u32 s6, $0x1;
	s3 =	sadd.s32 s4, s19  }
0x9c: {  	s7 =	simm.s32 $0x0;
	s20 =	sshll.u32 s5, $0x1;
	s5 =	sadd.s32 s21, s3  }
0x9d: {  	[timem:s7], [sflag:s22] =	dma.local [hbm:s5], s20  }
0x9e: {  	_ =	swait.ge [sflag:s22], s20  }
0x9f: {  	s4 =	ssub.s32 $0x0, s20;
	[sflag:s22] =	ssyncset.done $0x0  }
0xa0: {  	[sflag:s22] =	ssyncadd.s32 s4;
	_ =	sdelay $0x1  }
0xa1: {  	s23 =	simm.s32 $0x1B8B  }
0xa2: {  	_ =	swait.ge [sflag:s23], $0x1  }
0xa3: {  	[sflag:s23] =	ssyncset.done $0x0  }
0xa4: {  	s25 =	simm.s32 $0x1B8E;
	s24 =	sld [smem:$0x3FFE];
	[sflag:s23] =	ssyncadd.s32 $0xFFFFFFFF  }
0xa5: {  	s26 =	simm.s32 $execute0_lowered;
	[smem:$0x3FD2] =	sst s25  }
0xa6: {  	s5 =	sshll.u32 s26, $0x1;
	_ =	strace $0x80000046;
	[dreg:$0x1] =	wrdreg $0xFFFFFFFF  }
0xa7: {  	s28 =	simm.s32 $_size_execute0_lowered;
	s3 =	sadd.s32 s3, s5;
	[dreg:$0x0] =	wrdreg $0x0  }
0xa8: {  	s5 =	sshll.u32 s28, $0x1;
	[dreg:$0x2] =	wrdreg s3  }
0xa9: {  	[dreg:$0x3] =	wrdreg s5  }
0xaa: {  	[dreg:$0x4] =	wrdreg $0xC0  }
0xab: {  	_ =	task [dreg:s7], $0x5FFFF  }
0xac: {  	[dreg:$0x1] =	wrdreg $0xFFFFFFFF  }
0xad: {  	[dreg:$0x0] =	wrdreg $0x60  }
0xae: {  	[dreg:$0x2] =	wrdreg s2  }
0xaf: {  	[dreg:$0x3] =	wrdreg s24  }
0xb0: {  	[dreg:$0x4] =	wrdreg $0xA8000  }
0xb1: {  	[dreg:$0x5] =	wrdreg $0xA  }
0xb2: {  	_ =	task.clear_ibuf [dreg:s7], $0x6FFFF;
	_ =	strace $0x90000046  }
0xb3: {  	s29 =	simm.s32 $0xA;
	_ =	strace $0x80000048  }
0xb4: {  	_ =	swait.ge [sflag:s29], $0x1  }
0xb5: {  	[sflag:s29] =	ssyncadd.s32 $0xFFFFFFFF  }
0xb6: {  	_ =	strace $0x90000048  }
0xb7: {  	_ =	sfence  }
0xb8: {  	s30 =	sld [smem:$0x0];
	_ =	sdelay $0x2  }
0xb9: {  	s31 =	sshll.u32 s1, $0xD;
	s1 =	sshrl.u32 s1, $0x2  }
0xba: {  	s3 =	sand.u32 $0x4000, s31;
	s1 =	sadd.s32 s1, s30  }
0xbb: {  	s0 =	sor.u32 s3, s0;
	s1 =	sshll.u32 s1, $0x11  }
0xbc: {  	s0 =	sor.u32 s1, s0  }
0xbd: {  	s0 =	sadd.s32 $0x8F2B, s0  }
0xbe: {  	[sflag:s0] =	ssyncadd.remote.s32 $0x1  }
0xbf: {  	_ =	sfence.sel $0xFFFF  }
0xc0: {  	[dreg:$0x0] =	wrdreg $0xFFFFFFFF;
	(pc) =	sbr.abs _section_cstart, $3  }
0xc1: {  	[dreg:$0x1] =	wrdreg $0xFFFFFFFF  }
0xc2: {  	_ =	task.clear_ibuf [dreg:s7], $0x2FFFF;
	_ =	strace $0x9FFFFFFF  }
0xc3: {  	(tm) =	ssettm $0x7FFFFFFF  }
tec
execute0_lowered:
.L_overlay_start_1:
0x0: {  	(tag) =	ssettag $0x1  }
0x1: {  	s0 =	rddreg [dreg:$0x0]  }
0x2: {  	s5 =	rddreg [dreg:$0x1];
	s1 =	srdreg.scid  }
0x3: {  	s3 =	rddreg [dreg:$0x2];
	s2 =	stileid.u32  }
0x4: {  	s4 =	simm.s32 $0x0;
	s17 =	simm.s32 $0x5;
	s18 =	simm.s32 $0x1400  }
0x5: {  	s19 =	simm.s32 $0x80;
	s20 =	simm.s32 $0x6800;
	s21 =	simm.s32 $0x1  }
0x6: {  	s22 =	simm.s32 $0x2;
	s23 =	simm.s32 $0x3;
	s24 =	simm.s32 $0x4  }
0x7: {  	s25 =	simm.s32 $0x2700;
	s6 =	sand.u32 $0x1, s1;
	s1 =	rddreg [dreg:$0x3]  }
0x8: {  	s26 =	simm.s32 $0x2780;
	s8 =	smul.u32 $0x14000, s2;
	[smem:$0x7FF] =	sst s4  }
0x9: {  	s12 =	sadd.s32 $0xD200, s5;
	s13 =	sadd.s32 $0x3200, s5;
	s28 =	smul.u32 $0x50000, s2  }
0xa: {  	s7 =	smul.u32 $0x140000, s6;
	s29 =	ssub.s32 $0x2, s6;
	s6 =	sshll.u32 s6, $0x4  }
0xb: {  	_ =	strace $0x80000047;
	s30 =	sshrl.u32 s29, $0x1;
	s9 =	sor.u32 s2, s6  }
0xc: {  	s31 =	sshrl.u32 s28, $0x2;
	s7 =	sadd.s32 s8, s7;
	s10 =	smul.u32 $0x2800, s9  }
0xd: {  	s15 =	ssub.s32 s29, s30;
	s11 =	smul.u32 $0x500, s9;
	s7 =	sshrl.u32 s7, $0x3  }
0xe: {  	s15 =	smax.u32 s15, $0x1;
	s14 =	sadd.s32 s7, s5;
	s5 =	sadd.s32 s31, s3  }
0xf: {  	s16 =	sshrl.u32 s10, $0x3;
	s10 =	sadd.s32 s12, s11;
	s11 =	sadd.s32 s13, s11  }
0x10: {  	s6 =	sadd.s32 $0x4000, s5;
	s7 =	sadd.s32 $0x8000, s5;
	s8 =	sadd.s32 $0xC000, s5  }
0x11: {  	s9 =	sadd.s32 $0x10000, s5;
	s16 =	sadd.s32 $0x280, s16;
	s14 =	sadd.s32 $0x17200, s14  }
0x12: {  	v0 =	vimm.f32 $0.0e+00;
	s12 =	sadd.s32 s12, s16;
	s13 =	sadd.s32 s13, s16;
	s16 =	simm.s32 $0x2800  }
.LBB2_1:
0x13: {  	s28 =	simm.s32 $0x0;
	s29 =	simm.s32 $0x200  }
.LBB2_2:
0x14: {  	p0 =	sne.s32 s29, $0xFE00;
	[tilespmem:s28+$0x2870] =	vst v0  }
0x15: {  	[tilespmem:s28+$0x2800] =	vst v0  }
0x16: {  	[tilespmem:s28+$0x2810] =	vst v0  }
.Ltmp0:
0x17: {  	[tilespmem:s28+$0x2820] =	vst v0;
	(pc) =	sbr.rel @p0 .LBB2_2-.Ltmp0, $4  }
0x18: {  	[tilespmem:s28+$0x2830] =	vst v0  }
0x19: {  	[tilespmem:s28+$0x2840] =	vst v0  }
0x1a: {  	[tilespmem:s28+$0x2850] =	vst v0  }
0x1b: {  	[tilespmem:s28+$0x2860] =	vst v0;
	s28 =	sshra.s32 s29, $0x2;
	s29 =	sadd.s32 $0x200, s29  }
0x1c: {  	[tilespmem:s28+$0x2870] =	vst v0  }
0x1d: {  	[tilespmem:s28+$0x2800] =	vst v0  }
0x1e: {  	[tilespmem:s28+$0x2810] =	vst v0  }
0x1f: {  	[tilespmem:s28+$0x2820] =	vst v0  }
0x20: {  	[tilespmem:s28+$0x2830] =	vst v0  }
0x21: {  	[tilespmem:s28+$0x2840] =	vst v0  }
0x22: {  	[tilespmem:s28+$0x2850] =	vst v0  }
0x23: {  	[tilespmem:s28+$0x2860] =	vst v0  }
0x24: {  	[spmem:s5] =	stream.linear.scatter [tilespmem:s16], [sflag:$0x5], $0x4000, $0x38;
	[tilespmem:$0x1E800] =	vst v63  }
0x25: {  	_ =	swait.ge [sflag:s17], $0x4000  }
0x26: {  	[sflag:s17] =	ssyncset.done $0x0  }
0x27: {  	[sflag:s17] =	ssyncadd.s32 $0xFFFFC000  }
0x28: {  	[spmem:s6] =	stream.linear.scatter [tilespmem:s16], [sflag:$0x5], $0x4000, $0x38;
	[tilespmem:$0x1E800] =	vst v63  }
0x29: {  	_ =	swait.ge [sflag:s17], $0x4000  }
0x2a: {  	[sflag:s17] =	ssyncset.done $0x0  }
0x2b: {  	[sflag:s17] =	ssyncadd.s32 $0xFFFFC000  }
0x2c: {  	[spmem:s7] =	stream.linear.scatter [tilespmem:s16], [sflag:$0x5], $0x4000, $0x38;
	[tilespmem:$0x1E800] =	vst v63  }
0x2d: {  	_ =	swait.ge [sflag:s17], $0x4000  }
0x2e: {  	[sflag:s17] =	ssyncset.done $0x0  }
0x2f: {  	[sflag:s17] =	ssyncadd.s32 $0xFFFFC000  }
0x30: {  	[spmem:s8] =	stream.linear.scatter [tilespmem:s16], [sflag:$0x5], $0x4000, $0x38;
	[tilespmem:$0x1E800] =	vst v63  }
0x31: {  	_ =	swait.ge [sflag:s17], $0x4000  }
0x32: {  	[sflag:s17] =	ssyncset.done $0x0  }
0x33: {  	[sflag:s17] =	ssyncadd.s32 $0xFFFFC000  }
0x34: {  	[spmem:s9] =	stream.linear.scatter [tilespmem:s16], [sflag:$0x5], $0x4000, $0x38;
	[tilespmem:$0x1E800] =	vst v63  }
0x35: {  	_ =	swait.ge [sflag:s17], $0x4000  }
0x36: {  	[sflag:s17] =	ssyncset.done $0x0  }
0x37: {  	[sflag:s17] =	ssyncadd.s32 $0xFFFFC000  }
0x38: {  	s28 =	simm.s32 $0x0;
	[bflag:$0x0] =	sbarrier.arrive $0xFFFF  }
0x39: {  	[tilespmem:s28], [sflag:$0x5] =	stream.linear.gather [hbm4b:s10+s28], $0x1400, $0x38;
	[tilespmem:$0x1E800] =	vst v63  }
0x3a: {  	_ =	swait.ge [sflag:s17], $0x1400  }
0x3b: {  	[sflag:s17] =	ssyncset.done $0x0  }
0x3c: {  	[sflag:s17] =	ssyncadd.s32 $0xFFFFEC00  }
0x3d: {  	[tilespmem:s18], [sflag:$0x5] =	stream.linear.gather [hbm4b:s11+s28], $0x1400, $0x38;
	[tilespmem:$0x1E800] =	vst v63  }
0x3e: {  	_ =	swait.ge [sflag:s17], $0x1400  }
0x3f: {  	[sflag:s17] =	ssyncset.done $0x0  }
0x40: {  	[sflag:s17] =	ssyncadd.s32 $0xFFFFEC00  }
0x41: {  	[tilespmem:s16], [sflag:$0x1] =	stream.indirect.gather [hbm4b:s0+s19], $0x80, s28, s19, $0xb8;
	[tilespmem:$0x1E800] =	vst v63  }
0x42: {  	_ = 	snop  }
0x43: {  	[tilespmem:s20], [sflag:$0x2] =	stream.indirect.gather [hbm4b:s0+s19], $0x80, s19, s19, $0xb8;
	[tilespmem:$0x1E800] =	vst v63  }
0x44: {  	_ =	swait.ge [sflag:s21], $0x4000  }
0x45: {  	[sflag:s21] =	ssyncset.done $0x0  }
0x46: {  	s28 =	simm.s32 $0x1400;
	[sflag:s21] =	ssyncadd.s32 $0xFFFFC000  }
0x47: {  	[spmem:s3] =	stream.indirect.scatter.add.f32 [tilespmem:s16], [sflag:$0x3], $0x80, s28, s19, $0xb8;
	[tilespmem:$0x1E800] =	vst v63  }
0x48: {  	_ =	swait.ge [sflag:s22], $0x4000  }
0x49: {  	[sflag:s22] =	ssyncset.done $0x0  }
0x4a: {  	s28 =	simm.s32 $0x1480;
	[sflag:s22] =	ssyncadd.s32 $0xFFFFC000  }
0x4b: {  	[spmem:s3] =	stream.indirect.scatter.add.f32 [tilespmem:s20], [sflag:$0x4], $0x80, s28, s19, $0xb8;
	[tilespmem:$0x1E800] =	vst v63  }
0x4c: {  	_ =	swait.ge [sflag:s23], $0x4000  }
0x4d: {  	[sflag:s23] =	ssyncset.done $0x0  }
0x4e: {  	s28 =	simm.s32 $0x100;
	[sflag:s23] =	ssyncadd.s32 $0xFFFFC000  }
0x4f: {  	[tilespmem:s16], [sflag:$0x1] =	stream.indirect.gather [hbm4b:s0+s19], $0x80, s28, s19, $0xb8;
	[tilespmem:$0x1E800] =	vst v63  }
0x50: {  	_ =	swait.ge [sflag:s24], $0x4000  }
0x51: {  	[sflag:s24] =	ssyncset.done $0x0  }
0x52: {  	s29 =	simm.s32 $0x180;
	s28 =	simm.s32 $0x400;
	[sflag:s24] =	ssyncadd.s32 $0xFFFFC000  }
.LBB2_4:
0x53: {  	[tilespmem:s20], [sflag:$0x2] =	stream.indirect.gather [hbm4b:s0+s19], $0x80, s29, s19, $0xb8;
	[tilespmem:$0x1E800] =	vst v63  }
0x54: {  	s29 =	smov.u32 s28  }
0x55: {  	p0 =	sne.s32 s28, $0x4800;
	s28 =	sadd.s32 $0x400, s28;
	_ =	swait.ge [sflag:s21], $0x4000  }
0x56: {  	s29 =	sshra.s32 s29, $0x2;
	[sflag:s21] =	ssyncset.done $0x0  }
0x57: {  	s30 =	sadd.s32 $0x1400, s29;
	[sflag:s21] =	ssyncadd.s32 $0xFFFFC000  }
0x58: {  	[spmem:s3] =	stream.indirect.scatter.add.f32 [tilespmem:s16], [sflag:$0x3], $0x80, s30, s19, $0xb8;
	[tilespmem:$0x1E800] =	vst v63  }
0x59: {  	_ =	swait.ge [sflag:s22], $0x4000  }
0x5a: {  	[sflag:s22] =	ssyncset.done $0x0  }
0x5b: {  	s30 =	sadd.s32 $0x1480, s29;
	[sflag:s22] =	ssyncadd.s32 $0xFFFFC000  }
0x5c: {  	[spmem:s3] =	stream.indirect.scatter.add.f32 [tilespmem:s20], [sflag:$0x4], $0x80, s30, s19, $0xb8;
	[tilespmem:$0x1E800] =	vst v63  }
0x5d: {  	_ =	swait.ge [sflag:s23], $0x4000  }
0x5e: {  	[sflag:s23] =	ssyncset.done $0x0  }
.Ltmp1:
0x5f: {  	s30 =	sadd.s32 $0x100, s29;
	[sflag:s23] =	ssyncadd.s32 $0xFFFFC000;
	(pc) =	sbr.rel @p0 .LBB2_4-.Ltmp1, $4  }
0x60: {  	[tilespmem:s16], [sflag:$0x1] =	stream.indirect.gather [hbm4b:s0+s19], $0x80, s30, s19, $0xb8;
	[tilespmem:$0x1E800] =	vst v63  }
0x61: {  	_ =	swait.ge [sflag:s24], $0x4000  }
0x62: {  	[sflag:s24] =	ssyncset.done $0x0  }
0x63: {  	s29 =	sadd.s32 $0x180, s29;
	[sflag:s24] =	ssyncadd.s32 $0xFFFFC000  }
0x64: {  	[tilespmem:s20], [sflag:$0x2] =	stream.indirect.gather [hbm4b:s0+s19], $0x80, s29, s19, $0xb8;
	[tilespmem:$0x1E800] =	vst v63  }
0x65: {  	_ =	swait.ge [sflag:s21], $0x4000  }
0x66: {  	[sflag:s21] =	ssyncset.done $0x0  }
0x67: {  	[sflag:s21] =	ssyncadd.s32 $0xFFFFC000  }
0x68: {  	[spmem:s3] =	stream.indirect.scatter.add.f32 [tilespmem:s16], [sflag:$0x3], $0x80, s25, s19, $0xb8;
	[tilespmem:$0x1E800] =	vst v63  }
0x69: {  	_ =	swait.ge [sflag:s22], $0x4000  }
0x6a: {  	[sflag:s22] =	ssyncset.done $0x0  }
0x6b: {  	[sflag:s22] =	ssyncadd.s32 $0xFFFFC000  }
0x6c: {  	[spmem:s3] =	stream.indirect.scatter.add.f32 [tilespmem:s20], [sflag:$0x4], $0x80, s26, s19, $0xb8;
	[tilespmem:$0x1E800] =	vst v63  }
0x6d: {  	_ =	swait.ge [sflag:s23], $0x4000  }
0x6e: {  	[sflag:s23] =	ssyncset.done $0x0  }
0x6f: {  	[sflag:s23] =	ssyncadd.s32 $0xFFFFC000  }
0x70: {  	_ =	swait.ge [sflag:s24], $0x4000  }
0x71: {  	[sflag:s24] =	ssyncset.done $0x0  }
0x72: {  	s28 =	simm.s32 $0x0;
	[sflag:s24] =	ssyncadd.s32 $0xFFFFC000  }
0x73: {  	[tilespmem:s28], [sflag:$0x5] =	stream.linear.gather [hbm4b:s12+s28], $0x1400, $0x38;
	[tilespmem:$0x1E800] =	vst v63  }
0x74: {  	_ =	swait.ge [sflag:s17], $0x1400  }
0x75: {  	[sflag:s17] =	ssyncset.done $0x0  }
0x76: {  	[sflag:s17] =	ssyncadd.s32 $0xFFFFEC00  }
0x77: {  	[tilespmem:s18], [sflag:$0x5] =	stream.linear.gather [hbm4b:s13+s28], $0x1400, $0x38;
	[tilespmem:$0x1E800] =	vst v63  }
0x78: {  	_ =	swait.ge [sflag:s17], $0x1400  }
0x79: {  	[sflag:s17] =	ssyncset.done $0x0  }
0x7a: {  	[sflag:s17] =	ssyncadd.s32 $0xFFFFEC00  }
0x7b: {  	[tilespmem:s16], [sflag:$0x1] =	stream.indirect.gather [hbm4b:s0+s19], $0x80, s28, s19, $0xb8;
	[tilespmem:$0x1E800] =	vst v63  }
0x7c: {  	_ = 	snop  }
0x7d: {  	[tilespmem:s20], [sflag:$0x2] =	stream.indirect.gather [hbm4b:s0+s19], $0x80, s19, s19, $0xb8;
	[tilespmem:$0x1E800] =	vst v63  }
0x7e: {  	_ =	swait.ge [sflag:s21], $0x4000  }
0x7f: {  	[sflag:s21] =	ssyncset.done $0x0  }
0x80: {  	s28 =	simm.s32 $0x1400;
	[sflag:s21] =	ssyncadd.s32 $0xFFFFC000  }
0x81: {  	[spmem:s3] =	stream.indirect.scatter.add.f32 [tilespmem:s16], [sflag:$0x3], $0x80, s28, s19, $0xb8;
	[tilespmem:$0x1E800] =	vst v63  }
0x82: {  	_ =	swait.ge [sflag:s22], $0x4000  }
0x83: {  	[sflag:s22] =	ssyncset.done $0x0  }
0x84: {  	s28 =	simm.s32 $0x1480;
	[sflag:s22] =	ssyncadd.s32 $0xFFFFC000  }
0x85: {  	[spmem:s3] =	stream.indirect.scatter.add.f32 [tilespmem:s20], [sflag:$0x4], $0x80, s28, s19, $0xb8;
	[tilespmem:$0x1E800] =	vst v63  }
0x86: {  	_ =	swait.ge [sflag:s23], $0x4000  }
0x87: {  	[sflag:s23] =	ssyncset.done $0x0  }
0x88: {  	s28 =	simm.s32 $0x100;
	[sflag:s23] =	ssyncadd.s32 $0xFFFFC000  }
0x89: {  	[tilespmem:s16], [sflag:$0x1] =	stream.indirect.gather [hbm4b:s0+s19], $0x80, s28, s19, $0xb8;
	[tilespmem:$0x1E800] =	vst v63  }
0x8a: {  	_ =	swait.ge [sflag:s24], $0x4000  }
0x8b: {  	[sflag:s24] =	ssyncset.done $0x0  }
0x8c: {  	s29 =	simm.s32 $0x180;
	s28 =	simm.s32 $0x400;
	[sflag:s24] =	ssyncadd.s32 $0xFFFFC000  }
.LBB2_6:
0x8d: {  	[tilespmem:s20], [sflag:$0x2] =	stream.indirect.gather [hbm4b:s0+s19], $0x80, s29, s19, $0xb8;
	[tilespmem:$0x1E800] =	vst v63  }
0x8e: {  	s29 =	smov.u32 s28  }
0x8f: {  	p0 =	sne.s32 s28, $0x4800;
	s28 =	sadd.s32 $0x400, s28;
	_ =	swait.ge [sflag:s21], $0x4000  }
0x90: {  	s29 =	sshra.s32 s29, $0x2;
	[sflag:s21] =	ssyncset.done $0x0  }
0x91: {  	s30 =	sadd.s32 $0x1400, s29;
	[sflag:s21] =	ssyncadd.s32 $0xFFFFC000  }
0x92: {  	[spmem:s3] =	stream.indirect.scatter.add.f32 [tilespmem:s16], [sflag:$0x3], $0x80, s30, s19, $0xb8;
	[tilespmem:$0x1E800] =	vst v63  }
0x93: {  	_ =	swait.ge [sflag:s22], $0x4000  }
0x94: {  	[sflag:s22] =	ssyncset.done $0x0  }
0x95: {  	s30 =	sadd.s32 $0x1480, s29;
	[sflag:s22] =	ssyncadd.s32 $0xFFFFC000  }
0x96: {  	[spmem:s3] =	stream.indirect.scatter.add.f32 [tilespmem:s20], [sflag:$0x4], $0x80, s30, s19, $0xb8;
	[tilespmem:$0x1E800] =	vst v63  }
0x97: {  	_ =	swait.ge [sflag:s23], $0x4000  }
0x98: {  	[sflag:s23] =	ssyncset.done $0x0  }
.Ltmp2:
0x99: {  	s30 =	sadd.s32 $0x100, s29;
	[sflag:s23] =	ssyncadd.s32 $0xFFFFC000;
	(pc) =	sbr.rel @p0 .LBB2_6-.Ltmp2, $4  }
0x9a: {  	[tilespmem:s16], [sflag:$0x1] =	stream.indirect.gather [hbm4b:s0+s19], $0x80, s30, s19, $0xb8;
	[tilespmem:$0x1E800] =	vst v63  }
0x9b: {  	_ =	swait.ge [sflag:s24], $0x4000  }
0x9c: {  	[sflag:s24] =	ssyncset.done $0x0  }
0x9d: {  	s29 =	sadd.s32 $0x180, s29;
	[sflag:s24] =	ssyncadd.s32 $0xFFFFC000  }
0x9e: {  	[tilespmem:s20], [sflag:$0x2] =	stream.indirect.gather [hbm4b:s0+s19], $0x80, s29, s19, $0xb8;
	[tilespmem:$0x1E800] =	vst v63  }
0x9f: {  	_ =	swait.ge [sflag:s21], $0x4000  }
0xa0: {  	[sflag:s21] =	ssyncset.done $0x0  }
0xa1: {  	[sflag:s21] =	ssyncadd.s32 $0xFFFFC000  }
0xa2: {  	[spmem:s3] =	stream.indirect.scatter.add.f32 [tilespmem:s16], [sflag:$0x3], $0x80, s25, s19, $0xb8;
	[tilespmem:$0x1E800] =	vst v63  }
0xa3: {  	_ =	swait.ge [sflag:s22], $0x4000  }
0xa4: {  	[sflag:s22] =	ssyncset.done $0x0  }
0xa5: {  	[sflag:s22] =	ssyncadd.s32 $0xFFFFC000  }
0xa6: {  	[spmem:s3] =	stream.indirect.scatter.add.f32 [tilespmem:s20], [sflag:$0x4], $0x80, s26, s19, $0xb8;
	[tilespmem:$0x1E800] =	vst v63  }
0xa7: {  	_ =	swait.ge [sflag:s23], $0x4000  }
0xa8: {  	[sflag:s23] =	ssyncset.done $0x0  }
0xa9: {  	[sflag:s23] =	ssyncadd.s32 $0xFFFFC000  }
0xaa: {  	_ =	swait.ge [sflag:s24], $0x4000  }
0xab: {  	s28 =	sshll.u32 s2, $0x6;
	s4 =	sadd.s32 $0x1, s4;
	[sflag:s24] =	ssyncset.done $0x0  }
0xac: {  	s31 =	sshrl.u32 s5, $0x3;
	p0 =	sne.s32 s4, s15;
	[sflag:s24] =	ssyncadd.s32 $0xFFFFC000  }
.Ltmp3:
0xad: {  	s28 =	sor.u32 $0x1C05, s28;
	[bflag:$0x0] =	sbarrier.arrive $0xFFFF;
	(pc) =	sbr.rel @p0 .LBB2_1-.Ltmp3, $4  }
0xae: {  	[hbm:s14], [sflag:s28] =	dma.local [spmem:s31], $0x2800  }
0xaf: {  	_ =	swait.ge [sflag:s17], $0x2800  }
0xb0: {  	[sflag:s17] =	ssyncset.done $0x0  }
0xb1: {  	[sflag:s17] =	ssyncadd.s32 $0xFFFFD800  }
0xb2: {  	_ =	sfence.sel $0x180000  }
0xb3: {  	[bflag:$0x0] =	sbarrier.arrive $0xFFFF  }
0xb4: {  	p0 =	sne.s32 s2, $0x0;
	_ =	strace $0x90000047  }
0xb5: {  	s0 =	sadd.s32 @!p0 $0x100000, s1;
	[bflag:$0x2] =	sbarrier.arrive $0xFFFF  }
0xb6: {  	[sflag:s0] =	ssyncadd.tile.s32 @!p0 $0x1;
	_ =	shalt  }
.Lfunc_end2:
_tile_overlayer_lowered:
.L_overlay_start_2:
0xb7: {  	(tag) =	ssettag $0x2  }
0xb8: {  	s0 =	rddreg [dreg:$0x0];
	s2 =	stileid.u32  }
0xb9: {  	s1 =	rddreg [dreg:$0x1];
	p0 =	sne.s32 s2, $0x0  }
0xba: {  	s3 =	rddreg [dreg:$0x2];
	[bflag:$0x3] =	sbarrier.arrive $0xFFFF;
	s2 =	simm.s32 @!p0 $0x1C05  }
0xbb: {  	[timem:s3], [sflag:s2] =	dma.local @!p0 [hbm:s0], s1  }
0xbc: {  	s0 =	simm.s32 @!p0 $0x5  }
0xbd: {  	_ =	swait.ge @!p0 [sflag:s0], s1  }
0xbe: {  	s1 =	ssub.s32 @!p0 $0x0, s1;
	[sflag:s0] =	ssyncset.done @!p0 $0x0  }
0xbf: {  	[sflag:s0] =	ssyncadd.s32 @!p0 s1  }
0xc0: {  	[bflag:$0x3] =	sbarrier.arrive $0xFFFF  }
0xc1: {  	_ =	shalt  }

// kernel: _run.15.cloned.1.call-start
scs
__scs_entry_jumppad:
0x0: {  	(pc) =	sbr.rel $0x88, $3  }
0x1: {  	(tag) =	ssettag $0x0;
	lr =	simm.s32 $0x1  }
0x2: {  	[smem:$0x3F95] =	sst lr;
	_ =	strace $0xD0000000  }
0x3: {  	_ = 	snop  }
0x4: {  	_ = 	snop  }
0x5: {  	_ = 	snop  }
0x6: {  	_ = 	snop  }
0x7: {  	_ = 	snop  }
__scs_overlays_trampoline_lowered:
0x8: {  	[smem:$0x3FA4] =	sst s0  }
0x9: {  	[smem:$0x3FA5] =	sst s1  }
0xa: {  	[smem:$0x3FA6] =	sst s2  }
0xb: {  	[smem:$0x3FA7] =	sst s3  }
0xc: {  	[smem:$0x3FA8] =	sst s4  }
0xd: {  	[smem:$0x3FA9] =	sst s5  }
0xe: {  	[smem:$0x3FAA] =	sst s6  }
0xf: {  	[smem:$0x3FAB] =	sst s7  }
0x10: {  	[smem:$0x3FAC] =	sst s8  }
0x11: {  	[smem:$0x3FAD] =	sst s9;
	s0 =	simm.s32 @!p0 $0x0  }
0x12: {  	s1 =	sld [smem:$0x3F93];
	s0 =	simm.s32 @p0 $0x1  }
0x13: {  	[smem:$0x3FAE] =	sst s0;
	s0 =	simm.s32 @!p1 $0x0  }
0x14: {  	s2 =	sld [smem:$0x3F92];
	s0 =	simm.s32 @p1 $0x1  }
0x15: {  	[smem:$0x3FAF] =	sst s0;
	s0 =	simm.s32 @!p2 $0x0  }
0x16: {  	s3 =	sld [smem:$0x3FDB];
	s0 =	simm.s32 @p2 $0x1  }
0x17: {  	s4 =	simm.s32 $0x1BF5;
	[smem:$0x3FB1] =	sst s0  }
0x18: {  	s0 =	sld [smem:$0x3F94];
	_ =	swait.ge [sflag:s4], $0x0  }
0x19: {  	s7 =	sld [smem:$0x3F95]  }
0x1a: {  	s8 =	sadd.s32 $0xFFFFE003, lr  }
0x1b: {  	s9 =	sadd.s32 $0xFFFFFEF7, lr;
	s5 =	simm.s32 $0xFFFFFFFF;
	p2 =	slt.u32 s8, $0xFFFFF086  }
0x1c: {  	p1 =	slt.u32 s9, $0xF7A;
	s5 =	simm.s32 @!p2 $0x0  }
0x1d: {  	s5 =	simm.s32 @p1 $0x1;
	p0 =	seq.s32 s7, s2  }
0x1e: {  	s7 =	smul.u32 @!p0 $0xF7A, s2;
	p2 =	seq.s32 @!p0 s5, $0x0  }
0x1f: {  	s9 =	smul.u32 $0xF7A, s1;
	s8 =	simm.s32 @!p0 $0x1BF5;
	p2 =	por !p2, p0  }
0x20: {  	[sflag:s8] =	ssyncset.s32 @!p0 $0xFFFFF086;
	s6 =	sadd.s32 @!p0 s3, s7;
	s7 =	simm.s32 @!p0 $0x108  }
0x21: {  	s3 =	sadd.s32 s3, s9;
	s6 =	sadd.s32 @!p0 $0x88, s6;
	s7 =	simm.s32 @p2 $0x1082  }
0x22: {  	[simem:s7], [sflag:s8] =	dma.local @!p0 [hbm:s6], $0xF7A  }
0x23: {  	s9 =	sor.u32 $0xD0000000, s2;
	s6 =	simm.s32 $0x108;
	_ =	swait.ge @!p0 [sflag:s8], $0x0  }
0x24: {  	s3 =	sadd.s32 $0x88, s3;
	s6 =	simm.s32 @!p1 $0x1082;
	[sflag:s4] =	ssyncset.s32 $0xFFFFF086  }
0x25: {  	[simem:s6], [sflag:s4] =	dma.local [hbm:s3], $0xF7A  }
0x26: {  	[smem:$0x3F95] =	sst s1;
	(tag) =	ssettag s2;
	_ =	strace s9  }
0x27: {  	s1 =	sld [smem:$0x3FA5]  }
0x28: {  	s2 =	sld [smem:$0x3FA6]  }
0x29: {  	s4 =	sld [smem:$0x3FA8]  }
0x2a: {  	p0 =	seq.s32 s5, $0x0;
	s5 =	sld [smem:$0x3FA9]  }
0x2b: {  	s6 =	sld [smem:$0x3FAA]  }
0x2c: {  	s7 =	sld [smem:$0x3FAB]  }
0x2d: {  	s3 =	simm.s32 $0x108;
	s8 =	sld [smem:$0x3FAC]  }
0x2e: {  	s3 =	simm.s32 @!p0 $0x1082;
	s9 =	sld [smem:$0x3FAD]  }
0x2f: {  	lr =	sadd.s32 s0, s3;
	s0 =	sld [smem:$0x3FA4]  }
0x30: {  	s3 =	sld [smem:$0x3FA7]  }
0x31: {  	[smem:$0x3FB0] =	sst s10  }
0x32: {  	s10 =	sld [smem:$0x3FAE];
	_ =	sdelay $0x3  }
0x33: {  	p0 =	seq.s32 s10, $0x1;
	s10 =	sld [smem:$0x3FB0];
	_ =	sdelay $0x3  }
0x34: {  	[smem:$0x3FB0] =	sst s10  }
0x35: {  	s10 =	sld [smem:$0x3FAF];
	_ =	sdelay $0x3  }
0x36: {  	p1 =	seq.s32 s10, $0x1;
	s10 =	sld [smem:$0x3FB0];
	_ =	sdelay $0x3  }
0x37: {  	[smem:$0x3FB0] =	sst s10  }
0x38: {  	s10 =	sld [smem:$0x3FB1]  }
0x39: {  	_ = 	snop;
	(pc) =	sbr.ind lr, $3  }
0x3a: {  	_ = 	snop  }
0x3b: {  	_ = 	snop  }
0x3c: {  	p2 =	seq.s32 s10, $0x1;
	s10 =	sld [smem:$0x3FB0]  }
0x3d: {  	_ =	shalt  }
0x3e: {  	_ =	shalt  }
0x3f: {  	_ =	shalt  }
0x40: {  	_ =	shalt  }
0x41: {  	_ =	shalt  }
0x42: {  	_ =	shalt  }
0x43: {  	_ =	shalt  }
0x44: {  	_ =	shalt  }
0x45: {  	_ =	shalt  }
0x46: {  	_ =	shalt  }
0x47: {  	_ =	shalt  }
0x48: {  	_ =	shalt  }
0x49: {  	_ =	shalt  }
0x4a: {  	_ =	shalt  }
0x4b: {  	_ =	shalt  }
0x4c: {  	_ =	shalt  }
0x4d: {  	_ =	shalt  }
0x4e: {  	_ =	shalt  }
0x4f: {  	_ =	shalt  }
0x50: {  	_ =	shalt  }
0x51: {  	_ =	shalt  }
0x52: {  	_ =	shalt  }
0x53: {  	_ =	shalt  }
0x54: {  	_ =	shalt  }
0x55: {  	_ =	shalt  }
0x56: {  	_ =	shalt  }
0x57: {  	_ =	shalt  }
0x58: {  	_ =	shalt  }
0x59: {  	_ =	shalt  }
0x5a: {  	_ =	shalt  }
0x5b: {  	_ =	shalt  }
0x5c: {  	_ =	shalt  }
0x5d: {  	_ =	shalt  }
0x5e: {  	_ =	shalt  }
0x5f: {  	_ =	shalt  }
0x60: {  	_ =	shalt  }
0x61: {  	_ =	shalt  }
0x62: {  	_ =	shalt  }
0x63: {  	_ =	shalt  }
0x64: {  	_ =	shalt  }
0x65: {  	_ =	shalt  }
0x66: {  	_ =	shalt  }
0x67: {  	_ =	shalt  }
0x68: {  	_ =	shalt  }
0x69: {  	_ =	shalt  }
0x6a: {  	_ =	shalt  }
0x6b: {  	_ =	shalt  }
0x6c: {  	_ =	shalt  }
0x6d: {  	_ =	shalt  }
0x6e: {  	_ =	shalt  }
0x6f: {  	_ =	shalt  }
0x70: {  	_ =	shalt  }
0x71: {  	_ =	shalt  }
0x72: {  	_ =	shalt  }
0x73: {  	_ =	shalt  }
0x74: {  	_ =	shalt  }
0x75: {  	_ =	shalt  }
0x76: {  	_ =	shalt  }
0x77: {  	_ =	shalt  }
0x78: {  	_ =	shalt  }
0x79: {  	_ =	shalt  }
0x7a: {  	_ =	shalt  }
0x7b: {  	_ =	shalt  }
0x7c: {  	_ =	shalt  }
0x7d: {  	_ =	shalt  }
0x7e: {  	_ =	shalt  }
0x7f: {  	_ =	shalt  }
0x80: {  	_ =	shalt  }
0x81: {  	_ =	shalt  }
0x82: {  	_ =	shalt  }
0x83: {  	_ =	shalt  }
0x84: {  	_ =	shalt  }
0x85: {  	_ =	shalt  }
0x86: {  	_ =	shalt  }
0x87: {  	_ =	shalt  }
.Lfunc_end0:
.L_simem_size_0:
called_computation.2_lowered:
.L_overlay_start_0:
0x88: {  	s2 =	sld [smem:$0x3FD9]  }
0x89: {  	s3 =	sld [smem:$0x3FFE];
	_ =	sdelay $0x1  }
0x8a: {  	s1 =	srdreg.scid  }
0x8b: {  	s0 =	sand.u32 $0x1, s1  }
0x8c: {  	s16 =	sshll.u32 s0, $0xA;
	s2 =	sadd.s32 s3, s2  }
0x8d: {  	s2 =	sadd.s32 s2, s16  }
0x8e: {  	[smem:$0x3FBC] =	sst s2  }
0x8f: {  	_ = 	snop  }
0x90: {  	(tm) =	ssettm $0x1  }
0x91: {  	s17 =	sld [smem:$0x3FFB];
	_ =	sdelay $0x3  }
0x92: {  	_ =	strace s17  }
0x93: {  	s2 =	sld [smem:$0x3FFC];
	_ =	sdelay $0x3  }
0x94: {  	_ =	strace s2  }
0x95: {  	s2 =	sld [smem:$0x3FFD];
	_ =	sdelay $0x3  }
0x96: {  	_ =	strace s2  }
0x97: {  	_ =	strace $0x8FFFFFFF  }
0x98: {  	s18 =	sld [smem:$0x3FDB];
	_ =	sdelay $0x1  }
0x99: {  	s19 =	simm.s32 $_scs_section_size  }
0x9a: {  	s4 =	simm.s32 $_size__tile_overlayer_lowered;
	s5 =	simm.s32 $_tile_overlayer_lowered  }
0x9b: {  	s22 =	simm.s32 $0x1BFF;
	s21 =	sshll.u32 s5, $0x1;
	s2 =	sadd.s32 s19, s18  }
0x9c: {  	s6 =	simm.s32 $0x0;
	s20 =	sshll.u32 s4, $0x1;
	s4 =	sadd.s32 s21, s2  }
0x9d: {  	[timem:s6], [sflag:s22] =	dma.local [hbm:s4], s20  }
0x9e: {  	_ =	swait.ge [sflag:s22], s20  }
0x9f: {  	s3 =	ssub.s32 $0x0, s20;
	[sflag:s22] =	ssyncset.done $0x0  }
0xa0: {  	[sflag:s22] =	ssyncadd.s32 s3;
	_ =	sdelay $0x1  }
0xa1: {  	s23 =	simm.s32 $0x1B8B  }
0xa2: {  	_ =	swait.ge [sflag:s23], $0x1  }
0xa3: {  	[sflag:s23] =	ssyncset.done $0x0  }
0xa4: {  	s25 =	simm.s32 $0x1B8E;
	s24 =	sld [smem:$0x3FFE];
	[sflag:s23] =	ssyncadd.s32 $0xFFFFFFFF  }
0xa5: {  	s26 =	simm.s32 $execute0_lowered;
	[smem:$0x3FD2] =	sst s25  }
0xa6: {  	s4 =	sshll.u32 s26, $0x1;
	_ =	strace $0x8000004C;
	[dreg:$0x1] =	wrdreg $0xFFFFFFFF  }
0xa7: {  	s28 =	simm.s32 $_size_execute0_lowered;
	s2 =	sadd.s32 s2, s4;
	[dreg:$0x0] =	wrdreg $0x0  }
0xa8: {  	s4 =	sshll.u32 s28, $0x1;
	[dreg:$0x2] =	wrdreg s2  }
0xa9: {  	[dreg:$0x3] =	wrdreg s4  }
0xaa: {  	[dreg:$0x4] =	wrdreg $0xC0  }
0xab: {  	_ =	task [dreg:s6], $0x5FFFF  }
0xac: {  	[dreg:$0x1] =	wrdreg $0xFFFFFFFF  }
0xad: {  	[dreg:$0x0] =	wrdreg $0x60  }
0xae: {  	[dreg:$0x2] =	wrdreg s24  }
0xaf: {  	[dreg:$0x3] =	wrdreg $0xA8000  }
0xb0: {  	[dreg:$0x4] =	wrdreg $0x9  }
0xb1: {  	_ =	task.clear_ibuf [dreg:s6], $0x5FFFF;
	_ =	strace $0x9000004C  }
0xb2: {  	s29 =	simm.s32 $0x9;
	_ =	strace $0x8000004E  }
0xb3: {  	_ =	swait.ge [sflag:s29], $0x1  }
0xb4: {  	[sflag:s29] =	ssyncadd.s32 $0xFFFFFFFF  }
0xb5: {  	_ =	strace $0x9000004E  }
0xb6: {  	_ =	sfence  }
0xb7: {  	s30 =	sld [smem:$0x0];
	_ =	sdelay $0x2  }
0xb8: {  	s31 =	sshll.u32 s1, $0xD;
	s1 =	sshrl.u32 s1, $0x2  }
0xb9: {  	s3 =	sand.u32 $0x4000, s31;
	s1 =	sadd.s32 s1, s30  }
0xba: {  	s0 =	sor.u32 s3, s0;
	s1 =	sshll.u32 s1, $0x11  }
0xbb: {  	s0 =	sor.u32 s1, s0  }
0xbc: {  	s0 =	sadd.s32 $0x8F2B, s0  }
0xbd: {  	[sflag:s0] =	ssyncadd.remote.s32 $0x1  }
0xbe: {  	_ =	sfence.sel $0xFFFF  }
0xbf: {  	[dreg:$0x0] =	wrdreg $0xFFFFFFFF;
	(pc) =	sbr.abs _section_cstart, $3  }
0xc0: {  	[dreg:$0x1] =	wrdreg $0xFFFFFFFF  }
0xc1: {  	_ =	task.clear_ibuf [dreg:s6], $0x2FFFF;
	_ =	strace $0x9FFFFFFF  }
0xc2: {  	(tm) =	ssettm $0x7FFFFFFF  }
0xc3: {  	_ =	shalt  }
tec
execute0_lowered:
.L_overlay_start_1:
0x0: {  	(tag) =	ssettag $0x1  }
0x1: {  	s5 =	rddreg [dreg:$0x0]  }
0x2: {  	s1 =	rddreg [dreg:$0x1]  }
0x3: {  	s2 =	srdreg.scid;
	s0 =	rddreg [dreg:$0x2];
	s3 =	simm.s32 $0x0  }
0x4: {  	s17 =	simm.s32 $0x5;
	s18 =	simm.s32 $0x1400;
	s19 =	simm.s32 $0x80  }
0x5: {  	s20 =	simm.s32 $0x6800;
	s21 =	simm.s32 $0x1;
	s22 =	simm.s32 $0x2  }
0x6: {  	s23 =	simm.s32 $0x3;
	s24 =	simm.s32 $0x4;
	s25 =	simm.s32 $0x2700  }
0x7: {  	s26 =	simm.s32 $0x2780;
	s6 =	sand.u32 $0x1, s2;
	s2 =	stileid.u32  }
0x8: {  	[smem:$0x7FF] =	sst s3;
	s4 =	sadd.s32 $0x17200, s5;
	s7 =	smul.u32 $0x140000, s6  }
0x9: {  	s12 =	sadd.s32 $0xD200, s5;
	s13 =	sadd.s32 $0x3200, s5;
	s8 =	smul.u32 $0x14000, s2  }
0xa: {  	s28 =	smul.u32 $0x50000, s2;
	s29 =	ssub.s32 $0x2, s6;
	s6 =	sshll.u32 s6, $0x4  }
0xb: {  	_ =	strace $0x8000004D;
	s30 =	sshrl.u32 s29, $0x1;
	s9 =	sor.u32 s2, s6  }
0xc: {  	s7 =	sadd.s32 s8, s7;
	s31 =	sshrl.u32 s28, $0x2;
	s10 =	smul.u32 $0x2800, s9  }
0xd: {  	s15 =	ssub.s32 s29, s30;
	s11 =	smul.u32 $0x500, s9;
	s7 =	sshrl.u32 s7, $0x3  }
0xe: {  	s15 =	smax.u32 s15, $0x1;
	s14 =	sadd.s32 s7, s5;
	s5 =	sadd.s32 s31, s1  }
0xf: {  	s16 =	sshrl.u32 s10, $0x3;
	s10 =	sadd.s32 s12, s11;
	s11 =	sadd.s32 s13, s11  }
0x10: {  	s6 =	sadd.s32 $0x4000, s5;
	s7 =	sadd.s32 $0x8000, s5;
	s8 =	sadd.s32 $0xC000, s5  }
0x11: {  	s9 =	sadd.s32 $0x10000, s5;
	s16 =	sadd.s32 $0x280, s16;
	s14 =	sadd.s32 $0xB7200, s14  }
0x12: {  	v0 =	vimm.f32 $0.0e+00;
	s12 =	sadd.s32 s12, s16;
	s13 =	sadd.s32 s13, s16;
	s16 =	simm.s32 $0x2800  }
.LBB2_1:
0x13: {  	s28 =	simm.s32 $0x0;
	s29 =	simm.s32 $0x200  }
.LBB2_2:
0x14: {  	p0 =	sne.s32 s29, $0xFE00;
	[tilespmem:s28+$0x2870] =	vst v0  }
0x15: {  	[tilespmem:s28+$0x2800] =	vst v0  }
0x16: {  	[tilespmem:s28+$0x2810] =	vst v0  }
.Ltmp0:
0x17: {  	[tilespmem:s28+$0x2820] =	vst v0;
	(pc) =	sbr.rel @p0 .LBB2_2-.Ltmp0, $4  }
0x18: {  	[tilespmem:s28+$0x2830] =	vst v0  }
0x19: {  	[tilespmem:s28+$0x2840] =	vst v0  }
0x1a: {  	[tilespmem:s28+$0x2850] =	vst v0  }
0x1b: {  	[tilespmem:s28+$0x2860] =	vst v0;
	s28 =	sshra.s32 s29, $0x2;
	s29 =	sadd.s32 $0x200, s29  }
0x1c: {  	[tilespmem:s28+$0x2870] =	vst v0  }
0x1d: {  	[tilespmem:s28+$0x2800] =	vst v0  }
0x1e: {  	[tilespmem:s28+$0x2810] =	vst v0  }
0x1f: {  	[tilespmem:s28+$0x2820] =	vst v0  }
0x20: {  	[tilespmem:s28+$0x2830] =	vst v0  }
0x21: {  	[tilespmem:s28+$0x2840] =	vst v0  }
0x22: {  	[tilespmem:s28+$0x2850] =	vst v0  }
0x23: {  	[tilespmem:s28+$0x2860] =	vst v0  }
0x24: {  	[spmem:s5] =	stream.linear.scatter [tilespmem:s16], [sflag:$0x5], $0x4000, $0x38;
	[tilespmem:$0x1E800] =	vst v63  }
0x25: {  	_ =	swait.ge [sflag:s17], $0x4000  }
0x26: {  	[sflag:s17] =	ssyncset.done $0x0  }
0x27: {  	[sflag:s17] =	ssyncadd.s32 $0xFFFFC000  }
0x28: {  	[spmem:s6] =	stream.linear.scatter [tilespmem:s16], [sflag:$0x5], $0x4000, $0x38;
	[tilespmem:$0x1E800] =	vst v63  }
0x29: {  	_ =	swait.ge [sflag:s17], $0x4000  }
0x2a: {  	[sflag:s17] =	ssyncset.done $0x0  }
0x2b: {  	[sflag:s17] =	ssyncadd.s32 $0xFFFFC000  }
0x2c: {  	[spmem:s7] =	stream.linear.scatter [tilespmem:s16], [sflag:$0x5], $0x4000, $0x38;
	[tilespmem:$0x1E800] =	vst v63  }
0x2d: {  	_ =	swait.ge [sflag:s17], $0x4000  }
0x2e: {  	[sflag:s17] =	ssyncset.done $0x0  }
0x2f: {  	[sflag:s17] =	ssyncadd.s32 $0xFFFFC000  }
0x30: {  	[spmem:s8] =	stream.linear.scatter [tilespmem:s16], [sflag:$0x5], $0x4000, $0x38;
	[tilespmem:$0x1E800] =	vst v63  }
0x31: {  	_ =	swait.ge [sflag:s17], $0x4000  }
0x32: {  	[sflag:s17] =	ssyncset.done $0x0  }
0x33: {  	[sflag:s17] =	ssyncadd.s32 $0xFFFFC000  }
0x34: {  	[spmem:s9] =	stream.linear.scatter [tilespmem:s16], [sflag:$0x5], $0x4000, $0x38;
	[tilespmem:$0x1E800] =	vst v63  }
0x35: {  	_ =	swait.ge [sflag:s17], $0x4000  }
0x36: {  	[sflag:s17] =	ssyncset.done $0x0  }
0x37: {  	[sflag:s17] =	ssyncadd.s32 $0xFFFFC000  }
0x38: {  	s28 =	simm.s32 $0x0;
	[bflag:$0x0] =	sbarrier.arrive $0xFFFF  }
0x39: {  	[tilespmem:s28], [sflag:$0x5] =	stream.linear.gather [hbm4b:s10+s28], $0x1400, $0x38;
	[tilespmem:$0x1E800] =	vst v63  }
0x3a: {  	_ =	swait.ge [sflag:s17], $0x1400  }
0x3b: {  	[sflag:s17] =	ssyncset.done $0x0  }
0x3c: {  	[sflag:s17] =	ssyncadd.s32 $0xFFFFEC00  }
0x3d: {  	[tilespmem:s18], [sflag:$0x5] =	stream.linear.gather [hbm4b:s11+s28], $0x1400, $0x38;
	[tilespmem:$0x1E800] =	vst v63  }
0x3e: {  	_ =	swait.ge [sflag:s17], $0x1400  }
0x3f: {  	[sflag:s17] =	ssyncset.done $0x0  }
0x40: {  	[sflag:s17] =	ssyncadd.s32 $0xFFFFEC00  }
0x41: {  	[tilespmem:s16], [sflag:$0x1] =	stream.indirect.gather [hbm4b:s4+s19], $0x80, s28, s19, $0xb8;
	[tilespmem:$0x1E800] =	vst v63  }
0x42: {  	_ = 	snop  }
0x43: {  	[tilespmem:s20], [sflag:$0x2] =	stream.indirect.gather [hbm4b:s4+s19], $0x80, s19, s19, $0xb8;
	[tilespmem:$0x1E800] =	vst v63  }
0x44: {  	_ =	swait.ge [sflag:s21], $0x4000  }
0x45: {  	[sflag:s21] =	ssyncset.done $0x0  }
0x46: {  	s28 =	simm.s32 $0x1400;
	[sflag:s21] =	ssyncadd.s32 $0xFFFFC000  }
0x47: {  	[spmem:s1] =	stream.indirect.scatter.add.f32 [tilespmem:s16], [sflag:$0x3], $0x80, s28, s19, $0xb8;
	[tilespmem:$0x1E800] =	vst v63  }
0x48: {  	_ =	swait.ge [sflag:s22], $0x4000  }
0x49: {  	[sflag:s22] =	ssyncset.done $0x0  }
0x4a: {  	s28 =	simm.s32 $0x1480;
	[sflag:s22] =	ssyncadd.s32 $0xFFFFC000  }
0x4b: {  	[spmem:s1] =	stream.indirect.scatter.add.f32 [tilespmem:s20], [sflag:$0x4], $0x80, s28, s19, $0xb8;
	[tilespmem:$0x1E800] =	vst v63  }
0x4c: {  	_ =	swait.ge [sflag:s23], $0x4000  }
0x4d: {  	[sflag:s23] =	ssyncset.done $0x0  }
0x4e: {  	s28 =	simm.s32 $0x100;
	[sflag:s23] =	ssyncadd.s32 $0xFFFFC000  }
0x4f: {  	[tilespmem:s16], [sflag:$0x1] =	stream.indirect.gather [hbm4b:s4+s19], $0x80, s28, s19, $0xb8;
	[tilespmem:$0x1E800] =	vst v63  }
0x50: {  	_ =	swait.ge [sflag:s24], $0x4000  }
0x51: {  	[sflag:s24] =	ssyncset.done $0x0  }
0x52: {  	s29 =	simm.s32 $0x180;
	s28 =	simm.s32 $0x400;
	[sflag:s24] =	ssyncadd.s32 $0xFFFFC000  }
.LBB2_4:
0x53: {  	[tilespmem:s20], [sflag:$0x2] =	stream.indirect.gather [hbm4b:s4+s19], $0x80, s29, s19, $0xb8;
	[tilespmem:$0x1E800] =	vst v63  }
0x54: {  	s29 =	smov.u32 s28  }
0x55: {  	p0 =	sne.s32 s28, $0x4800;
	s28 =	sadd.s32 $0x400, s28;
	_ =	swait.ge [sflag:s21], $0x4000  }
0x56: {  	s29 =	sshra.s32 s29, $0x2;
	[sflag:s21] =	ssyncset.done $0x0  }
0x57: {  	s30 =	sadd.s32 $0x1400, s29;
	[sflag:s21] =	ssyncadd.s32 $0xFFFFC000  }
0x58: {  	[spmem:s1] =	stream.indirect.scatter.add.f32 [tilespmem:s16], [sflag:$0x3], $0x80, s30, s19, $0xb8;
	[tilespmem:$0x1E800] =	vst v63  }
0x59: {  	_ =	swait.ge [sflag:s22], $0x4000  }
0x5a: {  	[sflag:s22] =	ssyncset.done $0x0  }
0x5b: {  	s30 =	sadd.s32 $0x1480, s29;
	[sflag:s22] =	ssyncadd.s32 $0xFFFFC000  }
0x5c: {  	[spmem:s1] =	stream.indirect.scatter.add.f32 [tilespmem:s20], [sflag:$0x4], $0x80, s30, s19, $0xb8;
	[tilespmem:$0x1E800] =	vst v63  }
0x5d: {  	_ =	swait.ge [sflag:s23], $0x4000  }
0x5e: {  	[sflag:s23] =	ssyncset.done $0x0  }
.Ltmp1:
0x5f: {  	s30 =	sadd.s32 $0x100, s29;
	[sflag:s23] =	ssyncadd.s32 $0xFFFFC000;
	(pc) =	sbr.rel @p0 .LBB2_4-.Ltmp1, $4  }
0x60: {  	[tilespmem:s16], [sflag:$0x1] =	stream.indirect.gather [hbm4b:s4+s19], $0x80, s30, s19, $0xb8;
	[tilespmem:$0x1E800] =	vst v63  }
0x61: {  	_ =	swait.ge [sflag:s24], $0x4000  }
0x62: {  	[sflag:s24] =	ssyncset.done $0x0  }
0x63: {  	s29 =	sadd.s32 $0x180, s29;
	[sflag:s24] =	ssyncadd.s32 $0xFFFFC000  }
0x64: {  	[tilespmem:s20], [sflag:$0x2] =	stream.indirect.gather [hbm4b:s4+s19], $0x80, s29, s19, $0xb8;
	[tilespmem:$0x1E800] =	vst v63  }
0x65: {  	_ =	swait.ge [sflag:s21], $0x4000  }
0x66: {  	[sflag:s21] =	ssyncset.done $0x0  }
0x67: {  	[sflag:s21] =	ssyncadd.s32 $0xFFFFC000  }
0x68: {  	[spmem:s1] =	stream.indirect.scatter.add.f32 [tilespmem:s16], [sflag:$0x3], $0x80, s25, s19, $0xb8;
	[tilespmem:$0x1E800] =	vst v63  }
0x69: {  	_ =	swait.ge [sflag:s22], $0x4000  }
0x6a: {  	[sflag:s22] =	ssyncset.done $0x0  }
0x6b: {  	[sflag:s22] =	ssyncadd.s32 $0xFFFFC000  }
0x6c: {  	[spmem:s1] =	stream.indirect.scatter.add.f32 [tilespmem:s20], [sflag:$0x4], $0x80, s26, s19, $0xb8;
	[tilespmem:$0x1E800] =	vst v63  }
0x6d: {  	_ =	swait.ge [sflag:s23], $0x4000  }
0x6e: {  	[sflag:s23] =	ssyncset.done $0x0  }
0x6f: {  	[sflag:s23] =	ssyncadd.s32 $0xFFFFC000  }
0x70: {  	_ =	swait.ge [sflag:s24], $0x4000  }
0x71: {  	[sflag:s24] =	ssyncset.done $0x0  }
0x72: {  	s28 =	simm.s32 $0x0;
	[sflag:s24] =	ssyncadd.s32 $0xFFFFC000  }
0x73: {  	[tilespmem:s28], [sflag:$0x5] =	stream.linear.gather [hbm4b:s12+s28], $0x1400, $0x38;
	[tilespmem:$0x1E800] =	vst v63  }
0x74: {  	_ =	swait.ge [sflag:s17], $0x1400  }
0x75: {  	[sflag:s17] =	ssyncset.done $0x0  }
0x76: {  	[sflag:s17] =	ssyncadd.s32 $0xFFFFEC00  }
0x77: {  	[tilespmem:s18], [sflag:$0x5] =	stream.linear.gather [hbm4b:s13+s28], $0x1400, $0x38;
	[tilespmem:$0x1E800] =	vst v63  }
0x78: {  	_ =	swait.ge [sflag:s17], $0x1400  }
0x79: {  	[sflag:s17] =	ssyncset.done $0x0  }
0x7a: {  	[sflag:s17] =	ssyncadd.s32 $0xFFFFEC00  }
0x7b: {  	[tilespmem:s16], [sflag:$0x1] =	stream.indirect.gather [hbm4b:s4+s19], $0x80, s28, s19, $0xb8;
	[tilespmem:$0x1E800] =	vst v63  }
0x7c: {  	_ = 	snop  }
0x7d: {  	[tilespmem:s20], [sflag:$0x2] =	stream.indirect.gather [hbm4b:s4+s19], $0x80, s19, s19, $0xb8;
	[tilespmem:$0x1E800] =	vst v63  }
0x7e: {  	_ =	swait.ge [sflag:s21], $0x4000  }
0x7f: {  	[sflag:s21] =	ssyncset.done $0x0  }
0x80: {  	s28 =	simm.s32 $0x1400;
	[sflag:s21] =	ssyncadd.s32 $0xFFFFC000  }
0x81: {  	[spmem:s1] =	stream.indirect.scatter.add.f32 [tilespmem:s16], [sflag:$0x3], $0x80, s28, s19, $0xb8;
	[tilespmem:$0x1E800] =	vst v63  }
0x82: {  	_ =	swait.ge [sflag:s22], $0x4000  }
0x83: {  	[sflag:s22] =	ssyncset.done $0x0  }
0x84: {  	s28 =	simm.s32 $0x1480;
	[sflag:s22] =	ssyncadd.s32 $0xFFFFC000  }
0x85: {  	[spmem:s1] =	stream.indirect.scatter.add.f32 [tilespmem:s20], [sflag:$0x4], $0x80, s28, s19, $0xb8;
	[tilespmem:$0x1E800] =	vst v63  }
0x86: {  	_ =	swait.ge [sflag:s23], $0x4000  }
0x87: {  	[sflag:s23] =	ssyncset.done $0x0  }
0x88: {  	s28 =	simm.s32 $0x100;
	[sflag:s23] =	ssyncadd.s32 $0xFFFFC000  }
0x89: {  	[tilespmem:s16], [sflag:$0x1] =	stream.indirect.gather [hbm4b:s4+s19], $0x80, s28, s19, $0xb8;
	[tilespmem:$0x1E800] =	vst v63  }
0x8a: {  	_ =	swait.ge [sflag:s24], $0x4000  }
0x8b: {  	[sflag:s24] =	ssyncset.done $0x0  }
0x8c: {  	s29 =	simm.s32 $0x180;
	s28 =	simm.s32 $0x400;
	[sflag:s24] =	ssyncadd.s32 $0xFFFFC000  }
.LBB2_6:
0x8d: {  	[tilespmem:s20], [sflag:$0x2] =	stream.indirect.gather [hbm4b:s4+s19], $0x80, s29, s19, $0xb8;
	[tilespmem:$0x1E800] =	vst v63  }
0x8e: {  	s29 =	smov.u32 s28  }
0x8f: {  	p0 =	sne.s32 s28, $0x4800;
	s28 =	sadd.s32 $0x400, s28;
	_ =	swait.ge [sflag:s21], $0x4000  }
0x90: {  	s29 =	sshra.s32 s29, $0x2;
	[sflag:s21] =	ssyncset.done $0x0  }
0x91: {  	s30 =	sadd.s32 $0x1400, s29;
	[sflag:s21] =	ssyncadd.s32 $0xFFFFC000  }
0x92: {  	[spmem:s1] =	stream.indirect.scatter.add.f32 [tilespmem:s16], [sflag:$0x3], $0x80, s30, s19, $0xb8;
	[tilespmem:$0x1E800] =	vst v63  }
0x93: {  	_ =	swait.ge [sflag:s22], $0x4000  }
0x94: {  	[sflag:s22] =	ssyncset.done $0x0  }
0x95: {  	s30 =	sadd.s32 $0x1480, s29;
	[sflag:s22] =	ssyncadd.s32 $0xFFFFC000  }
0x96: {  	[spmem:s1] =	stream.indirect.scatter.add.f32 [tilespmem:s20], [sflag:$0x4], $0x80, s30, s19, $0xb8;
	[tilespmem:$0x1E800] =	vst v63  }
0x97: {  	_ =	swait.ge [sflag:s23], $0x4000  }
0x98: {  	[sflag:s23] =	ssyncset.done $0x0  }
.Ltmp2:
0x99: {  	s30 =	sadd.s32 $0x100, s29;
	[sflag:s23] =	ssyncadd.s32 $0xFFFFC000;
	(pc) =	sbr.rel @p0 .LBB2_6-.Ltmp2, $4  }
0x9a: {  	[tilespmem:s16], [sflag:$0x1] =	stream.indirect.gather [hbm4b:s4+s19], $0x80, s30, s19, $0xb8;
	[tilespmem:$0x1E800] =	vst v63  }
0x9b: {  	_ =	swait.ge [sflag:s24], $0x4000  }
0x9c: {  	[sflag:s24] =	ssyncset.done $0x0  }
0x9d: {  	s29 =	sadd.s32 $0x180, s29;
	[sflag:s24] =	ssyncadd.s32 $0xFFFFC000  }
0x9e: {  	[tilespmem:s20], [sflag:$0x2] =	stream.indirect.gather [hbm4b:s4+s19], $0x80, s29, s19, $0xb8;
	[tilespmem:$0x1E800] =	vst v63  }
0x9f: {  	_ =	swait.ge [sflag:s21], $0x4000  }
0xa0: {  	[sflag:s21] =	ssyncset.done $0x0  }
0xa1: {  	[sflag:s21] =	ssyncadd.s32 $0xFFFFC000  }
0xa2: {  	[spmem:s1] =	stream.indirect.scatter.add.f32 [tilespmem:s16], [sflag:$0x3], $0x80, s25, s19, $0xb8;
	[tilespmem:$0x1E800] =	vst v63  }
0xa3: {  	_ =	swait.ge [sflag:s22], $0x4000  }
0xa4: {  	[sflag:s22] =	ssyncset.done $0x0  }
0xa5: {  	[sflag:s22] =	ssyncadd.s32 $0xFFFFC000  }
0xa6: {  	[spmem:s1] =	stream.indirect.scatter.add.f32 [tilespmem:s20], [sflag:$0x4], $0x80, s26, s19, $0xb8;
	[tilespmem:$0x1E800] =	vst v63  }
0xa7: {  	_ =	swait.ge [sflag:s23], $0x4000  }
0xa8: {  	[sflag:s23] =	ssyncset.done $0x0  }
0xa9: {  	[sflag:s23] =	ssyncadd.s32 $0xFFFFC000  }
0xaa: {  	_ =	swait.ge [sflag:s24], $0x4000  }
0xab: {  	s28 =	sshll.u32 s2, $0x6;
	s3 =	sadd.s32 $0x1, s3;
	[sflag:s24] =	ssyncset.done $0x0  }
0xac: {  	s31 =	sshrl.u32 s5, $0x3;
	p0 =	sne.s32 s3, s15;
	[sflag:s24] =	ssyncadd.s32 $0xFFFFC000  }
.Ltmp3:
0xad: {  	s28 =	sor.u32 $0x1C05, s28;
	[bflag:$0x0] =	sbarrier.arrive $0xFFFF;
	(pc) =	sbr.rel @p0 .LBB2_1-.Ltmp3, $4  }
0xae: {  	[hbm:s14], [sflag:s28] =	dma.local [spmem:s31], $0x2800  }
0xaf: {  	_ =	swait.ge [sflag:s17], $0x2800  }
0xb0: {  	[sflag:s17] =	ssyncset.done $0x0  }
0xb1: {  	[sflag:s17] =	ssyncadd.s32 $0xFFFFD800  }
0xb2: {  	_ =	sfence.sel $0x180000  }
0xb3: {  	[bflag:$0x0] =	sbarrier.arrive $0xFFFF  }
0xb4: {  	p0 =	sne.s32 s2, $0x0;
	_ =	strace $0x9000004D  }
0xb5: {  	s0 =	sadd.s32 @!p0 $0x100000, s0;
	[bflag:$0x2] =	sbarrier.arrive $0xFFFF  }
0xb6: {  	[sflag:s0] =	ssyncadd.tile.s32 @!p0 $0x1;
	_ =	shalt  }
.Lfunc_end2:
_tile_overlayer_lowered:
.L_overlay_start_2:
0xb7: {  	(tag) =	ssettag $0x2  }
0xb8: {  	s0 =	rddreg [dreg:$0x0];
	s2 =	stileid.u32  }
0xb9: {  	s1 =	rddreg [dreg:$0x1];
	p0 =	sne.s32 s2, $0x0  }
0xba: {  	s3 =	rddreg [dreg:$0x2];
	[bflag:$0x3] =	sbarrier.arrive $0xFFFF;
	s2 =	simm.s32 @!p0 $0x1C05  }
0xbb: {  	[timem:s3], [sflag:s2] =	dma.local @!p0 [hbm:s0], s1  }
0xbc: {  	s0 =	simm.s32 @!p0 $0x5  }
0xbd: {  	_ =	swait.ge @!p0 [sflag:s0], s1  }
0xbe: {  	s1 =	ssub.s32 @!p0 $0x0, s1;
	[sflag:s0] =	ssyncset.done @!p0 $0x0  }
0xbf: {  	[sflag:s0] =	ssyncadd.s32 @!p0 s1  }
0xc0: {  	[bflag:$0x3] =	sbarrier.arrive $0xFFFF  }
0xc1: {  	_ =	shalt  }

// kernel: _run.18.cloned.1.call-start
scs
__scs_entry_jumppad:
0x0: {  	(pc) =	sbr.rel $0x88, $3  }
0x1: {  	(tag) =	ssettag $0x0;
	lr =	simm.s32 $0x1  }
0x2: {  	[smem:$0x3F95] =	sst lr;
	_ =	strace $0xD0000000  }
0x3: {  	_ = 	snop  }
0x4: {  	_ = 	snop  }
0x5: {  	_ = 	snop  }
0x6: {  	_ = 	snop  }
0x7: {  	_ = 	snop  }
__scs_overlays_trampoline_lowered:
0x8: {  	[smem:$0x3FA4] =	sst s0  }
0x9: {  	[smem:$0x3FA5] =	sst s1  }
0xa: {  	[smem:$0x3FA6] =	sst s2  }
0xb: {  	[smem:$0x3FA7] =	sst s3  }
0xc: {  	[smem:$0x3FA8] =	sst s4  }
0xd: {  	[smem:$0x3FA9] =	sst s5  }
0xe: {  	[smem:$0x3FAA] =	sst s6  }
0xf: {  	[smem:$0x3FAB] =	sst s7  }
0x10: {  	[smem:$0x3FAC] =	sst s8  }
0x11: {  	[smem:$0x3FAD] =	sst s9;
	s0 =	simm.s32 @!p0 $0x0  }
0x12: {  	s1 =	sld [smem:$0x3F93];
	s0 =	simm.s32 @p0 $0x1  }
0x13: {  	[smem:$0x3FAE] =	sst s0;
	s0 =	simm.s32 @!p1 $0x0  }
0x14: {  	s2 =	sld [smem:$0x3F92];
	s0 =	simm.s32 @p1 $0x1  }
0x15: {  	[smem:$0x3FAF] =	sst s0;
	s0 =	simm.s32 @!p2 $0x0  }
0x16: {  	s3 =	sld [smem:$0x3FDB];
	s0 =	simm.s32 @p2 $0x1  }
0x17: {  	s4 =	simm.s32 $0x1BF5;
	[smem:$0x3FB1] =	sst s0  }
0x18: {  	s0 =	sld [smem:$0x3F94];
	_ =	swait.ge [sflag:s4], $0x0  }
0x19: {  	s7 =	sld [smem:$0x3F95]  }
0x1a: {  	s8 =	sadd.s32 $0xFFFFE003, lr  }
0x1b: {  	s9 =	sadd.s32 $0xFFFFFEF7, lr;
	s5 =	simm.s32 $0xFFFFFFFF;
	p2 =	slt.u32 s8, $0xFFFFF086  }
0x1c: {  	p1 =	slt.u32 s9, $0xF7A;
	s5 =	simm.s32 @!p2 $0x0  }
0x1d: {  	s5 =	simm.s32 @p1 $0x1;
	p0 =	seq.s32 s7, s2  }
0x1e: {  	s7 =	smul.u32 @!p0 $0xF7A, s2;
	p2 =	seq.s32 @!p0 s5, $0x0  }
0x1f: {  	s9 =	smul.u32 $0xF7A, s1;
	s8 =	simm.s32 @!p0 $0x1BF5;
	p2 =	por !p2, p0  }
0x20: {  	[sflag:s8] =	ssyncset.s32 @!p0 $0xFFFFF086;
	s6 =	sadd.s32 @!p0 s3, s7;
	s7 =	simm.s32 @!p0 $0x108  }
0x21: {  	s3 =	sadd.s32 s3, s9;
	s6 =	sadd.s32 @!p0 $0x88, s6;
	s7 =	simm.s32 @p2 $0x1082  }
0x22: {  	[simem:s7], [sflag:s8] =	dma.local @!p0 [hbm:s6], $0xF7A  }
0x23: {  	s9 =	sor.u32 $0xD0000000, s2;
	s6 =	simm.s32 $0x108;
	_ =	swait.ge @!p0 [sflag:s8], $0x0  }
0x24: {  	s3 =	sadd.s32 $0x88, s3;
	s6 =	simm.s32 @!p1 $0x1082;
	[sflag:s4] =	ssyncset.s32 $0xFFFFF086  }
0x25: {  	[simem:s6], [sflag:s4] =	dma.local [hbm:s3], $0xF7A  }
0x26: {  	[smem:$0x3F95] =	sst s1;
	(tag) =	ssettag s2;
	_ =	strace s9  }
0x27: {  	s1 =	sld [smem:$0x3FA5]  }
0x28: {  	s2 =	sld [smem:$0x3FA6]  }
0x29: {  	s4 =	sld [smem:$0x3FA8]  }
0x2a: {  	p0 =	seq.s32 s5, $0x0;
	s5 =	sld [smem:$0x3FA9]  }
0x2b: {  	s6 =	sld [smem:$0x3FAA]  }
0x2c: {  	s7 =	sld [smem:$0x3FAB]  }
0x2d: {  	s3 =	simm.s32 $0x108;
	s8 =	sld [smem:$0x3FAC]  }
0x2e: {  	s3 =	simm.s32 @!p0 $0x1082;
	s9 =	sld [smem:$0x3FAD]  }
0x2f: {  	lr =	sadd.s32 s0, s3;
	s0 =	sld [smem:$0x3FA4]  }
0x30: {  	s3 =	sld [smem:$0x3FA7]  }
0x31: {  	[smem:$0x3FB0] =	sst s10  }
0x32: {  	s10 =	sld [smem:$0x3FAE];
	_ =	sdelay $0x3  }
0x33: {  	p0 =	seq.s32 s10, $0x1;
	s10 =	sld [smem:$0x3FB0];
	_ =	sdelay $0x3  }
0x34: {  	[smem:$0x3FB0] =	sst s10  }
0x35: {  	s10 =	sld [smem:$0x3FAF];
	_ =	sdelay $0x3  }
0x36: {  	p1 =	seq.s32 s10, $0x1;
	s10 =	sld [smem:$0x3FB0];
	_ =	sdelay $0x3  }
0x37: {  	[smem:$0x3FB0] =	sst s10  }
0x38: {  	s10 =	sld [smem:$0x3FB1]  }
0x39: {  	_ = 	snop;
	(pc) =	sbr.ind lr, $3  }
0x3a: {  	_ = 	snop  }
0x3b: {  	_ = 	snop  }
0x3c: {  	p2 =	seq.s32 s10, $0x1;
	s10 =	sld [smem:$0x3FB0]  }
0x3d: {  	_ =	shalt  }
0x3e: {  	_ =	shalt  }
0x3f: {  	_ =	shalt  }
0x40: {  	_ =	shalt  }
0x41: {  	_ =	shalt  }
0x42: {  	_ =	shalt  }
0x43: {  	_ =	shalt  }
0x44: {  	_ =	shalt  }
0x45: {  	_ =	shalt  }
0x46: {  	_ =	shalt  }
0x47: {  	_ =	shalt  }
0x48: {  	_ =	shalt  }
0x49: {  	_ =	shalt  }
0x4a: {  	_ =	shalt  }
0x4b: {  	_ =	shalt  }
0x4c: {  	_ =	shalt  }
0x4d: {  	_ =	shalt  }
0x4e: {  	_ =	shalt  }
0x4f: {  	_ =	shalt  }
0x50: {  	_ =	shalt  }
0x51: {  	_ =	shalt  }
0x52: {  	_ =	shalt  }
0x53: {  	_ =	shalt  }
0x54: {  	_ =	shalt  }
0x55: {  	_ =	shalt  }
0x56: {  	_ =	shalt  }
0x57: {  	_ =	shalt  }
0x58: {  	_ =	shalt  }
0x59: {  	_ =	shalt  }
0x5a: {  	_ =	shalt  }
0x5b: {  	_ =	shalt  }
0x5c: {  	_ =	shalt  }
0x5d: {  	_ =	shalt  }
0x5e: {  	_ =	shalt  }
0x5f: {  	_ =	shalt  }
0x60: {  	_ =	shalt  }
0x61: {  	_ =	shalt  }
0x62: {  	_ =	shalt  }
0x63: {  	_ =	shalt  }
0x64: {  	_ =	shalt  }
0x65: {  	_ =	shalt  }
0x66: {  	_ =	shalt  }
0x67: {  	_ =	shalt  }
0x68: {  	_ =	shalt  }
0x69: {  	_ =	shalt  }
0x6a: {  	_ =	shalt  }
0x6b: {  	_ =	shalt  }
0x6c: {  	_ =	shalt  }
0x6d: {  	_ =	shalt  }
0x6e: {  	_ =	shalt  }
0x6f: {  	_ =	shalt  }
0x70: {  	_ =	shalt  }
0x71: {  	_ =	shalt  }
0x72: {  	_ =	shalt  }
0x73: {  	_ =	shalt  }
0x74: {  	_ =	shalt  }
0x75: {  	_ =	shalt  }
0x76: {  	_ =	shalt  }
0x77: {  	_ =	shalt  }
0x78: {  	_ =	shalt  }
0x79: {  	_ =	shalt  }
0x7a: {  	_ =	shalt  }
0x7b: {  	_ =	shalt  }
0x7c: {  	_ =	shalt  }
0x7d: {  	_ =	shalt  }
0x7e: {  	_ =	shalt  }
0x7f: {  	_ =	shalt  }
0x80: {  	_ =	shalt  }
0x81: {  	_ =	shalt  }
0x82: {  	_ =	shalt  }
0x83: {  	_ =	shalt  }
0x84: {  	_ =	shalt  }
0x85: {  	_ =	shalt  }
0x86: {  	_ =	shalt  }
0x87: {  	_ =	shalt  }
.Lfunc_end0:
.L_simem_size_0:
called_computation.3_lowered:
.L_overlay_start_0:
0x88: {  	s2 =	sld [smem:$0x3FD9]  }
0x89: {  	s3 =	sld [smem:$0x3FFE];
	_ =	sdelay $0x1  }
0x8a: {  	s1 =	srdreg.scid  }
0x8b: {  	s0 =	sand.u32 $0x1, s1  }
0x8c: {  	s16 =	sshll.u32 s0, $0xA;
	s2 =	sadd.s32 s3, s2  }
0x8d: {  	s2 =	sadd.s32 s2, s16  }
0x8e: {  	[smem:$0x3FBC] =	sst s2  }
0x8f: {  	_ = 	snop  }
0x90: {  	(tm) =	ssettm $0x1  }
0x91: {  	s17 =	sld [smem:$0x3FFB];
	_ =	sdelay $0x3  }
0x92: {  	_ =	strace s17  }
0x93: {  	s2 =	sld [smem:$0x3FFC];
	_ =	sdelay $0x3  }
0x94: {  	_ =	strace s2  }
0x95: {  	s2 =	sld [smem:$0x3FFD];
	_ =	sdelay $0x3  }
0x96: {  	_ =	strace s2  }
0x97: {  	_ =	strace $0x8FFFFFFF  }
0x98: {  	s18 =	sld [smem:$0x3FDB];
	_ =	sdelay $0x1  }
0x99: {  	s19 =	simm.s32 $_scs_section_size  }
0x9a: {  	s4 =	simm.s32 $_size__tile_overlayer_lowered;
	s5 =	simm.s32 $_tile_overlayer_lowered  }
0x9b: {  	s22 =	simm.s32 $0x1BFF;
	s21 =	sshll.u32 s5, $0x1;
	s2 =	sadd.s32 s19, s18  }
0x9c: {  	s6 =	simm.s32 $0x0;
	s20 =	sshll.u32 s4, $0x1;
	s4 =	sadd.s32 s21, s2  }
0x9d: {  	[timem:s6], [sflag:s22] =	dma.local [hbm:s4], s20  }
0x9e: {  	_ =	swait.ge [sflag:s22], s20  }
0x9f: {  	s3 =	ssub.s32 $0x0, s20;
	[sflag:s22] =	ssyncset.done $0x0  }
0xa0: {  	[sflag:s22] =	ssyncadd.s32 s3;
	_ =	sdelay $0x1  }
0xa1: {  	s23 =	simm.s32 $0x1B8B  }
0xa2: {  	_ =	swait.ge [sflag:s23], $0x1  }
0xa3: {  	[sflag:s23] =	ssyncset.done $0x0  }
0xa4: {  	s25 =	simm.s32 $0x1B8E;
	s24 =	sld [smem:$0x3FFE];
	[sflag:s23] =	ssyncadd.s32 $0xFFFFFFFF  }
0xa5: {  	s26 =	simm.s32 $execute0_lowered;
	[smem:$0x3FD2] =	sst s25  }
0xa6: {  	s4 =	sshll.u32 s26, $0x1;
	_ =	strace $0x8000004F;
	[dreg:$0x1] =	wrdreg $0xFFFFFFFF  }
0xa7: {  	s28 =	simm.s32 $_size_execute0_lowered;
	s2 =	sadd.s32 s2, s4;
	[dreg:$0x0] =	wrdreg $0x0  }
0xa8: {  	s4 =	sshll.u32 s28, $0x1;
	[dreg:$0x2] =	wrdreg s2  }
0xa9: {  	[dreg:$0x3] =	wrdreg s4  }
0xaa: {  	[dreg:$0x4] =	wrdreg $0xC0  }
0xab: {  	_ =	task [dreg:s6], $0x5FFFF  }
0xac: {  	[dreg:$0x1] =	wrdreg $0xFFFFFFFF  }
0xad: {  	[dreg:$0x0] =	wrdreg $0x60  }
0xae: {  	[dreg:$0x2] =	wrdreg s24  }
0xaf: {  	[dreg:$0x3] =	wrdreg $0xA8000  }
0xb0: {  	[dreg:$0x4] =	wrdreg $0x9  }
0xb1: {  	_ =	task.clear_ibuf [dreg:s6], $0x5FFFF;
	_ =	strace $0x9000004F  }
0xb2: {  	s29 =	simm.s32 $0x9;
	_ =	strace $0x80000051  }
0xb3: {  	_ =	swait.ge [sflag:s29], $0x1  }
0xb4: {  	[sflag:s29] =	ssyncadd.s32 $0xFFFFFFFF  }
0xb5: {  	_ =	strace $0x90000051  }
0xb6: {  	_ =	sfence  }
0xb7: {  	s30 =	sld [smem:$0x0];
	_ =	sdelay $0x2  }
0xb8: {  	s31 =	sshll.u32 s1, $0xD;
	s1 =	sshrl.u32 s1, $0x2  }
0xb9: {  	s3 =	sand.u32 $0x4000, s31;
	s1 =	sadd.s32 s1, s30  }
0xba: {  	s0 =	sor.u32 s3, s0;
	s1 =	sshll.u32 s1, $0x11  }
0xbb: {  	s0 =	sor.u32 s1, s0  }
0xbc: {  	s0 =	sadd.s32 $0x8F2B, s0  }
0xbd: {  	[sflag:s0] =	ssyncadd.remote.s32 $0x1  }
0xbe: {  	_ =	sfence.sel $0xFFFF  }
0xbf: {  	[dreg:$0x0] =	wrdreg $0xFFFFFFFF;
	(pc) =	sbr.abs _section_cstart, $3  }
0xc0: {  	[dreg:$0x1] =	wrdreg $0xFFFFFFFF  }
0xc1: {  	_ =	task.clear_ibuf [dreg:s6], $0x2FFFF;
	_ =	strace $0x9FFFFFFF  }
0xc2: {  	(tm) =	ssettm $0x7FFFFFFF  }
0xc3: {  	_ =	shalt  }
tec
execute0_lowered:
.L_overlay_start_1:
0x0: {  	(tag) =	ssettag $0x1  }
0x1: {  	s5 =	rddreg [dreg:$0x0]  }
0x2: {  	s1 =	rddreg [dreg:$0x1]  }
0x3: {  	s2 =	srdreg.scid;
	s0 =	rddreg [dreg:$0x2];
	s3 =	simm.s32 $0x0  }
0x4: {  	s17 =	simm.s32 $0x5;
	s18 =	simm.s32 $0x1400;
	s19 =	simm.s32 $0x80  }
0x5: {  	s20 =	simm.s32 $0x6800;
	s21 =	simm.s32 $0x1;
	s22 =	simm.s32 $0x2  }
0x6: {  	s23 =	simm.s32 $0x3;
	s24 =	simm.s32 $0x4;
	s25 =	simm.s32 $0x2700  }
0x7: {  	s26 =	simm.s32 $0x2780;
	s6 =	sand.u32 $0x1, s2;
	s2 =	stileid.u32  }
0x8: {  	[smem:$0x7FF] =	sst s3;
	s4 =	sadd.s32 $0x17200, s5;
	s7 =	smul.u32 $0x140000, s6  }
0x9: {  	s12 =	sadd.s32 $0xD200, s5;
	s13 =	sadd.s32 $0x3200, s5;
	s8 =	smul.u32 $0x14000, s2  }
0xa: {  	s28 =	smul.u32 $0x50000, s2;
	s29 =	ssub.s32 $0x2, s6;
	s6 =	sshll.u32 s6, $0x4  }
0xb: {  	_ =	strace $0x80000050;
	s30 =	sshrl.u32 s29, $0x1;
	s9 =	sor.u32 s2, s6  }
0xc: {  	s7 =	sadd.s32 s8, s7;
	s31 =	sshrl.u32 s28, $0x2;
	s10 =	smul.u32 $0x2800, s9  }
0xd: {  	s15 =	ssub.s32 s29, s30;
	s11 =	smul.u32 $0x500, s9;
	s7 =	sshrl.u32 s7, $0x3  }
0xe: {  	s15 =	smax.u32 s15, $0x1;
	s14 =	sadd.s32 s7, s5;
	s5 =	sadd.s32 s31, s1  }
0xf: {  	s16 =	sshrl.u32 s10, $0x3;
	s10 =	sadd.s32 s12, s11;
	s11 =	sadd.s32 s13, s11  }
0x10: {  	s6 =	sadd.s32 $0x4000, s5;
	s7 =	sadd.s32 $0x8000, s5;
	s8 =	sadd.s32 $0xC000, s5  }
0x11: {  	s9 =	sadd.s32 $0x10000, s5;
	s16 =	sadd.s32 $0x280, s16;
	s14 =	sadd.s32 $0xB7200, s14  }
0x12: {  	v0 =	vimm.f32 $0.0e+00;
	s12 =	sadd.s32 s12, s16;
	s13 =	sadd.s32 s13, s16;
	s16 =	simm.s32 $0x2800  }
.LBB2_1:
0x13: {  	s28 =	simm.s32 $0x0;
	s29 =	simm.s32 $0x200  }
.LBB2_2:
0x14: {  	p0 =	sne.s32 s29, $0xFE00;
	[tilespmem:s28+$0x2870] =	vst v0  }
0x15: {  	[tilespmem:s28+$0x2800] =	vst v0  }
0x16: {  	[tilespmem:s28+$0x2810] =	vst v0  }
.Ltmp0:
0x17: {  	[tilespmem:s28+$0x2820] =	vst v0;
	(pc) =	sbr.rel @p0 .LBB2_2-.Ltmp0, $4  }
0x18: {  	[tilespmem:s28+$0x2830] =	vst v0  }
0x19: {  	[tilespmem:s28+$0x2840] =	vst v0  }
0x1a: {  	[tilespmem:s28+$0x2850] =	vst v0  }
0x1b: {  	[tilespmem:s28+$0x2860] =	vst v0;
	s28 =	sshra.s32 s29, $0x2;
	s29 =	sadd.s32 $0x200, s29  }
0x1c: {  	[tilespmem:s28+$0x2870] =	vst v0  }
0x1d: {  	[tilespmem:s28+$0x2800] =	vst v0  }
0x1e: {  	[tilespmem:s28+$0x2810] =	vst v0  }
0x1f: {  	[tilespmem:s28+$0x2820] =	vst v0  }
0x20: {  	[tilespmem:s28+$0x2830] =	vst v0  }
0x21: {  	[tilespmem:s28+$0x2840] =	vst v0  }
0x22: {  	[tilespmem:s28+$0x2850] =	vst v0  }
0x23: {  	[tilespmem:s28+$0x2860] =	vst v0  }
0x24: {  	[spmem:s5] =	stream.linear.scatter [tilespmem:s16], [sflag:$0x5], $0x4000, $0x38;
	[tilespmem:$0x1E800] =	vst v63  }
0x25: {  	_ =	swait.ge [sflag:s17], $0x4000  }
0x26: {  	[sflag:s17] =	ssyncset.done $0x0  }
0x27: {  	[sflag:s17] =	ssyncadd.s32 $0xFFFFC000  }
0x28: {  	[spmem:s6] =	stream.linear.scatter [tilespmem:s16], [sflag:$0x5], $0x4000, $0x38;
	[tilespmem:$0x1E800] =	vst v63  }
0x29: {  	_ =	swait.ge [sflag:s17], $0x4000  }
0x2a: {  	[sflag:s17] =	ssyncset.done $0x0  }
0x2b: {  	[sflag:s17] =	ssyncadd.s32 $0xFFFFC000  }
0x2c: {  	[spmem:s7] =	stream.linear.scatter [tilespmem:s16], [sflag:$0x5], $0x4000, $0x38;
	[tilespmem:$0x1E800] =	vst v63  }
0x2d: {  	_ =	swait.ge [sflag:s17], $0x4000  }
0x2e: {  	[sflag:s17] =	ssyncset.done $0x0  }
0x2f: {  	[sflag:s17] =	ssyncadd.s32 $0xFFFFC000  }
0x30: {  	[spmem:s8] =	stream.linear.scatter [tilespmem:s16], [sflag:$0x5], $0x4000, $0x38;
	[tilespmem:$0x1E800] =	vst v63  }
0x31: {  	_ =	swait.ge [sflag:s17], $0x4000  }
0x32: {  	[sflag:s17] =	ssyncset.done $0x0  }
0x33: {  	[sflag:s17] =	ssyncadd.s32 $0xFFFFC000  }
0x34: {  	[spmem:s9] =	stream.linear.scatter [tilespmem:s16], [sflag:$0x5], $0x4000, $0x38;
	[tilespmem:$0x1E800] =	vst v63  }
0x35: {  	_ =	swait.ge [sflag:s17], $0x4000  }
0x36: {  	[sflag:s17] =	ssyncset.done $0x0  }
0x37: {  	[sflag:s17] =	ssyncadd.s32 $0xFFFFC000  }
0x38: {  	s28 =	simm.s32 $0x0;
	[bflag:$0x0] =	sbarrier.arrive $0xFFFF  }
0x39: {  	[tilespmem:s28], [sflag:$0x5] =	stream.linear.gather [hbm4b:s10+s28], $0x1400, $0x38;
	[tilespmem:$0x1E800] =	vst v63  }
0x3a: {  	_ =	swait.ge [sflag:s17], $0x1400  }
0x3b: {  	[sflag:s17] =	ssyncset.done $0x0  }
0x3c: {  	[sflag:s17] =	ssyncadd.s32 $0xFFFFEC00  }
0x3d: {  	[tilespmem:s18], [sflag:$0x5] =	stream.linear.gather [hbm4b:s11+s28], $0x1400, $0x38;
	[tilespmem:$0x1E800] =	vst v63  }
0x3e: {  	_ =	swait.ge [sflag:s17], $0x1400  }
0x3f: {  	[sflag:s17] =	ssyncset.done $0x0  }
0x40: {  	[sflag:s17] =	ssyncadd.s32 $0xFFFFEC00  }
0x41: {  	[tilespmem:s16], [sflag:$0x1] =	stream.indirect.gather [hbm4b:s4+s19], $0x80, s28, s19, $0xb8;
	[tilespmem:$0x1E800] =	vst v63  }
0x42: {  	_ = 	snop  }
0x43: {  	[tilespmem:s20], [sflag:$0x2] =	stream.indirect.gather [hbm4b:s4+s19], $0x80, s19, s19, $0xb8;
	[tilespmem:$0x1E800] =	vst v63  }
0x44: {  	_ =	swait.ge [sflag:s21], $0x4000  }
0x45: {  	[sflag:s21] =	ssyncset.done $0x0  }
0x46: {  	s28 =	simm.s32 $0x1400;
	[sflag:s21] =	ssyncadd.s32 $0xFFFFC000  }
0x47: {  	[spmem:s1] =	stream.indirect.scatter.add.f32 [tilespmem:s16], [sflag:$0x3], $0x80, s28, s19, $0xb8;
	[tilespmem:$0x1E800] =	vst v63  }
0x48: {  	_ =	swait.ge [sflag:s22], $0x4000  }
0x49: {  	[sflag:s22] =	ssyncset.done $0x0  }
0x4a: {  	s28 =	simm.s32 $0x1480;
	[sflag:s22] =	ssyncadd.s32 $0xFFFFC000  }
0x4b: {  	[spmem:s1] =	stream.indirect.scatter.add.f32 [tilespmem:s20], [sflag:$0x4], $0x80, s28, s19, $0xb8;
	[tilespmem:$0x1E800] =	vst v63  }
0x4c: {  	_ =	swait.ge [sflag:s23], $0x4000  }
0x4d: {  	[sflag:s23] =	ssyncset.done $0x0  }
0x4e: {  	s28 =	simm.s32 $0x100;
	[sflag:s23] =	ssyncadd.s32 $0xFFFFC000  }
0x4f: {  	[tilespmem:s16], [sflag:$0x1] =	stream.indirect.gather [hbm4b:s4+s19], $0x80, s28, s19, $0xb8;
	[tilespmem:$0x1E800] =	vst v63  }
0x50: {  	_ =	swait.ge [sflag:s24], $0x4000  }
0x51: {  	[sflag:s24] =	ssyncset.done $0x0  }
0x52: {  	s29 =	simm.s32 $0x180;
	s28 =	simm.s32 $0x400;
	[sflag:s24] =	ssyncadd.s32 $0xFFFFC000  }
.LBB2_4:
0x53: {  	[tilespmem:s20], [sflag:$0x2] =	stream.indirect.gather [hbm4b:s4+s19], $0x80, s29, s19, $0xb8;
	[tilespmem:$0x1E800] =	vst v63  }
0x54: {  	s29 =	smov.u32 s28  }
0x55: {  	p0 =	sne.s32 s28, $0x4800;
	s28 =	sadd.s32 $0x400, s28;
	_ =	swait.ge [sflag:s21], $0x4000  }
0x56: {  	s29 =	sshra.s32 s29, $0x2;
	[sflag:s21] =	ssyncset.done $0x0  }
0x57: {  	s30 =	sadd.s32 $0x1400, s29;
	[sflag:s21] =	ssyncadd.s32 $0xFFFFC000  }
0x58: {  	[spmem:s1] =	stream.indirect.scatter.add.f32 [tilespmem:s16], [sflag:$0x3], $0x80, s30, s19, $0xb8;
	[tilespmem:$0x1E800] =	vst v63  }
0x59: {  	_ =	swait.ge [sflag:s22], $0x4000  }
0x5a: {  	[sflag:s22] =	ssyncset.done $0x0  }
0x5b: {  	s30 =	sadd.s32 $0x1480, s29;
	[sflag:s22] =	ssyncadd.s32 $0xFFFFC000  }
0x5c: {  	[spmem:s1] =	stream.indirect.scatter.add.f32 [tilespmem:s20], [sflag:$0x4], $0x80, s30, s19, $0xb8;
	[tilespmem:$0x1E800] =	vst v63  }
0x5d: {  	_ =	swait.ge [sflag:s23], $0x4000  }
0x5e: {  	[sflag:s23] =	ssyncset.done $0x0  }
.Ltmp1:
0x5f: {  	s30 =	sadd.s32 $0x100, s29;
	[sflag:s23] =	ssyncadd.s32 $0xFFFFC000;
	(pc) =	sbr.rel @p0 .LBB2_4-.Ltmp1, $4  }
0x60: {  	[tilespmem:s16], [sflag:$0x1] =	stream.indirect.gather [hbm4b:s4+s19], $0x80, s30, s19, $0xb8;
	[tilespmem:$0x1E800] =	vst v63  }
0x61: {  	_ =	swait.ge [sflag:s24], $0x4000  }
0x62: {  	[sflag:s24] =	ssyncset.done $0x0  }
0x63: {  	s29 =	sadd.s32 $0x180, s29;
	[sflag:s24] =	ssyncadd.s32 $0xFFFFC000  }
0x64: {  	[tilespmem:s20], [sflag:$0x2] =	stream.indirect.gather [hbm4b:s4+s19], $0x80, s29, s19, $0xb8;
	[tilespmem:$0x1E800] =	vst v63  }
0x65: {  	_ =	swait.ge [sflag:s21], $0x4000  }
0x66: {  	[sflag:s21] =	ssyncset.done $0x0  }
0x67: {  	[sflag:s21] =	ssyncadd.s32 $0xFFFFC000  }
0x68: {  	[spmem:s1] =	stream.indirect.scatter.add.f32 [tilespmem:s16], [sflag:$0x3], $0x80, s25, s19, $0xb8;
	[tilespmem:$0x1E800] =	vst v63  }
0x69: {  	_ =	swait.ge [sflag:s22], $0x4000  }
0x6a: {  	[sflag:s22] =	ssyncset.done $0x0  }
0x6b: {  	[sflag:s22] =	ssyncadd.s32 $0xFFFFC000  }
0x6c: {  	[spmem:s1] =	stream.indirect.scatter.add.f32 [tilespmem:s20], [sflag:$0x4], $0x80, s26, s19, $0xb8;
	[tilespmem:$0x1E800] =	vst v63  }
0x6d: {  	_ =	swait.ge [sflag:s23], $0x4000  }
0x6e: {  	[sflag:s23] =	ssyncset.done $0x0  }
0x6f: {  	[sflag:s23] =	ssyncadd.s32 $0xFFFFC000  }
0x70: {  	_ =	swait.ge [sflag:s24], $0x4000  }
0x71: {  	[sflag:s24] =	ssyncset.done $0x0  }
0x72: {  	s28 =	simm.s32 $0x0;
	[sflag:s24] =	ssyncadd.s32 $0xFFFFC000  }
0x73: {  	[tilespmem:s28], [sflag:$0x5] =	stream.linear.gather [hbm4b:s12+s28], $0x1400, $0x38;
	[tilespmem:$0x1E800] =	vst v63  }
0x74: {  	_ =	swait.ge [sflag:s17], $0x1400  }
0x75: {  	[sflag:s17] =	ssyncset.done $0x0  }
0x76: {  	[sflag:s17] =	ssyncadd.s32 $0xFFFFEC00  }
0x77: {  	[tilespmem:s18], [sflag:$0x5] =	stream.linear.gather [hbm4b:s13+s28], $0x1400, $0x38;
	[tilespmem:$0x1E800] =	vst v63  }
0x78: {  	_ =	swait.ge [sflag:s17], $0x1400  }
0x79: {  	[sflag:s17] =	ssyncset.done $0x0  }
0x7a: {  	[sflag:s17] =	ssyncadd.s32 $0xFFFFEC00  }
0x7b: {  	[tilespmem:s16], [sflag:$0x1] =	stream.indirect.gather [hbm4b:s4+s19], $0x80, s28, s19, $0xb8;
	[tilespmem:$0x1E800] =	vst v63  }
0x7c: {  	_ = 	snop  }
0x7d: {  	[tilespmem:s20], [sflag:$0x2] =	stream.indirect.gather [hbm4b:s4+s19], $0x80, s19, s19, $0xb8;
	[tilespmem:$0x1E800] =	vst v63  }
0x7e: {  	_ =	swait.ge [sflag:s21], $0x4000  }
0x7f: {  	[sflag:s21] =	ssyncset.done $0x0  }
0x80: {  	s28 =	simm.s32 $0x1400;
	[sflag:s21] =	ssyncadd.s32 $0xFFFFC000  }
0x81: {  	[spmem:s1] =	stream.indirect.scatter.add.f32 [tilespmem:s16], [sflag:$0x3], $0x80, s28, s19, $0xb8;
	[tilespmem:$0x1E800] =	vst v63  }
0x82: {  	_ =	swait.ge [sflag:s22], $0x4000  }
0x83: {  	[sflag:s22] =	ssyncset.done $0x0  }
0x84: {  	s28 =	simm.s32 $0x1480;
	[sflag:s22] =	ssyncadd.s32 $0xFFFFC000  }
0x85: {  	[spmem:s1] =	stream.indirect.scatter.add.f32 [tilespmem:s20], [sflag:$0x4], $0x80, s28, s19, $0xb8;
	[tilespmem:$0x1E800] =	vst v63  }
0x86: {  	_ =	swait.ge [sflag:s23], $0x4000  }
0x87: {  	[sflag:s23] =	ssyncset.done $0x0  }
0x88: {  	s28 =	simm.s32 $0x100;
	[sflag:s23] =	ssyncadd.s32 $0xFFFFC000  }
0x89: {  	[tilespmem:s16], [sflag:$0x1] =	stream.indirect.gather [hbm4b:s4+s19], $0x80, s28, s19, $0xb8;
	[tilespmem:$0x1E800] =	vst v63  }
0x8a: {  	_ =	swait.ge [sflag:s24], $0x4000  }
0x8b: {  	[sflag:s24] =	ssyncset.done $0x0  }
0x8c: {  	s29 =	simm.s32 $0x180;
	s28 =	simm.s32 $0x400;
	[sflag:s24] =	ssyncadd.s32 $0xFFFFC000  }
.LBB2_6:
0x8d: {  	[tilespmem:s20], [sflag:$0x2] =	stream.indirect.gather [hbm4b:s4+s19], $0x80, s29, s19, $0xb8;
	[tilespmem:$0x1E800] =	vst v63  }
0x8e: {  	s29 =	smov.u32 s28  }
0x8f: {  	p0 =	sne.s32 s28, $0x4800;
	s28 =	sadd.s32 $0x400, s28;
	_ =	swait.ge [sflag:s21], $0x4000  }
0x90: {  	s29 =	sshra.s32 s29, $0x2;
	[sflag:s21] =	ssyncset.done $0x0  }
0x91: {  	s30 =	sadd.s32 $0x1400, s29;
	[sflag:s21] =	ssyncadd.s32 $0xFFFFC000  }
0x92: {  	[spmem:s1] =	stream.indirect.scatter.add.f32 [tilespmem:s16], [sflag:$0x3], $0x80, s30, s19, $0xb8;
	[tilespmem:$0x1E800] =	vst v63  }
0x93: {  	_ =	swait.ge [sflag:s22], $0x4000  }
0x94: {  	[sflag:s22] =	ssyncset.done $0x0  }
0x95: {  	s30 =	sadd.s32 $0x1480, s29;
	[sflag:s22] =	ssyncadd.s32 $0xFFFFC000  }
0x96: {  	[spmem:s1] =	stream.indirect.scatter.add.f32 [tilespmem:s20], [sflag:$0x4], $0x80, s30, s19, $0xb8;
	[tilespmem:$0x1E800] =	vst v63  }
0x97: {  	_ =	swait.ge [sflag:s23], $0x4000  }
0x98: {  	[sflag:s23] =	ssyncset.done $0x0  }
.Ltmp2:
0x99: {  	s30 =	sadd.s32 $0x100, s29;
	[sflag:s23] =	ssyncadd.s32 $0xFFFFC000;
	(pc) =	sbr.rel @p0 .LBB2_6-.Ltmp2, $4  }
0x9a: {  	[tilespmem:s16], [sflag:$0x1] =	stream.indirect.gather [hbm4b:s4+s19], $0x80, s30, s19, $0xb8;
	[tilespmem:$0x1E800] =	vst v63  }
0x9b: {  	_ =	swait.ge [sflag:s24], $0x4000  }
0x9c: {  	[sflag:s24] =	ssyncset.done $0x0  }
0x9d: {  	s29 =	sadd.s32 $0x180, s29;
	[sflag:s24] =	ssyncadd.s32 $0xFFFFC000  }
0x9e: {  	[tilespmem:s20], [sflag:$0x2] =	stream.indirect.gather [hbm4b:s4+s19], $0x80, s29, s19, $0xb8;
	[tilespmem:$0x1E800] =	vst v63  }
0x9f: {  	_ =	swait.ge [sflag:s21], $0x4000  }
0xa0: {  	[sflag:s21] =	ssyncset.done $0x0  }
0xa1: {  	[sflag:s21] =	ssyncadd.s32 $0xFFFFC000  }
0xa2: {  	[spmem:s1] =	stream.indirect.scatter.add.f32 [tilespmem:s16], [sflag:$0x3], $0x80, s25, s19, $0xb8;
	[tilespmem:$0x1E800] =	vst v63  }
0xa3: {  	_ =	swait.ge [sflag:s22], $0x4000  }
0xa4: {  	[sflag:s22] =	ssyncset.done $0x0  }
0xa5: {  	[sflag:s22] =	ssyncadd.s32 $0xFFFFC000  }
0xa6: {  	[spmem:s1] =	stream.indirect.scatter.add.f32 [tilespmem:s20], [sflag:$0x4], $0x80, s26, s19, $0xb8;
	[tilespmem:$0x1E800] =	vst v63  }
0xa7: {  	_ =	swait.ge [sflag:s23], $0x4000  }
0xa8: {  	[sflag:s23] =	ssyncset.done $0x0  }
0xa9: {  	[sflag:s23] =	ssyncadd.s32 $0xFFFFC000  }
0xaa: {  	_ =	swait.ge [sflag:s24], $0x4000  }
0xab: {  	s28 =	sshll.u32 s2, $0x6;
	s3 =	sadd.s32 $0x1, s3;
	[sflag:s24] =	ssyncset.done $0x0  }
0xac: {  	s31 =	sshrl.u32 s5, $0x3;
	p0 =	sne.s32 s3, s15;
	[sflag:s24] =	ssyncadd.s32 $0xFFFFC000  }
.Ltmp3:
0xad: {  	s28 =	sor.u32 $0x1C05, s28;
	[bflag:$0x0] =	sbarrier.arrive $0xFFFF;
	(pc) =	sbr.rel @p0 .LBB2_1-.Ltmp3, $4  }
0xae: {  	[hbm:s14], [sflag:s28] =	dma.local [spmem:s31], $0x2800  }
0xaf: {  	_ =	swait.ge [sflag:s17], $0x2800  }
0xb0: {  	[sflag:s17] =	ssyncset.done $0x0  }
0xb1: {  	[sflag:s17] =	ssyncadd.s32 $0xFFFFD800  }
0xb2: {  	_ =	sfence.sel $0x180000  }
0xb3: {  	[bflag:$0x0] =	sbarrier.arrive $0xFFFF  }
0xb4: {  	p0 =	sne.s32 s2, $0x0;
	_ =	strace $0x90000050  }
0xb5: {  	s0 =	sadd.s32 @!p0 $0x100000, s0;
	[bflag:$0x2] =	sbarrier.arrive $0xFFFF  }
0xb6: {  	[sflag:s0] =	ssyncadd.tile.s32 @!p0 $0x1;
	_ =	shalt  }
.Lfunc_end2:
_tile_overlayer_lowered:
.L_overlay_start_2:
0xb7: {  	(tag) =	ssettag $0x2  }
0xb8: {  	s0 =	rddreg [dreg:$0x0];
	s2 =	stileid.u32  }
0xb9: {  	s1 =	rddreg [dreg:$0x1];
	p0 =	sne.s32 s2, $0x0  }
0xba: {  	s3 =	rddreg [dreg:$0x2];
	[bflag:$0x3] =	sbarrier.arrive $0xFFFF;
	s2 =	simm.s32 @!p0 $0x1C05  }
0xbb: {  	[timem:s3], [sflag:s2] =	dma.local @!p0 [hbm:s0], s1  }
0xbc: {  	s0 =	simm.s32 @!p0 $0x5  }
0xbd: {  	_ =	swait.ge @!p0 [sflag:s0], s1  }
0xbe: {  	s1 =	ssub.s32 @!p0 $0x0, s1;
	[sflag:s0] =	ssyncset.done @!p0 $0x0  }
0xbf: {  	[sflag:s0] =	ssyncadd.s32 @!p0 s1  }
0xc0: {  	[bflag:$0x3] =	sbarrier.arrive $0xFFFF  }
0xc1: {  	_ =	shalt  }

// kernel: _run.9.cloned.1.call-start
scs
__scs_entry_jumppad:
0x0: {  	(pc) =	sbr.rel $0x88, $3  }
0x1: {  	(tag) =	ssettag $0x0;
	lr =	simm.s32 $0x1  }
0x2: {  	[smem:$0x3F95] =	sst lr;
	_ =	strace $0xD0000000  }
0x3: {  	_ = 	snop  }
0x4: {  	_ = 	snop  }
0x5: {  	_ = 	snop  }
0x6: {  	_ = 	snop  }
0x7: {  	_ = 	snop  }
__scs_overlays_trampoline_lowered:
0x8: {  	[smem:$0x3FA4] =	sst s0  }
0x9: {  	[smem:$0x3FA5] =	sst s1  }
0xa: {  	[smem:$0x3FA6] =	sst s2  }
0xb: {  	[smem:$0x3FA7] =	sst s3  }
0xc: {  	[smem:$0x3FA8] =	sst s4  }
0xd: {  	[smem:$0x3FA9] =	sst s5  }
0xe: {  	[smem:$0x3FAA] =	sst s6  }
0xf: {  	[smem:$0x3FAB] =	sst s7  }
0x10: {  	[smem:$0x3FAC] =	sst s8  }
0x11: {  	[smem:$0x3FAD] =	sst s9;
	s0 =	simm.s32 @!p0 $0x0  }
0x12: {  	s1 =	sld [smem:$0x3F93];
	s0 =	simm.s32 @p0 $0x1  }
0x13: {  	[smem:$0x3FAE] =	sst s0;
	s0 =	simm.s32 @!p1 $0x0  }
0x14: {  	s2 =	sld [smem:$0x3F92];
	s0 =	simm.s32 @p1 $0x1  }
0x15: {  	[smem:$0x3FAF] =	sst s0;
	s0 =	simm.s32 @!p2 $0x0  }
0x16: {  	s3 =	sld [smem:$0x3FDB];
	s0 =	simm.s32 @p2 $0x1  }
0x17: {  	s4 =	simm.s32 $0x1BF5;
	[smem:$0x3FB1] =	sst s0  }
0x18: {  	s0 =	sld [smem:$0x3F94];
	_ =	swait.ge [sflag:s4], $0x0  }
0x19: {  	s7 =	sld [smem:$0x3F95]  }
0x1a: {  	s8 =	sadd.s32 $0xFFFFE003, lr  }
0x1b: {  	s9 =	sadd.s32 $0xFFFFFEF7, lr;
	s5 =	simm.s32 $0xFFFFFFFF;
	p2 =	slt.u32 s8, $0xFFFFF086  }
0x1c: {  	p1 =	slt.u32 s9, $0xF7A;
	s5 =	simm.s32 @!p2 $0x0  }
0x1d: {  	s5 =	simm.s32 @p1 $0x1;
	p0 =	seq.s32 s7, s2  }
0x1e: {  	s7 =	smul.u32 @!p0 $0xF7A, s2;
	p2 =	seq.s32 @!p0 s5, $0x0  }
0x1f: {  	s9 =	smul.u32 $0xF7A, s1;
	s8 =	simm.s32 @!p0 $0x1BF5;
	p2 =	por !p2, p0  }
0x20: {  	[sflag:s8] =	ssyncset.s32 @!p0 $0xFFFFF086;
	s6 =	sadd.s32 @!p0 s3, s7;
	s7 =	simm.s32 @!p0 $0x108  }
0x21: {  	s3 =	sadd.s32 s3, s9;
	s6 =	sadd.s32 @!p0 $0x88, s6;
	s7 =	simm.s32 @p2 $0x1082  }
0x22: {  	[simem:s7], [sflag:s8] =	dma.local @!p0 [hbm:s6], $0xF7A  }
0x23: {  	s9 =	sor.u32 $0xD0000000, s2;
	s6 =	simm.s32 $0x108;
	_ =	swait.ge @!p0 [sflag:s8], $0x0  }
0x24: {  	s3 =	sadd.s32 $0x88, s3;
	s6 =	simm.s32 @!p1 $0x1082;
	[sflag:s4] =	ssyncset.s32 $0xFFFFF086  }
0x25: {  	[simem:s6], [sflag:s4] =	dma.local [hbm:s3], $0xF7A  }
0x26: {  	[smem:$0x3F95] =	sst s1;
	(tag) =	ssettag s2;
	_ =	strace s9  }
0x27: {  	s1 =	sld [smem:$0x3FA5]  }
0x28: {  	s2 =	sld [smem:$0x3FA6]  }
0x29: {  	s4 =	sld [smem:$0x3FA8]  }
0x2a: {  	p0 =	seq.s32 s5, $0x0;
	s5 =	sld [smem:$0x3FA9]  }
0x2b: {  	s6 =	sld [smem:$0x3FAA]  }
0x2c: {  	s7 =	sld [smem:$0x3FAB]  }
0x2d: {  	s3 =	simm.s32 $0x108;
	s8 =	sld [smem:$0x3FAC]  }
0x2e: {  	s3 =	simm.s32 @!p0 $0x1082;
	s9 =	sld [smem:$0x3FAD]  }
0x2f: {  	lr =	sadd.s32 s0, s3;
	s0 =	sld [smem:$0x3FA4]  }
0x30: {  	s3 =	sld [smem:$0x3FA7]  }
0x31: {  	[smem:$0x3FB0] =	sst s10  }
0x32: {  	s10 =	sld [smem:$0x3FAE];
	_ =	sdelay $0x3  }
0x33: {  	p0 =	seq.s32 s10, $0x1;
	s10 =	sld [smem:$0x3FB0];
	_ =	sdelay $0x3  }
0x34: {  	[smem:$0x3FB0] =	sst s10  }
0x35: {  	s10 =	sld [smem:$0x3FAF];
	_ =	sdelay $0x3  }
0x36: {  	p1 =	seq.s32 s10, $0x1;
	s10 =	sld [smem:$0x3FB0];
	_ =	sdelay $0x3  }
0x37: {  	[smem:$0x3FB0] =	sst s10  }
0x38: {  	s10 =	sld [smem:$0x3FB1]  }
0x39: {  	_ = 	snop;
	(pc) =	sbr.ind lr, $3  }
0x3a: {  	_ = 	snop  }
0x3b: {  	_ = 	snop  }
0x3c: {  	p2 =	seq.s32 s10, $0x1;
	s10 =	sld [smem:$0x3FB0]  }
0x3d: {  	_ =	shalt  }
0x3e: {  	_ =	shalt  }
0x3f: {  	_ =	shalt  }
0x40: {  	_ =	shalt  }
0x41: {  	_ =	shalt  }
0x42: {  	_ =	shalt  }
0x43: {  	_ =	shalt  }
0x44: {  	_ =	shalt  }
0x45: {  	_ =	shalt  }
0x46: {  	_ =	shalt  }
0x47: {  	_ =	shalt  }
0x48: {  	_ =	shalt  }
0x49: {  	_ =	shalt  }
0x4a: {  	_ =	shalt  }
0x4b: {  	_ =	shalt  }
0x4c: {  	_ =	shalt  }
0x4d: {  	_ =	shalt  }
0x4e: {  	_ =	shalt  }
0x4f: {  	_ =	shalt  }
0x50: {  	_ =	shalt  }
0x51: {  	_ =	shalt  }
0x52: {  	_ =	shalt  }
0x53: {  	_ =	shalt  }
0x54: {  	_ =	shalt  }
0x55: {  	_ =	shalt  }
0x56: {  	_ =	shalt  }
0x57: {  	_ =	shalt  }
0x58: {  	_ =	shalt  }
0x59: {  	_ =	shalt  }
0x5a: {  	_ =	shalt  }
0x5b: {  	_ =	shalt  }
0x5c: {  	_ =	shalt  }
0x5d: {  	_ =	shalt  }
0x5e: {  	_ =	shalt  }
0x5f: {  	_ =	shalt  }
0x60: {  	_ =	shalt  }
0x61: {  	_ =	shalt  }
0x62: {  	_ =	shalt  }
0x63: {  	_ =	shalt  }
0x64: {  	_ =	shalt  }
0x65: {  	_ =	shalt  }
0x66: {  	_ =	shalt  }
0x67: {  	_ =	shalt  }
0x68: {  	_ =	shalt  }
0x69: {  	_ =	shalt  }
0x6a: {  	_ =	shalt  }
0x6b: {  	_ =	shalt  }
0x6c: {  	_ =	shalt  }
0x6d: {  	_ =	shalt  }
0x6e: {  	_ =	shalt  }
0x6f: {  	_ =	shalt  }
0x70: {  	_ =	shalt  }
0x71: {  	_ =	shalt  }
0x72: {  	_ =	shalt  }
0x73: {  	_ =	shalt  }
0x74: {  	_ =	shalt  }
0x75: {  	_ =	shalt  }
0x76: {  	_ =	shalt  }
0x77: {  	_ =	shalt  }
0x78: {  	_ =	shalt  }
0x79: {  	_ =	shalt  }
0x7a: {  	_ =	shalt  }
0x7b: {  	_ =	shalt  }
0x7c: {  	_ =	shalt  }
0x7d: {  	_ =	shalt  }
0x7e: {  	_ =	shalt  }
0x7f: {  	_ =	shalt  }
0x80: {  	_ =	shalt  }
0x81: {  	_ =	shalt  }
0x82: {  	_ =	shalt  }
0x83: {  	_ =	shalt  }
0x84: {  	_ =	shalt  }
0x85: {  	_ =	shalt  }
0x86: {  	_ =	shalt  }
0x87: {  	_ =	shalt  }
.Lfunc_end0:
.L_simem_size_0:
called_computation_lowered:
.L_overlay_start_0:
0x88: {  	s2 =	sld [smem:$0x3FD9]  }
0x89: {  	s3 =	sld [smem:$0x3FFE];
	_ =	sdelay $0x1  }
0x8a: {  	s1 =	srdreg.scid  }
0x8b: {  	s0 =	sand.u32 $0x1, s1  }
0x8c: {  	s17 =	sshll.u32 s0, $0xA;
	s2 =	sadd.s32 s3, s2  }
0x8d: {  	s2 =	sadd.s32 s2, s17  }
0x8e: {  	[smem:$0x3FBC] =	sst s2  }
0x8f: {  	_ = 	snop  }
0x90: {  	(tm) =	ssettm $0x1  }
0x91: {  	s18 =	sld [smem:$0x3FFB];
	_ =	sdelay $0x3  }
0x92: {  	_ =	strace s18  }
0x93: {  	s2 =	sld [smem:$0x3FFC];
	_ =	sdelay $0x3  }
0x94: {  	_ =	strace s2  }
0x95: {  	s2 =	sld [smem:$0x3FFD];
	_ =	sdelay $0x3  }
0x96: {  	_ =	strace s2  }
0x97: {  	_ =	strace $0x8FFFFFFF  }
0x98: {  	s19 =	sld [smem:$0x3FDB];
	_ =	sdelay $0x1  }
0x99: {  	s20 =	simm.s32 $_scs_section_size  }
0x9a: {  	s4 =	simm.s32 $_size__tile_overlayer_lowered;
	s5 =	simm.s32 $_tile_overlayer_lowered  }
0x9b: {  	s6 =	simm.s32 $0x1BFF;
	s21 =	sshll.u32 s5, $0x1;
	s3 =	sadd.s32 s20, s19  }
0x9c: {  	s22 =	simm.s32 $0x0;
	s4 =	sshll.u32 s4, $0x1;
	s5 =	sadd.s32 s21, s3  }
0x9d: {  	[timem:s22], [sflag:s6] =	dma.local [hbm:s5], s4  }
0x9e: {  	_ =	swait.ge [sflag:s6], s4  }
0x9f: {  	s4 =	ssub.s32 $0x0, s4;
	[sflag:s6] =	ssyncset.done $0x0  }
0xa0: {  	[sflag:s6] =	ssyncadd.s32 s4;
	_ =	sdelay $0x1  }
0xa1: {  	s23 =	simm.s32 $0x1B8B  }
0xa2: {  	_ =	swait.ge [sflag:s23], $0x1  }
0xa3: {  	[sflag:s23] =	ssyncset.done $0x0  }
0xa4: {  	[sflag:s23] =	ssyncadd.s32 $0xFFFFFFFF  }
0xa5: {  	s4 =	sld [smem:$0x0]  }
0xa6: {  	s5 =	sand.u32 $0xFFFFFFFE, s1  }
0xa7: {  	p0 =	sne.s32 s1, s5  }
0xa8: {  	s5 =	sshll.u32 @p0 s5, $0xE  }
0xa9: {  	s5 =	sadd.s32 @p0 $0x11B8D, s5;
	s6 =	sshll.u32 @p0 s4, $0x11  }
0xaa: {  	s5 =	sor.u32 @p0 s6, s5  }
0xab: {  	[sflag:s5] =	ssyncadd.remote.s32 @p0 $0x1;
	_ =	sdelay $0x1  }
0xac: {  	s5 =	simm.s32 @p0 $0x1B8D  }
0xad: {  	_ =	swait.eq @p0 [sflag:s5], $0x1  }
0xae: {  	[sflag:s5] =	ssyncadd.s32 @p0 $0xFFFFFFFF  }
0xaf: {  	s6 =	sshll.u32 @!p0 s1, $0xE  }
0xb0: {  	s6 =	sor.u32 @!p0 $0x4000, s6;
	s5 =	simm.s32 @!p0 $0x1B8D  }
0xb1: {  	s4 =	sshll.u32 @!p0 s4, $0x11;
	s6 =	sadd.s32 @!p0 $0x11B8D, s6;
	_ =	swait.eq @!p0 [sflag:s5], $0x1  }
0xb2: {  	s4 =	sor.u32 @!p0 s4, s6;
	[sflag:s5] =	ssyncadd.s32 @!p0 $0xFFFFFFFF  }
0xb3: {  	s25 =	simm.s32 $0x1B8E;
	s24 =	sld [smem:$0x3FFE];
	[sflag:s4] =	ssyncadd.remote.s32 @!p0 $0x1  }
0xb4: {  	s26 =	simm.s32 $execute0_lowered;
	[smem:$0x3FD2] =	sst s25  }
0xb5: {  	s5 =	sshll.u32 s26, $0x1;
	_ =	strace $0x80000049;
	[dreg:$0x1] =	wrdreg $0xFFFFFFFF  }
0xb6: {  	s28 =	simm.s32 $_size_execute0_lowered;
	s3 =	sadd.s32 s3, s5;
	[dreg:$0x0] =	wrdreg $0x0  }
0xb7: {  	s5 =	sshll.u32 s28, $0x1;
	[dreg:$0x2] =	wrdreg s3  }
0xb8: {  	[dreg:$0x3] =	wrdreg s5  }
0xb9: {  	[dreg:$0x4] =	wrdreg $0xC0  }
0xba: {  	_ =	task [dreg:s22], $0x5FFFF  }
0xbb: {  	[dreg:$0x1] =	wrdreg $0xFFFFFFFF  }
0xbc: {  	[dreg:$0x0] =	wrdreg $0x60  }
0xbd: {  	[dreg:$0x2] =	wrdreg s24  }
0xbe: {  	[dreg:$0x3] =	wrdreg $0x68000  }
0xbf: {  	[dreg:$0x4] =	wrdreg $0x9  }
0xc0: {  	_ =	task.clear_ibuf [dreg:s22], $0x5FFFF;
	_ =	strace $0x90000049  }
0xc1: {  	s29 =	simm.s32 $0x9;
	_ =	strace $0x8000004B  }
0xc2: {  	_ =	swait.ge [sflag:s29], $0x1  }
0xc3: {  	[sflag:s29] =	ssyncadd.s32 $0xFFFFFFFF  }
0xc4: {  	_ =	strace $0x9000004B  }
0xc5: {  	_ =	sfence  }
0xc6: {  	s30 =	sld [smem:$0x0];
	_ =	sdelay $0x2  }
0xc7: {  	s31 =	sshll.u32 s1, $0xD;
	s1 =	sshrl.u32 s1, $0x2  }
0xc8: {  	s4 =	sand.u32 $0x4000, s31;
	s1 =	sadd.s32 s1, s30  }
0xc9: {  	s0 =	sor.u32 s4, s0;
	s1 =	sshll.u32 s1, $0x11  }
0xca: {  	s0 =	sor.u32 s1, s0  }
0xcb: {  	s0 =	sadd.s32 $0x8F2B, s0  }
0xcc: {  	[sflag:s0] =	ssyncadd.remote.s32 $0x1  }
0xcd: {  	_ =	sfence.sel $0xFFFF  }
0xce: {  	[dreg:$0x0] =	wrdreg $0xFFFFFFFF;
	(pc) =	sbr.abs _section_cstart, $3  }
0xcf: {  	[dreg:$0x1] =	wrdreg $0xFFFFFFFF  }
0xd0: {  	_ =	task.clear_ibuf [dreg:s22], $0x2FFFF;
	_ =	strace $0x9FFFFFFF  }
0xd1: {  	(tm) =	ssettm $0x7FFFFFFF  }
tec
execute0_lowered:
.L_overlay_start_1:
0x0: {  	(tag) =	ssettag $0x1  }
0x1: {  	s5 =	rddreg [dreg:$0x0]  }
0x2: {  	s0 =	srdreg.scid;
	s2 =	rddreg [dreg:$0x1];
	s3 =	simm.s32 $0x0  }
0x3: {  	s17 =	simm.s32 $0x2800;
	s18 =	simm.s32 $0x2;
	s4 =	sand.u32 $0x1, s0  }
0x4: {  	s19 =	simm.s32 $0x80;
	s0 =	stileid.u32;
	s7 =	smul.u32 $0x140000, s4  }
0x5: {  	s20 =	simm.s32 $0x1;
	[smem:$0x7FF] =	sst s3;
	s8 =	smul.u32 $0x14000, s0  }
0x6: {  	s1 =	sshll.u32 s4, $0x4;
	s9 =	smul.u32 $0x50000, s0;
	s29 =	ssub.s32 $0x2, s4  }
0x7: {  	s21 =	sshll.u32 s0, $0x6;
	s1 =	sor.u32 s0, s1;
	s31 =	sshrl.u32 s29, $0x1  }
0x8: {  	s21 =	sor.u32 $0x1C02, s21;
	s6 =	smul.u32 $0x500, s1;
	s1 =	rddreg [dreg:$0x2]  }
0x9: {  	_ =	strace $0x8000004A;
	s30 =	sshrl.u32 s9, $0x2;
	s16 =	ssub.s32 s29, s31  }
0xa: {  	s28 =	sadd.s32 s8, s7;
	s4 =	sadd.s32 s30, s2;
	s16 =	smax.u32 s16, $0x1  }
0xb: {  	s14 =	sadd.s32 s6, s5;
	s6 =	sshrl.u32 s28, $0x3;
	s7 =	sadd.s32 $0x6000, s4  }
0xc: {  	s8 =	sadd.s32 $0x8000, s4;
	s9 =	sadd.s32 $0xA000, s4;
	s10 =	sadd.s32 $0xC000, s4  }
0xd: {  	s11 =	sadd.s32 $0xE000, s4;
	s12 =	sadd.s32 $0x10000, s4;
	s13 =	sadd.s32 $0x12000, s4  }
0xe: {  	s22 =	sshrl.u32 s4, $0x3;
	s15 =	sadd.s32 s6, s5;
	s5 =	sadd.s32 $0x2000, s4  }
0xf: {  	v0 =	vimm.f32 $0.0e+00;
	v1 =	vimm.f32 $1.000000000e+00;
	s6 =	sadd.s32 $0x4000, s4;
	s14 =	sadd.s32 $0x3200, s14;
	s15 =	sadd.s32 $0x67200, s15  }
.LBB2_1:
0x10: {  	s23 =	simm.s32 $0x0;
	s24 =	simm.s32 $0x200  }
.LBB2_2:
0x11: {  	p0 =	sne.s32 s24, $0x7E00;
	[tilespmem:s23+$0x2870] =	vst v0  }
0x12: {  	[tilespmem:s23+$0x2800] =	vst v0  }
0x13: {  	[tilespmem:s23+$0x2810] =	vst v0  }
.Ltmp0:
0x14: {  	[tilespmem:s23+$0x2820] =	vst v0;
	(pc) =	sbr.rel @p0 .LBB2_2-.Ltmp0, $4  }
0x15: {  	[tilespmem:s23+$0x2830] =	vst v0  }
0x16: {  	[tilespmem:s23+$0x2840] =	vst v0  }
0x17: {  	[tilespmem:s23+$0x2850] =	vst v0  }
0x18: {  	[tilespmem:s23+$0x2860] =	vst v0;
	s23 =	sshra.s32 s24, $0x2;
	s24 =	sadd.s32 $0x200, s24  }
0x19: {  	[tilespmem:s23+$0x2870] =	vst v0  }
0x1a: {  	[tilespmem:s23+$0x2800] =	vst v0  }
0x1b: {  	[tilespmem:s23+$0x2810] =	vst v0  }
0x1c: {  	[tilespmem:s23+$0x2820] =	vst v0  }
0x1d: {  	[tilespmem:s23+$0x2830] =	vst v0  }
0x1e: {  	[tilespmem:s23+$0x2840] =	vst v0  }
0x1f: {  	[tilespmem:s23+$0x2850] =	vst v0  }
0x20: {  	[tilespmem:s23+$0x2860] =	vst v0  }
0x21: {  	[spmem:s4] =	stream.linear.scatter [tilespmem:s17], [sflag:$0x2], $0x2000, $0x38;
	[tilespmem:$0x1A800] =	vst v63  }
0x22: {  	_ =	swait.ge [sflag:s18], $0x2000  }
0x23: {  	[sflag:s18] =	ssyncset.done $0x0  }
0x24: {  	[sflag:s18] =	ssyncadd.s32 $0xFFFFE000  }
0x25: {  	[spmem:s5] =	stream.linear.scatter [tilespmem:s17], [sflag:$0x2], $0x2000, $0x38;
	[tilespmem:$0x1A800] =	vst v63  }
0x26: {  	_ =	swait.ge [sflag:s18], $0x2000  }
0x27: {  	[sflag:s18] =	ssyncset.done $0x0  }
0x28: {  	[sflag:s18] =	ssyncadd.s32 $0xFFFFE000  }
0x29: {  	[spmem:s6] =	stream.linear.scatter [tilespmem:s17], [sflag:$0x2], $0x2000, $0x38;
	[tilespmem:$0x1A800] =	vst v63  }
0x2a: {  	_ =	swait.ge [sflag:s18], $0x2000  }
0x2b: {  	[sflag:s18] =	ssyncset.done $0x0  }
0x2c: {  	[sflag:s18] =	ssyncadd.s32 $0xFFFFE000  }
0x2d: {  	[spmem:s7] =	stream.linear.scatter [tilespmem:s17], [sflag:$0x2], $0x2000, $0x38;
	[tilespmem:$0x1A800] =	vst v63  }
0x2e: {  	_ =	swait.ge [sflag:s18], $0x2000  }
0x2f: {  	[sflag:s18] =	ssyncset.done $0x0  }
0x30: {  	[sflag:s18] =	ssyncadd.s32 $0xFFFFE000  }
0x31: {  	[spmem:s8] =	stream.linear.scatter [tilespmem:s17], [sflag:$0x2], $0x2000, $0x38;
	[tilespmem:$0x1A800] =	vst v63  }
0x32: {  	_ =	swait.ge [sflag:s18], $0x2000  }
0x33: {  	[sflag:s18] =	ssyncset.done $0x0  }
0x34: {  	[sflag:s18] =	ssyncadd.s32 $0xFFFFE000  }
0x35: {  	[spmem:s9] =	stream.linear.scatter [tilespmem:s17], [sflag:$0x2], $0x2000, $0x38;
	[tilespmem:$0x1A800] =	vst v63  }
0x36: {  	_ =	swait.ge [sflag:s18], $0x2000  }
0x37: {  	[sflag:s18] =	ssyncset.done $0x0  }
0x38: {  	[sflag:s18] =	ssyncadd.s32 $0xFFFFE000  }
0x39: {  	[spmem:s10] =	stream.linear.scatter [tilespmem:s17], [sflag:$0x2], $0x2000, $0x38;
	[tilespmem:$0x1A800] =	vst v63  }
0x3a: {  	_ =	swait.ge [sflag:s18], $0x2000  }
0x3b: {  	[sflag:s18] =	ssyncset.done $0x0  }
0x3c: {  	[sflag:s18] =	ssyncadd.s32 $0xFFFFE000  }
0x3d: {  	[spmem:s11] =	stream.linear.scatter [tilespmem:s17], [sflag:$0x2], $0x2000, $0x38;
	[tilespmem:$0x1A800] =	vst v63  }
0x3e: {  	_ =	swait.ge [sflag:s18], $0x2000  }
0x3f: {  	[sflag:s18] =	ssyncset.done $0x0  }
0x40: {  	[sflag:s18] =	ssyncadd.s32 $0xFFFFE000  }
0x41: {  	[spmem:s12] =	stream.linear.scatter [tilespmem:s17], [sflag:$0x2], $0x2000, $0x38;
	[tilespmem:$0x1A800] =	vst v63  }
0x42: {  	_ =	swait.ge [sflag:s18], $0x2000  }
0x43: {  	[sflag:s18] =	ssyncset.done $0x0  }
0x44: {  	[sflag:s18] =	ssyncadd.s32 $0xFFFFE000  }
0x45: {  	[spmem:s13] =	stream.linear.scatter [tilespmem:s17], [sflag:$0x2], $0x2000, $0x38;
	[tilespmem:$0x1A800] =	vst v63  }
0x46: {  	_ =	swait.ge [sflag:s18], $0x2000  }
0x47: {  	[sflag:s18] =	ssyncset.done $0x0  }
0x48: {  	s23 =	simm.s32 $0x0;
	s24 =	simm.s32 $0x200;
	[sflag:s18] =	ssyncadd.s32 $0xFFFFE000  }
.LBB2_4:
0x49: {  	p0 =	sne.s32 s24, $0xFE00;
	[tilespmem:s23+$0x2870] =	vst v1  }
0x4a: {  	[tilespmem:s23+$0x2800] =	vst v1  }
0x4b: {  	[tilespmem:s23+$0x2810] =	vst v1  }
.Ltmp1:
0x4c: {  	[tilespmem:s23+$0x2820] =	vst v1;
	(pc) =	sbr.rel @p0 .LBB2_4-.Ltmp1, $4  }
0x4d: {  	[tilespmem:s23+$0x2830] =	vst v1  }
0x4e: {  	[tilespmem:s23+$0x2840] =	vst v1  }
0x4f: {  	[tilespmem:s23+$0x2850] =	vst v1  }
0x50: {  	[tilespmem:s23+$0x2860] =	vst v1;
	s23 =	sshra.s32 s24, $0x2;
	s24 =	sadd.s32 $0x200, s24  }
0x51: {  	[tilespmem:s23+$0x2870] =	vst v1  }
0x52: {  	[tilespmem:s23+$0x2800] =	vst v1  }
0x53: {  	[tilespmem:s23+$0x2810] =	vst v1  }
0x54: {  	[tilespmem:s23+$0x2820] =	vst v1  }
0x55: {  	[tilespmem:s23+$0x2830] =	vst v1  }
0x56: {  	[tilespmem:s23+$0x2840] =	vst v1  }
0x57: {  	[tilespmem:s23+$0x2850] =	vst v1  }
0x58: {  	[tilespmem:s23+$0x2860] =	vst v1;
	s23 =	simm.s32 $0x0  }
0x59: {  	[tilespmem:s23], [sflag:$0x2] =	stream.linear.gather [hbm4b:s14+s23], $0x2800, $0x38;
	[tilespmem:$0x1A800] =	vst v63  }
0x5a: {  	_ =	swait.ge [sflag:s18], $0x2800  }
0x5b: {  	[sflag:s18] =	ssyncset.done $0x0  }
0x5c: {  	[sflag:s18] =	ssyncadd.s32 $0xFFFFD800  }
0x5d: {  	[bflag:$0x0] =	sbarrier.arrive $0xFFFF  }
.LBB2_6:
0x5e: {  	p0 =	sne.s32 s23, $0x9E00  }
.Ltmp2:
0x5f: {  	_ = 	snop;
	(pc) =	sbr.rel @p0 .LBB2_6-.Ltmp2, $3  }
0x60: {  	_ =	sdelay $0x1  }
0x61: {  	s24 =	sshra.s32 s23, $0x2;
	s23 =	sadd.s32 $0x200, s23  }
0x62: {  	[spmem:s2] =	stream.indirect.scatter.add.f32 [tilespmem:s17], [sflag:$0x1], $0x80, s24, s19, $0xb8;
	[tilespmem:$0x1A800] =	vst v63  }
0x63: {  	_ =	swait.ge [sflag:s20], $0x4000  }
0x64: {  	s23 =	simm.s32 $0x4F;
	[sflag:s20] =	ssyncset.done $0x0  }
.LBB2_8:
0x65: {  	p0 =	sne.s32 s23, $0x1;
	s23 =	sadd.s32 $0xFFFFFFFF, s23;
	[sflag:s20] =	ssyncadd.s32 $0xFFFFC000  }
.Ltmp3:
0x66: {  	(pc) =	sbr.rel @p0 .LBB2_8-.Ltmp3, $3  }
0x67: {  	_ =	sdelay $0x1  }
0x68: {  	_ =	swait.ge [sflag:s20], $0x4000  }
0x69: {  	[sflag:s20] =	ssyncset.done $0x0  }
0x6a: {  	s3 =	sadd.s32 $0x1, s3  }
0x6b: {  	[sflag:s20] =	ssyncadd.s32 $0xFFFFC000;
	p0 =	sne.s32 s3, s16  }
.Ltmp4:
0x6c: {  	[bflag:$0x0] =	sbarrier.arrive $0xFFFF;
	(pc) =	sbr.rel @p0 .LBB2_1-.Ltmp4, $4  }
0x6d: {  	[hbm:s15], [sflag:s21] =	dma.local [spmem:s22], $0x2800  }
0x6e: {  	_ =	swait.ge [sflag:s18], $0x2800  }
0x6f: {  	[sflag:s18] =	ssyncset.done $0x0  }
0x70: {  	[sflag:s18] =	ssyncadd.s32 $0xFFFFD800  }
0x71: {  	_ =	sfence.sel $0x180000  }
0x72: {  	[bflag:$0x0] =	sbarrier.arrive $0xFFFF  }
0x73: {  	p0 =	sne.s32 s0, $0x0;
	_ =	strace $0x9000004A  }
0x74: {  	s0 =	sadd.s32 @!p0 $0x100000, s1;
	[bflag:$0x2] =	sbarrier.arrive $0xFFFF  }
0x75: {  	[sflag:s0] =	ssyncadd.tile.s32 @!p0 $0x1;
	_ =	shalt  }
.Lfunc_end2:
_tile_overlayer_lowered:
.L_overlay_start_2:
0x76: {  	(tag) =	ssettag $0x2  }
0x77: {  	s0 =	rddreg [dreg:$0x0];
	s2 =	stileid.u32  }
0x78: {  	s1 =	rddreg [dreg:$0x1];
	p0 =	sne.s32 s2, $0x0  }
0x79: {  	s3 =	rddreg [dreg:$0x2];
	[bflag:$0x3] =	sbarrier.arrive $0xFFFF;
	s2 =	simm.s32 @!p0 $0x1C02  }
0x7a: {  	[timem:s3], [sflag:s2] =	dma.local @!p0 [hbm:s0], s1  }
0x7b: {  	s0 =	simm.s32 @!p0 $0x2  }
0x7c: {  	_ =	swait.ge @!p0 [sflag:s0], s1  }
0x7d: {  	s1 =	ssub.s32 @!p0 $0x0, s1;
	[sflag:s0] =	ssyncset.done @!p0 $0x0  }
0x7e: {  	[sflag:s0] =	ssyncadd.s32 @!p0 s1  }
0x7f: {  	[bflag:$0x3] =	sbarrier.arrive $0xFFFF  }
0x80: {  	_ =	shalt  }

</sc_bundles>
